<compile_context>
chip_gen: v7x
topology: tpu7x:2x2x1
jax: 0.10.2.dev20260603
libtpu: 0.0.44.dev20260713+nightly
codegen_flags: <defaults>
</compile_context>

<pallas_src>
import functools

import jax
import jax.numpy as jnp
from jax import lax
from jax.experimental import pallas as pl
from jax.experimental.pallas import tpu as pltpu
from jax.experimental.pallas import tpu_sc as plsc

N = 100000
E = 3200000
D = 16

NC = 2
NS = 16
NW = NC * NS

NP = 102400
NODES_PER_TILE = NP // NS
OUT_CHUNK = 800

RPT = 800
ROWS = NW * RPT
EP = ROWS * 128
GRP = 8
NB = RPT // GRP
GROUP = 5
NGROUPS = NB // GROUP

IDX_CHUNK = 3200
DEG_CHUNKS = (RPT * 128) // IDX_CHUNK

BR = 2048
GRID = NP // BR

_mesh = plsc.VectorSubcoreMesh(core_axis_name="c", subcore_axis_name="s",
                               num_cores=NC, num_subcores=NS)
_sc_params = pltpu.CompilerParams(needs_layout_passes=False,
                                  use_tc_tiling_on_sc=False)



@functools.partial(
    pl.kernel, mesh=_mesh, compiler_params=_sc_params, name="sc_degree",
    out_type=jax.ShapeDtypeStruct((NW, NP), jnp.float32),
    scratch_types=[
        pltpu.VMEM((NP,), jnp.float32),
        pltpu.VMEM((2, IDX_CHUNK), jnp.int32),
        pltpu.SemaphoreType.DMA,
    ],
)
def _deg_kernel(dst_hbm, zeros_hbm, deg_out, hist, ibuf, isem):
    c = lax.axis_index("c")
    s = lax.axis_index("s")
    wid = c * NS + s

    pltpu.sync_copy(zeros_hbm, hist)
    base = wid * (RPT * 128)
    ones = jnp.full((16,), 1.0, jnp.float32)

    def count(buf):
        def vec_body(i, _):
            for u in range(4):
                idxv = buf[pl.ds((i * 4 + u) * 16, 16)]
                plsc.addupdate_scatter(hist, [idxv], ones)
            return 0

        lax.fori_loop(0, IDX_CHUNK // 64, vec_body, 0)

    def chunk(k):
        return dst_hbm.at[pl.ds(base + k * IDX_CHUNK, IDX_CHUNK)]

    pltpu.sync_copy(chunk(0), ibuf.at[0])
    def pair_body(t, _):
        cpb = pltpu.async_copy(chunk(2 * t + 1), ibuf.at[1], isem)
        count(ibuf.at[0])
        cpb.wait()
        nxt = jnp.minimum(2 * t + 2, DEG_CHUNKS - 1)
        cpa = pltpu.async_copy(chunk(nxt), ibuf.at[0], isem)
        count(ibuf.at[1])
        cpa.wait()
        return 0

    lax.fori_loop(0, DEG_CHUNKS // 2, pair_body, 0)
    pltpu.sync_copy(hist, deg_out.at[wid])



@functools.partial(
    pl.kernel, mesh=_mesh, compiler_params=_sc_params, name="sc_gcn_agg",
    out_type=jax.ShapeDtypeStruct((NC, NP, D), jnp.float32),
    scratch_types=[
        pltpu.VMEM((GRP, 128), jnp.int32),
        pltpu.VMEM((GRP, 128), jnp.int32),
        pltpu.VMEM((GRP * 128, D), jnp.float32),
        pltpu.VMEM_SHARED((NP, D), jnp.float32),
        pltpu.SemaphoreType.DMA,
        pltpu.SemaphoreType.DMA,
    ],
)
def _agg_kernel(p_hbm, src_hbm, dst_hbm, zrow_hbm, agg_out,
                sbuf, dbuf, gbuf, acc_sh, gsem, ssem):
    c = lax.axis_index("c")
    s = lax.axis_index("s")
    wid = c * NS + s
    nodeoff = s * NODES_PER_TILE
    stage = gbuf.at[pl.ds(0, OUT_CHUNK)]

    pltpu.sync_copy(zrow_hbm, stage)
    for i in range(NODES_PER_TILE // OUT_CHUNK):
        pltpu.sync_copy(stage, acc_sh.at[pl.ds(nodeoff + i * OUT_CHUNK, OUT_CHUNK)])
    plsc.subcore_barrier()

    base_row = wid * RPT

    def batch(g, _):
        pltpu.sync_copy(src_hbm.at[pl.ds(base_row + g * GRP, GRP)], sbuf)
        pltpu.sync_copy(dst_hbm.at[pl.ds(base_row + g * GRP, GRP)], dbuf)
        cps = [pltpu.async_copy(p_hbm.at[sbuf.at[j]],
                                gbuf.at[pl.ds(j * 128, 128)], gsem)
               for j in range(GRP)]
        for cp in cps:
            cp.wait()
        cps = [pltpu.async_copy(gbuf.at[pl.ds(j * 128, 128)],
                                acc_sh.at[dbuf.at[j]], ssem, add=True)
               for j in range(GRP)]
        for cp in cps:
            cp.wait()
        return 0

    lax.fori_loop(0, NB, batch, 0)
    plsc.subcore_barrier()

    for i in range(NODES_PER_TILE // OUT_CHUNK):
        sl = pl.ds(nodeoff + i * OUT_CHUNK, OUT_CHUNK)
        pltpu.sync_copy(acc_sh.at[sl], stage)
        pltpu.sync_copy(stage, agg_out.at[c, sl])



def _tc1_body(x_ref, we_ref, be_ref, w1_ref, deg_ref, dinv_ref, p1_ref):
    deg = jnp.sum(deg_ref[...], axis=0) + 1.0
    di = lax.rsqrt(deg)
    h0 = jnp.dot(x_ref[...], we_ref[...], preferred_element_type=jnp.float32)
    h0 = jnp.maximum(h0 + be_ref[...][None, :], 0.0)
    p1 = di[:, None] * jnp.dot(h0, w1_ref[...], preferred_element_type=jnp.float32)
    dinv_ref[...] = di
    p1_ref[...] = p1


_tc1 = pl.pallas_call(
    _tc1_body,
    grid=(GRID,),
    in_specs=[
        pl.BlockSpec((BR, D), lambda i: (i, 0)),
        pl.BlockSpec((D, D), lambda i: (0, 0)),
        pl.BlockSpec((D,), lambda i: (0,)),
        pl.BlockSpec((D, D), lambda i: (0, 0)),
        pl.BlockSpec((NW, BR), lambda i: (0, i)),
    ],
    out_specs=[
        pl.BlockSpec((BR,), lambda i: (i,)),
        pl.BlockSpec((BR, D), lambda i: (i, 0)),
    ],
    out_shape=[
        jax.ShapeDtypeStruct((NP,), jnp.float32),
        jax.ShapeDtypeStruct((NP, D), jnp.float32),
    ],
)


def _tc2_body(agg_ref, p1_ref, dinv_ref, b1_ref, w2_ref, p2_ref):
    a = agg_ref[0] + agg_ref[1] + p1_ref[...]
    di = dinv_ref[...]
    h1 = jnp.maximum(di[:, None] * a + b1_ref[...][None, :], 0.0)
    p2_ref[...] = di[:, None] * jnp.dot(h1, w2_ref[...],
                                        preferred_element_type=jnp.float32)


_tc2 = pl.pallas_call(
    _tc2_body,
    grid=(GRID,),
    in_specs=[
        pl.BlockSpec((NC, BR, D), lambda i: (0, i, 0)),
        pl.BlockSpec((BR, D), lambda i: (i, 0)),
        pl.BlockSpec((BR,), lambda i: (i,)),
        pl.BlockSpec((D,), lambda i: (0,)),
        pl.BlockSpec((D, D), lambda i: (0, 0)),
    ],
    out_specs=pl.BlockSpec((BR, D), lambda i: (i, 0)),
    out_shape=jax.ShapeDtypeStruct((NP, D), jnp.float32),
)


def _tc3_body(agg_ref, p2_ref, dinv_ref, b2_ref, out_ref):
    a = agg_ref[0] + agg_ref[1] + p2_ref[...]
    out_ref[...] = dinv_ref[...][:, None] * a + b2_ref[...][None, :]


_tc3 = pl.pallas_call(
    _tc3_body,
    grid=(GRID,),
    in_specs=[
        pl.BlockSpec((NC, BR, D), lambda i: (0, i, 0)),
        pl.BlockSpec((BR, D), lambda i: (i, 0)),
        pl.BlockSpec((BR,), lambda i: (i,)),
        pl.BlockSpec((D,), lambda i: (0,)),
    ],
    out_specs=pl.BlockSpec((BR, D), lambda i: (i, 0)),
    out_shape=jax.ShapeDtypeStruct((NP, D), jnp.float32),
)



def kernel(x, edge_index, W_embed, b_embed, W1, b1, W2, b2):
    src = edge_index[0].astype(jnp.int32)
    dst = edge_index[1].astype(jnp.int32)
    pad = jnp.full((EP - E,), NP - 1, jnp.int32)
    src_p = jnp.concatenate([src, pad]).reshape(ROWS, 128)
    dst_p = jnp.concatenate([dst, pad]).reshape(ROWS, 128)
    dst_flat = dst_p.reshape(EP)

    x_p = jnp.pad(x, ((0, NP - N), (0, 0)))
    zeros1 = jnp.zeros((NP,), jnp.float32)
    zrow = jnp.zeros((OUT_CHUNK, D), jnp.float32)

    deg = _deg_kernel(dst_flat, zeros1)
    dinv, p1 = _tc1(x_p, W_embed, b_embed, W1, deg)
    agg1 = _agg_kernel(p1, src_p, dst_p, zrow)
    p2 = _tc2(agg1, p1, dinv, b1, W2)
    agg2 = _agg_kernel(p2, src_p, dst_p, zrow)
    out = _tc3(agg2, p2, dinv, b2)
    return out[:N]

# --- scband reference (transcript-rebuilt; emitter-appended) ---
"""Pipeline reference for scband-atom-embedder-37434934952474 (READ-ONLY COPY).

The authoritative reference and input builder live on the scoring server;
editing this copy changes nothing except your own understanding.
"""

import jax, jax.numpy as jnp
import numpy as np

N = 100000
E = 3200000
F_IN = 16
D = 16


def setup_inputs(seed: int = 0) -> dict:
    key = jax.random.key(seed)
    ks = jax.random.split(key, 9)
    x = jax.random.normal(ks[0], (N, F_IN), dtype=jnp.float32)
    edge_index = jax.random.randint(ks[1], (2, E), 0, N)
    W_embed = jax.random.normal(ks[2], (F_IN, D), dtype=jnp.float32) * 0.1
    b_embed = jnp.zeros((D,), dtype=jnp.float32)
    W1 = jax.random.normal(ks[3], (D, D), dtype=jnp.float32) * 0.1
    b1 = jnp.zeros((D,), dtype=jnp.float32)
    W2 = jax.random.normal(ks[4], (D, D), dtype=jnp.float32) * 0.1
    b2 = jnp.zeros((D,), dtype=jnp.float32)
    return {"x": x, "edge_index": edge_index, "W_embed": W_embed, "b_embed": b_embed,
            "W1": W1, "b1": b1, "W2": W2, "b2": b2}


def _gcn_conv(x, edge_index, W, b):
    # Faithful to PyG GCNConv defaults: add self-loops, symmetric D^-1/2 A D^-1/2 norm,
    # linear transform, scatter-add aggregation to dst, bias add.
    n = x.shape[0]
    loop = jnp.arange(n, dtype=edge_index.dtype)
    src = jnp.concatenate([edge_index[0], loop])
    dst = jnp.concatenate([edge_index[1], loop])
    h = x @ W
    deg = jax.ops.segment_sum(jnp.ones_like(dst, dtype=h.dtype), dst, num_segments=n)
    deg_inv_sqrt = jnp.where(deg > 0, jax.lax.rsqrt(jnp.maximum(deg, 1e-12)), 0.0)
    norm = deg_inv_sqrt[src] * deg_inv_sqrt[dst]
    msg = h[src] * norm[:, None]
    out = jax.ops.segment_sum(msg, dst, num_segments=n)
    return out + b


def reference(x, edge_index, W_embed, b_embed, W1, b1, W2, b2):
    h = x @ W_embed + b_embed
    h = jax.nn.relu(h)
    h = _gcn_conv(h, edge_index, W1, b1)
    h = jax.nn.relu(h)
    h = _gcn_conv(h, edge_index, W2, b2)
    return h

if __name__ == "__main__":
    import jax
    _d = setup_inputs()
    print(jax.jit(kernel)(*tuple(_d.values())))

</pallas_src>

<mosaic_0001>
#map = affine_map<(d0, d1) -> (0, 0)>
#map1 = affine_map<(d0, d1) -> (0, 0, 0)>
module attributes {stable_mosaic.version = 14 : i64} {
  func.func @sc_gcn_agg(%arg0: i32, %arg1: i32, %arg2: memref<102400x16xf32, #tpu.memory_space<hbm>>, %arg3: memref<25600x128xi32, #tpu.memory_space<hbm>>, %arg4: memref<25600x128xi32, #tpu.memory_space<hbm>>, %arg5: memref<800x16xf32, #tpu.memory_space<hbm>>, %arg6: memref<2x102400x16xf32, #tpu.memory_space<hbm>>, %arg7: memref<8x128xi32, #tpu.memory_space<vmem>>, %arg8: memref<8x128xi32, #tpu.memory_space<vmem>>, %arg9: memref<1024x16xf32, #tpu.memory_space<vmem>>, %arg10: memref<102400x16xf32, #tpu.memory_space<vmem_shared>>, %arg11: memref<!tpu.dma_semaphore, #tpu.memory_space<semaphore_mem>>, %arg12: memref<!tpu.dma_semaphore, #tpu.memory_space<semaphore_mem>>) attributes {dimension_semantics = [#tpu.dimension_semantics<core_parallel>, #tpu.dimension_semantics<subcore_parallel>], iteration_bounds = array<i64: 2, 16>, scalar_prefetch = 0 : i64, scratch_operands = 6 : i64, tpu.core_type = #tpu.core_type<sc_vector_subcore>, window_params = [{transform_indices = #map}, {transform_indices = #map}, {transform_indices = #map}, {transform_indices = #map}, {transform_indices = #map1}]} {
    %mul3A = arith.constant 16 : i32
    %mul3A_0 = arith.muli %arg0, %mul3A : i32
    %add3A = arith.addi %mul3A_0, %arg1 : i32
    %mul3A_1 = arith.constant 6400 : i32
    %mul3A_2 = arith.muli %arg1, %mul3A_1 : i32
    "tpu.region"() ({
      %run_scoped3A = tpu.sem_alloc : memref<!tpu.dma_semaphore, #tpu.memory_space<semaphore_mem>>
      %dma_start3A = arith.constant 0 : i32
      %dma_start3A_44 = arith.constant 0 : i32
      %dma_start3A_45 = tpu.memref_slice %arg9[%dma_start3A, %dma_start3A_44] : memref<1024x16xf32, #tpu.memory_space<vmem>> -> memref<800x16xf32, #tpu.memory_space<vmem>>
      %dma_start3A_46 = arith.constant 0 : i32
      %dma_start3A_47 = arith.constant 0 : i32
      %dma_start3A_48 = tpu.memref_slice %arg9[%dma_start3A_46, %dma_start3A_47] : memref<1024x16xf32, #tpu.memory_space<vmem>> -> memref<800x16xf32, #tpu.memory_space<vmem>>
      tpu.enqueue_dma source(%arg5 : memref<800x16xf32, #tpu.memory_space<hbm>>) target(%dma_start3A_48 : memref<800x16xf32, #tpu.memory_space<vmem>>) target_semaphore(%run_scoped3A : memref<!tpu.dma_semaphore, #tpu.memory_space<semaphore_mem>>)
      %dma_wait3A = arith.constant 0 : i32
      %dma_wait3A_49 = arith.constant 0 : i32
      %dma_wait3A_50 = tpu.memref_slice %arg9[%dma_wait3A, %dma_wait3A_49] : memref<1024x16xf32, #tpu.memory_space<vmem>> -> memref<800x16xf32, #tpu.memory_space<vmem>>
      %dma_wait3A_51 = arith.constant 0 : i32
      %dma_wait3A_52 = arith.constant 0 : i32
      %dma_wait3A_53 = tpu.memref_slice %arg9[%dma_wait3A_51, %dma_wait3A_52] : memref<1024x16xf32, #tpu.memory_space<vmem>> -> memref<800x16xf32, #tpu.memory_space<vmem>>
      tpu.wait_dma2 semaphore(%run_scoped3A : memref<!tpu.dma_semaphore, #tpu.memory_space<semaphore_mem>>) src(%arg5 : memref<800x16xf32, #tpu.memory_space<hbm>>) dst(%dma_wait3A_53 : memref<800x16xf32, #tpu.memory_space<vmem>>)
      tpu.yield
    }) : () -> ()
    %add3A_3 = arith.constant 0 : i32
    %add3A_4 = arith.addi %mul3A_2, %add3A_3 : i32
    "tpu.region"() ({
      %run_scoped3A = tpu.sem_alloc : memref<!tpu.dma_semaphore, #tpu.memory_space<semaphore_mem>>
      %dma_start3A = arith.constant 0 : i32
      %dma_start3A_44 = arith.constant 0 : i32
      %dma_start3A_45 = tpu.memref_slice %arg9[%dma_start3A, %dma_start3A_44] : memref<1024x16xf32, #tpu.memory_space<vmem>> -> memref<800x16xf32, #tpu.memory_space<vmem>>
      %dma_start3A_46 = arith.constant 0 : i32
      %dma_start3A_47 = tpu.memref_slice %arg10[%add3A_4, %dma_start3A_46] : memref<102400x16xf32, #tpu.memory_space<vmem_shared>> -> memref<800x16xf32, #tpu.memory_space<vmem_shared>>
      %dma_start3A_48 = arith.constant 0 : i32
      %dma_start3A_49 = tpu.memref_slice %arg10[%add3A_4, %dma_start3A_48] : memref<102400x16xf32, #tpu.memory_space<vmem_shared>> -> memref<800x16xf32, #tpu.memory_space<vmem_shared>>
      %dma_start3A_50 = arith.constant 0 : i32
      %dma_start3A_51 = arith.constant 0 : i32
      %dma_start3A_52 = tpu.memref_slice %arg9[%dma_start3A_50, %dma_start3A_51] : memref<1024x16xf32, #tpu.memory_space<vmem>> -> memref<800x16xf32, #tpu.memory_space<vmem>>
      tpu.enqueue_dma source(%dma_start3A_52 : memref<800x16xf32, #tpu.memory_space<vmem>>) target(%dma_start3A_49 : memref<800x16xf32, #tpu.memory_space<vmem_shared>>) target_semaphore(%run_scoped3A : memref<!tpu.dma_semaphore, #tpu.memory_space<semaphore_mem>>)
      %dma_wait3A = arith.constant 0 : i32
      %dma_wait3A_53 = arith.constant 0 : i32
      %dma_wait3A_54 = tpu.memref_slice %arg9[%dma_wait3A, %dma_wait3A_53] : memref<1024x16xf32, #tpu.memory_space<vmem>> -> memref<800x16xf32, #tpu.memory_space<vmem>>
      %dma_wait3A_55 = arith.constant 0 : i32
      %dma_wait3A_56 = tpu.memref_slice %arg10[%add3A_4, %dma_wait3A_55] : memref<102400x16xf32, #tpu.memory_space<vmem_shared>> -> memref<800x16xf32, #tpu.memory_space<vmem_shared>>
      %dma_wait3A_57 = arith.constant 0 : i32
      %dma_wait3A_58 = tpu.memref_slice %arg10[%add3A_4, %dma_wait3A_57] : memref<102400x16xf32, #tpu.memory_space<vmem_shared>> -> memref<800x16xf32, #tpu.memory_space<vmem_shared>>
      %dma_wait3A_59 = arith.constant 0 : i32
      %dma_wait3A_60 = arith.constant 0 : i32
      %dma_wait3A_61 = tpu.memref_slice %arg9[%dma_wait3A_59, %dma_wait3A_60] : memref<1024x16xf32, #tpu.memory_space<vmem>> -> memref<800x16xf32, #tpu.memory_space<vmem>>
      tpu.wait_dma2 semaphore(%run_scoped3A : memref<!tpu.dma_semaphore, #tpu.memory_space<semaphore_mem>>) src(%dma_wait3A_61 : memref<800x16xf32, #tpu.memory_space<vmem>>) dst(%dma_wait3A_58 : memref<800x16xf32, #tpu.memory_space<vmem_shared>>)
      tpu.yield
    }) : () -> ()
    %add3A_5 = arith.constant 800 : i32
    %add3A_6 = arith.addi %mul3A_2, %add3A_5 : i32
    "tpu.region"() ({
      %run_scoped3A = tpu.sem_alloc : memref<!tpu.dma_semaphore, #tpu.memory_space<semaphore_mem>>
      %dma_start3A = arith.constant 0 : i32
      %dma_start3A_44 = arith.constant 0 : i32
      %dma_start3A_45 = tpu.memref_slice %arg9[%dma_start3A, %dma_start3A_44] : memref<1024x16xf32, #tpu.memory_space<vmem>> -> memref<800x16xf32, #tpu.memory_space<vmem>>
      %dma_start3A_46 = arith.constant 0 : i32
      %dma_start3A_47 = tpu.memref_slice %arg10[%add3A_6, %dma_start3A_46] : memref<102400x16xf32, #tpu.memory_space<vmem_shared>> -> memref<800x16xf32, #tpu.memory_space<vmem_shared>>
      %dma_start3A_48 = arith.constant 0 : i32
      %dma_start3A_49 = tpu.memref_slice %arg10[%add3A_6, %dma_start3A_48] : memref<102400x16xf32, #tpu.memory_space<vmem_shared>> -> memref<800x16xf32, #tpu.memory_space<vmem_shared>>
      %dma_start3A_50 = arith.constant 0 : i32
      %dma_start3A_51 = arith.constant 0 : i32
      %dma_start3A_52 = tpu.memref_slice %arg9[%dma_start3A_50, %dma_start3A_51] : memref<1024x16xf32, #tpu.memory_space<vmem>> -> memref<800x16xf32, #tpu.memory_space<vmem>>
      tpu.enqueue_dma source(%dma_start3A_52 : memref<800x16xf32, #tpu.memory_space<vmem>>) target(%dma_start3A_49 : memref<800x16xf32, #tpu.memory_space<vmem_shared>>) target_semaphore(%run_scoped3A : memref<!tpu.dma_semaphore, #tpu.memory_space<semaphore_mem>>)
      %dma_wait3A = arith.constant 0 : i32
      %dma_wait3A_53 = arith.constant 0 : i32
      %dma_wait3A_54 = tpu.memref_slice %arg9[%dma_wait3A, %dma_wait3A_53] : memref<1024x16xf32, #tpu.memory_space<vmem>> -> memref<800x16xf32, #tpu.memory_space<vmem>>
      %dma_wait3A_55 = arith.constant 0 : i32
      %dma_wait3A_56 = tpu.memref_slice %arg10[%add3A_6, %dma_wait3A_55] : memref<102400x16xf32, #tpu.memory_space<vmem_shared>> -> memref<800x16xf32, #tpu.memory_space<vmem_shared>>
      %dma_wait3A_57 = arith.constant 0 : i32
      %dma_wait3A_58 = tpu.memref_slice %arg10[%add3A_6, %dma_wait3A_57] : memref<102400x16xf32, #tpu.memory_space<vmem_shared>> -> memref<800x16xf32, #tpu.memory_space<vmem_shared>>
      %dma_wait3A_59 = arith.constant 0 : i32
      %dma_wait3A_60 = arith.constant 0 : i32
      %dma_wait3A_61 = tpu.memref_slice %arg9[%dma_wait3A_59, %dma_wait3A_60] : memref<1024x16xf32, #tpu.memory_space<vmem>> -> memref<800x16xf32, #tpu.memory_space<vmem>>
      tpu.wait_dma2 semaphore(%run_scoped3A : memref<!tpu.dma_semaphore, #tpu.memory_space<semaphore_mem>>) src(%dma_wait3A_61 : memref<800x16xf32, #tpu.memory_space<vmem>>) dst(%dma_wait3A_58 : memref<800x16xf32, #tpu.memory_space<vmem_shared>>)
      tpu.yield
    }) : () -> ()
    %add3A_7 = arith.constant 1600 : i32
    %add3A_8 = arith.addi %mul3A_2, %add3A_7 : i32
    "tpu.region"() ({
      %run_scoped3A = tpu.sem_alloc : memref<!tpu.dma_semaphore, #tpu.memory_space<semaphore_mem>>
      %dma_start3A = arith.constant 0 : i32
      %dma_start3A_44 = arith.constant 0 : i32
      %dma_start3A_45 = tpu.memref_slice %arg9[%dma_start3A, %dma_start3A_44] : memref<1024x16xf32, #tpu.memory_space<vmem>> -> memref<800x16xf32, #tpu.memory_space<vmem>>
      %dma_start3A_46 = arith.constant 0 : i32
      %dma_start3A_47 = tpu.memref_slice %arg10[%add3A_8, %dma_start3A_46] : memref<102400x16xf32, #tpu.memory_space<vmem_shared>> -> memref<800x16xf32, #tpu.memory_space<vmem_shared>>
      %dma_start3A_48 = arith.constant 0 : i32
      %dma_start3A_49 = tpu.memref_slice %arg10[%add3A_8, %dma_start3A_48] : memref<102400x16xf32, #tpu.memory_space<vmem_shared>> -> memref<800x16xf32, #tpu.memory_space<vmem_shared>>
      %dma_start3A_50 = arith.constant 0 : i32
      %dma_start3A_51 = arith.constant 0 : i32
      %dma_start3A_52 = tpu.memref_slice %arg9[%dma_start3A_50, %dma_start3A_51] : memref<1024x16xf32, #tpu.memory_space<vmem>> -> memref<800x16xf32, #tpu.memory_space<vmem>>
      tpu.enqueue_dma source(%dma_start3A_52 : memref<800x16xf32, #tpu.memory_space<vmem>>) target(%dma_start3A_49 : memref<800x16xf32, #tpu.memory_space<vmem_shared>>) target_semaphore(%run_scoped3A : memref<!tpu.dma_semaphore, #tpu.memory_space<semaphore_mem>>)
      %dma_wait3A = arith.constant 0 : i32
      %dma_wait3A_53 = arith.constant 0 : i32
      %dma_wait3A_54 = tpu.memref_slice %arg9[%dma_wait3A, %dma_wait3A_53] : memref<1024x16xf32, #tpu.memory_space<vmem>> -> memref<800x16xf32, #tpu.memory_space<vmem>>
      %dma_wait3A_55 = arith.constant 0 : i32
      %dma_wait3A_56 = tpu.memref_slice %arg10[%add3A_8, %dma_wait3A_55] : memref<102400x16xf32, #tpu.memory_space<vmem_shared>> -> memref<800x16xf32, #tpu.memory_space<vmem_shared>>
      %dma_wait3A_57 = arith.constant 0 : i32
      %dma_wait3A_58 = tpu.memref_slice %arg10[%add3A_8, %dma_wait3A_57] : memref<102400x16xf32, #tpu.memory_space<vmem_shared>> -> memref<800x16xf32, #tpu.memory_space<vmem_shared>>
      %dma_wait3A_59 = arith.constant 0 : i32
      %dma_wait3A_60 = arith.constant 0 : i32
      %dma_wait3A_61 = tpu.memref_slice %arg9[%dma_wait3A_59, %dma_wait3A_60] : memref<1024x16xf32, #tpu.memory_space<vmem>> -> memref<800x16xf32, #tpu.memory_space<vmem>>
      tpu.wait_dma2 semaphore(%run_scoped3A : memref<!tpu.dma_semaphore, #tpu.memory_space<semaphore_mem>>) src(%dma_wait3A_61 : memref<800x16xf32, #tpu.memory_space<vmem>>) dst(%dma_wait3A_58 : memref<800x16xf32, #tpu.memory_space<vmem_shared>>)
      tpu.yield
    }) : () -> ()
    %add3A_9 = arith.constant 2400 : i32
    %add3A_10 = arith.addi %mul3A_2, %add3A_9 : i32
    "tpu.region"() ({
      %run_scoped3A = tpu.sem_alloc : memref<!tpu.dma_semaphore, #tpu.memory_space<semaphore_mem>>
      %dma_start3A = arith.constant 0 : i32
      %dma_start3A_44 = arith.constant 0 : i32
      %dma_start3A_45 = tpu.memref_slice %arg9[%dma_start3A, %dma_start3A_44] : memref<1024x16xf32, #tpu.memory_space<vmem>> -> memref<800x16xf32, #tpu.memory_space<vmem>>
      %dma_start3A_46 = arith.constant 0 : i32
      %dma_start3A_47 = tpu.memref_slice %arg10[%add3A_10, %dma_start3A_46] : memref<102400x16xf32, #tpu.memory_space<vmem_shared>> -> memref<800x16xf32, #tpu.memory_space<vmem_shared>>
      %dma_start3A_48 = arith.constant 0 : i32
      %dma_start3A_49 = tpu.memref_slice %arg10[%add3A_10, %dma_start3A_48] : memref<102400x16xf32, #tpu.memory_space<vmem_shared>> -> memref<800x16xf32, #tpu.memory_space<vmem_shared>>
      %dma_start3A_50 = arith.constant 0 : i32
      %dma_start3A_51 = arith.constant 0 : i32
      %dma_start3A_52 = tpu.memref_slice %arg9[%dma_start3A_50, %dma_start3A_51] : memref<1024x16xf32, #tpu.memory_space<vmem>> -> memref<800x16xf32, #tpu.memory_space<vmem>>
      tpu.enqueue_dma source(%dma_start3A_52 : memref<800x16xf32, #tpu.memory_space<vmem>>) target(%dma_start3A_49 : memref<800x16xf32, #tpu.memory_space<vmem_shared>>) target_semaphore(%run_scoped3A : memref<!tpu.dma_semaphore, #tpu.memory_space<semaphore_mem>>)
      %dma_wait3A = arith.constant 0 : i32
      %dma_wait3A_53 = arith.constant 0 : i32
      %dma_wait3A_54 = tpu.memref_slice %arg9[%dma_wait3A, %dma_wait3A_53] : memref<1024x16xf32, #tpu.memory_space<vmem>> -> memref<800x16xf32, #tpu.memory_space<vmem>>
      %dma_wait3A_55 = arith.constant 0 : i32
      %dma_wait3A_56 = tpu.memref_slice %arg10[%add3A_10, %dma_wait3A_55] : memref<102400x16xf32, #tpu.memory_space<vmem_shared>> -> memref<800x16xf32, #tpu.memory_space<vmem_shared>>
      %dma_wait3A_57 = arith.constant 0 : i32
      %dma_wait3A_58 = tpu.memref_slice %arg10[%add3A_10, %dma_wait3A_57] : memref<102400x16xf32, #tpu.memory_space<vmem_shared>> -> memref<800x16xf32, #tpu.memory_space<vmem_shared>>
      %dma_wait3A_59 = arith.constant 0 : i32
      %dma_wait3A_60 = arith.constant 0 : i32
      %dma_wait3A_61 = tpu.memref_slice %arg9[%dma_wait3A_59, %dma_wait3A_60] : memref<1024x16xf32, #tpu.memory_space<vmem>> -> memref<800x16xf32, #tpu.memory_space<vmem>>
      tpu.wait_dma2 semaphore(%run_scoped3A : memref<!tpu.dma_semaphore, #tpu.memory_space<semaphore_mem>>) src(%dma_wait3A_61 : memref<800x16xf32, #tpu.memory_space<vmem>>) dst(%dma_wait3A_58 : memref<800x16xf32, #tpu.memory_space<vmem_shared>>)
      tpu.yield
    }) : () -> ()
    %add3A_11 = arith.constant 3200 : i32
    %add3A_12 = arith.addi %mul3A_2, %add3A_11 : i32
    "tpu.region"() ({
      %run_scoped3A = tpu.sem_alloc : memref<!tpu.dma_semaphore, #tpu.memory_space<semaphore_mem>>
      %dma_start3A = arith.constant 0 : i32
      %dma_start3A_44 = arith.constant 0 : i32
      %dma_start3A_45 = tpu.memref_slice %arg9[%dma_start3A, %dma_start3A_44] : memref<1024x16xf32, #tpu.memory_space<vmem>> -> memref<800x16xf32, #tpu.memory_space<vmem>>
      %dma_start3A_46 = arith.constant 0 : i32
      %dma_start3A_47 = tpu.memref_slice %arg10[%add3A_12, %dma_start3A_46] : memref<102400x16xf32, #tpu.memory_space<vmem_shared>> -> memref<800x16xf32, #tpu.memory_space<vmem_shared>>
      %dma_start3A_48 = arith.constant 0 : i32
      %dma_start3A_49 = tpu.memref_slice %arg10[%add3A_12, %dma_start3A_48] : memref<102400x16xf32, #tpu.memory_space<vmem_shared>> -> memref<800x16xf32, #tpu.memory_space<vmem_shared>>
      %dma_start3A_50 = arith.constant 0 : i32
      %dma_start3A_51 = arith.constant 0 : i32
      %dma_start3A_52 = tpu.memref_slice %arg9[%dma_start3A_50, %dma_start3A_51] : memref<1024x16xf32, #tpu.memory_space<vmem>> -> memref<800x16xf32, #tpu.memory_space<vmem>>
      tpu.enqueue_dma source(%dma_start3A_52 : memref<800x16xf32, #tpu.memory_space<vmem>>) target(%dma_start3A_49 : memref<800x16xf32, #tpu.memory_space<vmem_shared>>) target_semaphore(%run_scoped3A : memref<!tpu.dma_semaphore, #tpu.memory_space<semaphore_mem>>)
      %dma_wait3A = arith.constant 0 : i32
      %dma_wait3A_53 = arith.constant 0 : i32
      %dma_wait3A_54 = tpu.memref_slice %arg9[%dma_wait3A, %dma_wait3A_53] : memref<1024x16xf32, #tpu.memory_space<vmem>> -> memref<800x16xf32, #tpu.memory_space<vmem>>
      %dma_wait3A_55 = arith.constant 0 : i32
      %dma_wait3A_56 = tpu.memref_slice %arg10[%add3A_12, %dma_wait3A_55] : memref<102400x16xf32, #tpu.memory_space<vmem_shared>> -> memref<800x16xf32, #tpu.memory_space<vmem_shared>>
      %dma_wait3A_57 = arith.constant 0 : i32
      %dma_wait3A_58 = tpu.memref_slice %arg10[%add3A_12, %dma_wait3A_57] : memref<102400x16xf32, #tpu.memory_space<vmem_shared>> -> memref<800x16xf32, #tpu.memory_space<vmem_shared>>
      %dma_wait3A_59 = arith.constant 0 : i32
      %dma_wait3A_60 = arith.constant 0 : i32
      %dma_wait3A_61 = tpu.memref_slice %arg9[%dma_wait3A_59, %dma_wait3A_60] : memref<1024x16xf32, #tpu.memory_space<vmem>> -> memref<800x16xf32, #tpu.memory_space<vmem>>
      tpu.wait_dma2 semaphore(%run_scoped3A : memref<!tpu.dma_semaphore, #tpu.memory_space<semaphore_mem>>) src(%dma_wait3A_61 : memref<800x16xf32, #tpu.memory_space<vmem>>) dst(%dma_wait3A_58 : memref<800x16xf32, #tpu.memory_space<vmem_shared>>)
      tpu.yield
    }) : () -> ()
    %add3A_13 = arith.constant 4000 : i32
    %add3A_14 = arith.addi %mul3A_2, %add3A_13 : i32
    "tpu.region"() ({
      %run_scoped3A = tpu.sem_alloc : memref<!tpu.dma_semaphore, #tpu.memory_space<semaphore_mem>>
      %dma_start3A = arith.constant 0 : i32
      %dma_start3A_44 = arith.constant 0 : i32
      %dma_start3A_45 = tpu.memref_slice %arg9[%dma_start3A, %dma_start3A_44] : memref<1024x16xf32, #tpu.memory_space<vmem>> -> memref<800x16xf32, #tpu.memory_space<vmem>>
      %dma_start3A_46 = arith.constant 0 : i32
      %dma_start3A_47 = tpu.memref_slice %arg10[%add3A_14, %dma_start3A_46] : memref<102400x16xf32, #tpu.memory_space<vmem_shared>> -> memref<800x16xf32, #tpu.memory_space<vmem_shared>>
      %dma_start3A_48 = arith.constant 0 : i32
      %dma_start3A_49 = tpu.memref_slice %arg10[%add3A_14, %dma_start3A_48] : memref<102400x16xf32, #tpu.memory_space<vmem_shared>> -> memref<800x16xf32, #tpu.memory_space<vmem_shared>>
      %dma_start3A_50 = arith.constant 0 : i32
      %dma_start3A_51 = arith.constant 0 : i32
      %dma_start3A_52 = tpu.memref_slice %arg9[%dma_start3A_50, %dma_start3A_51] : memref<1024x16xf32, #tpu.memory_space<vmem>> -> memref<800x16xf32, #tpu.memory_space<vmem>>
      tpu.enqueue_dma source(%dma_start3A_52 : memref<800x16xf32, #tpu.memory_space<vmem>>) target(%dma_start3A_49 : memref<800x16xf32, #tpu.memory_space<vmem_shared>>) target_semaphore(%run_scoped3A : memref<!tpu.dma_semaphore, #tpu.memory_space<semaphore_mem>>)
      %dma_wait3A = arith.constant 0 : i32
      %dma_wait3A_53 = arith.constant 0 : i32
      %dma_wait3A_54 = tpu.memref_slice %arg9[%dma_wait3A, %dma_wait3A_53] : memref<1024x16xf32, #tpu.memory_space<vmem>> -> memref<800x16xf32, #tpu.memory_space<vmem>>
      %dma_wait3A_55 = arith.constant 0 : i32
      %dma_wait3A_56 = tpu.memref_slice %arg10[%add3A_14, %dma_wait3A_55] : memref<102400x16xf32, #tpu.memory_space<vmem_shared>> -> memref<800x16xf32, #tpu.memory_space<vmem_shared>>
      %dma_wait3A_57 = arith.constant 0 : i32
      %dma_wait3A_58 = tpu.memref_slice %arg10[%add3A_14, %dma_wait3A_57] : memref<102400x16xf32, #tpu.memory_space<vmem_shared>> -> memref<800x16xf32, #tpu.memory_space<vmem_shared>>
      %dma_wait3A_59 = arith.constant 0 : i32
      %dma_wait3A_60 = arith.constant 0 : i32
      %dma_wait3A_61 = tpu.memref_slice %arg9[%dma_wait3A_59, %dma_wait3A_60] : memref<1024x16xf32, #tpu.memory_space<vmem>> -> memref<800x16xf32, #tpu.memory_space<vmem>>
      tpu.wait_dma2 semaphore(%run_scoped3A : memref<!tpu.dma_semaphore, #tpu.memory_space<semaphore_mem>>) src(%dma_wait3A_61 : memref<800x16xf32, #tpu.memory_space<vmem>>) dst(%dma_wait3A_58 : memref<800x16xf32, #tpu.memory_space<vmem_shared>>)
      tpu.yield
    }) : () -> ()
    %add3A_15 = arith.constant 4800 : i32
    %add3A_16 = arith.addi %mul3A_2, %add3A_15 : i32
    "tpu.region"() ({
      %run_scoped3A = tpu.sem_alloc : memref<!tpu.dma_semaphore, #tpu.memory_space<semaphore_mem>>
      %dma_start3A = arith.constant 0 : i32
      %dma_start3A_44 = arith.constant 0 : i32
      %dma_start3A_45 = tpu.memref_slice %arg9[%dma_start3A, %dma_start3A_44] : memref<1024x16xf32, #tpu.memory_space<vmem>> -> memref<800x16xf32, #tpu.memory_space<vmem>>
      %dma_start3A_46 = arith.constant 0 : i32
      %dma_start3A_47 = tpu.memref_slice %arg10[%add3A_16, %dma_start3A_46] : memref<102400x16xf32, #tpu.memory_space<vmem_shared>> -> memref<800x16xf32, #tpu.memory_space<vmem_shared>>
      %dma_start3A_48 = arith.constant 0 : i32
      %dma_start3A_49 = tpu.memref_slice %arg10[%add3A_16, %dma_start3A_48] : memref<102400x16xf32, #tpu.memory_space<vmem_shared>> -> memref<800x16xf32, #tpu.memory_space<vmem_shared>>
      %dma_start3A_50 = arith.constant 0 : i32
      %dma_start3A_51 = arith.constant 0 : i32
      %dma_start3A_52 = tpu.memref_slice %arg9[%dma_start3A_50, %dma_start3A_51] : memref<1024x16xf32, #tpu.memory_space<vmem>> -> memref<800x16xf32, #tpu.memory_space<vmem>>
      tpu.enqueue_dma source(%dma_start3A_52 : memref<800x16xf32, #tpu.memory_space<vmem>>) target(%dma_start3A_49 : memref<800x16xf32, #tpu.memory_space<vmem_shared>>) target_semaphore(%run_scoped3A : memref<!tpu.dma_semaphore, #tpu.memory_space<semaphore_mem>>)
      %dma_wait3A = arith.constant 0 : i32
      %dma_wait3A_53 = arith.constant 0 : i32
      %dma_wait3A_54 = tpu.memref_slice %arg9[%dma_wait3A, %dma_wait3A_53] : memref<1024x16xf32, #tpu.memory_space<vmem>> -> memref<800x16xf32, #tpu.memory_space<vmem>>
      %dma_wait3A_55 = arith.constant 0 : i32
      %dma_wait3A_56 = tpu.memref_slice %arg10[%add3A_16, %dma_wait3A_55] : memref<102400x16xf32, #tpu.memory_space<vmem_shared>> -> memref<800x16xf32, #tpu.memory_space<vmem_shared>>
      %dma_wait3A_57 = arith.constant 0 : i32
      %dma_wait3A_58 = tpu.memref_slice %arg10[%add3A_16, %dma_wait3A_57] : memref<102400x16xf32, #tpu.memory_space<vmem_shared>> -> memref<800x16xf32, #tpu.memory_space<vmem_shared>>
      %dma_wait3A_59 = arith.constant 0 : i32
      %dma_wait3A_60 = arith.constant 0 : i32
      %dma_wait3A_61 = tpu.memref_slice %arg9[%dma_wait3A_59, %dma_wait3A_60] : memref<1024x16xf32, #tpu.memory_space<vmem>> -> memref<800x16xf32, #tpu.memory_space<vmem>>
      tpu.wait_dma2 semaphore(%run_scoped3A : memref<!tpu.dma_semaphore, #tpu.memory_space<semaphore_mem>>) src(%dma_wait3A_61 : memref<800x16xf32, #tpu.memory_space<vmem>>) dst(%dma_wait3A_58 : memref<800x16xf32, #tpu.memory_space<vmem_shared>>)
      tpu.yield
    }) : () -> ()
    %add3A_17 = arith.constant 5600 : i32
    %add3A_18 = arith.addi %mul3A_2, %add3A_17 : i32
    "tpu.region"() ({
      %run_scoped3A = tpu.sem_alloc : memref<!tpu.dma_semaphore, #tpu.memory_space<semaphore_mem>>
      %dma_start3A = arith.constant 0 : i32
      %dma_start3A_44 = arith.constant 0 : i32
      %dma_start3A_45 = tpu.memref_slice %arg9[%dma_start3A, %dma_start3A_44] : memref<1024x16xf32, #tpu.memory_space<vmem>> -> memref<800x16xf32, #tpu.memory_space<vmem>>
      %dma_start3A_46 = arith.constant 0 : i32
      %dma_start3A_47 = tpu.memref_slice %arg10[%add3A_18, %dma_start3A_46] : memref<102400x16xf32, #tpu.memory_space<vmem_shared>> -> memref<800x16xf32, #tpu.memory_space<vmem_shared>>
      %dma_start3A_48 = arith.constant 0 : i32
      %dma_start3A_49 = tpu.memref_slice %arg10[%add3A_18, %dma_start3A_48] : memref<102400x16xf32, #tpu.memory_space<vmem_shared>> -> memref<800x16xf32, #tpu.memory_space<vmem_shared>>
      %dma_start3A_50 = arith.constant 0 : i32
      %dma_start3A_51 = arith.constant 0 : i32
      %dma_start3A_52 = tpu.memref_slice %arg9[%dma_start3A_50, %dma_start3A_51] : memref<1024x16xf32, #tpu.memory_space<vmem>> -> memref<800x16xf32, #tpu.memory_space<vmem>>
      tpu.enqueue_dma source(%dma_start3A_52 : memref<800x16xf32, #tpu.memory_space<vmem>>) target(%dma_start3A_49 : memref<800x16xf32, #tpu.memory_space<vmem_shared>>) target_semaphore(%run_scoped3A : memref<!tpu.dma_semaphore, #tpu.memory_space<semaphore_mem>>)
      %dma_wait3A = arith.constant 0 : i32
      %dma_wait3A_53 = arith.constant 0 : i32
      %dma_wait3A_54 = tpu.memref_slice %arg9[%dma_wait3A, %dma_wait3A_53] : memref<1024x16xf32, #tpu.memory_space<vmem>> -> memref<800x16xf32, #tpu.memory_space<vmem>>
      %dma_wait3A_55 = arith.constant 0 : i32
      %dma_wait3A_56 = tpu.memref_slice %arg10[%add3A_18, %dma_wait3A_55] : memref<102400x16xf32, #tpu.memory_space<vmem_shared>> -> memref<800x16xf32, #tpu.memory_space<vmem_shared>>
      %dma_wait3A_57 = arith.constant 0 : i32
      %dma_wait3A_58 = tpu.memref_slice %arg10[%add3A_18, %dma_wait3A_57] : memref<102400x16xf32, #tpu.memory_space<vmem_shared>> -> memref<800x16xf32, #tpu.memory_space<vmem_shared>>
      %dma_wait3A_59 = arith.constant 0 : i32
      %dma_wait3A_60 = arith.constant 0 : i32
      %dma_wait3A_61 = tpu.memref_slice %arg9[%dma_wait3A_59, %dma_wait3A_60] : memref<1024x16xf32, #tpu.memory_space<vmem>> -> memref<800x16xf32, #tpu.memory_space<vmem>>
      tpu.wait_dma2 semaphore(%run_scoped3A : memref<!tpu.dma_semaphore, #tpu.memory_space<semaphore_mem>>) src(%dma_wait3A_61 : memref<800x16xf32, #tpu.memory_space<vmem>>) dst(%dma_wait3A_58 : memref<800x16xf32, #tpu.memory_space<vmem_shared>>)
      tpu.yield
    }) : () -> ()
    %barrier3A = arith.constant 0 : index
    tpu.barrier barrier_id(%barrier3A)
    %mul3A_19 = arith.constant 800 : i32
    %mul3A_20 = arith.muli %add3A, %mul3A_19 : i32
    %scan3A = arith.constant 0 : i32
    %scan3A_21 = arith.constant 0 : i32
    %scan3A_22 = arith.constant 100 : i32
    %scan3A_23 = arith.addi %scan3A_21, %scan3A_22 : i32
    %scan3A_24 = arith.constant 1 : i32
    %scan3A_25 = scf.for %scan3A_44 = %scan3A_21 to %scan3A_23 step %scan3A_24 iter_args(%scan3A_45 = %scan3A) -> (i32)  : i32 {
      %mul3A_46 = arith.constant 8 : i32
      %mul3A_47 = arith.muli %scan3A_44, %mul3A_46 : i32
      %add3A_48 = arith.addi %mul3A_20, %mul3A_47 : i32
      "tpu.region"() ({
        %run_scoped3A = tpu.sem_alloc : memref<!tpu.dma_semaphore, #tpu.memory_space<semaphore_mem>>
        %dma_start3A_371 = arith.constant 0 : i32
        %dma_start3A_372 = tpu.memref_slice %arg3[%add3A_48, %dma_start3A_371] : memref<25600x128xi32, #tpu.memory_space<hbm>> -> memref<8x128xi32, #tpu.memory_space<hbm>>
        %dma_start3A_373 = arith.constant 0 : i32
        %dma_start3A_374 = tpu.memref_slice %arg3[%add3A_48, %dma_start3A_373] : memref<25600x128xi32, #tpu.memory_space<hbm>> -> memref<8x128xi32, #tpu.memory_space<hbm>>
        tpu.enqueue_dma source(%dma_start3A_374 : memref<8x128xi32, #tpu.memory_space<hbm>>) target(%arg7 : memref<8x128xi32, #tpu.memory_space<vmem>>) target_semaphore(%run_scoped3A : memref<!tpu.dma_semaphore, #tpu.memory_space<semaphore_mem>>)
        %dma_wait3A_375 = arith.constant 0 : i32
        %dma_wait3A_376 = tpu.memref_slice %arg3[%add3A_48, %dma_wait3A_375] : memref<25600x128xi32, #tpu.memory_space<hbm>> -> memref<8x128xi32, #tpu.memory_space<hbm>>
        %dma_wait3A_377 = arith.constant 0 : i32
        %dma_wait3A_378 = tpu.memref_slice %arg3[%add3A_48, %dma_wait3A_377] : memref<25600x128xi32, #tpu.memory_space<hbm>> -> memref<8x128xi32, #tpu.memory_space<hbm>>
        tpu.wait_dma2 semaphore(%run_scoped3A : memref<!tpu.dma_semaphore, #tpu.memory_space<semaphore_mem>>) src(%dma_wait3A_378 : memref<8x128xi32, #tpu.memory_space<hbm>>) dst(%arg7 : memref<8x128xi32, #tpu.memory_space<vmem>>)
        tpu.yield
      }) : () -> ()
      %mul3A_49 = arith.constant 8 : i32
      %mul3A_50 = arith.muli %scan3A_44, %mul3A_49 : i32
      %add3A_51 = arith.addi %mul3A_20, %mul3A_50 : i32
      "tpu.region"() ({
        %run_scoped3A = tpu.sem_alloc : memref<!tpu.dma_semaphore, #tpu.memory_space<semaphore_mem>>
        %dma_start3A_371 = arith.constant 0 : i32
        %dma_start3A_372 = tpu.memref_slice %arg4[%add3A_51, %dma_start3A_371] : memref<25600x128xi32, #tpu.memory_space<hbm>> -> memref<8x128xi32, #tpu.memory_space<hbm>>
        %dma_start3A_373 = arith.constant 0 : i32
        %dma_start3A_374 = tpu.memref_slice %arg4[%add3A_51, %dma_start3A_373] : memref<25600x128xi32, #tpu.memory_space<hbm>> -> memref<8x128xi32, #tpu.memory_space<hbm>>
        tpu.enqueue_dma source(%dma_start3A_374 : memref<8x128xi32, #tpu.memory_space<hbm>>) target(%arg8 : memref<8x128xi32, #tpu.memory_space<vmem>>) target_semaphore(%run_scoped3A : memref<!tpu.dma_semaphore, #tpu.memory_space<semaphore_mem>>)
        %dma_wait3A_375 = arith.constant 0 : i32
        %dma_wait3A_376 = tpu.memref_slice %arg4[%add3A_51, %dma_wait3A_375] : memref<25600x128xi32, #tpu.memory_space<hbm>> -> memref<8x128xi32, #tpu.memory_space<hbm>>
        %dma_wait3A_377 = arith.constant 0 : i32
        %dma_wait3A_378 = tpu.memref_slice %arg4[%add3A_51, %dma_wait3A_377] : memref<25600x128xi32, #tpu.memory_space<hbm>> -> memref<8x128xi32, #tpu.memory_space<hbm>>
        tpu.wait_dma2 semaphore(%run_scoped3A : memref<!tpu.dma_semaphore, #tpu.memory_space<semaphore_mem>>) src(%dma_wait3A_378 : memref<8x128xi32, #tpu.memory_space<hbm>>) dst(%arg8 : memref<8x128xi32, #tpu.memory_space<vmem>>)
        tpu.yield
      }) : () -> ()
      %dma_start3A = arith.constant 0 : i32
      %dma_start3A_52 = arith.constant 0 : i32
      %dma_start3A_53 = arith.constant 0 : i32
      %dma_start3A_54 = tpu.memref_slice %arg9[%dma_start3A_52, %dma_start3A_53] : memref<1024x16xf32, #tpu.memory_space<vmem>> -> memref<128x16xf32, #tpu.memory_space<vmem>>
      %dma_start3A_55 = arith.constant 0 : i32
      %dma_start3A_56 = tpu.memref_slice %arg7[%dma_start3A, %dma_start3A_55] : memref<8x128xi32, #tpu.memory_space<vmem>> -> memref<1x128xi32, #tpu.memory_space<vmem>>
      %dma_start3A_57 = tpu.memref_squeeze %dma_start3A_56 : memref<1x128xi32, #tpu.memory_space<vmem>> -> memref<128xi32, #tpu.memory_space<vmem>>
      %dma_start3A_58 = arith.constant 0 : i32
      %dma_start3A_59 = arith.constant 0 : i32
      %dma_start3A_60 = tpu.memref_slice %arg2[%dma_start3A_58, %dma_start3A_59] : memref<102400x16xf32, #tpu.memory_space<hbm>> -> memref<102400x16xf32, #tpu.memory_space<hbm>>
      tpu.enqueue_indirect_dma source(%dma_start3A_60 : memref<102400x16xf32, #tpu.memory_space<hbm>>) target(%dma_start3A_54 : memref<128x16xf32, #tpu.memory_space<vmem>>) offsets(%dma_start3A_57 : memref<128xi32, #tpu.memory_space<vmem>>) semaphore(%arg11 : memref<!tpu.dma_semaphore, #tpu.memory_space<semaphore_mem>>)
      %dma_start3A_61 = arith.constant 1 : i32
      %dma_start3A_62 = arith.constant 128 : i32
      %dma_start3A_63 = arith.constant 0 : i32
      %dma_start3A_64 = tpu.memref_slice %arg9[%dma_start3A_62, %dma_start3A_63] : memref<1024x16xf32, #tpu.memory_space<vmem>> -> memref<128x16xf32, #tpu.memory_space<vmem>>
      %dma_start3A_65 = arith.constant 0 : i32
      %dma_start3A_66 = tpu.memref_slice %arg7[%dma_start3A_61, %dma_start3A_65] : memref<8x128xi32, #tpu.memory_space<vmem>> -> memref<1x128xi32, #tpu.memory_space<vmem>>
      %dma_start3A_67 = tpu.memref_squeeze %dma_start3A_66 : memref<1x128xi32, #tpu.memory_space<vmem>> -> memref<128xi32, #tpu.memory_space<vmem>>
      %dma_start3A_68 = arith.constant 0 : i32
      %dma_start3A_69 = arith.constant 0 : i32
      %dma_start3A_70 = tpu.memref_slice %arg2[%dma_start3A_68, %dma_start3A_69] : memref<102400x16xf32, #tpu.memory_space<hbm>> -> memref<102400x16xf32, #tpu.memory_space<hbm>>
      tpu.enqueue_indirect_dma source(%dma_start3A_70 : memref<102400x16xf32, #tpu.memory_space<hbm>>) target(%dma_start3A_64 : memref<128x16xf32, #tpu.memory_space<vmem>>) offsets(%dma_start3A_67 : memref<128xi32, #tpu.memory_space<vmem>>) semaphore(%arg11 : memref<!tpu.dma_semaphore, #tpu.memory_space<semaphore_mem>>)
      %dma_start3A_71 = arith.constant 2 : i32
      %dma_start3A_72 = arith.constant 256 : i32
      %dma_start3A_73 = arith.constant 0 : i32
      %dma_start3A_74 = tpu.memref_slice %arg9[%dma_start3A_72, %dma_start3A_73] : memref<1024x16xf32, #tpu.memory_space<vmem>> -> memref<128x16xf32, #tpu.memory_space<vmem>>
      %dma_start3A_75 = arith.constant 0 : i32
      %dma_start3A_76 = tpu.memref_slice %arg7[%dma_start3A_71, %dma_start3A_75] : memref<8x128xi32, #tpu.memory_space<vmem>> -> memref<1x128xi32, #tpu.memory_space<vmem>>
      %dma_start3A_77 = tpu.memref_squeeze %dma_start3A_76 : memref<1x128xi32, #tpu.memory_space<vmem>> -> memref<128xi32, #tpu.memory_space<vmem>>
      %dma_start3A_78 = arith.constant 0 : i32
      %dma_start3A_79 = arith.constant 0 : i32
      %dma_start3A_80 = tpu.memref_slice %arg2[%dma_start3A_78, %dma_start3A_79] : memref<102400x16xf32, #tpu.memory_space<hbm>> -> memref<102400x16xf32, #tpu.memory_space<hbm>>
      tpu.enqueue_indirect_dma source(%dma_start3A_80 : memref<102400x16xf32, #tpu.memory_space<hbm>>) target(%dma_start3A_74 : memref<128x16xf32, #tpu.memory_space<vmem>>) offsets(%dma_start3A_77 : memref<128xi32, #tpu.memory_space<vmem>>) semaphore(%arg11 : memref<!tpu.dma_semaphore, #tpu.memory_space<semaphore_mem>>)
      %dma_start3A_81 = arith.constant 3 : i32
      %dma_start3A_82 = arith.constant 384 : i32
      %dma_start3A_83 = arith.constant 0 : i32
      %dma_start3A_84 = tpu.memref_slice %arg9[%dma_start3A_82, %dma_start3A_83] : memref<1024x16xf32, #tpu.memory_space<vmem>> -> memref<128x16xf32, #tpu.memory_space<vmem>>
      %dma_start3A_85 = arith.constant 0 : i32
      %dma_start3A_86 = tpu.memref_slice %arg7[%dma_start3A_81, %dma_start3A_85] : memref<8x128xi32, #tpu.memory_space<vmem>> -> memref<1x128xi32, #tpu.memory_space<vmem>>
      %dma_start3A_87 = tpu.memref_squeeze %dma_start3A_86 : memref<1x128xi32, #tpu.memory_space<vmem>> -> memref<128xi32, #tpu.memory_space<vmem>>
      %dma_start3A_88 = arith.constant 0 : i32
      %dma_start3A_89 = arith.constant 0 : i32
      %dma_start3A_90 = tpu.memref_slice %arg2[%dma_start3A_88, %dma_start3A_89] : memref<102400x16xf32, #tpu.memory_space<hbm>> -> memref<102400x16xf32, #tpu.memory_space<hbm>>
      tpu.enqueue_indirect_dma source(%dma_start3A_90 : memref<102400x16xf32, #tpu.memory_space<hbm>>) target(%dma_start3A_84 : memref<128x16xf32, #tpu.memory_space<vmem>>) offsets(%dma_start3A_87 : memref<128xi32, #tpu.memory_space<vmem>>) semaphore(%arg11 : memref<!tpu.dma_semaphore, #tpu.memory_space<semaphore_mem>>)
      %dma_start3A_91 = arith.constant 4 : i32
      %dma_start3A_92 = arith.constant 512 : i32
      %dma_start3A_93 = arith.constant 0 : i32
      %dma_start3A_94 = tpu.memref_slice %arg9[%dma_start3A_92, %dma_start3A_93] : memref<1024x16xf32, #tpu.memory_space<vmem>> -> memref<128x16xf32, #tpu.memory_space<vmem>>
      %dma_start3A_95 = arith.constant 0 : i32
      %dma_start3A_96 = tpu.memref_slice %arg7[%dma_start3A_91, %dma_start3A_95] : memref<8x128xi32, #tpu.memory_space<vmem>> -> memref<1x128xi32, #tpu.memory_space<vmem>>
      %dma_start3A_97 = tpu.memref_squeeze %dma_start3A_96 : memref<1x128xi32, #tpu.memory_space<vmem>> -> memref<128xi32, #tpu.memory_space<vmem>>
      %dma_start3A_98 = arith.constant 0 : i32
      %dma_start3A_99 = arith.constant 0 : i32
      %dma_start3A_100 = tpu.memref_slice %arg2[%dma_start3A_98, %dma_start3A_99] : memref<102400x16xf32, #tpu.memory_space<hbm>> -> memref<102400x16xf32, #tpu.memory_space<hbm>>
      tpu.enqueue_indirect_dma source(%dma_start3A_100 : memref<102400x16xf32, #tpu.memory_space<hbm>>) target(%dma_start3A_94 : memref<128x16xf32, #tpu.memory_space<vmem>>) offsets(%dma_start3A_97 : memref<128xi32, #tpu.memory_space<vmem>>) semaphore(%arg11 : memref<!tpu.dma_semaphore, #tpu.memory_space<semaphore_mem>>)
      %dma_start3A_101 = arith.constant 5 : i32
      %dma_start3A_102 = arith.constant 640 : i32
      %dma_start3A_103 = arith.constant 0 : i32
      %dma_start3A_104 = tpu.memref_slice %arg9[%dma_start3A_102, %dma_start3A_103] : memref<1024x16xf32, #tpu.memory_space<vmem>> -> memref<128x16xf32, #tpu.memory_space<vmem>>
      %dma_start3A_105 = arith.constant 0 : i32
      %dma_start3A_106 = tpu.memref_slice %arg7[%dma_start3A_101, %dma_start3A_105] : memref<8x128xi32, #tpu.memory_space<vmem>> -> memref<1x128xi32, #tpu.memory_space<vmem>>
      %dma_start3A_107 = tpu.memref_squeeze %dma_start3A_106 : memref<1x128xi32, #tpu.memory_space<vmem>> -> memref<128xi32, #tpu.memory_space<vmem>>
      %dma_start3A_108 = arith.constant 0 : i32
      %dma_start3A_109 = arith.constant 0 : i32
      %dma_start3A_110 = tpu.memref_slice %arg2[%dma_start3A_108, %dma_start3A_109] : memref<102400x16xf32, #tpu.memory_space<hbm>> -> memref<102400x16xf32, #tpu.memory_space<hbm>>
      tpu.enqueue_indirect_dma source(%dma_start3A_110 : memref<102400x16xf32, #tpu.memory_space<hbm>>) target(%dma_start3A_104 : memref<128x16xf32, #tpu.memory_space<vmem>>) offsets(%dma_start3A_107 : memref<128xi32, #tpu.memory_space<vmem>>) semaphore(%arg11 : memref<!tpu.dma_semaphore, #tpu.memory_space<semaphore_mem>>)
      %dma_start3A_111 = arith.constant 6 : i32
      %dma_start3A_112 = arith.constant 768 : i32
      %dma_start3A_113 = arith.constant 0 : i32
      %dma_start3A_114 = tpu.memref_slice %arg9[%dma_start3A_112, %dma_start3A_113] : memref<1024x16xf32, #tpu.memory_space<vmem>> -> memref<128x16xf32, #tpu.memory_space<vmem>>
      %dma_start3A_115 = arith.constant 0 : i32
      %dma_start3A_116 = tpu.memref_slice %arg7[%dma_start3A_111, %dma_start3A_115] : memref<8x128xi32, #tpu.memory_space<vmem>> -> memref<1x128xi32, #tpu.memory_space<vmem>>
      %dma_start3A_117 = tpu.memref_squeeze %dma_start3A_116 : memref<1x128xi32, #tpu.memory_space<vmem>> -> memref<128xi32, #tpu.memory_space<vmem>>
      %dma_start3A_118 = arith.constant 0 : i32
      %dma_start3A_119 = arith.constant 0 : i32
      %dma_start3A_120 = tpu.memref_slice %arg2[%dma_start3A_118, %dma_start3A_119] : memref<102400x16xf32, #tpu.memory_space<hbm>> -> memref<102400x16xf32, #tpu.memory_space<hbm>>
      tpu.enqueue_indirect_dma source(%dma_start3A_120 : memref<102400x16xf32, #tpu.memory_space<hbm>>) target(%dma_start3A_114 : memref<128x16xf32, #tpu.memory_space<vmem>>) offsets(%dma_start3A_117 : memref<128xi32, #tpu.memory_space<vmem>>) semaphore(%arg11 : memref<!tpu.dma_semaphore, #tpu.memory_space<semaphore_mem>>)
      %dma_start3A_121 = arith.constant 7 : i32
      %dma_start3A_122 = arith.constant 896 : i32
      %dma_start3A_123 = arith.constant 0 : i32
      %dma_start3A_124 = tpu.memref_slice %arg9[%dma_start3A_122, %dma_start3A_123] : memref<1024x16xf32, #tpu.memory_space<vmem>> -> memref<128x16xf32, #tpu.memory_space<vmem>>
      %dma_start3A_125 = arith.constant 0 : i32
      %dma_start3A_126 = tpu.memref_slice %arg7[%dma_start3A_121, %dma_start3A_125] : memref<8x128xi32, #tpu.memory_space<vmem>> -> memref<1x128xi32, #tpu.memory_space<vmem>>
      %dma_start3A_127 = tpu.memref_squeeze %dma_start3A_126 : memref<1x128xi32, #tpu.memory_space<vmem>> -> memref<128xi32, #tpu.memory_space<vmem>>
      %dma_start3A_128 = arith.constant 0 : i32
      %dma_start3A_129 = arith.constant 0 : i32
      %dma_start3A_130 = tpu.memref_slice %arg2[%dma_start3A_128, %dma_start3A_129] : memref<102400x16xf32, #tpu.memory_space<hbm>> -> memref<102400x16xf32, #tpu.memory_space<hbm>>
      tpu.enqueue_indirect_dma source(%dma_start3A_130 : memref<102400x16xf32, #tpu.memory_space<hbm>>) target(%dma_start3A_124 : memref<128x16xf32, #tpu.memory_space<vmem>>) offsets(%dma_start3A_127 : memref<128xi32, #tpu.memory_space<vmem>>) semaphore(%arg11 : memref<!tpu.dma_semaphore, #tpu.memory_space<semaphore_mem>>)
      %dma_wait3A = arith.constant 0 : i32
      %dma_wait3A_131 = arith.constant 0 : i32
      %dma_wait3A_132 = arith.constant 0 : i32
      %dma_wait3A_133 = tpu.memref_slice %arg9[%dma_wait3A_131, %dma_wait3A_132] : memref<1024x16xf32, #tpu.memory_space<vmem>> -> memref<128x16xf32, #tpu.memory_space<vmem>>
      %dma_wait3A_134 = arith.constant 0 : i32
      %dma_wait3A_135 = tpu.memref_slice %arg7[%dma_wait3A, %dma_wait3A_134] : memref<8x128xi32, #tpu.memory_space<vmem>> -> memref<1x128xi32, #tpu.memory_space<vmem>>
      %dma_wait3A_136 = tpu.memref_squeeze %dma_wait3A_135 : memref<1x128xi32, #tpu.memory_space<vmem>> -> memref<128xi32, #tpu.memory_space<vmem>>
      %dma_wait3A_137 = arith.constant 0 : i32
      %dma_wait3A_138 = arith.constant 0 : i32
      %dma_wait3A_139 = tpu.memref_slice %arg2[%dma_wait3A_137, %dma_wait3A_138] : memref<102400x16xf32, #tpu.memory_space<hbm>> -> memref<102400x16xf32, #tpu.memory_space<hbm>>
      tpu.wait_indirect_dma semaphore(%arg11 : memref<!tpu.dma_semaphore, #tpu.memory_space<semaphore_mem>>) src(%dma_wait3A_139 : memref<102400x16xf32, #tpu.memory_space<hbm>>) dst(%dma_wait3A_133 : memref<128x16xf32, #tpu.memory_space<vmem>>)
      %dma_wait3A_140 = arith.constant 1 : i32
      %dma_wait3A_141 = arith.constant 128 : i32
      %dma_wait3A_142 = arith.constant 0 : i32
      %dma_wait3A_143 = tpu.memref_slice %arg9[%dma_wait3A_141, %dma_wait3A_142] : memref<1024x16xf32, #tpu.memory_space<vmem>> -> memref<128x16xf32, #tpu.memory_space<vmem>>
      %dma_wait3A_144 = arith.constant 0 : i32
      %dma_wait3A_145 = tpu.memref_slice %arg7[%dma_wait3A_140, %dma_wait3A_144] : memref<8x128xi32, #tpu.memory_space<vmem>> -> memref<1x128xi32, #tpu.memory_space<vmem>>
      %dma_wait3A_146 = tpu.memref_squeeze %dma_wait3A_145 : memref<1x128xi32, #tpu.memory_space<vmem>> -> memref<128xi32, #tpu.memory_space<vmem>>
      %dma_wait3A_147 = arith.constant 0 : i32
      %dma_wait3A_148 = arith.constant 0 : i32
      %dma_wait3A_149 = tpu.memref_slice %arg2[%dma_wait3A_147, %dma_wait3A_148] : memref<102400x16xf32, #tpu.memory_space<hbm>> -> memref<102400x16xf32, #tpu.memory_space<hbm>>
      tpu.wait_indirect_dma semaphore(%arg11 : memref<!tpu.dma_semaphore, #tpu.memory_space<semaphore_mem>>) src(%dma_wait3A_149 : memref<102400x16xf32, #tpu.memory_space<hbm>>) dst(%dma_wait3A_143 : memref<128x16xf32, #tpu.memory_space<vmem>>)
      %dma_wait3A_150 = arith.constant 2 : i32
      %dma_wait3A_151 = arith.constant 256 : i32
      %dma_wait3A_152 = arith.constant 0 : i32
      %dma_wait3A_153 = tpu.memref_slice %arg9[%dma_wait3A_151, %dma_wait3A_152] : memref<1024x16xf32, #tpu.memory_space<vmem>> -> memref<128x16xf32, #tpu.memory_space<vmem>>
      %dma_wait3A_154 = arith.constant 0 : i32
      %dma_wait3A_155 = tpu.memref_slice %arg7[%dma_wait3A_150, %dma_wait3A_154] : memref<8x128xi32, #tpu.memory_space<vmem>> -> memref<1x128xi32, #tpu.memory_space<vmem>>
      %dma_wait3A_156 = tpu.memref_squeeze %dma_wait3A_155 : memref<1x128xi32, #tpu.memory_space<vmem>> -> memref<128xi32, #tpu.memory_space<vmem>>
      %dma_wait3A_157 = arith.constant 0 : i32
      %dma_wait3A_158 = arith.constant 0 : i32
      %dma_wait3A_159 = tpu.memref_slice %arg2[%dma_wait3A_157, %dma_wait3A_158] : memref<102400x16xf32, #tpu.memory_space<hbm>> -> memref<102400x16xf32, #tpu.memory_space<hbm>>
      tpu.wait_indirect_dma semaphore(%arg11 : memref<!tpu.dma_semaphore, #tpu.memory_space<semaphore_mem>>) src(%dma_wait3A_159 : memref<102400x16xf32, #tpu.memory_space<hbm>>) dst(%dma_wait3A_153 : memref<128x16xf32, #tpu.memory_space<vmem>>)
      %dma_wait3A_160 = arith.constant 3 : i32
      %dma_wait3A_161 = arith.constant 384 : i32
      %dma_wait3A_162 = arith.constant 0 : i32
      %dma_wait3A_163 = tpu.memref_slice %arg9[%dma_wait3A_161, %dma_wait3A_162] : memref<1024x16xf32, #tpu.memory_space<vmem>> -> memref<128x16xf32, #tpu.memory_space<vmem>>
      %dma_wait3A_164 = arith.constant 0 : i32
      %dma_wait3A_165 = tpu.memref_slice %arg7[%dma_wait3A_160, %dma_wait3A_164] : memref<8x128xi32, #tpu.memory_space<vmem>> -> memref<1x128xi32, #tpu.memory_space<vmem>>
      %dma_wait3A_166 = tpu.memref_squeeze %dma_wait3A_165 : memref<1x128xi32, #tpu.memory_space<vmem>> -> memref<128xi32, #tpu.memory_space<vmem>>
      %dma_wait3A_167 = arith.constant 0 : i32
      %dma_wait3A_168 = arith.constant 0 : i32
      %dma_wait3A_169 = tpu.memref_slice %arg2[%dma_wait3A_167, %dma_wait3A_168] : memref<102400x16xf32, #tpu.memory_space<hbm>> -> memref<102400x16xf32, #tpu.memory_space<hbm>>
      tpu.wait_indirect_dma semaphore(%arg11 : memref<!tpu.dma_semaphore, #tpu.memory_space<semaphore_mem>>) src(%dma_wait3A_169 : memref<102400x16xf32, #tpu.memory_space<hbm>>) dst(%dma_wait3A_163 : memref<128x16xf32, #tpu.memory_space<vmem>>)
      %dma_wait3A_170 = arith.constant 4 : i32
      %dma_wait3A_171 = arith.constant 512 : i32
      %dma_wait3A_172 = arith.constant 0 : i32
      %dma_wait3A_173 = tpu.memref_slice %arg9[%dma_wait3A_171, %dma_wait3A_172] : memref<1024x16xf32, #tpu.memory_space<vmem>> -> memref<128x16xf32, #tpu.memory_space<vmem>>
      %dma_wait3A_174 = arith.constant 0 : i32
      %dma_wait3A_175 = tpu.memref_slice %arg7[%dma_wait3A_170, %dma_wait3A_174] : memref<8x128xi32, #tpu.memory_space<vmem>> -> memref<1x128xi32, #tpu.memory_space<vmem>>
      %dma_wait3A_176 = tpu.memref_squeeze %dma_wait3A_175 : memref<1x128xi32, #tpu.memory_space<vmem>> -> memref<128xi32, #tpu.memory_space<vmem>>
      %dma_wait3A_177 = arith.constant 0 : i32
      %dma_wait3A_178 = arith.constant 0 : i32
      %dma_wait3A_179 = tpu.memref_slice %arg2[%dma_wait3A_177, %dma_wait3A_178] : memref<102400x16xf32, #tpu.memory_space<hbm>> -> memref<102400x16xf32, #tpu.memory_space<hbm>>
      tpu.wait_indirect_dma semaphore(%arg11 : memref<!tpu.dma_semaphore, #tpu.memory_space<semaphore_mem>>) src(%dma_wait3A_179 : memref<102400x16xf32, #tpu.memory_space<hbm>>) dst(%dma_wait3A_173 : memref<128x16xf32, #tpu.memory_space<vmem>>)
      %dma_wait3A_180 = arith.constant 5 : i32
      %dma_wait3A_181 = arith.constant 640 : i32
      %dma_wait3A_182 = arith.constant 0 : i32
      %dma_wait3A_183 = tpu.memref_slice %arg9[%dma_wait3A_181, %dma_wait3A_182] : memref<1024x16xf32, #tpu.memory_space<vmem>> -> memref<128x16xf32, #tpu.memory_space<vmem>>
      %dma_wait3A_184 = arith.constant 0 : i32
      %dma_wait3A_185 = tpu.memref_slice %arg7[%dma_wait3A_180, %dma_wait3A_184] : memref<8x128xi32, #tpu.memory_space<vmem>> -> memref<1x128xi32, #tpu.memory_space<vmem>>
      %dma_wait3A_186 = tpu.memref_squeeze %dma_wait3A_185 : memref<1x128xi32, #tpu.memory_space<vmem>> -> memref<128xi32, #tpu.memory_space<vmem>>
      %dma_wait3A_187 = arith.constant 0 : i32
      %dma_wait3A_188 = arith.constant 0 : i32
      %dma_wait3A_189 = tpu.memref_slice %arg2[%dma_wait3A_187, %dma_wait3A_188] : memref<102400x16xf32, #tpu.memory_space<hbm>> -> memref<102400x16xf32, #tpu.memory_space<hbm>>
      tpu.wait_indirect_dma semaphore(%arg11 : memref<!tpu.dma_semaphore, #tpu.memory_space<semaphore_mem>>) src(%dma_wait3A_189 : memref<102400x16xf32, #tpu.memory_space<hbm>>) dst(%dma_wait3A_183 : memref<128x16xf32, #tpu.memory_space<vmem>>)
      %dma_wait3A_190 = arith.constant 6 : i32
      %dma_wait3A_191 = arith.constant 768 : i32
      %dma_wait3A_192 = arith.constant 0 : i32
      %dma_wait3A_193 = tpu.memref_slice %arg9[%dma_wait3A_191, %dma_wait3A_192] : memref<1024x16xf32, #tpu.memory_space<vmem>> -> memref<128x16xf32, #tpu.memory_space<vmem>>
      %dma_wait3A_194 = arith.constant 0 : i32
      %dma_wait3A_195 = tpu.memref_slice %arg7[%dma_wait3A_190, %dma_wait3A_194] : memref<8x128xi32, #tpu.memory_space<vmem>> -> memref<1x128xi32, #tpu.memory_space<vmem>>
      %dma_wait3A_196 = tpu.memref_squeeze %dma_wait3A_195 : memref<1x128xi32, #tpu.memory_space<vmem>> -> memref<128xi32, #tpu.memory_space<vmem>>
      %dma_wait3A_197 = arith.constant 0 : i32
      %dma_wait3A_198 = arith.constant 0 : i32
      %dma_wait3A_199 = tpu.memref_slice %arg2[%dma_wait3A_197, %dma_wait3A_198] : memref<102400x16xf32, #tpu.memory_space<hbm>> -> memref<102400x16xf32, #tpu.memory_space<hbm>>
      tpu.wait_indirect_dma semaphore(%arg11 : memref<!tpu.dma_semaphore, #tpu.memory_space<semaphore_mem>>) src(%dma_wait3A_199 : memref<102400x16xf32, #tpu.memory_space<hbm>>) dst(%dma_wait3A_193 : memref<128x16xf32, #tpu.memory_space<vmem>>)
      %dma_wait3A_200 = arith.constant 7 : i32
      %dma_wait3A_201 = arith.constant 896 : i32
      %dma_wait3A_202 = arith.constant 0 : i32
      %dma_wait3A_203 = tpu.memref_slice %arg9[%dma_wait3A_201, %dma_wait3A_202] : memref<1024x16xf32, #tpu.memory_space<vmem>> -> memref<128x16xf32, #tpu.memory_space<vmem>>
      %dma_wait3A_204 = arith.constant 0 : i32
      %dma_wait3A_205 = tpu.memref_slice %arg7[%dma_wait3A_200, %dma_wait3A_204] : memref<8x128xi32, #tpu.memory_space<vmem>> -> memref<1x128xi32, #tpu.memory_space<vmem>>
      %dma_wait3A_206 = tpu.memref_squeeze %dma_wait3A_205 : memref<1x128xi32, #tpu.memory_space<vmem>> -> memref<128xi32, #tpu.memory_space<vmem>>
      %dma_wait3A_207 = arith.constant 0 : i32
      %dma_wait3A_208 = arith.constant 0 : i32
      %dma_wait3A_209 = tpu.memref_slice %arg2[%dma_wait3A_207, %dma_wait3A_208] : memref<102400x16xf32, #tpu.memory_space<hbm>> -> memref<102400x16xf32, #tpu.memory_space<hbm>>
      tpu.wait_indirect_dma semaphore(%arg11 : memref<!tpu.dma_semaphore, #tpu.memory_space<semaphore_mem>>) src(%dma_wait3A_209 : memref<102400x16xf32, #tpu.memory_space<hbm>>) dst(%dma_wait3A_203 : memref<128x16xf32, #tpu.memory_space<vmem>>)
      %dma_start3A_210 = arith.constant 0 : i32
      %dma_start3A_211 = arith.constant 0 : i32
      %dma_start3A_212 = arith.constant 0 : i32
      %dma_start3A_213 = tpu.memref_slice %arg9[%dma_start3A_211, %dma_start3A_212] : memref<1024x16xf32, #tpu.memory_space<vmem>> -> memref<128x16xf32, #tpu.memory_space<vmem>>
      %dma_start3A_214 = arith.constant 0 : i32
      %dma_start3A_215 = tpu.memref_slice %arg8[%dma_start3A_210, %dma_start3A_214] : memref<8x128xi32, #tpu.memory_space<vmem>> -> memref<1x128xi32, #tpu.memory_space<vmem>>
      %dma_start3A_216 = tpu.memref_squeeze %dma_start3A_215 : memref<1x128xi32, #tpu.memory_space<vmem>> -> memref<128xi32, #tpu.memory_space<vmem>>
      %dma_start3A_217 = arith.constant 0 : i32
      %dma_start3A_218 = arith.constant 0 : i32
      %dma_start3A_219 = tpu.memref_slice %arg10[%dma_start3A_217, %dma_start3A_218] : memref<102400x16xf32, #tpu.memory_space<vmem_shared>> -> memref<102400x16xf32, #tpu.memory_space<vmem_shared>>
      tpu.enqueue_indirect_dma source(%dma_start3A_213 : memref<128x16xf32, #tpu.memory_space<vmem>>) target(%dma_start3A_219 : memref<102400x16xf32, #tpu.memory_space<vmem_shared>>) offsets(%dma_start3A_216 : memref<128xi32, #tpu.memory_space<vmem>>) semaphore(%arg12 : memref<!tpu.dma_semaphore, #tpu.memory_space<semaphore_mem>>) {add = true}
      %dma_start3A_220 = arith.constant 1 : i32
      %dma_start3A_221 = arith.constant 128 : i32
      %dma_start3A_222 = arith.constant 0 : i32
      %dma_start3A_223 = tpu.memref_slice %arg9[%dma_start3A_221, %dma_start3A_222] : memref<1024x16xf32, #tpu.memory_space<vmem>> -> memref<128x16xf32, #tpu.memory_space<vmem>>
      %dma_start3A_224 = arith.constant 0 : i32
      %dma_start3A_225 = tpu.memref_slice %arg8[%dma_start3A_220, %dma_start3A_224] : memref<8x128xi32, #tpu.memory_space<vmem>> -> memref<1x128xi32, #tpu.memory_space<vmem>>
      %dma_start3A_226 = tpu.memref_squeeze %dma_start3A_225 : memref<1x128xi32, #tpu.memory_space<vmem>> -> memref<128xi32, #tpu.memory_space<vmem>>
      %dma_start3A_227 = arith.constant 0 : i32
      %dma_start3A_228 = arith.constant 0 : i32
      %dma_start3A_229 = tpu.memref_slice %arg10[%dma_start3A_227, %dma_start3A_228] : memref<102400x16xf32, #tpu.memory_space<vmem_shared>> -> memref<102400x16xf32, #tpu.memory_space<vmem_shared>>
      tpu.enqueue_indirect_dma source(%dma_start3A_223 : memref<128x16xf32, #tpu.memory_space<vmem>>) target(%dma_start3A_229 : memref<102400x16xf32, #tpu.memory_space<vmem_shared>>) offsets(%dma_start3A_226 : memref<128xi32, #tpu.memory_space<vmem>>) semaphore(%arg12 : memref<!tpu.dma_semaphore, #tpu.memory_space<semaphore_mem>>) {add = true}
      %dma_start3A_230 = arith.constant 2 : i32
      %dma_start3A_231 = arith.constant 256 : i32
      %dma_start3A_232 = arith.constant 0 : i32
      %dma_start3A_233 = tpu.memref_slice %arg9[%dma_start3A_231, %dma_start3A_232] : memref<1024x16xf32, #tpu.memory_space<vmem>> -> memref<128x16xf32, #tpu.memory_space<vmem>>
      %dma_start3A_234 = arith.constant 0 : i32
      %dma_start3A_235 = tpu.memref_slice %arg8[%dma_start3A_230, %dma_start3A_234] : memref<8x128xi32, #tpu.memory_space<vmem>> -> memref<1x128xi32, #tpu.memory_space<vmem>>
      %dma_start3A_236 = tpu.memref_squeeze %dma_start3A_235 : memref<1x128xi32, #tpu.memory_space<vmem>> -> memref<128xi32, #tpu.memory_space<vmem>>
      %dma_start3A_237 = arith.constant 0 : i32
      %dma_start3A_238 = arith.constant 0 : i32
      %dma_start3A_239 = tpu.memref_slice %arg10[%dma_start3A_237, %dma_start3A_238] : memref<102400x16xf32, #tpu.memory_space<vmem_shared>> -> memref<102400x16xf32, #tpu.memory_space<vmem_shared>>
      tpu.enqueue_indirect_dma source(%dma_start3A_233 : memref<128x16xf32, #tpu.memory_space<vmem>>) target(%dma_start3A_239 : memref<102400x16xf32, #tpu.memory_space<vmem_shared>>) offsets(%dma_start3A_236 : memref<128xi32, #tpu.memory_space<vmem>>) semaphore(%arg12 : memref<!tpu.dma_semaphore, #tpu.memory_space<semaphore_mem>>) {add = true}
      %dma_start3A_240 = arith.constant 3 : i32
      %dma_start3A_241 = arith.constant 384 : i32
      %dma_start3A_242 = arith.constant 0 : i32
      %dma_start3A_243 = tpu.memref_slice %arg9[%dma_start3A_241, %dma_start3A_242] : memref<1024x16xf32, #tpu.memory_space<vmem>> -> memref<128x16xf32, #tpu.memory_space<vmem>>
      %dma_start3A_244 = arith.constant 0 : i32
      %dma_start3A_245 = tpu.memref_slice %arg8[%dma_start3A_240, %dma_start3A_244] : memref<8x128xi32, #tpu.memory_space<vmem>> -> memref<1x128xi32, #tpu.memory_space<vmem>>
      %dma_start3A_246 = tpu.memref_squeeze %dma_start3A_245 : memref<1x128xi32, #tpu.memory_space<vmem>> -> memref<128xi32, #tpu.memory_space<vmem>>
      %dma_start3A_247 = arith.constant 0 : i32
      %dma_start3A_248 = arith.constant 0 : i32
      %dma_start3A_249 = tpu.memref_slice %arg10[%dma_start3A_247, %dma_start3A_248] : memref<102400x16xf32, #tpu.memory_space<vmem_shared>> -> memref<102400x16xf32, #tpu.memory_space<vmem_shared>>
      tpu.enqueue_indirect_dma source(%dma_start3A_243 : memref<128x16xf32, #tpu.memory_space<vmem>>) target(%dma_start3A_249 : memref<102400x16xf32, #tpu.memory_space<vmem_shared>>) offsets(%dma_start3A_246 : memref<128xi32, #tpu.memory_space<vmem>>) semaphore(%arg12 : memref<!tpu.dma_semaphore, #tpu.memory_space<semaphore_mem>>) {add = true}
      %dma_start3A_250 = arith.constant 4 : i32
      %dma_start3A_251 = arith.constant 512 : i32
      %dma_start3A_252 = arith.constant 0 : i32
      %dma_start3A_253 = tpu.memref_slice %arg9[%dma_start3A_251, %dma_start3A_252] : memref<1024x16xf32, #tpu.memory_space<vmem>> -> memref<128x16xf32, #tpu.memory_space<vmem>>
      %dma_start3A_254 = arith.constant 0 : i32
      %dma_start3A_255 = tpu.memref_slice %arg8[%dma_start3A_250, %dma_start3A_254] : memref<8x128xi32, #tpu.memory_space<vmem>> -> memref<1x128xi32, #tpu.memory_space<vmem>>
      %dma_start3A_256 = tpu.memref_squeeze %dma_start3A_255 : memref<1x128xi32, #tpu.memory_space<vmem>> -> memref<128xi32, #tpu.memory_space<vmem>>
      %dma_start3A_257 = arith.constant 0 : i32
      %dma_start3A_258 = arith.constant 0 : i32
      %dma_start3A_259 = tpu.memref_slice %arg10[%dma_start3A_257, %dma_start3A_258] : memref<102400x16xf32, #tpu.memory_space<vmem_shared>> -> memref<102400x16xf32, #tpu.memory_space<vmem_shared>>
      tpu.enqueue_indirect_dma source(%dma_start3A_253 : memref<128x16xf32, #tpu.memory_space<vmem>>) target(%dma_start3A_259 : memref<102400x16xf32, #tpu.memory_space<vmem_shared>>) offsets(%dma_start3A_256 : memref<128xi32, #tpu.memory_space<vmem>>) semaphore(%arg12 : memref<!tpu.dma_semaphore, #tpu.memory_space<semaphore_mem>>) {add = true}
      %dma_start3A_260 = arith.constant 5 : i32
      %dma_start3A_261 = arith.constant 640 : i32
      %dma_start3A_262 = arith.constant 0 : i32
      %dma_start3A_263 = tpu.memref_slice %arg9[%dma_start3A_261, %dma_start3A_262] : memref<1024x16xf32, #tpu.memory_space<vmem>> -> memref<128x16xf32, #tpu.memory_space<vmem>>
      %dma_start3A_264 = arith.constant 0 : i32
      %dma_start3A_265 = tpu.memref_slice %arg8[%dma_start3A_260, %dma_start3A_264] : memref<8x128xi32, #tpu.memory_space<vmem>> -> memref<1x128xi32, #tpu.memory_space<vmem>>
      %dma_start3A_266 = tpu.memref_squeeze %dma_start3A_265 : memref<1x128xi32, #tpu.memory_space<vmem>> -> memref<128xi32, #tpu.memory_space<vmem>>
      %dma_start3A_267 = arith.constant 0 : i32
      %dma_start3A_268 = arith.constant 0 : i32
      %dma_start3A_269 = tpu.memref_slice %arg10[%dma_start3A_267, %dma_start3A_268] : memref<102400x16xf32, #tpu.memory_space<vmem_shared>> -> memref<102400x16xf32, #tpu.memory_space<vmem_shared>>
      tpu.enqueue_indirect_dma source(%dma_start3A_263 : memref<128x16xf32, #tpu.memory_space<vmem>>) target(%dma_start3A_269 : memref<102400x16xf32, #tpu.memory_space<vmem_shared>>) offsets(%dma_start3A_266 : memref<128xi32, #tpu.memory_space<vmem>>) semaphore(%arg12 : memref<!tpu.dma_semaphore, #tpu.memory_space<semaphore_mem>>) {add = true}
      %dma_start3A_270 = arith.constant 6 : i32
      %dma_start3A_271 = arith.constant 768 : i32
      %dma_start3A_272 = arith.constant 0 : i32
      %dma_start3A_273 = tpu.memref_slice %arg9[%dma_start3A_271, %dma_start3A_272] : memref<1024x16xf32, #tpu.memory_space<vmem>> -> memref<128x16xf32, #tpu.memory_space<vmem>>
      %dma_start3A_274 = arith.constant 0 : i32
      %dma_start3A_275 = tpu.memref_slice %arg8[%dma_start3A_270, %dma_start3A_274] : memref<8x128xi32, #tpu.memory_space<vmem>> -> memref<1x128xi32, #tpu.memory_space<vmem>>
      %dma_start3A_276 = tpu.memref_squeeze %dma_start3A_275 : memref<1x128xi32, #tpu.memory_space<vmem>> -> memref<128xi32, #tpu.memory_space<vmem>>
      %dma_start3A_277 = arith.constant 0 : i32
      %dma_start3A_278 = arith.constant 0 : i32
      %dma_start3A_279 = tpu.memref_slice %arg10[%dma_start3A_277, %dma_start3A_278] : memref<102400x16xf32, #tpu.memory_space<vmem_shared>> -> memref<102400x16xf32, #tpu.memory_space<vmem_shared>>
      tpu.enqueue_indirect_dma source(%dma_start3A_273 : memref<128x16xf32, #tpu.memory_space<vmem>>) target(%dma_start3A_279 : memref<102400x16xf32, #tpu.memory_space<vmem_shared>>) offsets(%dma_start3A_276 : memref<128xi32, #tpu.memory_space<vmem>>) semaphore(%arg12 : memref<!tpu.dma_semaphore, #tpu.memory_space<semaphore_mem>>) {add = true}
      %dma_start3A_280 = arith.constant 7 : i32
      %dma_start3A_281 = arith.constant 896 : i32
      %dma_start3A_282 = arith.constant 0 : i32
      %dma_start3A_283 = tpu.memref_slice %arg9[%dma_start3A_281, %dma_start3A_282] : memref<1024x16xf32, #tpu.memory_space<vmem>> -> memref<128x16xf32, #tpu.memory_space<vmem>>
      %dma_start3A_284 = arith.constant 0 : i32
      %dma_start3A_285 = tpu.memref_slice %arg8[%dma_start3A_280, %dma_start3A_284] : memref<8x128xi32, #tpu.memory_space<vmem>> -> memref<1x128xi32, #tpu.memory_space<vmem>>
      %dma_start3A_286 = tpu.memref_squeeze %dma_start3A_285 : memref<1x128xi32, #tpu.memory_space<vmem>> -> memref<128xi32, #tpu.memory_space<vmem>>
      %dma_start3A_287 = arith.constant 0 : i32
      %dma_start3A_288 = arith.constant 0 : i32
      %dma_start3A_289 = tpu.memref_slice %arg10[%dma_start3A_287, %dma_start3A_288] : memref<102400x16xf32, #tpu.memory_space<vmem_shared>> -> memref<102400x16xf32, #tpu.memory_space<vmem_shared>>
      tpu.enqueue_indirect_dma source(%dma_start3A_283 : memref<128x16xf32, #tpu.memory_space<vmem>>) target(%dma_start3A_289 : memref<102400x16xf32, #tpu.memory_space<vmem_shared>>) offsets(%dma_start3A_286 : memref<128xi32, #tpu.memory_space<vmem>>) semaphore(%arg12 : memref<!tpu.dma_semaphore, #tpu.memory_space<semaphore_mem>>) {add = true}
      %dma_wait3A_290 = arith.constant 0 : i32
      %dma_wait3A_291 = arith.constant 0 : i32
      %dma_wait3A_292 = arith.constant 0 : i32
      %dma_wait3A_293 = tpu.memref_slice %arg9[%dma_wait3A_291, %dma_wait3A_292] : memref<1024x16xf32, #tpu.memory_space<vmem>> -> memref<128x16xf32, #tpu.memory_space<vmem>>
      %dma_wait3A_294 = arith.constant 0 : i32
      %dma_wait3A_295 = tpu.memref_slice %arg8[%dma_wait3A_290, %dma_wait3A_294] : memref<8x128xi32, #tpu.memory_space<vmem>> -> memref<1x128xi32, #tpu.memory_space<vmem>>
      %dma_wait3A_296 = tpu.memref_squeeze %dma_wait3A_295 : memref<1x128xi32, #tpu.memory_space<vmem>> -> memref<128xi32, #tpu.memory_space<vmem>>
      %dma_wait3A_297 = arith.constant 0 : i32
      %dma_wait3A_298 = arith.constant 0 : i32
      %dma_wait3A_299 = tpu.memref_slice %arg10[%dma_wait3A_297, %dma_wait3A_298] : memref<102400x16xf32, #tpu.memory_space<vmem_shared>> -> memref<102400x16xf32, #tpu.memory_space<vmem_shared>>
      tpu.wait_indirect_dma semaphore(%arg12 : memref<!tpu.dma_semaphore, #tpu.memory_space<semaphore_mem>>) src(%dma_wait3A_293 : memref<128x16xf32, #tpu.memory_space<vmem>>) dst(%dma_wait3A_299 : memref<102400x16xf32, #tpu.memory_space<vmem_shared>>)
      %dma_wait3A_300 = arith.constant 1 : i32
      %dma_wait3A_301 = arith.constant 128 : i32
      %dma_wait3A_302 = arith.constant 0 : i32
      %dma_wait3A_303 = tpu.memref_slice %arg9[%dma_wait3A_301, %dma_wait3A_302] : memref<1024x16xf32, #tpu.memory_space<vmem>> -> memref<128x16xf32, #tpu.memory_space<vmem>>
      %dma_wait3A_304 = arith.constant 0 : i32
      %dma_wait3A_305 = tpu.memref_slice %arg8[%dma_wait3A_300, %dma_wait3A_304] : memref<8x128xi32, #tpu.memory_space<vmem>> -> memref<1x128xi32, #tpu.memory_space<vmem>>
      %dma_wait3A_306 = tpu.memref_squeeze %dma_wait3A_305 : memref<1x128xi32, #tpu.memory_space<vmem>> -> memref<128xi32, #tpu.memory_space<vmem>>
      %dma_wait3A_307 = arith.constant 0 : i32
      %dma_wait3A_308 = arith.constant 0 : i32
      %dma_wait3A_309 = tpu.memref_slice %arg10[%dma_wait3A_307, %dma_wait3A_308] : memref<102400x16xf32, #tpu.memory_space<vmem_shared>> -> memref<102400x16xf32, #tpu.memory_space<vmem_shared>>
      tpu.wait_indirect_dma semaphore(%arg12 : memref<!tpu.dma_semaphore, #tpu.memory_space<semaphore_mem>>) src(%dma_wait3A_303 : memref<128x16xf32, #tpu.memory_space<vmem>>) dst(%dma_wait3A_309 : memref<102400x16xf32, #tpu.memory_space<vmem_shared>>)
      %dma_wait3A_310 = arith.constant 2 : i32
      %dma_wait3A_311 = arith.constant 256 : i32
      %dma_wait3A_312 = arith.constant 0 : i32
      %dma_wait3A_313 = tpu.memref_slice %arg9[%dma_wait3A_311, %dma_wait3A_312] : memref<1024x16xf32, #tpu.memory_space<vmem>> -> memref<128x16xf32, #tpu.memory_space<vmem>>
      %dma_wait3A_314 = arith.constant 0 : i32
      %dma_wait3A_315 = tpu.memref_slice %arg8[%dma_wait3A_310, %dma_wait3A_314] : memref<8x128xi32, #tpu.memory_space<vmem>> -> memref<1x128xi32, #tpu.memory_space<vmem>>
      %dma_wait3A_316 = tpu.memref_squeeze %dma_wait3A_315 : memref<1x128xi32, #tpu.memory_space<vmem>> -> memref<128xi32, #tpu.memory_space<vmem>>
      %dma_wait3A_317 = arith.constant 0 : i32
      %dma_wait3A_318 = arith.constant 0 : i32
      %dma_wait3A_319 = tpu.memref_slice %arg10[%dma_wait3A_317, %dma_wait3A_318] : memref<102400x16xf32, #tpu.memory_space<vmem_shared>> -> memref<102400x16xf32, #tpu.memory_space<vmem_shared>>
      tpu.wait_indirect_dma semaphore(%arg12 : memref<!tpu.dma_semaphore, #tpu.memory_space<semaphore_mem>>) src(%dma_wait3A_313 : memref<128x16xf32, #tpu.memory_space<vmem>>) dst(%dma_wait3A_319 : memref<102400x16xf32, #tpu.memory_space<vmem_shared>>)
      %dma_wait3A_320 = arith.constant 3 : i32
      %dma_wait3A_321 = arith.constant 384 : i32
      %dma_wait3A_322 = arith.constant 0 : i32
      %dma_wait3A_323 = tpu.memref_slice %arg9[%dma_wait3A_321, %dma_wait3A_322] : memref<1024x16xf32, #tpu.memory_space<vmem>> -> memref<128x16xf32, #tpu.memory_space<vmem>>
      %dma_wait3A_324 = arith.constant 0 : i32
      %dma_wait3A_325 = tpu.memref_slice %arg8[%dma_wait3A_320, %dma_wait3A_324] : memref<8x128xi32, #tpu.memory_space<vmem>> -> memref<1x128xi32, #tpu.memory_space<vmem>>
      %dma_wait3A_326 = tpu.memref_squeeze %dma_wait3A_325 : memref<1x128xi32, #tpu.memory_space<vmem>> -> memref<128xi32, #tpu.memory_space<vmem>>
      %dma_wait3A_327 = arith.constant 0 : i32
      %dma_wait3A_328 = arith.constant 0 : i32
      %dma_wait3A_329 = tpu.memref_slice %arg10[%dma_wait3A_327, %dma_wait3A_328] : memref<102400x16xf32, #tpu.memory_space<vmem_shared>> -> memref<102400x16xf32, #tpu.memory_space<vmem_shared>>
      tpu.wait_indirect_dma semaphore(%arg12 : memref<!tpu.dma_semaphore, #tpu.memory_space<semaphore_mem>>) src(%dma_wait3A_323 : memref<128x16xf32, #tpu.memory_space<vmem>>) dst(%dma_wait3A_329 : memref<102400x16xf32, #tpu.memory_space<vmem_shared>>)
      %dma_wait3A_330 = arith.constant 4 : i32
      %dma_wait3A_331 = arith.constant 512 : i32
      %dma_wait3A_332 = arith.constant 0 : i32
      %dma_wait3A_333 = tpu.memref_slice %arg9[%dma_wait3A_331, %dma_wait3A_332] : memref<1024x16xf32, #tpu.memory_space<vmem>> -> memref<128x16xf32, #tpu.memory_space<vmem>>
      %dma_wait3A_334 = arith.constant 0 : i32
      %dma_wait3A_335 = tpu.memref_slice %arg8[%dma_wait3A_330, %dma_wait3A_334] : memref<8x128xi32, #tpu.memory_space<vmem>> -> memref<1x128xi32, #tpu.memory_space<vmem>>
      %dma_wait3A_336 = tpu.memref_squeeze %dma_wait3A_335 : memref<1x128xi32, #tpu.memory_space<vmem>> -> memref<128xi32, #tpu.memory_space<vmem>>
      %dma_wait3A_337 = arith.constant 0 : i32
      %dma_wait3A_338 = arith.constant 0 : i32
      %dma_wait3A_339 = tpu.memref_slice %arg10[%dma_wait3A_337, %dma_wait3A_338] : memref<102400x16xf32, #tpu.memory_space<vmem_shared>> -> memref<102400x16xf32, #tpu.memory_space<vmem_shared>>
      tpu.wait_indirect_dma semaphore(%arg12 : memref<!tpu.dma_semaphore, #tpu.memory_space<semaphore_mem>>) src(%dma_wait3A_333 : memref<128x16xf32, #tpu.memory_space<vmem>>) dst(%dma_wait3A_339 : memref<102400x16xf32, #tpu.memory_space<vmem_shared>>)
      %dma_wait3A_340 = arith.constant 5 : i32
      %dma_wait3A_341 = arith.constant 640 : i32
      %dma_wait3A_342 = arith.constant 0 : i32
      %dma_wait3A_343 = tpu.memref_slice %arg9[%dma_wait3A_341, %dma_wait3A_342] : memref<1024x16xf32, #tpu.memory_space<vmem>> -> memref<128x16xf32, #tpu.memory_space<vmem>>
      %dma_wait3A_344 = arith.constant 0 : i32
      %dma_wait3A_345 = tpu.memref_slice %arg8[%dma_wait3A_340, %dma_wait3A_344] : memref<8x128xi32, #tpu.memory_space<vmem>> -> memref<1x128xi32, #tpu.memory_space<vmem>>
      %dma_wait3A_346 = tpu.memref_squeeze %dma_wait3A_345 : memref<1x128xi32, #tpu.memory_space<vmem>> -> memref<128xi32, #tpu.memory_space<vmem>>
      %dma_wait3A_347 = arith.constant 0 : i32
      %dma_wait3A_348 = arith.constant 0 : i32
      %dma_wait3A_349 = tpu.memref_slice %arg10[%dma_wait3A_347, %dma_wait3A_348] : memref<102400x16xf32, #tpu.memory_space<vmem_shared>> -> memref<102400x16xf32, #tpu.memory_space<vmem_shared>>
      tpu.wait_indirect_dma semaphore(%arg12 : memref<!tpu.dma_semaphore, #tpu.memory_space<semaphore_mem>>) src(%dma_wait3A_343 : memref<128x16xf32, #tpu.memory_space<vmem>>) dst(%dma_wait3A_349 : memref<102400x16xf32, #tpu.memory_space<vmem_shared>>)
      %dma_wait3A_350 = arith.constant 6 : i32
      %dma_wait3A_351 = arith.constant 768 : i32
      %dma_wait3A_352 = arith.constant 0 : i32
      %dma_wait3A_353 = tpu.memref_slice %arg9[%dma_wait3A_351, %dma_wait3A_352] : memref<1024x16xf32, #tpu.memory_space<vmem>> -> memref<128x16xf32, #tpu.memory_space<vmem>>
      %dma_wait3A_354 = arith.constant 0 : i32
      %dma_wait3A_355 = tpu.memref_slice %arg8[%dma_wait3A_350, %dma_wait3A_354] : memref<8x128xi32, #tpu.memory_space<vmem>> -> memref<1x128xi32, #tpu.memory_space<vmem>>
      %dma_wait3A_356 = tpu.memref_squeeze %dma_wait3A_355 : memref<1x128xi32, #tpu.memory_space<vmem>> -> memref<128xi32, #tpu.memory_space<vmem>>
      %dma_wait3A_357 = arith.constant 0 : i32
      %dma_wait3A_358 = arith.constant 0 : i32
      %dma_wait3A_359 = tpu.memref_slice %arg10[%dma_wait3A_357, %dma_wait3A_358] : memref<102400x16xf32, #tpu.memory_space<vmem_shared>> -> memref<102400x16xf32, #tpu.memory_space<vmem_shared>>
      tpu.wait_indirect_dma semaphore(%arg12 : memref<!tpu.dma_semaphore, #tpu.memory_space<semaphore_mem>>) src(%dma_wait3A_353 : memref<128x16xf32, #tpu.memory_space<vmem>>) dst(%dma_wait3A_359 : memref<102400x16xf32, #tpu.memory_space<vmem_shared>>)
      %dma_wait3A_360 = arith.constant 7 : i32
      %dma_wait3A_361 = arith.constant 896 : i32
      %dma_wait3A_362 = arith.constant 0 : i32
      %dma_wait3A_363 = tpu.memref_slice %arg9[%dma_wait3A_361, %dma_wait3A_362] : memref<1024x16xf32, #tpu.memory_space<vmem>> -> memref<128x16xf32, #tpu.memory_space<vmem>>
      %dma_wait3A_364 = arith.constant 0 : i32
      %dma_wait3A_365 = tpu.memref_slice %arg8[%dma_wait3A_360, %dma_wait3A_364] : memref<8x128xi32, #tpu.memory_space<vmem>> -> memref<1x128xi32, #tpu.memory_space<vmem>>
      %dma_wait3A_366 = tpu.memref_squeeze %dma_wait3A_365 : memref<1x128xi32, #tpu.memory_space<vmem>> -> memref<128xi32, #tpu.memory_space<vmem>>
      %dma_wait3A_367 = arith.constant 0 : i32
      %dma_wait3A_368 = arith.constant 0 : i32
      %dma_wait3A_369 = tpu.memref_slice %arg10[%dma_wait3A_367, %dma_wait3A_368] : memref<102400x16xf32, #tpu.memory_space<vmem_shared>> -> memref<102400x16xf32, #tpu.memory_space<vmem_shared>>
      tpu.wait_indirect_dma semaphore(%arg12 : memref<!tpu.dma_semaphore, #tpu.memory_space<semaphore_mem>>) src(%dma_wait3A_363 : memref<128x16xf32, #tpu.memory_space<vmem>>) dst(%dma_wait3A_369 : memref<102400x16xf32, #tpu.memory_space<vmem_shared>>)
      %scan3A_370 = arith.constant 0 : i32
      scf.yield %scan3A_370 : i32
    }
    %scan3A_26 = arith.constant 100 : i32
    %barrier3A_27 = arith.constant 0 : index
    tpu.barrier barrier_id(%barrier3A_27)
    %add3A_28 = arith.constant 0 : i32
    %add3A_29 = arith.addi %mul3A_2, %add3A_28 : i32
    "tpu.region"() ({
      %run_scoped3A = tpu.sem_alloc : memref<!tpu.dma_semaphore, #tpu.memory_space<semaphore_mem>>
      %dma_start3A = arith.constant 0 : i32
      %dma_start3A_44 = arith.constant 0 : i32
      %dma_start3A_45 = tpu.memref_slice %arg9[%dma_start3A, %dma_start3A_44] : memref<1024x16xf32, #tpu.memory_space<vmem>> -> memref<800x16xf32, #tpu.memory_space<vmem>>
      %dma_start3A_46 = arith.constant 0 : i32
      %dma_start3A_47 = tpu.memref_slice %arg10[%add3A_29, %dma_start3A_46] : memref<102400x16xf32, #tpu.memory_space<vmem_shared>> -> memref<800x16xf32, #tpu.memory_space<vmem_shared>>
      %dma_start3A_48 = arith.constant 0 : i32
      %dma_start3A_49 = arith.constant 0 : i32
      %dma_start3A_50 = tpu.memref_slice %arg9[%dma_start3A_48, %dma_start3A_49] : memref<1024x16xf32, #tpu.memory_space<vmem>> -> memref<800x16xf32, #tpu.memory_space<vmem>>
      %dma_start3A_51 = arith.constant 0 : i32
      %dma_start3A_52 = tpu.memref_slice %arg10[%add3A_29, %dma_start3A_51] : memref<102400x16xf32, #tpu.memory_space<vmem_shared>> -> memref<800x16xf32, #tpu.memory_space<vmem_shared>>
      tpu.enqueue_dma source(%dma_start3A_52 : memref<800x16xf32, #tpu.memory_space<vmem_shared>>) target(%dma_start3A_50 : memref<800x16xf32, #tpu.memory_space<vmem>>) target_semaphore(%run_scoped3A : memref<!tpu.dma_semaphore, #tpu.memory_space<semaphore_mem>>)
      %dma_wait3A = arith.constant 0 : i32
      %dma_wait3A_53 = arith.constant 0 : i32
      %dma_wait3A_54 = tpu.memref_slice %arg9[%dma_wait3A, %dma_wait3A_53] : memref<1024x16xf32, #tpu.memory_space<vmem>> -> memref<800x16xf32, #tpu.memory_space<vmem>>
      %dma_wait3A_55 = arith.constant 0 : i32
      %dma_wait3A_56 = tpu.memref_slice %arg10[%add3A_29, %dma_wait3A_55] : memref<102400x16xf32, #tpu.memory_space<vmem_shared>> -> memref<800x16xf32, #tpu.memory_space<vmem_shared>>
      %dma_wait3A_57 = arith.constant 0 : i32
      %dma_wait3A_58 = arith.constant 0 : i32
      %dma_wait3A_59 = tpu.memref_slice %arg9[%dma_wait3A_57, %dma_wait3A_58] : memref<1024x16xf32, #tpu.memory_space<vmem>> -> memref<800x16xf32, #tpu.memory_space<vmem>>
      %dma_wait3A_60 = arith.constant 0 : i32
      %dma_wait3A_61 = tpu.memref_slice %arg10[%add3A_29, %dma_wait3A_60] : memref<102400x16xf32, #tpu.memory_space<vmem_shared>> -> memref<800x16xf32, #tpu.memory_space<vmem_shared>>
      tpu.wait_dma2 semaphore(%run_scoped3A : memref<!tpu.dma_semaphore, #tpu.memory_space<semaphore_mem>>) src(%dma_wait3A_61 : memref<800x16xf32, #tpu.memory_space<vmem_shared>>) dst(%dma_wait3A_59 : memref<800x16xf32, #tpu.memory_space<vmem>>)
      tpu.yield
    }) : () -> ()
    "tpu.region"() ({
      %run_scoped3A = tpu.sem_alloc : memref<!tpu.dma_semaphore, #tpu.memory_space<semaphore_mem>>
      %dma_start3A = arith.constant 0 : i32
      %dma_start3A_44 = arith.constant 0 : i32
      %dma_start3A_45 = tpu.memref_slice %arg9[%dma_start3A, %dma_start3A_44] : memref<1024x16xf32, #tpu.memory_space<vmem>> -> memref<800x16xf32, #tpu.memory_space<vmem>>
      %dma_start3A_46 = arith.constant 0 : i32
      %dma_start3A_47 = tpu.memref_slice %arg6[%arg0, %add3A_29, %dma_start3A_46] : memref<2x102400x16xf32, #tpu.memory_space<hbm>> -> memref<1x800x16xf32, #tpu.memory_space<hbm>>
      %dma_start3A_48 = tpu.memref_squeeze %dma_start3A_47 : memref<1x800x16xf32, #tpu.memory_space<hbm>> -> memref<800x16xf32, #tpu.memory_space<hbm>>
      %dma_start3A_49 = arith.constant 0 : i32
      %dma_start3A_50 = tpu.memref_slice %arg6[%arg0, %add3A_29, %dma_start3A_49] : memref<2x102400x16xf32, #tpu.memory_space<hbm>> -> memref<1x800x16xf32, #tpu.memory_space<hbm>>
      %dma_start3A_51 = tpu.memref_squeeze %dma_start3A_50 : memref<1x800x16xf32, #tpu.memory_space<hbm>> -> memref<800x16xf32, #tpu.memory_space<hbm>>
      %dma_start3A_52 = arith.constant 0 : i32
      %dma_start3A_53 = arith.constant 0 : i32
      %dma_start3A_54 = tpu.memref_slice %arg9[%dma_start3A_52, %dma_start3A_53] : memref<1024x16xf32, #tpu.memory_space<vmem>> -> memref<800x16xf32, #tpu.memory_space<vmem>>
      tpu.enqueue_dma source(%dma_start3A_54 : memref<800x16xf32, #tpu.memory_space<vmem>>) target(%dma_start3A_51 : memref<800x16xf32, #tpu.memory_space<hbm>>) target_semaphore(%run_scoped3A : memref<!tpu.dma_semaphore, #tpu.memory_space<semaphore_mem>>)
      %dma_wait3A = arith.constant 0 : i32
      %dma_wait3A_55 = arith.constant 0 : i32
      %dma_wait3A_56 = tpu.memref_slice %arg9[%dma_wait3A, %dma_wait3A_55] : memref<1024x16xf32, #tpu.memory_space<vmem>> -> memref<800x16xf32, #tpu.memory_space<vmem>>
      %dma_wait3A_57 = arith.constant 0 : i32
      %dma_wait3A_58 = tpu.memref_slice %arg6[%arg0, %add3A_29, %dma_wait3A_57] : memref<2x102400x16xf32, #tpu.memory_space<hbm>> -> memref<1x800x16xf32, #tpu.memory_space<hbm>>
      %dma_wait3A_59 = tpu.memref_squeeze %dma_wait3A_58 : memref<1x800x16xf32, #tpu.memory_space<hbm>> -> memref<800x16xf32, #tpu.memory_space<hbm>>
      %dma_wait3A_60 = arith.constant 0 : i32
      %dma_wait3A_61 = tpu.memref_slice %arg6[%arg0, %add3A_29, %dma_wait3A_60] : memref<2x102400x16xf32, #tpu.memory_space<hbm>> -> memref<1x800x16xf32, #tpu.memory_space<hbm>>
      %dma_wait3A_62 = tpu.memref_squeeze %dma_wait3A_61 : memref<1x800x16xf32, #tpu.memory_space<hbm>> -> memref<800x16xf32, #tpu.memory_space<hbm>>
      %dma_wait3A_63 = arith.constant 0 : i32
      %dma_wait3A_64 = arith.constant 0 : i32
      %dma_wait3A_65 = tpu.memref_slice %arg9[%dma_wait3A_63, %dma_wait3A_64] : memref<1024x16xf32, #tpu.memory_space<vmem>> -> memref<800x16xf32, #tpu.memory_space<vmem>>
      tpu.wait_dma2 semaphore(%run_scoped3A : memref<!tpu.dma_semaphore, #tpu.memory_space<semaphore_mem>>) src(%dma_wait3A_65 : memref<800x16xf32, #tpu.memory_space<vmem>>) dst(%dma_wait3A_62 : memref<800x16xf32, #tpu.memory_space<hbm>>)
      tpu.yield
    }) : () -> ()
    %add3A_30 = arith.constant 800 : i32
    %add3A_31 = arith.addi %mul3A_2, %add3A_30 : i32
    "tpu.region"() ({
      %run_scoped3A = tpu.sem_alloc : memref<!tpu.dma_semaphore, #tpu.memory_space<semaphore_mem>>
      %dma_start3A = arith.constant 0 : i32
      %dma_start3A_44 = arith.constant 0 : i32
      %dma_start3A_45 = tpu.memref_slice %arg9[%dma_start3A, %dma_start3A_44] : memref<1024x16xf32, #tpu.memory_space<vmem>> -> memref<800x16xf32, #tpu.memory_space<vmem>>
      %dma_start3A_46 = arith.constant 0 : i32
      %dma_start3A_47 = tpu.memref_slice %arg10[%add3A_31, %dma_start3A_46] : memref<102400x16xf32, #tpu.memory_space<vmem_shared>> -> memref<800x16xf32, #tpu.memory_space<vmem_shared>>
      %dma_start3A_48 = arith.constant 0 : i32
      %dma_start3A_49 = arith.constant 0 : i32
      %dma_start3A_50 = tpu.memref_slice %arg9[%dma_start3A_48, %dma_start3A_49] : memref<1024x16xf32, #tpu.memory_space<vmem>> -> memref<800x16xf32, #tpu.memory_space<vmem>>
      %dma_start3A_51 = arith.constant 0 : i32
      %dma_start3A_52 = tpu.memref_slice %arg10[%add3A_31, %dma_start3A_51] : memref<102400x16xf32, #tpu.memory_space<vmem_shared>> -> memref<800x16xf32, #tpu.memory_space<vmem_shared>>
      tpu.enqueue_dma source(%dma_start3A_52 : memref<800x16xf32, #tpu.memory_space<vmem_shared>>) target(%dma_start3A_50 : memref<800x16xf32, #tpu.memory_space<vmem>>) target_semaphore(%run_scoped3A : memref<!tpu.dma_semaphore, #tpu.memory_space<semaphore_mem>>)
      %dma_wait3A = arith.constant 0 : i32
      %dma_wait3A_53 = arith.constant 0 : i32
      %dma_wait3A_54 = tpu.memref_slice %arg9[%dma_wait3A, %dma_wait3A_53] : memref<1024x16xf32, #tpu.memory_space<vmem>> -> memref<800x16xf32, #tpu.memory_space<vmem>>
      %dma_wait3A_55 = arith.constant 0 : i32
      %dma_wait3A_56 = tpu.memref_slice %arg10[%add3A_31, %dma_wait3A_55] : memref<102400x16xf32, #tpu.memory_space<vmem_shared>> -> memref<800x16xf32, #tpu.memory_space<vmem_shared>>
      %dma_wait3A_57 = arith.constant 0 : i32
      %dma_wait3A_58 = arith.constant 0 : i32
      %dma_wait3A_59 = tpu.memref_slice %arg9[%dma_wait3A_57, %dma_wait3A_58] : memref<1024x16xf32, #tpu.memory_space<vmem>> -> memref<800x16xf32, #tpu.memory_space<vmem>>
      %dma_wait3A_60 = arith.constant 0 : i32
      %dma_wait3A_61 = tpu.memref_slice %arg10[%add3A_31, %dma_wait3A_60] : memref<102400x16xf32, #tpu.memory_space<vmem_shared>> -> memref<800x16xf32, #tpu.memory_space<vmem_shared>>
      tpu.wait_dma2 semaphore(%run_scoped3A : memref<!tpu.dma_semaphore, #tpu.memory_space<semaphore_mem>>) src(%dma_wait3A_61 : memref<800x16xf32, #tpu.memory_space<vmem_shared>>) dst(%dma_wait3A_59 : memref<800x16xf32, #tpu.memory_space<vmem>>)
      tpu.yield
    }) : () -> ()
    "tpu.region"() ({
      %run_scoped3A = tpu.sem_alloc : memref<!tpu.dma_semaphore, #tpu.memory_space<semaphore_mem>>
      %dma_start3A = arith.constant 0 : i32
      %dma_start3A_44 = arith.constant 0 : i32
      %dma_start3A_45 = tpu.memref_slice %arg9[%dma_start3A, %dma_start3A_44] : memref<1024x16xf32, #tpu.memory_space<vmem>> -> memref<800x16xf32, #tpu.memory_space<vmem>>
      %dma_start3A_46 = arith.constant 0 : i32
      %dma_start3A_47 = tpu.memref_slice %arg6[%arg0, %add3A_31, %dma_start3A_46] : memref<2x102400x16xf32, #tpu.memory_space<hbm>> -> memref<1x800x16xf32, #tpu.memory_space<hbm>>
      %dma_start3A_48 = tpu.memref_squeeze %dma_start3A_47 : memref<1x800x16xf32, #tpu.memory_space<hbm>> -> memref<800x16xf32, #tpu.memory_space<hbm>>
      %dma_start3A_49 = arith.constant 0 : i32
      %dma_start3A_50 = tpu.memref_slice %arg6[%arg0, %add3A_31, %dma_start3A_49] : memref<2x102400x16xf32, #tpu.memory_space<hbm>> -> memref<1x800x16xf32, #tpu.memory_space<hbm>>
      %dma_start3A_51 = tpu.memref_squeeze %dma_start3A_50 : memref<1x800x16xf32, #tpu.memory_space<hbm>> -> memref<800x16xf32, #tpu.memory_space<hbm>>
      %dma_start3A_52 = arith.constant 0 : i32
      %dma_start3A_53 = arith.constant 0 : i32
      %dma_start3A_54 = tpu.memref_slice %arg9[%dma_start3A_52, %dma_start3A_53] : memref<1024x16xf32, #tpu.memory_space<vmem>> -> memref<800x16xf32, #tpu.memory_space<vmem>>
      tpu.enqueue_dma source(%dma_start3A_54 : memref<800x16xf32, #tpu.memory_space<vmem>>) target(%dma_start3A_51 : memref<800x16xf32, #tpu.memory_space<hbm>>) target_semaphore(%run_scoped3A : memref<!tpu.dma_semaphore, #tpu.memory_space<semaphore_mem>>)
      %dma_wait3A = arith.constant 0 : i32
      %dma_wait3A_55 = arith.constant 0 : i32
      %dma_wait3A_56 = tpu.memref_slice %arg9[%dma_wait3A, %dma_wait3A_55] : memref<1024x16xf32, #tpu.memory_space<vmem>> -> memref<800x16xf32, #tpu.memory_space<vmem>>
      %dma_wait3A_57 = arith.constant 0 : i32
      %dma_wait3A_58 = tpu.memref_slice %arg6[%arg0, %add3A_31, %dma_wait3A_57] : memref<2x102400x16xf32, #tpu.memory_space<hbm>> -> memref<1x800x16xf32, #tpu.memory_space<hbm>>
      %dma_wait3A_59 = tpu.memref_squeeze %dma_wait3A_58 : memref<1x800x16xf32, #tpu.memory_space<hbm>> -> memref<800x16xf32, #tpu.memory_space<hbm>>
      %dma_wait3A_60 = arith.constant 0 : i32
      %dma_wait3A_61 = tpu.memref_slice %arg6[%arg0, %add3A_31, %dma_wait3A_60] : memref<2x102400x16xf32, #tpu.memory_space<hbm>> -> memref<1x800x16xf32, #tpu.memory_space<hbm>>
      %dma_wait3A_62 = tpu.memref_squeeze %dma_wait3A_61 : memref<1x800x16xf32, #tpu.memory_space<hbm>> -> memref<800x16xf32, #tpu.memory_space<hbm>>
      %dma_wait3A_63 = arith.constant 0 : i32
      %dma_wait3A_64 = arith.constant 0 : i32
      %dma_wait3A_65 = tpu.memref_slice %arg9[%dma_wait3A_63, %dma_wait3A_64] : memref<1024x16xf32, #tpu.memory_space<vmem>> -> memref<800x16xf32, #tpu.memory_space<vmem>>
      tpu.wait_dma2 semaphore(%run_scoped3A : memref<!tpu.dma_semaphore, #tpu.memory_space<semaphore_mem>>) src(%dma_wait3A_65 : memref<800x16xf32, #tpu.memory_space<vmem>>) dst(%dma_wait3A_62 : memref<800x16xf32, #tpu.memory_space<hbm>>)
      tpu.yield
    }) : () -> ()
    %add3A_32 = arith.constant 1600 : i32
    %add3A_33 = arith.addi %mul3A_2, %add3A_32 : i32
    "tpu.region"() ({
      %run_scoped3A = tpu.sem_alloc : memref<!tpu.dma_semaphore, #tpu.memory_space<semaphore_mem>>
      %dma_start3A = arith.constant 0 : i32
      %dma_start3A_44 = arith.constant 0 : i32
      %dma_start3A_45 = tpu.memref_slice %arg9[%dma_start3A, %dma_start3A_44] : memref<1024x16xf32, #tpu.memory_space<vmem>> -> memref<800x16xf32, #tpu.memory_space<vmem>>
      %dma_start3A_46 = arith.constant 0 : i32
      %dma_start3A_47 = tpu.memref_slice %arg10[%add3A_33, %dma_start3A_46] : memref<102400x16xf32, #tpu.memory_space<vmem_shared>> -> memref<800x16xf32, #tpu.memory_space<vmem_shared>>
      %dma_start3A_48 = arith.constant 0 : i32
      %dma_start3A_49 = arith.constant 0 : i32
      %dma_start3A_50 = tpu.memref_slice %arg9[%dma_start3A_48, %dma_start3A_49] : memref<1024x16xf32, #tpu.memory_space<vmem>> -> memref<800x16xf32, #tpu.memory_space<vmem>>
      %dma_start3A_51 = arith.constant 0 : i32
      %dma_start3A_52 = tpu.memref_slice %arg10[%add3A_33, %dma_start3A_51] : memref<102400x16xf32, #tpu.memory_space<vmem_shared>> -> memref<800x16xf32, #tpu.memory_space<vmem_shared>>
      tpu.enqueue_dma source(%dma_start3A_52 : memref<800x16xf32, #tpu.memory_space<vmem_shared>>) target(%dma_start3A_50 : memref<800x16xf32, #tpu.memory_space<vmem>>) target_semaphore(%run_scoped3A : memref<!tpu.dma_semaphore, #tpu.memory_space<semaphore_mem>>)
      %dma_wait3A = arith.constant 0 : i32
      %dma_wait3A_53 = arith.constant 0 : i32
      %dma_wait3A_54 = tpu.memref_slice %arg9[%dma_wait3A, %dma_wait3A_53] : memref<1024x16xf32, #tpu.memory_space<vmem>> -> memref<800x16xf32, #tpu.memory_space<vmem>>
      %dma_wait3A_55 = arith.constant 0 : i32
      %dma_wait3A_56 = tpu.memref_slice %arg10[%add3A_33, %dma_wait3A_55] : memref<102400x16xf32, #tpu.memory_space<vmem_shared>> -> memref<800x16xf32, #tpu.memory_space<vmem_shared>>
      %dma_wait3A_57 = arith.constant 0 : i32
      %dma_wait3A_58 = arith.constant 0 : i32
      %dma_wait3A_59 = tpu.memref_slice %arg9[%dma_wait3A_57, %dma_wait3A_58] : memref<1024x16xf32, #tpu.memory_space<vmem>> -> memref<800x16xf32, #tpu.memory_space<vmem>>
      %dma_wait3A_60 = arith.constant 0 : i32
      %dma_wait3A_61 = tpu.memref_slice %arg10[%add3A_33, %dma_wait3A_60] : memref<102400x16xf32, #tpu.memory_space<vmem_shared>> -> memref<800x16xf32, #tpu.memory_space<vmem_shared>>
      tpu.wait_dma2 semaphore(%run_scoped3A : memref<!tpu.dma_semaphore, #tpu.memory_space<semaphore_mem>>) src(%dma_wait3A_61 : memref<800x16xf32, #tpu.memory_space<vmem_shared>>) dst(%dma_wait3A_59 : memref<800x16xf32, #tpu.memory_space<vmem>>)
      tpu.yield
    }) : () -> ()
    "tpu.region"() ({
      %run_scoped3A = tpu.sem_alloc : memref<!tpu.dma_semaphore, #tpu.memory_space<semaphore_mem>>
      %dma_start3A = arith.constant 0 : i32
      %dma_start3A_44 = arith.constant 0 : i32
      %dma_start3A_45 = tpu.memref_slice %arg9[%dma_start3A, %dma_start3A_44] : memref<1024x16xf32, #tpu.memory_space<vmem>> -> memref<800x16xf32, #tpu.memory_space<vmem>>
      %dma_start3A_46 = arith.constant 0 : i32
      %dma_start3A_47 = tpu.memref_slice %arg6[%arg0, %add3A_33, %dma_start3A_46] : memref<2x102400x16xf32, #tpu.memory_space<hbm>> -> memref<1x800x16xf32, #tpu.memory_space<hbm>>
      %dma_start3A_48 = tpu.memref_squeeze %dma_start3A_47 : memref<1x800x16xf32, #tpu.memory_space<hbm>> -> memref<800x16xf32, #tpu.memory_space<hbm>>
      %dma_start3A_49 = arith.constant 0 : i32
      %dma_start3A_50 = tpu.memref_slice %arg6[%arg0, %add3A_33, %dma_start3A_49] : memref<2x102400x16xf32, #tpu.memory_space<hbm>> -> memref<1x800x16xf32, #tpu.memory_space<hbm>>
      %dma_start3A_51 = tpu.memref_squeeze %dma_start3A_50 : memref<1x800x16xf32, #tpu.memory_space<hbm>> -> memref<800x16xf32, #tpu.memory_space<hbm>>
      %dma_start3A_52 = arith.constant 0 : i32
      %dma_start3A_53 = arith.constant 0 : i32
      %dma_start3A_54 = tpu.memref_slice %arg9[%dma_start3A_52, %dma_start3A_53] : memref<1024x16xf32, #tpu.memory_space<vmem>> -> memref<800x16xf32, #tpu.memory_space<vmem>>
      tpu.enqueue_dma source(%dma_start3A_54 : memref<800x16xf32, #tpu.memory_space<vmem>>) target(%dma_start3A_51 : memref<800x16xf32, #tpu.memory_space<hbm>>) target_semaphore(%run_scoped3A : memref<!tpu.dma_semaphore, #tpu.memory_space<semaphore_mem>>)
      %dma_wait3A = arith.constant 0 : i32
      %dma_wait3A_55 = arith.constant 0 : i32
      %dma_wait3A_56 = tpu.memref_slice %arg9[%dma_wait3A, %dma_wait3A_55] : memref<1024x16xf32, #tpu.memory_space<vmem>> -> memref<800x16xf32, #tpu.memory_space<vmem>>
      %dma_wait3A_57 = arith.constant 0 : i32
      %dma_wait3A_58 = tpu.memref_slice %arg6[%arg0, %add3A_33, %dma_wait3A_57] : memref<2x102400x16xf32, #tpu.memory_space<hbm>> -> memref<1x800x16xf32, #tpu.memory_space<hbm>>
      %dma_wait3A_59 = tpu.memref_squeeze %dma_wait3A_58 : memref<1x800x16xf32, #tpu.memory_space<hbm>> -> memref<800x16xf32, #tpu.memory_space<hbm>>
      %dma_wait3A_60 = arith.constant 0 : i32
      %dma_wait3A_61 = tpu.memref_slice %arg6[%arg0, %add3A_33, %dma_wait3A_60] : memref<2x102400x16xf32, #tpu.memory_space<hbm>> -> memref<1x800x16xf32, #tpu.memory_space<hbm>>
      %dma_wait3A_62 = tpu.memref_squeeze %dma_wait3A_61 : memref<1x800x16xf32, #tpu.memory_space<hbm>> -> memref<800x16xf32, #tpu.memory_space<hbm>>
      %dma_wait3A_63 = arith.constant 0 : i32
      %dma_wait3A_64 = arith.constant 0 : i32
      %dma_wait3A_65 = tpu.memref_slice %arg9[%dma_wait3A_63, %dma_wait3A_64] : memref<1024x16xf32, #tpu.memory_space<vmem>> -> memref<800x16xf32, #tpu.memory_space<vmem>>
      tpu.wait_dma2 semaphore(%run_scoped3A : memref<!tpu.dma_semaphore, #tpu.memory_space<semaphore_mem>>) src(%dma_wait3A_65 : memref<800x16xf32, #tpu.memory_space<vmem>>) dst(%dma_wait3A_62 : memref<800x16xf32, #tpu.memory_space<hbm>>)
      tpu.yield
    }) : () -> ()
    %add3A_34 = arith.constant 2400 : i32
    %add3A_35 = arith.addi %mul3A_2, %add3A_34 : i32
    "tpu.region"() ({
      %run_scoped3A = tpu.sem_alloc : memref<!tpu.dma_semaphore, #tpu.memory_space<semaphore_mem>>
      %dma_start3A = arith.constant 0 : i32
      %dma_start3A_44 = arith.constant 0 : i32
      %dma_start3A_45 = tpu.memref_slice %arg9[%dma_start3A, %dma_start3A_44] : memref<1024x16xf32, #tpu.memory_space<vmem>> -> memref<800x16xf32, #tpu.memory_space<vmem>>
      %dma_start3A_46 = arith.constant 0 : i32
      %dma_start3A_47 = tpu.memref_slice %arg10[%add3A_35, %dma_start3A_46] : memref<102400x16xf32, #tpu.memory_space<vmem_shared>> -> memref<800x16xf32, #tpu.memory_space<vmem_shared>>
      %dma_start3A_48 = arith.constant 0 : i32
      %dma_start3A_49 = arith.constant 0 : i32
      %dma_start3A_50 = tpu.memref_slice %arg9[%dma_start3A_48, %dma_start3A_49] : memref<1024x16xf32, #tpu.memory_space<vmem>> -> memref<800x16xf32, #tpu.memory_space<vmem>>
      %dma_start3A_51 = arith.constant 0 : i32
      %dma_start3A_52 = tpu.memref_slice %arg10[%add3A_35, %dma_start3A_51] : memref<102400x16xf32, #tpu.memory_space<vmem_shared>> -> memref<800x16xf32, #tpu.memory_space<vmem_shared>>
      tpu.enqueue_dma source(%dma_start3A_52 : memref<800x16xf32, #tpu.memory_space<vmem_shared>>) target(%dma_start3A_50 : memref<800x16xf32, #tpu.memory_space<vmem>>) target_semaphore(%run_scoped3A : memref<!tpu.dma_semaphore, #tpu.memory_space<semaphore_mem>>)
      %dma_wait3A = arith.constant 0 : i32
      %dma_wait3A_53 = arith.constant 0 : i32
      %dma_wait3A_54 = tpu.memref_slice %arg9[%dma_wait3A, %dma_wait3A_53] : memref<1024x16xf32, #tpu.memory_space<vmem>> -> memref<800x16xf32, #tpu.memory_space<vmem>>
      %dma_wait3A_55 = arith.constant 0 : i32
      %dma_wait3A_56 = tpu.memref_slice %arg10[%add3A_35, %dma_wait3A_55] : memref<102400x16xf32, #tpu.memory_space<vmem_shared>> -> memref<800x16xf32, #tpu.memory_space<vmem_shared>>
      %dma_wait3A_57 = arith.constant 0 : i32
      %dma_wait3A_58 = arith.constant 0 : i32
      %dma_wait3A_59 = tpu.memref_slice %arg9[%dma_wait3A_57, %dma_wait3A_58] : memref<1024x16xf32, #tpu.memory_space<vmem>> -> memref<800x16xf32, #tpu.memory_space<vmem>>
      %dma_wait3A_60 = arith.constant 0 : i32
      %dma_wait3A_61 = tpu.memref_slice %arg10[%add3A_35, %dma_wait3A_60] : memref<102400x16xf32, #tpu.memory_space<vmem_shared>> -> memref<800x16xf32, #tpu.memory_space<vmem_shared>>
      tpu.wait_dma2 semaphore(%run_scoped3A : memref<!tpu.dma_semaphore, #tpu.memory_space<semaphore_mem>>) src(%dma_wait3A_61 : memref<800x16xf32, #tpu.memory_space<vmem_shared>>) dst(%dma_wait3A_59 : memref<800x16xf32, #tpu.memory_space<vmem>>)
      tpu.yield
    }) : () -> ()
    "tpu.region"() ({
      %run_scoped3A = tpu.sem_alloc : memref<!tpu.dma_semaphore, #tpu.memory_space<semaphore_mem>>
      %dma_start3A = arith.constant 0 : i32
      %dma_start3A_44 = arith.constant 0 : i32
      %dma_start3A_45 = tpu.memref_slice %arg9[%dma_start3A, %dma_start3A_44] : memref<1024x16xf32, #tpu.memory_space<vmem>> -> memref<800x16xf32, #tpu.memory_space<vmem>>
      %dma_start3A_46 = arith.constant 0 : i32
      %dma_start3A_47 = tpu.memref_slice %arg6[%arg0, %add3A_35, %dma_start3A_46] : memref<2x102400x16xf32, #tpu.memory_space<hbm>> -> memref<1x800x16xf32, #tpu.memory_space<hbm>>
      %dma_start3A_48 = tpu.memref_squeeze %dma_start3A_47 : memref<1x800x16xf32, #tpu.memory_space<hbm>> -> memref<800x16xf32, #tpu.memory_space<hbm>>
      %dma_start3A_49 = arith.constant 0 : i32
      %dma_start3A_50 = tpu.memref_slice %arg6[%arg0, %add3A_35, %dma_start3A_49] : memref<2x102400x16xf32, #tpu.memory_space<hbm>> -> memref<1x800x16xf32, #tpu.memory_space<hbm>>
      %dma_start3A_51 = tpu.memref_squeeze %dma_start3A_50 : memref<1x800x16xf32, #tpu.memory_space<hbm>> -> memref<800x16xf32, #tpu.memory_space<hbm>>
      %dma_start3A_52 = arith.constant 0 : i32
      %dma_start3A_53 = arith.constant 0 : i32
      %dma_start3A_54 = tpu.memref_slice %arg9[%dma_start3A_52, %dma_start3A_53] : memref<1024x16xf32, #tpu.memory_space<vmem>> -> memref<800x16xf32, #tpu.memory_space<vmem>>
      tpu.enqueue_dma source(%dma_start3A_54 : memref<800x16xf32, #tpu.memory_space<vmem>>) target(%dma_start3A_51 : memref<800x16xf32, #tpu.memory_space<hbm>>) target_semaphore(%run_scoped3A : memref<!tpu.dma_semaphore, #tpu.memory_space<semaphore_mem>>)
      %dma_wait3A = arith.constant 0 : i32
      %dma_wait3A_55 = arith.constant 0 : i32
      %dma_wait3A_56 = tpu.memref_slice %arg9[%dma_wait3A, %dma_wait3A_55] : memref<1024x16xf32, #tpu.memory_space<vmem>> -> memref<800x16xf32, #tpu.memory_space<vmem>>
      %dma_wait3A_57 = arith.constant 0 : i32
      %dma_wait3A_58 = tpu.memref_slice %arg6[%arg0, %add3A_35, %dma_wait3A_57] : memref<2x102400x16xf32, #tpu.memory_space<hbm>> -> memref<1x800x16xf32, #tpu.memory_space<hbm>>
      %dma_wait3A_59 = tpu.memref_squeeze %dma_wait3A_58 : memref<1x800x16xf32, #tpu.memory_space<hbm>> -> memref<800x16xf32, #tpu.memory_space<hbm>>
      %dma_wait3A_60 = arith.constant 0 : i32
      %dma_wait3A_61 = tpu.memref_slice %arg6[%arg0, %add3A_35, %dma_wait3A_60] : memref<2x102400x16xf32, #tpu.memory_space<hbm>> -> memref<1x800x16xf32, #tpu.memory_space<hbm>>
      %dma_wait3A_62 = tpu.memref_squeeze %dma_wait3A_61 : memref<1x800x16xf32, #tpu.memory_space<hbm>> -> memref<800x16xf32, #tpu.memory_space<hbm>>
      %dma_wait3A_63 = arith.constant 0 : i32
      %dma_wait3A_64 = arith.constant 0 : i32
      %dma_wait3A_65 = tpu.memref_slice %arg9[%dma_wait3A_63, %dma_wait3A_64] : memref<1024x16xf32, #tpu.memory_space<vmem>> -> memref<800x16xf32, #tpu.memory_space<vmem>>
      tpu.wait_dma2 semaphore(%run_scoped3A : memref<!tpu.dma_semaphore, #tpu.memory_space<semaphore_mem>>) src(%dma_wait3A_65 : memref<800x16xf32, #tpu.memory_space<vmem>>) dst(%dma_wait3A_62 : memref<800x16xf32, #tpu.memory_space<hbm>>)
      tpu.yield
    }) : () -> ()
    %add3A_36 = arith.constant 3200 : i32
    %add3A_37 = arith.addi %mul3A_2, %add3A_36 : i32
    "tpu.region"() ({
      %run_scoped3A = tpu.sem_alloc : memref<!tpu.dma_semaphore, #tpu.memory_space<semaphore_mem>>
      %dma_start3A = arith.constant 0 : i32
      %dma_start3A_44 = arith.constant 0 : i32
      %dma_start3A_45 = tpu.memref_slice %arg9[%dma_start3A, %dma_start3A_44] : memref<1024x16xf32, #tpu.memory_space<vmem>> -> memref<800x16xf32, #tpu.memory_space<vmem>>
      %dma_start3A_46 = arith.constant 0 : i32
      %dma_start3A_47 = tpu.memref_slice %arg10[%add3A_37, %dma_start3A_46] : memref<102400x16xf32, #tpu.memory_space<vmem_shared>> -> memref<800x16xf32, #tpu.memory_space<vmem_shared>>
      %dma_start3A_48 = arith.constant 0 : i32
      %dma_start3A_49 = arith.constant 0 : i32
      %dma_start3A_50 = tpu.memref_slice %arg9[%dma_start3A_48, %dma_start3A_49] : memref<1024x16xf32, #tpu.memory_space<vmem>> -> memref<800x16xf32, #tpu.memory_space<vmem>>
      %dma_start3A_51 = arith.constant 0 : i32
      %dma_start3A_52 = tpu.memref_slice %arg10[%add3A_37, %dma_start3A_51] : memref<102400x16xf32, #tpu.memory_space<vmem_shared>> -> memref<800x16xf32, #tpu.memory_space<vmem_shared>>
      tpu.enqueue_dma source(%dma_start3A_52 : memref<800x16xf32, #tpu.memory_space<vmem_shared>>) target(%dma_start3A_50 : memref<800x16xf32, #tpu.memory_space<vmem>>) target_semaphore(%run_scoped3A : memref<!tpu.dma_semaphore, #tpu.memory_space<semaphore_mem>>)
      %dma_wait3A = arith.constant 0 : i32
      %dma_wait3A_53 = arith.constant 0 : i32
      %dma_wait3A_54 = tpu.memref_slice %arg9[%dma_wait3A, %dma_wait3A_53] : memref<1024x16xf32, #tpu.memory_space<vmem>> -> memref<800x16xf32, #tpu.memory_space<vmem>>
      %dma_wait3A_55 = arith.constant 0 : i32
      %dma_wait3A_56 = tpu.memref_slice %arg10[%add3A_37, %dma_wait3A_55] : memref<102400x16xf32, #tpu.memory_space<vmem_shared>> -> memref<800x16xf32, #tpu.memory_space<vmem_shared>>
      %dma_wait3A_57 = arith.constant 0 : i32
      %dma_wait3A_58 = arith.constant 0 : i32
      %dma_wait3A_59 = tpu.memref_slice %arg9[%dma_wait3A_57, %dma_wait3A_58] : memref<1024x16xf32, #tpu.memory_space<vmem>> -> memref<800x16xf32, #tpu.memory_space<vmem>>
      %dma_wait3A_60 = arith.constant 0 : i32
      %dma_wait3A_61 = tpu.memref_slice %arg10[%add3A_37, %dma_wait3A_60] : memref<102400x16xf32, #tpu.memory_space<vmem_shared>> -> memref<800x16xf32, #tpu.memory_space<vmem_shared>>
      tpu.wait_dma2 semaphore(%run_scoped3A : memref<!tpu.dma_semaphore, #tpu.memory_space<semaphore_mem>>) src(%dma_wait3A_61 : memref<800x16xf32, #tpu.memory_space<vmem_shared>>) dst(%dma_wait3A_59 : memref<800x16xf32, #tpu.memory_space<vmem>>)
      tpu.yield
    }) : () -> ()
    "tpu.region"() ({
      %run_scoped3A = tpu.sem_alloc : memref<!tpu.dma_semaphore, #tpu.memory_space<semaphore_mem>>
      %dma_start3A = arith.constant 0 : i32
      %dma_start3A_44 = arith.constant 0 : i32
      %dma_start3A_45 = tpu.memref_slice %arg9[%dma_start3A, %dma_start3A_44] : memref<1024x16xf32, #tpu.memory_space<vmem>> -> memref<800x16xf32, #tpu.memory_space<vmem>>
      %dma_start3A_46 = arith.constant 0 : i32
      %dma_start3A_47 = tpu.memref_slice %arg6[%arg0, %add3A_37, %dma_start3A_46] : memref<2x102400x16xf32, #tpu.memory_space<hbm>> -> memref<1x800x16xf32, #tpu.memory_space<hbm>>
      %dma_start3A_48 = tpu.memref_squeeze %dma_start3A_47 : memref<1x800x16xf32, #tpu.memory_space<hbm>> -> memref<800x16xf32, #tpu.memory_space<hbm>>
      %dma_start3A_49 = arith.constant 0 : i32
      %dma_start3A_50 = tpu.memref_slice %arg6[%arg0, %add3A_37, %dma_start3A_49] : memref<2x102400x16xf32, #tpu.memory_space<hbm>> -> memref<1x800x16xf32, #tpu.memory_space<hbm>>
      %dma_start3A_51 = tpu.memref_squeeze %dma_start3A_50 : memref<1x800x16xf32, #tpu.memory_space<hbm>> -> memref<800x16xf32, #tpu.memory_space<hbm>>
      %dma_start3A_52 = arith.constant 0 : i32
      %dma_start3A_53 = arith.constant 0 : i32
      %dma_start3A_54 = tpu.memref_slice %arg9[%dma_start3A_52, %dma_start3A_53] : memref<1024x16xf32, #tpu.memory_space<vmem>> -> memref<800x16xf32, #tpu.memory_space<vmem>>
      tpu.enqueue_dma source(%dma_start3A_54 : memref<800x16xf32, #tpu.memory_space<vmem>>) target(%dma_start3A_51 : memref<800x16xf32, #tpu.memory_space<hbm>>) target_semaphore(%run_scoped3A : memref<!tpu.dma_semaphore, #tpu.memory_space<semaphore_mem>>)
      %dma_wait3A = arith.constant 0 : i32
      %dma_wait3A_55 = arith.constant 0 : i32
      %dma_wait3A_56 = tpu.memref_slice %arg9[%dma_wait3A, %dma_wait3A_55] : memref<1024x16xf32, #tpu.memory_space<vmem>> -> memref<800x16xf32, #tpu.memory_space<vmem>>
      %dma_wait3A_57 = arith.constant 0 : i32
      %dma_wait3A_58 = tpu.memref_slice %arg6[%arg0, %add3A_37, %dma_wait3A_57] : memref<2x102400x16xf32, #tpu.memory_space<hbm>> -> memref<1x800x16xf32, #tpu.memory_space<hbm>>
      %dma_wait3A_59 = tpu.memref_squeeze %dma_wait3A_58 : memref<1x800x16xf32, #tpu.memory_space<hbm>> -> memref<800x16xf32, #tpu.memory_space<hbm>>
      %dma_wait3A_60 = arith.constant 0 : i32
      %dma_wait3A_61 = tpu.memref_slice %arg6[%arg0, %add3A_37, %dma_wait3A_60] : memref<2x102400x16xf32, #tpu.memory_space<hbm>> -> memref<1x800x16xf32, #tpu.memory_space<hbm>>
      %dma_wait3A_62 = tpu.memref_squeeze %dma_wait3A_61 : memref<1x800x16xf32, #tpu.memory_space<hbm>> -> memref<800x16xf32, #tpu.memory_space<hbm>>
      %dma_wait3A_63 = arith.constant 0 : i32
      %dma_wait3A_64 = arith.constant 0 : i32
      %dma_wait3A_65 = tpu.memref_slice %arg9[%dma_wait3A_63, %dma_wait3A_64] : memref<1024x16xf32, #tpu.memory_space<vmem>> -> memref<800x16xf32, #tpu.memory_space<vmem>>
      tpu.wait_dma2 semaphore(%run_scoped3A : memref<!tpu.dma_semaphore, #tpu.memory_space<semaphore_mem>>) src(%dma_wait3A_65 : memref<800x16xf32, #tpu.memory_space<vmem>>) dst(%dma_wait3A_62 : memref<800x16xf32, #tpu.memory_space<hbm>>)
      tpu.yield
    }) : () -> ()
    %add3A_38 = arith.constant 4000 : i32
    %add3A_39 = arith.addi %mul3A_2, %add3A_38 : i32
    "tpu.region"() ({
      %run_scoped3A = tpu.sem_alloc : memref<!tpu.dma_semaphore, #tpu.memory_space<semaphore_mem>>
      %dma_start3A = arith.constant 0 : i32
      %dma_start3A_44 = arith.constant 0 : i32
      %dma_start3A_45 = tpu.memref_slice %arg9[%dma_start3A, %dma_start3A_44] : memref<1024x16xf32, #tpu.memory_space<vmem>> -> memref<800x16xf32, #tpu.memory_space<vmem>>
      %dma_start3A_46 = arith.constant 0 : i32
      %dma_start3A_47 = tpu.memref_slice %arg10[%add3A_39, %dma_start3A_46] : memref<102400x16xf32, #tpu.memory_space<vmem_shared>> -> memref<800x16xf32, #tpu.memory_space<vmem_shared>>
      %dma_start3A_48 = arith.constant 0 : i32
      %dma_start3A_49 = arith.constant 0 : i32
      %dma_start3A_50 = tpu.memref_slice %arg9[%dma_start3A_48, %dma_start3A_49] : memref<1024x16xf32, #tpu.memory_space<vmem>> -> memref<800x16xf32, #tpu.memory_space<vmem>>
      %dma_start3A_51 = arith.constant 0 : i32
      %dma_start3A_52 = tpu.memref_slice %arg10[%add3A_39, %dma_start3A_51] : memref<102400x16xf32, #tpu.memory_space<vmem_shared>> -> memref<800x16xf32, #tpu.memory_space<vmem_shared>>
      tpu.enqueue_dma source(%dma_start3A_52 : memref<800x16xf32, #tpu.memory_space<vmem_shared>>) target(%dma_start3A_50 : memref<800x16xf32, #tpu.memory_space<vmem>>) target_semaphore(%run_scoped3A : memref<!tpu.dma_semaphore, #tpu.memory_space<semaphore_mem>>)
      %dma_wait3A = arith.constant 0 : i32
      %dma_wait3A_53 = arith.constant 0 : i32
      %dma_wait3A_54 = tpu.memref_slice %arg9[%dma_wait3A, %dma_wait3A_53] : memref<1024x16xf32, #tpu.memory_space<vmem>> -> memref<800x16xf32, #tpu.memory_space<vmem>>
      %dma_wait3A_55 = arith.constant 0 : i32
      %dma_wait3A_56 = tpu.memref_slice %arg10[%add3A_39, %dma_wait3A_55] : memref<102400x16xf32, #tpu.memory_space<vmem_shared>> -> memref<800x16xf32, #tpu.memory_space<vmem_shared>>
      %dma_wait3A_57 = arith.constant 0 : i32
      %dma_wait3A_58 = arith.constant 0 : i32
      %dma_wait3A_59 = tpu.memref_slice %arg9[%dma_wait3A_57, %dma_wait3A_58] : memref<1024x16xf32, #tpu.memory_space<vmem>> -> memref<800x16xf32, #tpu.memory_space<vmem>>
      %dma_wait3A_60 = arith.constant 0 : i32
      %dma_wait3A_61 = tpu.memref_slice %arg10[%add3A_39, %dma_wait3A_60] : memref<102400x16xf32, #tpu.memory_space<vmem_shared>> -> memref<800x16xf32, #tpu.memory_space<vmem_shared>>
      tpu.wait_dma2 semaphore(%run_scoped3A : memref<!tpu.dma_semaphore, #tpu.memory_space<semaphore_mem>>) src(%dma_wait3A_61 : memref<800x16xf32, #tpu.memory_space<vmem_shared>>) dst(%dma_wait3A_59 : memref<800x16xf32, #tpu.memory_space<vmem>>)
      tpu.yield
    }) : () -> ()
    "tpu.region"() ({
      %run_scoped3A = tpu.sem_alloc : memref<!tpu.dma_semaphore, #tpu.memory_space<semaphore_mem>>
      %dma_start3A = arith.constant 0 : i32
      %dma_start3A_44 = arith.constant 0 : i32
      %dma_start3A_45 = tpu.memref_slice %arg9[%dma_start3A, %dma_start3A_44] : memref<1024x16xf32, #tpu.memory_space<vmem>> -> memref<800x16xf32, #tpu.memory_space<vmem>>
      %dma_start3A_46 = arith.constant 0 : i32
      %dma_start3A_47 = tpu.memref_slice %arg6[%arg0, %add3A_39, %dma_start3A_46] : memref<2x102400x16xf32, #tpu.memory_space<hbm>> -> memref<1x800x16xf32, #tpu.memory_space<hbm>>
      %dma_start3A_48 = tpu.memref_squeeze %dma_start3A_47 : memref<1x800x16xf32, #tpu.memory_space<hbm>> -> memref<800x16xf32, #tpu.memory_space<hbm>>
      %dma_start3A_49 = arith.constant 0 : i32
      %dma_start3A_50 = tpu.memref_slice %arg6[%arg0, %add3A_39, %dma_start3A_49] : memref<2x102400x16xf32, #tpu.memory_space<hbm>> -> memref<1x800x16xf32, #tpu.memory_space<hbm>>
      %dma_start3A_51 = tpu.memref_squeeze %dma_start3A_50 : memref<1x800x16xf32, #tpu.memory_space<hbm>> -> memref<800x16xf32, #tpu.memory_space<hbm>>
      %dma_start3A_52 = arith.constant 0 : i32
      %dma_start3A_53 = arith.constant 0 : i32
      %dma_start3A_54 = tpu.memref_slice %arg9[%dma_start3A_52, %dma_start3A_53] : memref<1024x16xf32, #tpu.memory_space<vmem>> -> memref<800x16xf32, #tpu.memory_space<vmem>>
      tpu.enqueue_dma source(%dma_start3A_54 : memref<800x16xf32, #tpu.memory_space<vmem>>) target(%dma_start3A_51 : memref<800x16xf32, #tpu.memory_space<hbm>>) target_semaphore(%run_scoped3A : memref<!tpu.dma_semaphore, #tpu.memory_space<semaphore_mem>>)
      %dma_wait3A = arith.constant 0 : i32
      %dma_wait3A_55 = arith.constant 0 : i32
      %dma_wait3A_56 = tpu.memref_slice %arg9[%dma_wait3A, %dma_wait3A_55] : memref<1024x16xf32, #tpu.memory_space<vmem>> -> memref<800x16xf32, #tpu.memory_space<vmem>>
      %dma_wait3A_57 = arith.constant 0 : i32
      %dma_wait3A_58 = tpu.memref_slice %arg6[%arg0, %add3A_39, %dma_wait3A_57] : memref<2x102400x16xf32, #tpu.memory_space<hbm>> -> memref<1x800x16xf32, #tpu.memory_space<hbm>>
      %dma_wait3A_59 = tpu.memref_squeeze %dma_wait3A_58 : memref<1x800x16xf32, #tpu.memory_space<hbm>> -> memref<800x16xf32, #tpu.memory_space<hbm>>
      %dma_wait3A_60 = arith.constant 0 : i32
      %dma_wait3A_61 = tpu.memref_slice %arg6[%arg0, %add3A_39, %dma_wait3A_60] : memref<2x102400x16xf32, #tpu.memory_space<hbm>> -> memref<1x800x16xf32, #tpu.memory_space<hbm>>
      %dma_wait3A_62 = tpu.memref_squeeze %dma_wait3A_61 : memref<1x800x16xf32, #tpu.memory_space<hbm>> -> memref<800x16xf32, #tpu.memory_space<hbm>>
      %dma_wait3A_63 = arith.constant 0 : i32
      %dma_wait3A_64 = arith.constant 0 : i32
      %dma_wait3A_65 = tpu.memref_slice %arg9[%dma_wait3A_63, %dma_wait3A_64] : memref<1024x16xf32, #tpu.memory_space<vmem>> -> memref<800x16xf32, #tpu.memory_space<vmem>>
      tpu.wait_dma2 semaphore(%run_scoped3A : memref<!tpu.dma_semaphore, #tpu.memory_space<semaphore_mem>>) src(%dma_wait3A_65 : memref<800x16xf32, #tpu.memory_space<vmem>>) dst(%dma_wait3A_62 : memref<800x16xf32, #tpu.memory_space<hbm>>)
      tpu.yield
    }) : () -> ()
    %add3A_40 = arith.constant 4800 : i32
    %add3A_41 = arith.addi %mul3A_2, %add3A_40 : i32
    "tpu.region"() ({
      %run_scoped3A = tpu.sem_alloc : memref<!tpu.dma_semaphore, #tpu.memory_space<semaphore_mem>>
      %dma_start3A = arith.constant 0 : i32
      %dma_start3A_44 = arith.constant 0 : i32
      %dma_start3A_45 = tpu.memref_slice %arg9[%dma_start3A, %dma_start3A_44] : memref<1024x16xf32, #tpu.memory_space<vmem>> -> memref<800x16xf32, #tpu.memory_space<vmem>>
      %dma_start3A_46 = arith.constant 0 : i32
      %dma_start3A_47 = tpu.memref_slice %arg10[%add3A_41, %dma_start3A_46] : memref<102400x16xf32, #tpu.memory_space<vmem_shared>> -> memref<800x16xf32, #tpu.memory_space<vmem_shared>>
      %dma_start3A_48 = arith.constant 0 : i32
      %dma_start3A_49 = arith.constant 0 : i32
      %dma_start3A_50 = tpu.memref_slice %arg9[%dma_start3A_48, %dma_start3A_49] : memref<1024x16xf32, #tpu.memory_space<vmem>> -> memref<800x16xf32, #tpu.memory_space<vmem>>
      %dma_start3A_51 = arith.constant 0 : i32
      %dma_start3A_52 = tpu.memref_slice %arg10[%add3A_41, %dma_start3A_51] : memref<102400x16xf32, #tpu.memory_space<vmem_shared>> -> memref<800x16xf32, #tpu.memory_space<vmem_shared>>
      tpu.enqueue_dma source(%dma_start3A_52 : memref<800x16xf32, #tpu.memory_space<vmem_shared>>) target(%dma_start3A_50 : memref<800x16xf32, #tpu.memory_space<vmem>>) target_semaphore(%run_scoped3A : memref<!tpu.dma_semaphore, #tpu.memory_space<semaphore_mem>>)
      %dma_wait3A = arith.constant 0 : i32
      %dma_wait3A_53 = arith.constant 0 : i32
      %dma_wait3A_54 = tpu.memref_slice %arg9[%dma_wait3A, %dma_wait3A_53] : memref<1024x16xf32, #tpu.memory_space<vmem>> -> memref<800x16xf32, #tpu.memory_space<vmem>>
      %dma_wait3A_55 = arith.constant 0 : i32
      %dma_wait3A_56 = tpu.memref_slice %arg10[%add3A_41, %dma_wait3A_55] : memref<102400x16xf32, #tpu.memory_space<vmem_shared>> -> memref<800x16xf32, #tpu.memory_space<vmem_shared>>
      %dma_wait3A_57 = arith.constant 0 : i32
      %dma_wait3A_58 = arith.constant 0 : i32
      %dma_wait3A_59 = tpu.memref_slice %arg9[%dma_wait3A_57, %dma_wait3A_58] : memref<1024x16xf32, #tpu.memory_space<vmem>> -> memref<800x16xf32, #tpu.memory_space<vmem>>
      %dma_wait3A_60 = arith.constant 0 : i32
      %dma_wait3A_61 = tpu.memref_slice %arg10[%add3A_41, %dma_wait3A_60] : memref<102400x16xf32, #tpu.memory_space<vmem_shared>> -> memref<800x16xf32, #tpu.memory_space<vmem_shared>>
      tpu.wait_dma2 semaphore(%run_scoped3A : memref<!tpu.dma_semaphore, #tpu.memory_space<semaphore_mem>>) src(%dma_wait3A_61 : memref<800x16xf32, #tpu.memory_space<vmem_shared>>) dst(%dma_wait3A_59 : memref<800x16xf32, #tpu.memory_space<vmem>>)
      tpu.yield
    }) : () -> ()
    "tpu.region"() ({
      %run_scoped3A = tpu.sem_alloc : memref<!tpu.dma_semaphore, #tpu.memory_space<semaphore_mem>>
      %dma_start3A = arith.constant 0 : i32
      %dma_start3A_44 = arith.constant 0 : i32
      %dma_start3A_45 = tpu.memref_slice %arg9[%dma_start3A, %dma_start3A_44] : memref<1024x16xf32, #tpu.memory_space<vmem>> -> memref<800x16xf32, #tpu.memory_space<vmem>>
      %dma_start3A_46 = arith.constant 0 : i32
      %dma_start3A_47 = tpu.memref_slice %arg6[%arg0, %add3A_41, %dma_start3A_46] : memref<2x102400x16xf32, #tpu.memory_space<hbm>> -> memref<1x800x16xf32, #tpu.memory_space<hbm>>
      %dma_start3A_48 = tpu.memref_squeeze %dma_start3A_47 : memref<1x800x16xf32, #tpu.memory_space<hbm>> -> memref<800x16xf32, #tpu.memory_space<hbm>>
      %dma_start3A_49 = arith.constant 0 : i32
      %dma_start3A_50 = tpu.memref_slice %arg6[%arg0, %add3A_41, %dma_start3A_49] : memref<2x102400x16xf32, #tpu.memory_space<hbm>> -> memref<1x800x16xf32, #tpu.memory_space<hbm>>
      %dma_start3A_51 = tpu.memref_squeeze %dma_start3A_50 : memref<1x800x16xf32, #tpu.memory_space<hbm>> -> memref<800x16xf32, #tpu.memory_space<hbm>>
      %dma_start3A_52 = arith.constant 0 : i32
      %dma_start3A_53 = arith.constant 0 : i32
      %dma_start3A_54 = tpu.memref_slice %arg9[%dma_start3A_52, %dma_start3A_53] : memref<1024x16xf32, #tpu.memory_space<vmem>> -> memref<800x16xf32, #tpu.memory_space<vmem>>
      tpu.enqueue_dma source(%dma_start3A_54 : memref<800x16xf32, #tpu.memory_space<vmem>>) target(%dma_start3A_51 : memref<800x16xf32, #tpu.memory_space<hbm>>) target_semaphore(%run_scoped3A : memref<!tpu.dma_semaphore, #tpu.memory_space<semaphore_mem>>)
      %dma_wait3A = arith.constant 0 : i32
      %dma_wait3A_55 = arith.constant 0 : i32
      %dma_wait3A_56 = tpu.memref_slice %arg9[%dma_wait3A, %dma_wait3A_55] : memref<1024x16xf32, #tpu.memory_space<vmem>> -> memref<800x16xf32, #tpu.memory_space<vmem>>
      %dma_wait3A_57 = arith.constant 0 : i32
      %dma_wait3A_58 = tpu.memref_slice %arg6[%arg0, %add3A_41, %dma_wait3A_57] : memref<2x102400x16xf32, #tpu.memory_space<hbm>> -> memref<1x800x16xf32, #tpu.memory_space<hbm>>
      %dma_wait3A_59 = tpu.memref_squeeze %dma_wait3A_58 : memref<1x800x16xf32, #tpu.memory_space<hbm>> -> memref<800x16xf32, #tpu.memory_space<hbm>>
      %dma_wait3A_60 = arith.constant 0 : i32
      %dma_wait3A_61 = tpu.memref_slice %arg6[%arg0, %add3A_41, %dma_wait3A_60] : memref<2x102400x16xf32, #tpu.memory_space<hbm>> -> memref<1x800x16xf32, #tpu.memory_space<hbm>>
      %dma_wait3A_62 = tpu.memref_squeeze %dma_wait3A_61 : memref<1x800x16xf32, #tpu.memory_space<hbm>> -> memref<800x16xf32, #tpu.memory_space<hbm>>
      %dma_wait3A_63 = arith.constant 0 : i32
      %dma_wait3A_64 = arith.constant 0 : i32
      %dma_wait3A_65 = tpu.memref_slice %arg9[%dma_wait3A_63, %dma_wait3A_64] : memref<1024x16xf32, #tpu.memory_space<vmem>> -> memref<800x16xf32, #tpu.memory_space<vmem>>
      tpu.wait_dma2 semaphore(%run_scoped3A : memref<!tpu.dma_semaphore, #tpu.memory_space<semaphore_mem>>) src(%dma_wait3A_65 : memref<800x16xf32, #tpu.memory_space<vmem>>) dst(%dma_wait3A_62 : memref<800x16xf32, #tpu.memory_space<hbm>>)
      tpu.yield
    }) : () -> ()
    %add3A_42 = arith.constant 5600 : i32
    %add3A_43 = arith.addi %mul3A_2, %add3A_42 : i32
    "tpu.region"() ({
      %run_scoped3A = tpu.sem_alloc : memref<!tpu.dma_semaphore, #tpu.memory_space<semaphore_mem>>
      %dma_start3A = arith.constant 0 : i32
      %dma_start3A_44 = arith.constant 0 : i32
      %dma_start3A_45 = tpu.memref_slice %arg9[%dma_start3A, %dma_start3A_44] : memref<1024x16xf32, #tpu.memory_space<vmem>> -> memref<800x16xf32, #tpu.memory_space<vmem>>
      %dma_start3A_46 = arith.constant 0 : i32
      %dma_start3A_47 = tpu.memref_slice %arg10[%add3A_43, %dma_start3A_46] : memref<102400x16xf32, #tpu.memory_space<vmem_shared>> -> memref<800x16xf32, #tpu.memory_space<vmem_shared>>
      %dma_start3A_48 = arith.constant 0 : i32
      %dma_start3A_49 = arith.constant 0 : i32
      %dma_start3A_50 = tpu.memref_slice %arg9[%dma_start3A_48, %dma_start3A_49] : memref<1024x16xf32, #tpu.memory_space<vmem>> -> memref<800x16xf32, #tpu.memory_space<vmem>>
      %dma_start3A_51 = arith.constant 0 : i32
      %dma_start3A_52 = tpu.memref_slice %arg10[%add3A_43, %dma_start3A_51] : memref<102400x16xf32, #tpu.memory_space<vmem_shared>> -> memref<800x16xf32, #tpu.memory_space<vmem_shared>>
      tpu.enqueue_dma source(%dma_start3A_52 : memref<800x16xf32, #tpu.memory_space<vmem_shared>>) target(%dma_start3A_50 : memref<800x16xf32, #tpu.memory_space<vmem>>) target_semaphore(%run_scoped3A : memref<!tpu.dma_semaphore, #tpu.memory_space<semaphore_mem>>)
      %dma_wait3A = arith.constant 0 : i32
      %dma_wait3A_53 = arith.constant 0 : i32
      %dma_wait3A_54 = tpu.memref_slice %arg9[%dma_wait3A, %dma_wait3A_53] : memref<1024x16xf32, #tpu.memory_space<vmem>> -> memref<800x16xf32, #tpu.memory_space<vmem>>
      %dma_wait3A_55 = arith.constant 0 : i32
      %dma_wait3A_56 = tpu.memref_slice %arg10[%add3A_43, %dma_wait3A_55] : memref<102400x16xf32, #tpu.memory_space<vmem_shared>> -> memref<800x16xf32, #tpu.memory_space<vmem_shared>>
      %dma_wait3A_57 = arith.constant 0 : i32
      %dma_wait3A_58 = arith.constant 0 : i32
      %dma_wait3A_59 = tpu.memref_slice %arg9[%dma_wait3A_57, %dma_wait3A_58] : memref<1024x16xf32, #tpu.memory_space<vmem>> -> memref<800x16xf32, #tpu.memory_space<vmem>>
      %dma_wait3A_60 = arith.constant 0 : i32
      %dma_wait3A_61 = tpu.memref_slice %arg10[%add3A_43, %dma_wait3A_60] : memref<102400x16xf32, #tpu.memory_space<vmem_shared>> -> memref<800x16xf32, #tpu.memory_space<vmem_shared>>
      tpu.wait_dma2 semaphore(%run_scoped3A : memref<!tpu.dma_semaphore, #tpu.memory_space<semaphore_mem>>) src(%dma_wait3A_61 : memref<800x16xf32, #tpu.memory_space<vmem_shared>>) dst(%dma_wait3A_59 : memref<800x16xf32, #tpu.memory_space<vmem>>)
      tpu.yield
    }) : () -> ()
    "tpu.region"() ({
      %run_scoped3A = tpu.sem_alloc : memref<!tpu.dma_semaphore, #tpu.memory_space<semaphore_mem>>
      %dma_start3A = arith.constant 0 : i32
      %dma_start3A_44 = arith.constant 0 : i32
      %dma_start3A_45 = tpu.memref_slice %arg9[%dma_start3A, %dma_start3A_44] : memref<1024x16xf32, #tpu.memory_space<vmem>> -> memref<800x16xf32, #tpu.memory_space<vmem>>
      %dma_start3A_46 = arith.constant 0 : i32
      %dma_start3A_47 = tpu.memref_slice %arg6[%arg0, %add3A_43, %dma_start3A_46] : memref<2x102400x16xf32, #tpu.memory_space<hbm>> -> memref<1x800x16xf32, #tpu.memory_space<hbm>>
      %dma_start3A_48 = tpu.memref_squeeze %dma_start3A_47 : memref<1x800x16xf32, #tpu.memory_space<hbm>> -> memref<800x16xf32, #tpu.memory_space<hbm>>
      %dma_start3A_49 = arith.constant 0 : i32
      %dma_start3A_50 = tpu.memref_slice %arg6[%arg0, %add3A_43, %dma_start3A_49] : memref<2x102400x16xf32, #tpu.memory_space<hbm>> -> memref<1x800x16xf32, #tpu.memory_space<hbm>>
      %dma_start3A_51 = tpu.memref_squeeze %dma_start3A_50 : memref<1x800x16xf32, #tpu.memory_space<hbm>> -> memref<800x16xf32, #tpu.memory_space<hbm>>
      %dma_start3A_52 = arith.constant 0 : i32
      %dma_start3A_53 = arith.constant 0 : i32
      %dma_start3A_54 = tpu.memref_slice %arg9[%dma_start3A_52, %dma_start3A_53] : memref<1024x16xf32, #tpu.memory_space<vmem>> -> memref<800x16xf32, #tpu.memory_space<vmem>>
      tpu.enqueue_dma source(%dma_start3A_54 : memref<800x16xf32, #tpu.memory_space<vmem>>) target(%dma_start3A_51 : memref<800x16xf32, #tpu.memory_space<hbm>>) target_semaphore(%run_scoped3A : memref<!tpu.dma_semaphore, #tpu.memory_space<semaphore_mem>>)
      %dma_wait3A = arith.constant 0 : i32
      %dma_wait3A_55 = arith.constant 0 : i32
      %dma_wait3A_56 = tpu.memref_slice %arg9[%dma_wait3A, %dma_wait3A_55] : memref<1024x16xf32, #tpu.memory_space<vmem>> -> memref<800x16xf32, #tpu.memory_space<vmem>>
      %dma_wait3A_57 = arith.constant 0 : i32
      %dma_wait3A_58 = tpu.memref_slice %arg6[%arg0, %add3A_43, %dma_wait3A_57] : memref<2x102400x16xf32, #tpu.memory_space<hbm>> -> memref<1x800x16xf32, #tpu.memory_space<hbm>>
      %dma_wait3A_59 = tpu.memref_squeeze %dma_wait3A_58 : memref<1x800x16xf32, #tpu.memory_space<hbm>> -> memref<800x16xf32, #tpu.memory_space<hbm>>
      %dma_wait3A_60 = arith.constant 0 : i32
      %dma_wait3A_61 = tpu.memref_slice %arg6[%arg0, %add3A_43, %dma_wait3A_60] : memref<2x102400x16xf32, #tpu.memory_space<hbm>> -> memref<1x800x16xf32, #tpu.memory_space<hbm>>
      %dma_wait3A_62 = tpu.memref_squeeze %dma_wait3A_61 : memref<1x800x16xf32, #tpu.memory_space<hbm>> -> memref<800x16xf32, #tpu.memory_space<hbm>>
      %dma_wait3A_63 = arith.constant 0 : i32
      %dma_wait3A_64 = arith.constant 0 : i32
      %dma_wait3A_65 = tpu.memref_slice %arg9[%dma_wait3A_63, %dma_wait3A_64] : memref<1024x16xf32, #tpu.memory_space<vmem>> -> memref<800x16xf32, #tpu.memory_space<vmem>>
      tpu.wait_dma2 semaphore(%run_scoped3A : memref<!tpu.dma_semaphore, #tpu.memory_space<semaphore_mem>>) src(%dma_wait3A_65 : memref<800x16xf32, #tpu.memory_space<vmem>>) dst(%dma_wait3A_62 : memref<800x16xf32, #tpu.memory_space<hbm>>)
      tpu.yield
    }) : () -> ()
    return
  }
}

#map = affine_map<(d0, d1) -> (0)>
#map1 = affine_map<(d0, d1) -> (0, 0)>
module attributes {stable_mosaic.version = 14 : i64} {
  func.func @sc_degree(%arg0: i32, %arg1: i32, %arg2: memref<3276800xi32, #tpu.memory_space<hbm>>, %arg3: memref<102400xf32, #tpu.memory_space<hbm>>, %arg4: memref<32x102400xf32, #tpu.memory_space<hbm>>, %arg5: memref<102400xf32, #tpu.memory_space<vmem>>, %arg6: memref<2x3200xi32, #tpu.memory_space<vmem>>, %arg7: memref<!tpu.dma_semaphore, #tpu.memory_space<semaphore_mem>>) attributes {dimension_semantics = [#tpu.dimension_semantics<core_parallel>, #tpu.dimension_semantics<subcore_parallel>], iteration_bounds = array<i64: 2, 16>, scalar_prefetch = 0 : i64, scratch_operands = 3 : i64, tpu.core_type = #tpu.core_type<sc_vector_subcore>, window_params = [{transform_indices = #map}, {transform_indices = #map}, {transform_indices = #map1}]} {
    %mul3A = arith.constant 16 : i32
    %mul3A_0 = arith.muli %arg0, %mul3A : i32
    %add3A = arith.addi %mul3A_0, %arg1 : i32
    "tpu.region"() ({
      %run_scoped3A_12 = tpu.sem_alloc : memref<!tpu.dma_semaphore, #tpu.memory_space<semaphore_mem>>
      tpu.enqueue_dma source(%arg3 : memref<102400xf32, #tpu.memory_space<hbm>>) target(%arg5 : memref<102400xf32, #tpu.memory_space<vmem>>) target_semaphore(%run_scoped3A_12 : memref<!tpu.dma_semaphore, #tpu.memory_space<semaphore_mem>>)
      tpu.wait_dma2 semaphore(%run_scoped3A_12 : memref<!tpu.dma_semaphore, #tpu.memory_space<semaphore_mem>>) src(%arg3 : memref<102400xf32, #tpu.memory_space<hbm>>) dst(%arg5 : memref<102400xf32, #tpu.memory_space<vmem>>)
      tpu.yield
    }) : () -> ()
    %mul3A_1 = arith.constant 102400 : i32
    %mul3A_2 = arith.muli %add3A, %mul3A_1 : i32
    %broadcast_in_dim3A = arith.constant 1.000000e+00 : f32
    %broadcast_in_dim3A_3 = vector.broadcast %broadcast_in_dim3A : f32 to vector<16xf32>
    %add3A_4 = arith.constant 0 : i32
    %add3A_5 = arith.addi %mul3A_2, %add3A_4 : i32
    %run_scoped3A = arith.constant 0 : i32
    "tpu.region"() ({
      %run_scoped3A_12 = tpu.sem_alloc : memref<!tpu.dma_semaphore, #tpu.memory_space<semaphore_mem>>
      %dma_start3A = arith.constant 0 : i32
      %dma_start3A_13 = tpu.memref_slice %arg6[%run_scoped3A, %dma_start3A] : memref<2x3200xi32, #tpu.memory_space<vmem>> -> memref<1x3200xi32, #tpu.memory_space<vmem>>
      %dma_start3A_14 = tpu.memref_squeeze %dma_start3A_13 : memref<1x3200xi32, #tpu.memory_space<vmem>> -> memref<3200xi32, #tpu.memory_space<vmem>>
      %dma_start3A_15 = tpu.memref_slice %arg2[%add3A_5] : memref<3276800xi32, #tpu.memory_space<hbm>> -> memref<3200xi32, #tpu.memory_space<hbm>>
      %dma_start3A_16 = arith.constant 0 : i32
      %dma_start3A_17 = tpu.memref_slice %arg6[%run_scoped3A, %dma_start3A_16] : memref<2x3200xi32, #tpu.memory_space<vmem>> -> memref<1x3200xi32, #tpu.memory_space<vmem>>
      %dma_start3A_18 = tpu.memref_squeeze %dma_start3A_17 : memref<1x3200xi32, #tpu.memory_space<vmem>> -> memref<3200xi32, #tpu.memory_space<vmem>>
      %dma_start3A_19 = tpu.memref_slice %arg2[%add3A_5] : memref<3276800xi32, #tpu.memory_space<hbm>> -> memref<3200xi32, #tpu.memory_space<hbm>>
      tpu.enqueue_dma source(%dma_start3A_19 : memref<3200xi32, #tpu.memory_space<hbm>>) target(%dma_start3A_18 : memref<3200xi32, #tpu.memory_space<vmem>>) target_semaphore(%run_scoped3A_12 : memref<!tpu.dma_semaphore, #tpu.memory_space<semaphore_mem>>)
      %dma_wait3A = arith.constant 0 : i32
      %dma_wait3A_20 = tpu.memref_slice %arg6[%run_scoped3A, %dma_wait3A] : memref<2x3200xi32, #tpu.memory_space<vmem>> -> memref<1x3200xi32, #tpu.memory_space<vmem>>
      %dma_wait3A_21 = tpu.memref_squeeze %dma_wait3A_20 : memref<1x3200xi32, #tpu.memory_space<vmem>> -> memref<3200xi32, #tpu.memory_space<vmem>>
      %dma_wait3A_22 = tpu.memref_slice %arg2[%add3A_5] : memref<3276800xi32, #tpu.memory_space<hbm>> -> memref<3200xi32, #tpu.memory_space<hbm>>
      %dma_wait3A_23 = arith.constant 0 : i32
      %dma_wait3A_24 = tpu.memref_slice %arg6[%run_scoped3A, %dma_wait3A_23] : memref<2x3200xi32, #tpu.memory_space<vmem>> -> memref<1x3200xi32, #tpu.memory_space<vmem>>
      %dma_wait3A_25 = tpu.memref_squeeze %dma_wait3A_24 : memref<1x3200xi32, #tpu.memory_space<vmem>> -> memref<3200xi32, #tpu.memory_space<vmem>>
      %dma_wait3A_26 = tpu.memref_slice %arg2[%add3A_5] : memref<3276800xi32, #tpu.memory_space<hbm>> -> memref<3200xi32, #tpu.memory_space<hbm>>
      tpu.wait_dma2 semaphore(%run_scoped3A_12 : memref<!tpu.dma_semaphore, #tpu.memory_space<semaphore_mem>>) src(%dma_wait3A_26 : memref<3200xi32, #tpu.memory_space<hbm>>) dst(%dma_wait3A_25 : memref<3200xi32, #tpu.memory_space<vmem>>)
      tpu.yield
    }) : () -> ()
    %scan3A = arith.constant 0 : i32
    %scan3A_6 = arith.constant 0 : i32
    %scan3A_7 = arith.constant 16 : i32
    %scan3A_8 = arith.addi %scan3A_6, %scan3A_7 : i32
    %scan3A_9 = arith.constant 1 : i32
    %scan3A_10 = scf.for %scan3A_12 = %scan3A_6 to %scan3A_8 step %scan3A_9 iter_args(%scan3A_13 = %scan3A) -> (i32)  : i32 {
      %mul3A_14 = arith.constant 2 : i32
      %mul3A_15 = arith.muli %mul3A_14, %scan3A_12 : i32
      %add3A_16 = arith.constant 1 : i32
      %add3A_17 = arith.addi %mul3A_15, %add3A_16 : i32
      %mul3A_18 = arith.constant 3200 : i32
      %mul3A_19 = arith.muli %add3A_17, %mul3A_18 : i32
      %add3A_20 = arith.addi %mul3A_2, %mul3A_19 : i32
      %dma_start3A = arith.constant 1 : i32
      %dma_start3A_21 = arith.constant 0 : i32
      %dma_start3A_22 = tpu.memref_slice %arg6[%dma_start3A, %dma_start3A_21] : memref<2x3200xi32, #tpu.memory_space<vmem>> -> memref<1x3200xi32, #tpu.memory_space<vmem>>
      %dma_start3A_23 = tpu.memref_squeeze %dma_start3A_22 : memref<1x3200xi32, #tpu.memory_space<vmem>> -> memref<3200xi32, #tpu.memory_space<vmem>>
      %dma_start3A_24 = tpu.memref_slice %arg2[%add3A_20] : memref<3276800xi32, #tpu.memory_space<hbm>> -> memref<3200xi32, #tpu.memory_space<hbm>>
      %dma_start3A_25 = arith.constant 0 : i32
      %dma_start3A_26 = tpu.memref_slice %arg6[%dma_start3A, %dma_start3A_25] : memref<2x3200xi32, #tpu.memory_space<vmem>> -> memref<1x3200xi32, #tpu.memory_space<vmem>>
      %dma_start3A_27 = tpu.memref_squeeze %dma_start3A_26 : memref<1x3200xi32, #tpu.memory_space<vmem>> -> memref<3200xi32, #tpu.memory_space<vmem>>
      %dma_start3A_28 = tpu.memref_slice %arg2[%add3A_20] : memref<3276800xi32, #tpu.memory_space<hbm>> -> memref<3200xi32, #tpu.memory_space<hbm>>
      tpu.enqueue_dma source(%dma_start3A_28 : memref<3200xi32, #tpu.memory_space<hbm>>) target(%dma_start3A_27 : memref<3200xi32, #tpu.memory_space<vmem>>) target_semaphore(%arg7 : memref<!tpu.dma_semaphore, #tpu.memory_space<semaphore_mem>>)
      %scan3A_29 = arith.constant 0 : i32
      %scan3A_30 = arith.constant 0 : i32
      %scan3A_31 = arith.constant 0 : i32
      %scan3A_32 = arith.constant 50 : i32
      %scan3A_33 = arith.addi %scan3A_31, %scan3A_32 : i32
      %scan3A_34 = arith.constant 1 : i32
      %scan3A_35 = scf.for %scan3A_80 = %scan3A_31 to %scan3A_33 step %scan3A_34 iter_args(%scan3A_81 = %scan3A_30) -> (i32)  : i32 {
        %mul3A_82 = arith.constant 4 : i32
        %mul3A_83 = arith.muli %scan3A_80, %mul3A_82 : i32
        %add3A_84 = arith.constant 0 : i32
        %add3A_85 = arith.addi %mul3A_83, %add3A_84 : i32
        %mul3A_86 = arith.constant 16 : i32
        %mul3A_87 = arith.muli %add3A_85, %mul3A_86 : i32
        %get3A = arith.constant 0 : i32
        %get3A_88 = tpu.memref_slice %arg6[%scan3A_29, %get3A] : memref<2x3200xi32, #tpu.memory_space<vmem>> -> memref<1x3200xi32, #tpu.memory_space<vmem>>
        %get3A_89 = tpu.memref_squeeze %get3A_88 : memref<1x3200xi32, #tpu.memory_space<vmem>> -> memref<3200xi32, #tpu.memory_space<vmem>>
        %get3A_90 = arith.index_cast %mul3A_87 : i32 to index
        %get3A_91 = tpu.vector_load %get3A_89[%get3A_90] {strides = array<i32>} : memref<3200xi32, #tpu.memory_space<vmem>>, vector<16xi32>,
        tpu.vector_store_idx %arg5[%get3A_91], %broadcast_in_dim3A_3 {add = true} : memref<102400xf32, #tpu.memory_space<vmem>>[vector<16xi32>], vector<16xf32>,
        %mul3A_92 = arith.constant 4 : i32
        %mul3A_93 = arith.muli %scan3A_80, %mul3A_92 : i32
        %add3A_94 = arith.constant 1 : i32
        %add3A_95 = arith.addi %mul3A_93, %add3A_94 : i32
        %mul3A_96 = arith.constant 16 : i32
        %mul3A_97 = arith.muli %add3A_95, %mul3A_96 : i32
        %get3A_98 = arith.constant 0 : i32
        %get3A_99 = tpu.memref_slice %arg6[%scan3A_29, %get3A_98] : memref<2x3200xi32, #tpu.memory_space<vmem>> -> memref<1x3200xi32, #tpu.memory_space<vmem>>
        %get3A_100 = tpu.memref_squeeze %get3A_99 : memref<1x3200xi32, #tpu.memory_space<vmem>> -> memref<3200xi32, #tpu.memory_space<vmem>>
        %get3A_101 = arith.index_cast %mul3A_97 : i32 to index
        %get3A_102 = tpu.vector_load %get3A_100[%get3A_101] {strides = array<i32>} : memref<3200xi32, #tpu.memory_space<vmem>>, vector<16xi32>,
        tpu.vector_store_idx %arg5[%get3A_102], %broadcast_in_dim3A_3 {add = true} : memref<102400xf32, #tpu.memory_space<vmem>>[vector<16xi32>], vector<16xf32>,
        %mul3A_103 = arith.constant 4 : i32
        %mul3A_104 = arith.muli %scan3A_80, %mul3A_103 : i32
        %add3A_105 = arith.constant 2 : i32
        %add3A_106 = arith.addi %mul3A_104, %add3A_105 : i32
        %mul3A_107 = arith.constant 16 : i32
        %mul3A_108 = arith.muli %add3A_106, %mul3A_107 : i32
        %get3A_109 = arith.constant 0 : i32
        %get3A_110 = tpu.memref_slice %arg6[%scan3A_29, %get3A_109] : memref<2x3200xi32, #tpu.memory_space<vmem>> -> memref<1x3200xi32, #tpu.memory_space<vmem>>
        %get3A_111 = tpu.memref_squeeze %get3A_110 : memref<1x3200xi32, #tpu.memory_space<vmem>> -> memref<3200xi32, #tpu.memory_space<vmem>>
        %get3A_112 = arith.index_cast %mul3A_108 : i32 to index
        %get3A_113 = tpu.vector_load %get3A_111[%get3A_112] {strides = array<i32>} : memref<3200xi32, #tpu.memory_space<vmem>>, vector<16xi32>,
        tpu.vector_store_idx %arg5[%get3A_113], %broadcast_in_dim3A_3 {add = true} : memref<102400xf32, #tpu.memory_space<vmem>>[vector<16xi32>], vector<16xf32>,
        %mul3A_114 = arith.constant 4 : i32
        %mul3A_115 = arith.muli %scan3A_80, %mul3A_114 : i32
        %add3A_116 = arith.constant 3 : i32
        %add3A_117 = arith.addi %mul3A_115, %add3A_116 : i32
        %mul3A_118 = arith.constant 16 : i32
        %mul3A_119 = arith.muli %add3A_117, %mul3A_118 : i32
        %get3A_120 = arith.constant 0 : i32
        %get3A_121 = tpu.memref_slice %arg6[%scan3A_29, %get3A_120] : memref<2x3200xi32, #tpu.memory_space<vmem>> -> memref<1x3200xi32, #tpu.memory_space<vmem>>
        %get3A_122 = tpu.memref_squeeze %get3A_121 : memref<1x3200xi32, #tpu.memory_space<vmem>> -> memref<3200xi32, #tpu.memory_space<vmem>>
        %get3A_123 = arith.index_cast %mul3A_119 : i32 to index
        %get3A_124 = tpu.vector_load %get3A_122[%get3A_123] {strides = array<i32>} : memref<3200xi32, #tpu.memory_space<vmem>>, vector<16xi32>,
        tpu.vector_store_idx %arg5[%get3A_124], %broadcast_in_dim3A_3 {add = true} : memref<102400xf32, #tpu.memory_space<vmem>>[vector<16xi32>], vector<16xf32>,
        %scan3A_125 = arith.constant 0 : i32
        scf.yield %scan3A_125 : i32
      }
      %scan3A_36 = arith.constant 50 : i32
      %dma_wait3A = arith.constant 1 : i32
      %dma_wait3A_37 = arith.constant 0 : i32
      %dma_wait3A_38 = tpu.memref_slice %arg6[%dma_wait3A, %dma_wait3A_37] : memref<2x3200xi32, #tpu.memory_space<vmem>> -> memref<1x3200xi32, #tpu.memory_space<vmem>>
      %dma_wait3A_39 = tpu.memref_squeeze %dma_wait3A_38 : memref<1x3200xi32, #tpu.memory_space<vmem>> -> memref<3200xi32, #tpu.memory_space<vmem>>
      %dma_wait3A_40 = tpu.memref_slice %arg2[%add3A_20] : memref<3276800xi32, #tpu.memory_space<hbm>> -> memref<3200xi32, #tpu.memory_space<hbm>>
      %dma_wait3A_41 = arith.constant 0 : i32
      %dma_wait3A_42 = tpu.memref_slice %arg6[%dma_wait3A, %dma_wait3A_41] : memref<2x3200xi32, #tpu.memory_space<vmem>> -> memref<1x3200xi32, #tpu.memory_space<vmem>>
      %dma_wait3A_43 = tpu.memref_squeeze %dma_wait3A_42 : memref<1x3200xi32, #tpu.memory_space<vmem>> -> memref<3200xi32, #tpu.memory_space<vmem>>
      %dma_wait3A_44 = tpu.memref_slice %arg2[%add3A_20] : memref<3276800xi32, #tpu.memory_space<hbm>> -> memref<3200xi32, #tpu.memory_space<hbm>>
      tpu.wait_dma2 semaphore(%arg7 : memref<!tpu.dma_semaphore, #tpu.memory_space<semaphore_mem>>) src(%dma_wait3A_44 : memref<3200xi32, #tpu.memory_space<hbm>>) dst(%dma_wait3A_43 : memref<3200xi32, #tpu.memory_space<vmem>>)
      %mul3A_45 = arith.constant 2 : i32
      %mul3A_46 = arith.muli %mul3A_45, %scan3A_12 : i32
      %add3A_47 = arith.constant 2 : i32
      %add3A_48 = arith.addi %mul3A_46, %add3A_47 : i32
      %min3A = arith.constant 31 : i32
      %min3A_49 = arith.minsi %add3A_48, %min3A : i32
      %mul3A_50 = arith.constant 3200 : i32
      %mul3A_51 = arith.muli %min3A_49, %mul3A_50 : i32
      %add3A_52 = arith.addi %mul3A_2, %mul3A_51 : i32
      %dma_start3A_53 = arith.constant 0 : i32
      %dma_start3A_54 = arith.constant 0 : i32
      %dma_start3A_55 = tpu.memref_slice %arg6[%dma_start3A_53, %dma_start3A_54] : memref<2x3200xi32, #tpu.memory_space<vmem>> -> memref<1x3200xi32, #tpu.memory_space<vmem>>
      %dma_start3A_56 = tpu.memref_squeeze %dma_start3A_55 : memref<1x3200xi32, #tpu.memory_space<vmem>> -> memref<3200xi32, #tpu.memory_space<vmem>>
      %dma_start3A_57 = tpu.memref_slice %arg2[%add3A_52] : memref<3276800xi32, #tpu.memory_space<hbm>> -> memref<3200xi32, #tpu.memory_space<hbm>>
      %dma_start3A_58 = arith.constant 0 : i32
      %dma_start3A_59 = tpu.memref_slice %arg6[%dma_start3A_53, %dma_start3A_58] : memref<2x3200xi32, #tpu.memory_space<vmem>> -> memref<1x3200xi32, #tpu.memory_space<vmem>>
      %dma_start3A_60 = tpu.memref_squeeze %dma_start3A_59 : memref<1x3200xi32, #tpu.memory_space<vmem>> -> memref<3200xi32, #tpu.memory_space<vmem>>
      %dma_start3A_61 = tpu.memref_slice %arg2[%add3A_52] : memref<3276800xi32, #tpu.memory_space<hbm>> -> memref<3200xi32, #tpu.memory_space<hbm>>
      tpu.enqueue_dma source(%dma_start3A_61 : memref<3200xi32, #tpu.memory_space<hbm>>) target(%dma_start3A_60 : memref<3200xi32, #tpu.memory_space<vmem>>) target_semaphore(%arg7 : memref<!tpu.dma_semaphore, #tpu.memory_space<semaphore_mem>>)
      %scan3A_62 = arith.constant 1 : i32
      %scan3A_63 = arith.constant 0 : i32
      %scan3A_64 = arith.constant 0 : i32
      %scan3A_65 = arith.constant 50 : i32
      %scan3A_66 = arith.addi %scan3A_64, %scan3A_65 : i32
      %scan3A_67 = arith.constant 1 : i32
      %scan3A_68 = scf.for %scan3A_80 = %scan3A_64 to %scan3A_66 step %scan3A_67 iter_args(%scan3A_81 = %scan3A_63) -> (i32)  : i32 {
        %mul3A_82 = arith.constant 4 : i32
        %mul3A_83 = arith.muli %scan3A_80, %mul3A_82 : i32
        %add3A_84 = arith.constant 0 : i32
        %add3A_85 = arith.addi %mul3A_83, %add3A_84 : i32
        %mul3A_86 = arith.constant 16 : i32
        %mul3A_87 = arith.muli %add3A_85, %mul3A_86 : i32
        %get3A = arith.constant 0 : i32
        %get3A_88 = tpu.memref_slice %arg6[%scan3A_62, %get3A] : memref<2x3200xi32, #tpu.memory_space<vmem>> -> memref<1x3200xi32, #tpu.memory_space<vmem>>
        %get3A_89 = tpu.memref_squeeze %get3A_88 : memref<1x3200xi32, #tpu.memory_space<vmem>> -> memref<3200xi32, #tpu.memory_space<vmem>>
        %get3A_90 = arith.index_cast %mul3A_87 : i32 to index
        %get3A_91 = tpu.vector_load %get3A_89[%get3A_90] {strides = array<i32>} : memref<3200xi32, #tpu.memory_space<vmem>>, vector<16xi32>,
        tpu.vector_store_idx %arg5[%get3A_91], %broadcast_in_dim3A_3 {add = true} : memref<102400xf32, #tpu.memory_space<vmem>>[vector<16xi32>], vector<16xf32>,
        %mul3A_92 = arith.constant 4 : i32
        %mul3A_93 = arith.muli %scan3A_80, %mul3A_92 : i32
        %add3A_94 = arith.constant 1 : i32
        %add3A_95 = arith.addi %mul3A_93, %add3A_94 : i32
        %mul3A_96 = arith.constant 16 : i32
        %mul3A_97 = arith.muli %add3A_95, %mul3A_96 : i32
        %get3A_98 = arith.constant 0 : i32
        %get3A_99 = tpu.memref_slice %arg6[%scan3A_62, %get3A_98] : memref<2x3200xi32, #tpu.memory_space<vmem>> -> memref<1x3200xi32, #tpu.memory_space<vmem>>
        %get3A_100 = tpu.memref_squeeze %get3A_99 : memref<1x3200xi32, #tpu.memory_space<vmem>> -> memref<3200xi32, #tpu.memory_space<vmem>>
        %get3A_101 = arith.index_cast %mul3A_97 : i32 to index
        %get3A_102 = tpu.vector_load %get3A_100[%get3A_101] {strides = array<i32>} : memref<3200xi32, #tpu.memory_space<vmem>>, vector<16xi32>,
        tpu.vector_store_idx %arg5[%get3A_102], %broadcast_in_dim3A_3 {add = true} : memref<102400xf32, #tpu.memory_space<vmem>>[vector<16xi32>], vector<16xf32>,
        %mul3A_103 = arith.constant 4 : i32
        %mul3A_104 = arith.muli %scan3A_80, %mul3A_103 : i32
        %add3A_105 = arith.constant 2 : i32
        %add3A_106 = arith.addi %mul3A_104, %add3A_105 : i32
        %mul3A_107 = arith.constant 16 : i32
        %mul3A_108 = arith.muli %add3A_106, %mul3A_107 : i32
        %get3A_109 = arith.constant 0 : i32
        %get3A_110 = tpu.memref_slice %arg6[%scan3A_62, %get3A_109] : memref<2x3200xi32, #tpu.memory_space<vmem>> -> memref<1x3200xi32, #tpu.memory_space<vmem>>
        %get3A_111 = tpu.memref_squeeze %get3A_110 : memref<1x3200xi32, #tpu.memory_space<vmem>> -> memref<3200xi32, #tpu.memory_space<vmem>>
        %get3A_112 = arith.index_cast %mul3A_108 : i32 to index
        %get3A_113 = tpu.vector_load %get3A_111[%get3A_112] {strides = array<i32>} : memref<3200xi32, #tpu.memory_space<vmem>>, vector<16xi32>,
        tpu.vector_store_idx %arg5[%get3A_113], %broadcast_in_dim3A_3 {add = true} : memref<102400xf32, #tpu.memory_space<vmem>>[vector<16xi32>], vector<16xf32>,
        %mul3A_114 = arith.constant 4 : i32
        %mul3A_115 = arith.muli %scan3A_80, %mul3A_114 : i32
        %add3A_116 = arith.constant 3 : i32
        %add3A_117 = arith.addi %mul3A_115, %add3A_116 : i32
        %mul3A_118 = arith.constant 16 : i32
        %mul3A_119 = arith.muli %add3A_117, %mul3A_118 : i32
        %get3A_120 = arith.constant 0 : i32
        %get3A_121 = tpu.memref_slice %arg6[%scan3A_62, %get3A_120] : memref<2x3200xi32, #tpu.memory_space<vmem>> -> memref<1x3200xi32, #tpu.memory_space<vmem>>
        %get3A_122 = tpu.memref_squeeze %get3A_121 : memref<1x3200xi32, #tpu.memory_space<vmem>> -> memref<3200xi32, #tpu.memory_space<vmem>>
        %get3A_123 = arith.index_cast %mul3A_119 : i32 to index
        %get3A_124 = tpu.vector_load %get3A_122[%get3A_123] {strides = array<i32>} : memref<3200xi32, #tpu.memory_space<vmem>>, vector<16xi32>,
        tpu.vector_store_idx %arg5[%get3A_124], %broadcast_in_dim3A_3 {add = true} : memref<102400xf32, #tpu.memory_space<vmem>>[vector<16xi32>], vector<16xf32>,
        %scan3A_125 = arith.constant 0 : i32
        scf.yield %scan3A_125 : i32
      }
      %scan3A_69 = arith.constant 50 : i32
      %dma_wait3A_70 = arith.constant 0 : i32
      %dma_wait3A_71 = arith.constant 0 : i32
      %dma_wait3A_72 = tpu.memref_slice %arg6[%dma_wait3A_70, %dma_wait3A_71] : memref<2x3200xi32, #tpu.memory_space<vmem>> -> memref<1x3200xi32, #tpu.memory_space<vmem>>
      %dma_wait3A_73 = tpu.memref_squeeze %dma_wait3A_72 : memref<1x3200xi32, #tpu.memory_space<vmem>> -> memref<3200xi32, #tpu.memory_space<vmem>>
      %dma_wait3A_74 = tpu.memref_slice %arg2[%add3A_52] : memref<3276800xi32, #tpu.memory_space<hbm>> -> memref<3200xi32, #tpu.memory_space<hbm>>
      %dma_wait3A_75 = arith.constant 0 : i32
      %dma_wait3A_76 = tpu.memref_slice %arg6[%dma_wait3A_70, %dma_wait3A_75] : memref<2x3200xi32, #tpu.memory_space<vmem>> -> memref<1x3200xi32, #tpu.memory_space<vmem>>
      %dma_wait3A_77 = tpu.memref_squeeze %dma_wait3A_76 : memref<1x3200xi32, #tpu.memory_space<vmem>> -> memref<3200xi32, #tpu.memory_space<vmem>>
      %dma_wait3A_78 = tpu.memref_slice %arg2[%add3A_52] : memref<3276800xi32, #tpu.memory_space<hbm>> -> memref<3200xi32, #tpu.memory_space<hbm>>
      tpu.wait_dma2 semaphore(%arg7 : memref<!tpu.dma_semaphore, #tpu.memory_space<semaphore_mem>>) src(%dma_wait3A_78 : memref<3200xi32, #tpu.memory_space<hbm>>) dst(%dma_wait3A_77 : memref<3200xi32, #tpu.memory_space<vmem>>)
      %scan3A_79 = arith.constant 0 : i32
      scf.yield %scan3A_79 : i32
    }
    %scan3A_11 = arith.constant 16 : i32
    "tpu.region"() ({
      %run_scoped3A_12 = tpu.sem_alloc : memref<!tpu.dma_semaphore, #tpu.memory_space<semaphore_mem>>
      %dma_start3A = arith.constant 0 : i32
      %dma_start3A_13 = tpu.memref_slice %arg4[%add3A, %dma_start3A] : memref<32x102400xf32, #tpu.memory_space<hbm>> -> memref<1x102400xf32, #tpu.memory_space<hbm>>
      %dma_start3A_14 = tpu.memref_squeeze %dma_start3A_13 : memref<1x102400xf32, #tpu.memory_space<hbm>> -> memref<102400xf32, #tpu.memory_space<hbm>>
      %dma_start3A_15 = arith.constant 0 : i32
      %dma_start3A_16 = tpu.memref_slice %arg4[%add3A, %dma_start3A_15] : memref<32x102400xf32, #tpu.memory_space<hbm>> -> memref<1x102400xf32, #tpu.memory_space<hbm>>
      %dma_start3A_17 = tpu.memref_squeeze %dma_start3A_16 : memref<1x102400xf32, #tpu.memory_space<hbm>> -> memref<102400xf32, #tpu.memory_space<hbm>>
      tpu.enqueue_dma source(%arg5 : memref<102400xf32, #tpu.memory_space<vmem>>) target(%dma_start3A_17 : memref<102400xf32, #tpu.memory_space<hbm>>) target_semaphore(%run_scoped3A_12 : memref<!tpu.dma_semaphore, #tpu.memory_space<semaphore_mem>>)
      %dma_wait3A = arith.constant 0 : i32
      %dma_wait3A_18 = tpu.memref_slice %arg4[%add3A, %dma_wait3A] : memref<32x102400xf32, #tpu.memory_space<hbm>> -> memref<1x102400xf32, #tpu.memory_space<hbm>>
      %dma_wait3A_19 = tpu.memref_squeeze %dma_wait3A_18 : memref<1x102400xf32, #tpu.memory_space<hbm>> -> memref<102400xf32, #tpu.memory_space<hbm>>
      %dma_wait3A_20 = arith.constant 0 : i32
      %dma_wait3A_21 = tpu.memref_slice %arg4[%add3A, %dma_wait3A_20] : memref<32x102400xf32, #tpu.memory_space<hbm>> -> memref<1x102400xf32, #tpu.memory_space<hbm>>
      %dma_wait3A_22 = tpu.memref_squeeze %dma_wait3A_21 : memref<1x102400xf32, #tpu.memory_space<hbm>> -> memref<102400xf32, #tpu.memory_space<hbm>>
      tpu.wait_dma2 semaphore(%run_scoped3A_12 : memref<!tpu.dma_semaphore, #tpu.memory_space<semaphore_mem>>) src(%arg5 : memref<102400xf32, #tpu.memory_space<vmem>>) dst(%dma_wait3A_22 : memref<102400xf32, #tpu.memory_space<hbm>>)
      tpu.yield
    }) : () -> ()
    return
  }
}

#map = affine_map<(d0, d1) -> (0, 0)>
#map1 = affine_map<(d0, d1) -> (0, 0, 0)>
module attributes {stable_mosaic.version = 14 : i64} {
  func.func @sc_gcn_agg(%arg0: i32, %arg1: i32, %arg2: memref<102400x16xf32, #tpu.memory_space<hbm>>, %arg3: memref<25600x128xi32, #tpu.memory_space<hbm>>, %arg4: memref<25600x128xi32, #tpu.memory_space<hbm>>, %arg5: memref<800x16xf32, #tpu.memory_space<hbm>>, %arg6: memref<2x102400x16xf32, #tpu.memory_space<hbm>>, %arg7: memref<8x128xi32, #tpu.memory_space<vmem>>, %arg8: memref<8x128xi32, #tpu.memory_space<vmem>>, %arg9: memref<1024x16xf32, #tpu.memory_space<vmem>>, %arg10: memref<102400x16xf32, #tpu.memory_space<vmem_shared>>, %arg11: memref<!tpu.dma_semaphore, #tpu.memory_space<semaphore_mem>>, %arg12: memref<!tpu.dma_semaphore, #tpu.memory_space<semaphore_mem>>) attributes {dimension_semantics = [#tpu.dimension_semantics<core_parallel>, #tpu.dimension_semantics<subcore_parallel>], iteration_bounds = array<i64: 2, 16>, scalar_prefetch = 0 : i64, scratch_operands = 6 : i64, tpu.core_type = #tpu.core_type<sc_vector_subcore>, window_params = [{transform_indices = #map}, {transform_indices = #map}, {transform_indices = #map}, {transform_indices = #map}, {transform_indices = #map1}]} {
    %mul3A = arith.constant 16 : i32
    %mul3A_0 = arith.muli %arg0, %mul3A : i32
    %add3A = arith.addi %mul3A_0, %arg1 : i32
    %mul3A_1 = arith.constant 6400 : i32
    %mul3A_2 = arith.muli %arg1, %mul3A_1 : i32
    "tpu.region"() ({
      %run_scoped3A = tpu.sem_alloc : memref<!tpu.dma_semaphore, #tpu.memory_space<semaphore_mem>>
      %dma_start3A = arith.constant 0 : i32
      %dma_start3A_44 = arith.constant 0 : i32
      %dma_start3A_45 = tpu.memref_slice %arg9[%dma_start3A, %dma_start3A_44] : memref<1024x16xf32, #tpu.memory_space<vmem>> -> memref<800x16xf32, #tpu.memory_space<vmem>>
      %dma_start3A_46 = arith.constant 0 : i32
      %dma_start3A_47 = arith.constant 0 : i32
      %dma_start3A_48 = tpu.memref_slice %arg9[%dma_start3A_46, %dma_start3A_47] : memref<1024x16xf32, #tpu.memory_space<vmem>> -> memref<800x16xf32, #tpu.memory_space<vmem>>
      tpu.enqueue_dma source(%arg5 : memref<800x16xf32, #tpu.memory_space<hbm>>) target(%dma_start3A_48 : memref<800x16xf32, #tpu.memory_space<vmem>>) target_semaphore(%run_scoped3A : memref<!tpu.dma_semaphore, #tpu.memory_space<semaphore_mem>>)
      %dma_wait3A = arith.constant 0 : i32
      %dma_wait3A_49 = arith.constant 0 : i32
      %dma_wait3A_50 = tpu.memref_slice %arg9[%dma_wait3A, %dma_wait3A_49] : memref<1024x16xf32, #tpu.memory_space<vmem>> -> memref<800x16xf32, #tpu.memory_space<vmem>>
      %dma_wait3A_51 = arith.constant 0 : i32
      %dma_wait3A_52 = arith.constant 0 : i32
      %dma_wait3A_53 = tpu.memref_slice %arg9[%dma_wait3A_51, %dma_wait3A_52] : memref<1024x16xf32, #tpu.memory_space<vmem>> -> memref<800x16xf32, #tpu.memory_space<vmem>>
      tpu.wait_dma2 semaphore(%run_scoped3A : memref<!tpu.dma_semaphore, #tpu.memory_space<semaphore_mem>>) src(%arg5 : memref<800x16xf32, #tpu.memory_space<hbm>>) dst(%dma_wait3A_53 : memref<800x16xf32, #tpu.memory_space<vmem>>)
      tpu.yield
    }) : () -> ()
    %add3A_3 = arith.constant 0 : i32
    %add3A_4 = arith.addi %mul3A_2, %add3A_3 : i32
    "tpu.region"() ({
      %run_scoped3A = tpu.sem_alloc : memref<!tpu.dma_semaphore, #tpu.memory_space<semaphore_mem>>
      %dma_start3A = arith.constant 0 : i32
      %dma_start3A_44 = arith.constant 0 : i32
      %dma_start3A_45 = tpu.memref_slice %arg9[%dma_start3A, %dma_start3A_44] : memref<1024x16xf32, #tpu.memory_space<vmem>> -> memref<800x16xf32, #tpu.memory_space<vmem>>
      %dma_start3A_46 = arith.constant 0 : i32
      %dma_start3A_47 = tpu.memref_slice %arg10[%add3A_4, %dma_start3A_46] : memref<102400x16xf32, #tpu.memory_space<vmem_shared>> -> memref<800x16xf32, #tpu.memory_space<vmem_shared>>
      %dma_start3A_48 = arith.constant 0 : i32
      %dma_start3A_49 = tpu.memref_slice %arg10[%add3A_4, %dma_start3A_48] : memref<102400x16xf32, #tpu.memory_space<vmem_shared>> -> memref<800x16xf32, #tpu.memory_space<vmem_shared>>
      %dma_start3A_50 = arith.constant 0 : i32
      %dma_start3A_51 = arith.constant 0 : i32
      %dma_start3A_52 = tpu.memref_slice %arg9[%dma_start3A_50, %dma_start3A_51] : memref<1024x16xf32, #tpu.memory_space<vmem>> -> memref<800x16xf32, #tpu.memory_space<vmem>>
      tpu.enqueue_dma source(%dma_start3A_52 : memref<800x16xf32, #tpu.memory_space<vmem>>) target(%dma_start3A_49 : memref<800x16xf32, #tpu.memory_space<vmem_shared>>) target_semaphore(%run_scoped3A : memref<!tpu.dma_semaphore, #tpu.memory_space<semaphore_mem>>)
      %dma_wait3A = arith.constant 0 : i32
      %dma_wait3A_53 = arith.constant 0 : i32
      %dma_wait3A_54 = tpu.memref_slice %arg9[%dma_wait3A, %dma_wait3A_53] : memref<1024x16xf32, #tpu.memory_space<vmem>> -> memref<800x16xf32, #tpu.memory_space<vmem>>
      %dma_wait3A_55 = arith.constant 0 : i32
      %dma_wait3A_56 = tpu.memref_slice %arg10[%add3A_4, %dma_wait3A_55] : memref<102400x16xf32, #tpu.memory_space<vmem_shared>> -> memref<800x16xf32, #tpu.memory_space<vmem_shared>>
      %dma_wait3A_57 = arith.constant 0 : i32
      %dma_wait3A_58 = tpu.memref_slice %arg10[%add3A_4, %dma_wait3A_57] : memref<102400x16xf32, #tpu.memory_space<vmem_shared>> -> memref<800x16xf32, #tpu.memory_space<vmem_shared>>
      %dma_wait3A_59 = arith.constant 0 : i32
      %dma_wait3A_60 = arith.constant 0 : i32
      %dma_wait3A_61 = tpu.memref_slice %arg9[%dma_wait3A_59, %dma_wait3A_60] : memref<1024x16xf32, #tpu.memory_space<vmem>> -> memref<800x16xf32, #tpu.memory_space<vmem>>
      tpu.wait_dma2 semaphore(%run_scoped3A : memref<!tpu.dma_semaphore, #tpu.memory_space<semaphore_mem>>) src(%dma_wait3A_61 : memref<800x16xf32, #tpu.memory_space<vmem>>) dst(%dma_wait3A_58 : memref<800x16xf32, #tpu.memory_space<vmem_shared>>)
      tpu.yield
    }) : () -> ()
    %add3A_5 = arith.constant 800 : i32
    %add3A_6 = arith.addi %mul3A_2, %add3A_5 : i32
    "tpu.region"() ({
      %run_scoped3A = tpu.sem_alloc : memref<!tpu.dma_semaphore, #tpu.memory_space<semaphore_mem>>
      %dma_start3A = arith.constant 0 : i32
      %dma_start3A_44 = arith.constant 0 : i32
      %dma_start3A_45 = tpu.memref_slice %arg9[%dma_start3A, %dma_start3A_44] : memref<1024x16xf32, #tpu.memory_space<vmem>> -> memref<800x16xf32, #tpu.memory_space<vmem>>
      %dma_start3A_46 = arith.constant 0 : i32
      %dma_start3A_47 = tpu.memref_slice %arg10[%add3A_6, %dma_start3A_46] : memref<102400x16xf32, #tpu.memory_space<vmem_shared>> -> memref<800x16xf32, #tpu.memory_space<vmem_shared>>
      %dma_start3A_48 = arith.constant 0 : i32
      %dma_start3A_49 = tpu.memref_slice %arg10[%add3A_6, %dma_start3A_48] : memref<102400x16xf32, #tpu.memory_space<vmem_shared>> -> memref<800x16xf32, #tpu.memory_space<vmem_shared>>
      %dma_start3A_50 = arith.constant 0 : i32
      %dma_start3A_51 = arith.constant 0 : i32
      %dma_start3A_52 = tpu.memref_slice %arg9[%dma_start3A_50, %dma_start3A_51] : memref<1024x16xf32, #tpu.memory_space<vmem>> -> memref<800x16xf32, #tpu.memory_space<vmem>>
      tpu.enqueue_dma source(%dma_start3A_52 : memref<800x16xf32, #tpu.memory_space<vmem>>) target(%dma_start3A_49 : memref<800x16xf32, #tpu.memory_space<vmem_shared>>) target_semaphore(%run_scoped3A : memref<!tpu.dma_semaphore, #tpu.memory_space<semaphore_mem>>)
      %dma_wait3A = arith.constant 0 : i32
      %dma_wait3A_53 = arith.constant 0 : i32
      %dma_wait3A_54 = tpu.memref_slice %arg9[%dma_wait3A, %dma_wait3A_53] : memref<1024x16xf32, #tpu.memory_space<vmem>> -> memref<800x16xf32, #tpu.memory_space<vmem>>
      %dma_wait3A_55 = arith.constant 0 : i32
      %dma_wait3A_56 = tpu.memref_slice %arg10[%add3A_6, %dma_wait3A_55] : memref<102400x16xf32, #tpu.memory_space<vmem_shared>> -> memref<800x16xf32, #tpu.memory_space<vmem_shared>>
      %dma_wait3A_57 = arith.constant 0 : i32
      %dma_wait3A_58 = tpu.memref_slice %arg10[%add3A_6, %dma_wait3A_57] : memref<102400x16xf32, #tpu.memory_space<vmem_shared>> -> memref<800x16xf32, #tpu.memory_space<vmem_shared>>
      %dma_wait3A_59 = arith.constant 0 : i32
      %dma_wait3A_60 = arith.constant 0 : i32
      %dma_wait3A_61 = tpu.memref_slice %arg9[%dma_wait3A_59, %dma_wait3A_60] : memref<1024x16xf32, #tpu.memory_space<vmem>> -> memref<800x16xf32, #tpu.memory_space<vmem>>
      tpu.wait_dma2 semaphore(%run_scoped3A : memref<!tpu.dma_semaphore, #tpu.memory_space<semaphore_mem>>) src(%dma_wait3A_61 : memref<800x16xf32, #tpu.memory_space<vmem>>) dst(%dma_wait3A_58 : memref<800x16xf32, #tpu.memory_space<vmem_shared>>)
      tpu.yield
    }) : () -> ()
    %add3A_7 = arith.constant 1600 : i32
    %add3A_8 = arith.addi %mul3A_2, %add3A_7 : i32
    "tpu.region"() ({
      %run_scoped3A = tpu.sem_alloc : memref<!tpu.dma_semaphore, #tpu.memory_space<semaphore_mem>>
      %dma_start3A = arith.constant 0 : i32
      %dma_start3A_44 = arith.constant 0 : i32
      %dma_start3A_45 = tpu.memref_slice %arg9[%dma_start3A, %dma_start3A_44] : memref<1024x16xf32, #tpu.memory_space<vmem>> -> memref<800x16xf32, #tpu.memory_space<vmem>>
      %dma_start3A_46 = arith.constant 0 : i32
      %dma_start3A_47 = tpu.memref_slice %arg10[%add3A_8, %dma_start3A_46] : memref<102400x16xf32, #tpu.memory_space<vmem_shared>> -> memref<800x16xf32, #tpu.memory_space<vmem_shared>>
      %dma_start3A_48 = arith.constant 0 : i32
      %dma_start3A_49 = tpu.memref_slice %arg10[%add3A_8, %dma_start3A_48] : memref<102400x16xf32, #tpu.memory_space<vmem_shared>> -> memref<800x16xf32, #tpu.memory_space<vmem_shared>>
      %dma_start3A_50 = arith.constant 0 : i32
      %dma_start3A_51 = arith.constant 0 : i32
      %dma_start3A_52 = tpu.memref_slice %arg9[%dma_start3A_50, %dma_start3A_51] : memref<1024x16xf32, #tpu.memory_space<vmem>> -> memref<800x16xf32, #tpu.memory_space<vmem>>
      tpu.enqueue_dma source(%dma_start3A_52 : memref<800x16xf32, #tpu.memory_space<vmem>>) target(%dma_start3A_49 : memref<800x16xf32, #tpu.memory_space<vmem_shared>>) target_semaphore(%run_scoped3A : memref<!tpu.dma_semaphore, #tpu.memory_space<semaphore_mem>>)
      %dma_wait3A = arith.constant 0 : i32
      %dma_wait3A_53 = arith.constant 0 : i32
      %dma_wait3A_54 = tpu.memref_slice %arg9[%dma_wait3A, %dma_wait3A_53] : memref<1024x16xf32, #tpu.memory_space<vmem>> -> memref<800x16xf32, #tpu.memory_space<vmem>>
      %dma_wait3A_55 = arith.constant 0 : i32
      %dma_wait3A_56 = tpu.memref_slice %arg10[%add3A_8, %dma_wait3A_55] : memref<102400x16xf32, #tpu.memory_space<vmem_shared>> -> memref<800x16xf32, #tpu.memory_space<vmem_shared>>
      %dma_wait3A_57 = arith.constant 0 : i32
      %dma_wait3A_58 = tpu.memref_slice %arg10[%add3A_8, %dma_wait3A_57] : memref<102400x16xf32, #tpu.memory_space<vmem_shared>> -> memref<800x16xf32, #tpu.memory_space<vmem_shared>>
      %dma_wait3A_59 = arith.constant 0 : i32
      %dma_wait3A_60 = arith.constant 0 : i32
      %dma_wait3A_61 = tpu.memref_slice %arg9[%dma_wait3A_59, %dma_wait3A_60] : memref<1024x16xf32, #tpu.memory_space<vmem>> -> memref<800x16xf32, #tpu.memory_space<vmem>>
      tpu.wait_dma2 semaphore(%run_scoped3A : memref<!tpu.dma_semaphore, #tpu.memory_space<semaphore_mem>>) src(%dma_wait3A_61 : memref<800x16xf32, #tpu.memory_space<vmem>>) dst(%dma_wait3A_58 : memref<800x16xf32, #tpu.memory_space<vmem_shared>>)
      tpu.yield
    }) : () -> ()
    %add3A_9 = arith.constant 2400 : i32
    %add3A_10 = arith.addi %mul3A_2, %add3A_9 : i32
    "tpu.region"() ({
      %run_scoped3A = tpu.sem_alloc : memref<!tpu.dma_semaphore, #tpu.memory_space<semaphore_mem>>
      %dma_start3A = arith.constant 0 : i32
      %dma_start3A_44 = arith.constant 0 : i32
      %dma_start3A_45 = tpu.memref_slice %arg9[%dma_start3A, %dma_start3A_44] : memref<1024x16xf32, #tpu.memory_space<vmem>> -> memref<800x16xf32, #tpu.memory_space<vmem>>
      %dma_start3A_46 = arith.constant 0 : i32
      %dma_start3A_47 = tpu.memref_slice %arg10[%add3A_10, %dma_start3A_46] : memref<102400x16xf32, #tpu.memory_space<vmem_shared>> -> memref<800x16xf32, #tpu.memory_space<vmem_shared>>
      %dma_start3A_48 = arith.constant 0 : i32
      %dma_start3A_49 = tpu.memref_slice %arg10[%add3A_10, %dma_start3A_48] : memref<102400x16xf32, #tpu.memory_space<vmem_shared>> -> memref<800x16xf32, #tpu.memory_space<vmem_shared>>
      %dma_start3A_50 = arith.constant 0 : i32
      %dma_start3A_51 = arith.constant 0 : i32
      %dma_start3A_52 = tpu.memref_slice %arg9[%dma_start3A_50, %dma_start3A_51] : memref<1024x16xf32, #tpu.memory_space<vmem>> -> memref<800x16xf32, #tpu.memory_space<vmem>>
      tpu.enqueue_dma source(%dma_start3A_52 : memref<800x16xf32, #tpu.memory_space<vmem>>) target(%dma_start3A_49 : memref<800x16xf32, #tpu.memory_space<vmem_shared>>) target_semaphore(%run_scoped3A : memref<!tpu.dma_semaphore, #tpu.memory_space<semaphore_mem>>)
      %dma_wait3A = arith.constant 0 : i32
      %dma_wait3A_53 = arith.constant 0 : i32
      %dma_wait3A_54 = tpu.memref_slice %arg9[%dma_wait3A, %dma_wait3A_53] : memref<1024x16xf32, #tpu.memory_space<vmem>> -> memref<800x16xf32, #tpu.memory_space<vmem>>
      %dma_wait3A_55 = arith.constant 0 : i32
      %dma_wait3A_56 = tpu.memref_slice %arg10[%add3A_10, %dma_wait3A_55] : memref<102400x16xf32, #tpu.memory_space<vmem_shared>> -> memref<800x16xf32, #tpu.memory_space<vmem_shared>>
      %dma_wait3A_57 = arith.constant 0 : i32
      %dma_wait3A_58 = tpu.memref_slice %arg10[%add3A_10, %dma_wait3A_57] : memref<102400x16xf32, #tpu.memory_space<vmem_shared>> -> memref<800x16xf32, #tpu.memory_space<vmem_shared>>
      %dma_wait3A_59 = arith.constant 0 : i32
      %dma_wait3A_60 = arith.constant 0 : i32
      %dma_wait3A_61 = tpu.memref_slice %arg9[%dma_wait3A_59, %dma_wait3A_60] : memref<1024x16xf32, #tpu.memory_space<vmem>> -> memref<800x16xf32, #tpu.memory_space<vmem>>
      tpu.wait_dma2 semaphore(%run_scoped3A : memref<!tpu.dma_semaphore, #tpu.memory_space<semaphore_mem>>) src(%dma_wait3A_61 : memref<800x16xf32, #tpu.memory_space<vmem>>) dst(%dma_wait3A_58 : memref<800x16xf32, #tpu.memory_space<vmem_shared>>)
      tpu.yield
    }) : () -> ()
    %add3A_11 = arith.constant 3200 : i32
    %add3A_12 = arith.addi %mul3A_2, %add3A_11 : i32
    "tpu.region"() ({
      %run_scoped3A = tpu.sem_alloc : memref<!tpu.dma_semaphore, #tpu.memory_space<semaphore_mem>>
      %dma_start3A = arith.constant 0 : i32
      %dma_start3A_44 = arith.constant 0 : i32
      %dma_start3A_45 = tpu.memref_slice %arg9[%dma_start3A, %dma_start3A_44] : memref<1024x16xf32, #tpu.memory_space<vmem>> -> memref<800x16xf32, #tpu.memory_space<vmem>>
      %dma_start3A_46 = arith.constant 0 : i32
      %dma_start3A_47 = tpu.memref_slice %arg10[%add3A_12, %dma_start3A_46] : memref<102400x16xf32, #tpu.memory_space<vmem_shared>> -> memref<800x16xf32, #tpu.memory_space<vmem_shared>>
      %dma_start3A_48 = arith.constant 0 : i32
      %dma_start3A_49 = tpu.memref_slice %arg10[%add3A_12, %dma_start3A_48] : memref<102400x16xf32, #tpu.memory_space<vmem_shared>> -> memref<800x16xf32, #tpu.memory_space<vmem_shared>>
      %dma_start3A_50 = arith.constant 0 : i32
      %dma_start3A_51 = arith.constant 0 : i32
      %dma_start3A_52 = tpu.memref_slice %arg9[%dma_start3A_50, %dma_start3A_51] : memref<1024x16xf32, #tpu.memory_space<vmem>> -> memref<800x16xf32, #tpu.memory_space<vmem>>
      tpu.enqueue_dma source(%dma_start3A_52 : memref<800x16xf32, #tpu.memory_space<vmem>>) target(%dma_start3A_49 : memref<800x16xf32, #tpu.memory_space<vmem_shared>>) target_semaphore(%run_scoped3A : memref<!tpu.dma_semaphore, #tpu.memory_space<semaphore_mem>>)
      %dma_wait3A = arith.constant 0 : i32
      %dma_wait3A_53 = arith.constant 0 : i32
      %dma_wait3A_54 = tpu.memref_slice %arg9[%dma_wait3A, %dma_wait3A_53] : memref<1024x16xf32, #tpu.memory_space<vmem>> -> memref<800x16xf32, #tpu.memory_space<vmem>>
      %dma_wait3A_55 = arith.constant 0 : i32
      %dma_wait3A_56 = tpu.memref_slice %arg10[%add3A_12, %dma_wait3A_55] : memref<102400x16xf32, #tpu.memory_space<vmem_shared>> -> memref<800x16xf32, #tpu.memory_space<vmem_shared>>
      %dma_wait3A_57 = arith.constant 0 : i32
      %dma_wait3A_58 = tpu.memref_slice %arg10[%add3A_12, %dma_wait3A_57] : memref<102400x16xf32, #tpu.memory_space<vmem_shared>> -> memref<800x16xf32, #tpu.memory_space<vmem_shared>>
      %dma_wait3A_59 = arith.constant 0 : i32
      %dma_wait3A_60 = arith.constant 0 : i32
      %dma_wait3A_61 = tpu.memref_slice %arg9[%dma_wait3A_59, %dma_wait3A_60] : memref<1024x16xf32, #tpu.memory_space<vmem>> -> memref<800x16xf32, #tpu.memory_space<vmem>>
      tpu.wait_dma2 semaphore(%run_scoped3A : memref<!tpu.dma_semaphore, #tpu.memory_space<semaphore_mem>>) src(%dma_wait3A_61 : memref<800x16xf32, #tpu.memory_space<vmem>>) dst(%dma_wait3A_58 : memref<800x16xf32, #tpu.memory_space<vmem_shared>>)
      tpu.yield
    }) : () -> ()
    %add3A_13 = arith.constant 4000 : i32
    %add3A_14 = arith.addi %mul3A_2, %add3A_13 : i32
    "tpu.region"() ({
      %run_scoped3A = tpu.sem_alloc : memref<!tpu.dma_semaphore, #tpu.memory_space<semaphore_mem>>
      %dma_start3A = arith.constant 0 : i32
      %dma_start3A_44 = arith.constant 0 : i32
      %dma_start3A_45 = tpu.memref_slice %arg9[%dma_start3A, %dma_start3A_44] : memref<1024x16xf32, #tpu.memory_space<vmem>> -> memref<800x16xf32, #tpu.memory_space<vmem>>
      %dma_start3A_46 = arith.constant 0 : i32
      %dma_start3A_47 = tpu.memref_slice %arg10[%add3A_14, %dma_start3A_46] : memref<102400x16xf32, #tpu.memory_space<vmem_shared>> -> memref<800x16xf32, #tpu.memory_space<vmem_shared>>
      %dma_start3A_48 = arith.constant 0 : i32
      %dma_start3A_49 = tpu.memref_slice %arg10[%add3A_14, %dma_start3A_48] : memref<102400x16xf32, #tpu.memory_space<vmem_shared>> -> memref<800x16xf32, #tpu.memory_space<vmem_shared>>
      %dma_start3A_50 = arith.constant 0 : i32
      %dma_start3A_51 = arith.constant 0 : i32
      %dma_start3A_52 = tpu.memref_slice %arg9[%dma_start3A_50, %dma_start3A_51] : memref<1024x16xf32, #tpu.memory_space<vmem>> -> memref<800x16xf32, #tpu.memory_space<vmem>>
      tpu.enqueue_dma source(%dma_start3A_52 : memref<800x16xf32, #tpu.memory_space<vmem>>) target(%dma_start3A_49 : memref<800x16xf32, #tpu.memory_space<vmem_shared>>) target_semaphore(%run_scoped3A : memref<!tpu.dma_semaphore, #tpu.memory_space<semaphore_mem>>)
      %dma_wait3A = arith.constant 0 : i32
      %dma_wait3A_53 = arith.constant 0 : i32
      %dma_wait3A_54 = tpu.memref_slice %arg9[%dma_wait3A, %dma_wait3A_53] : memref<1024x16xf32, #tpu.memory_space<vmem>> -> memref<800x16xf32, #tpu.memory_space<vmem>>
      %dma_wait3A_55 = arith.constant 0 : i32
      %dma_wait3A_56 = tpu.memref_slice %arg10[%add3A_14, %dma_wait3A_55] : memref<102400x16xf32, #tpu.memory_space<vmem_shared>> -> memref<800x16xf32, #tpu.memory_space<vmem_shared>>
      %dma_wait3A_57 = arith.constant 0 : i32
      %dma_wait3A_58 = tpu.memref_slice %arg10[%add3A_14, %dma_wait3A_57] : memref<102400x16xf32, #tpu.memory_space<vmem_shared>> -> memref<800x16xf32, #tpu.memory_space<vmem_shared>>
      %dma_wait3A_59 = arith.constant 0 : i32
      %dma_wait3A_60 = arith.constant 0 : i32
      %dma_wait3A_61 = tpu.memref_slice %arg9[%dma_wait3A_59, %dma_wait3A_60] : memref<1024x16xf32, #tpu.memory_space<vmem>> -> memref<800x16xf32, #tpu.memory_space<vmem>>
      tpu.wait_dma2 semaphore(%run_scoped3A : memref<!tpu.dma_semaphore, #tpu.memory_space<semaphore_mem>>) src(%dma_wait3A_61 : memref<800x16xf32, #tpu.memory_space<vmem>>) dst(%dma_wait3A_58 : memref<800x16xf32, #tpu.memory_space<vmem_shared>>)
      tpu.yield
    }) : () -> ()
    %add3A_15 = arith.constant 4800 : i32
    %add3A_16 = arith.addi %mul3A_2, %add3A_15 : i32
    "tpu.region"() ({
      %run_scoped3A = tpu.sem_alloc : memref<!tpu.dma_semaphore, #tpu.memory_space<semaphore_mem>>
      %dma_start3A = arith.constant 0 : i32
      %dma_start3A_44 = arith.constant 0 : i32
      %dma_start3A_45 = tpu.memref_slice %arg9[%dma_start3A, %dma_start3A_44] : memref<1024x16xf32, #tpu.memory_space<vmem>> -> memref<800x16xf32, #tpu.memory_space<vmem>>
      %dma_start3A_46 = arith.constant 0 : i32
      %dma_start3A_47 = tpu.memref_slice %arg10[%add3A_16, %dma_start3A_46] : memref<102400x16xf32, #tpu.memory_space<vmem_shared>> -> memref<800x16xf32, #tpu.memory_space<vmem_shared>>
      %dma_start3A_48 = arith.constant 0 : i32
      %dma_start3A_49 = tpu.memref_slice %arg10[%add3A_16, %dma_start3A_48] : memref<102400x16xf32, #tpu.memory_space<vmem_shared>> -> memref<800x16xf32, #tpu.memory_space<vmem_shared>>
      %dma_start3A_50 = arith.constant 0 : i32
      %dma_start3A_51 = arith.constant 0 : i32
      %dma_start3A_52 = tpu.memref_slice %arg9[%dma_start3A_50, %dma_start3A_51] : memref<1024x16xf32, #tpu.memory_space<vmem>> -> memref<800x16xf32, #tpu.memory_space<vmem>>
      tpu.enqueue_dma source(%dma_start3A_52 : memref<800x16xf32, #tpu.memory_space<vmem>>) target(%dma_start3A_49 : memref<800x16xf32, #tpu.memory_space<vmem_shared>>) target_semaphore(%run_scoped3A : memref<!tpu.dma_semaphore, #tpu.memory_space<semaphore_mem>>)
      %dma_wait3A = arith.constant 0 : i32
      %dma_wait3A_53 = arith.constant 0 : i32
      %dma_wait3A_54 = tpu.memref_slice %arg9[%dma_wait3A, %dma_wait3A_53] : memref<1024x16xf32, #tpu.memory_space<vmem>> -> memref<800x16xf32, #tpu.memory_space<vmem>>
      %dma_wait3A_55 = arith.constant 0 : i32
      %dma_wait3A_56 = tpu.memref_slice %arg10[%add3A_16, %dma_wait3A_55] : memref<102400x16xf32, #tpu.memory_space<vmem_shared>> -> memref<800x16xf32, #tpu.memory_space<vmem_shared>>
      %dma_wait3A_57 = arith.constant 0 : i32
      %dma_wait3A_58 = tpu.memref_slice %arg10[%add3A_16, %dma_wait3A_57] : memref<102400x16xf32, #tpu.memory_space<vmem_shared>> -> memref<800x16xf32, #tpu.memory_space<vmem_shared>>
      %dma_wait3A_59 = arith.constant 0 : i32
      %dma_wait3A_60 = arith.constant 0 : i32
      %dma_wait3A_61 = tpu.memref_slice %arg9[%dma_wait3A_59, %dma_wait3A_60] : memref<1024x16xf32, #tpu.memory_space<vmem>> -> memref<800x16xf32, #tpu.memory_space<vmem>>
      tpu.wait_dma2 semaphore(%run_scoped3A : memref<!tpu.dma_semaphore, #tpu.memory_space<semaphore_mem>>) src(%dma_wait3A_61 : memref<800x16xf32, #tpu.memory_space<vmem>>) dst(%dma_wait3A_58 : memref<800x16xf32, #tpu.memory_space<vmem_shared>>)
      tpu.yield
    }) : () -> ()
    %add3A_17 = arith.constant 5600 : i32
    %add3A_18 = arith.addi %mul3A_2, %add3A_17 : i32
    "tpu.region"() ({
      %run_scoped3A = tpu.sem_alloc : memref<!tpu.dma_semaphore, #tpu.memory_space<semaphore_mem>>
      %dma_start3A = arith.constant 0 : i32
      %dma_start3A_44 = arith.constant 0 : i32
      %dma_start3A_45 = tpu.memref_slice %arg9[%dma_start3A, %dma_start3A_44] : memref<1024x16xf32, #tpu.memory_space<vmem>> -> memref<800x16xf32, #tpu.memory_space<vmem>>
      %dma_start3A_46 = arith.constant 0 : i32
      %dma_start3A_47 = tpu.memref_slice %arg10[%add3A_18, %dma_start3A_46] : memref<102400x16xf32, #tpu.memory_space<vmem_shared>> -> memref<800x16xf32, #tpu.memory_space<vmem_shared>>
      %dma_start3A_48 = arith.constant 0 : i32
      %dma_start3A_49 = tpu.memref_slice %arg10[%add3A_18, %dma_start3A_48] : memref<102400x16xf32, #tpu.memory_space<vmem_shared>> -> memref<800x16xf32, #tpu.memory_space<vmem_shared>>
      %dma_start3A_50 = arith.constant 0 : i32
      %dma_start3A_51 = arith.constant 0 : i32
      %dma_start3A_52 = tpu.memref_slice %arg9[%dma_start3A_50, %dma_start3A_51] : memref<1024x16xf32, #tpu.memory_space<vmem>> -> memref<800x16xf32, #tpu.memory_space<vmem>>
      tpu.enqueue_dma source(%dma_start3A_52 : memref<800x16xf32, #tpu.memory_space<vmem>>) target(%dma_start3A_49 : memref<800x16xf32, #tpu.memory_space<vmem_shared>>) target_semaphore(%run_scoped3A : memref<!tpu.dma_semaphore, #tpu.memory_space<semaphore_mem>>)
      %dma_wait3A = arith.constant 0 : i32
      %dma_wait3A_53 = arith.constant 0 : i32
      %dma_wait3A_54 = tpu.memref_slice %arg9[%dma_wait3A, %dma_wait3A_53] : memref<1024x16xf32, #tpu.memory_space<vmem>> -> memref<800x16xf32, #tpu.memory_space<vmem>>
      %dma_wait3A_55 = arith.constant 0 : i32
      %dma_wait3A_56 = tpu.memref_slice %arg10[%add3A_18, %dma_wait3A_55] : memref<102400x16xf32, #tpu.memory_space<vmem_shared>> -> memref<800x16xf32, #tpu.memory_space<vmem_shared>>
      %dma_wait3A_57 = arith.constant 0 : i32
      %dma_wait3A_58 = tpu.memref_slice %arg10[%add3A_18, %dma_wait3A_57] : memref<102400x16xf32, #tpu.memory_space<vmem_shared>> -> memref<800x16xf32, #tpu.memory_space<vmem_shared>>
      %dma_wait3A_59 = arith.constant 0 : i32
      %dma_wait3A_60 = arith.constant 0 : i32
      %dma_wait3A_61 = tpu.memref_slice %arg9[%dma_wait3A_59, %dma_wait3A_60] : memref<1024x16xf32, #tpu.memory_space<vmem>> -> memref<800x16xf32, #tpu.memory_space<vmem>>
      tpu.wait_dma2 semaphore(%run_scoped3A : memref<!tpu.dma_semaphore, #tpu.memory_space<semaphore_mem>>) src(%dma_wait3A_61 : memref<800x16xf32, #tpu.memory_space<vmem>>) dst(%dma_wait3A_58 : memref<800x16xf32, #tpu.memory_space<vmem_shared>>)
      tpu.yield
    }) : () -> ()
    %barrier3A = arith.constant 0 : index
    tpu.barrier barrier_id(%barrier3A)
    %mul3A_19 = arith.constant 800 : i32
    %mul3A_20 = arith.muli %add3A, %mul3A_19 : i32
    %scan3A = arith.constant 0 : i32
    %scan3A_21 = arith.constant 0 : i32
    %scan3A_22 = arith.constant 100 : i32
    %scan3A_23 = arith.addi %scan3A_21, %scan3A_22 : i32
    %scan3A_24 = arith.constant 1 : i32
    %scan3A_25 = scf.for %scan3A_44 = %scan3A_21 to %scan3A_23 step %scan3A_24 iter_args(%scan3A_45 = %scan3A) -> (i32)  : i32 {
      %mul3A_46 = arith.constant 8 : i32
      %mul3A_47 = arith.muli %scan3A_44, %mul3A_46 : i32
      %add3A_48 = arith.addi %mul3A_20, %mul3A_47 : i32
      "tpu.region"() ({
        %run_scoped3A = tpu.sem_alloc : memref<!tpu.dma_semaphore, #tpu.memory_space<semaphore_mem>>
        %dma_start3A_371 = arith.constant 0 : i32
        %dma_start3A_372 = tpu.memref_slice %arg3[%add3A_48, %dma_start3A_371] : memref<25600x128xi32, #tpu.memory_space<hbm>> -> memref<8x128xi32, #tpu.memory_space<hbm>>
        %dma_start3A_373 = arith.constant 0 : i32
        %dma_start3A_374 = tpu.memref_slice %arg3[%add3A_48, %dma_start3A_373] : memref<25600x128xi32, #tpu.memory_space<hbm>> -> memref<8x128xi32, #tpu.memory_space<hbm>>
        tpu.enqueue_dma source(%dma_start3A_374 : memref<8x128xi32, #tpu.memory_space<hbm>>) target(%arg7 : memref<8x128xi32, #tpu.memory_space<vmem>>) target_semaphore(%run_scoped3A : memref<!tpu.dma_semaphore, #tpu.memory_space<semaphore_mem>>)
        %dma_wait3A_375 = arith.constant 0 : i32
        %dma_wait3A_376 = tpu.memref_slice %arg3[%add3A_48, %dma_wait3A_375] : memref<25600x128xi32, #tpu.memory_space<hbm>> -> memref<8x128xi32, #tpu.memory_space<hbm>>
        %dma_wait3A_377 = arith.constant 0 : i32
        %dma_wait3A_378 = tpu.memref_slice %arg3[%add3A_48, %dma_wait3A_377] : memref<25600x128xi32, #tpu.memory_space<hbm>> -> memref<8x128xi32, #tpu.memory_space<hbm>>
        tpu.wait_dma2 semaphore(%run_scoped3A : memref<!tpu.dma_semaphore, #tpu.memory_space<semaphore_mem>>) src(%dma_wait3A_378 : memref<8x128xi32, #tpu.memory_space<hbm>>) dst(%arg7 : memref<8x128xi32, #tpu.memory_space<vmem>>)
        tpu.yield
      }) : () -> ()
      %mul3A_49 = arith.constant 8 : i32
      %mul3A_50 = arith.muli %scan3A_44, %mul3A_49 : i32
      %add3A_51 = arith.addi %mul3A_20, %mul3A_50 : i32
      "tpu.region"() ({
        %run_scoped3A = tpu.sem_alloc : memref<!tpu.dma_semaphore, #tpu.memory_space<semaphore_mem>>
        %dma_start3A_371 = arith.constant 0 : i32
        %dma_start3A_372 = tpu.memref_slice %arg4[%add3A_51, %dma_start3A_371] : memref<25600x128xi32, #tpu.memory_space<hbm>> -> memref<8x128xi32, #tpu.memory_space<hbm>>
        %dma_start3A_373 = arith.constant 0 : i32
        %dma_start3A_374 = tpu.memref_slice %arg4[%add3A_51, %dma_start3A_373] : memref<25600x128xi32, #tpu.memory_space<hbm>> -> memref<8x128xi32, #tpu.memory_space<hbm>>
        tpu.enqueue_dma source(%dma_start3A_374 : memref<8x128xi32, #tpu.memory_space<hbm>>) target(%arg8 : memref<8x128xi32, #tpu.memory_space<vmem>>) target_semaphore(%run_scoped3A : memref<!tpu.dma_semaphore, #tpu.memory_space<semaphore_mem>>)
        %dma_wait3A_375 = arith.constant 0 : i32
        %dma_wait3A_376 = tpu.memref_slice %arg4[%add3A_51, %dma_wait3A_375] : memref<25600x128xi32, #tpu.memory_space<hbm>> -> memref<8x128xi32, #tpu.memory_space<hbm>>
        %dma_wait3A_377 = arith.constant 0 : i32
        %dma_wait3A_378 = tpu.memref_slice %arg4[%add3A_51, %dma_wait3A_377] : memref<25600x128xi32, #tpu.memory_space<hbm>> -> memref<8x128xi32, #tpu.memory_space<hbm>>
        tpu.wait_dma2 semaphore(%run_scoped3A : memref<!tpu.dma_semaphore, #tpu.memory_space<semaphore_mem>>) src(%dma_wait3A_378 : memref<8x128xi32, #tpu.memory_space<hbm>>) dst(%arg8 : memref<8x128xi32, #tpu.memory_space<vmem>>)
        tpu.yield
      }) : () -> ()
      %dma_start3A = arith.constant 0 : i32
      %dma_start3A_52 = arith.constant 0 : i32
      %dma_start3A_53 = arith.constant 0 : i32
      %dma_start3A_54 = tpu.memref_slice %arg9[%dma_start3A_52, %dma_start3A_53] : memref<1024x16xf32, #tpu.memory_space<vmem>> -> memref<128x16xf32, #tpu.memory_space<vmem>>
      %dma_start3A_55 = arith.constant 0 : i32
      %dma_start3A_56 = tpu.memref_slice %arg7[%dma_start3A, %dma_start3A_55] : memref<8x128xi32, #tpu.memory_space<vmem>> -> memref<1x128xi32, #tpu.memory_space<vmem>>
      %dma_start3A_57 = tpu.memref_squeeze %dma_start3A_56 : memref<1x128xi32, #tpu.memory_space<vmem>> -> memref<128xi32, #tpu.memory_space<vmem>>
      %dma_start3A_58 = arith.constant 0 : i32
      %dma_start3A_59 = arith.constant 0 : i32
      %dma_start3A_60 = tpu.memref_slice %arg2[%dma_start3A_58, %dma_start3A_59] : memref<102400x16xf32, #tpu.memory_space<hbm>> -> memref<102400x16xf32, #tpu.memory_space<hbm>>
      tpu.enqueue_indirect_dma source(%dma_start3A_60 : memref<102400x16xf32, #tpu.memory_space<hbm>>) target(%dma_start3A_54 : memref<128x16xf32, #tpu.memory_space<vmem>>) offsets(%dma_start3A_57 : memref<128xi32, #tpu.memory_space<vmem>>) semaphore(%arg11 : memref<!tpu.dma_semaphore, #tpu.memory_space<semaphore_mem>>)
      %dma_start3A_61 = arith.constant 1 : i32
      %dma_start3A_62 = arith.constant 128 : i32
      %dma_start3A_63 = arith.constant 0 : i32
      %dma_start3A_64 = tpu.memref_slice %arg9[%dma_start3A_62, %dma_start3A_63] : memref<1024x16xf32, #tpu.memory_space<vmem>> -> memref<128x16xf32, #tpu.memory_space<vmem>>
      %dma_start3A_65 = arith.constant 0 : i32
      %dma_start3A_66 = tpu.memref_slice %arg7[%dma_start3A_61, %dma_start3A_65] : memref<8x128xi32, #tpu.memory_space<vmem>> -> memref<1x128xi32, #tpu.memory_space<vmem>>
      %dma_start3A_67 = tpu.memref_squeeze %dma_start3A_66 : memref<1x128xi32, #tpu.memory_space<vmem>> -> memref<128xi32, #tpu.memory_space<vmem>>
      %dma_start3A_68 = arith.constant 0 : i32
      %dma_start3A_69 = arith.constant 0 : i32
      %dma_start3A_70 = tpu.memref_slice %arg2[%dma_start3A_68, %dma_start3A_69] : memref<102400x16xf32, #tpu.memory_space<hbm>> -> memref<102400x16xf32, #tpu.memory_space<hbm>>
      tpu.enqueue_indirect_dma source(%dma_start3A_70 : memref<102400x16xf32, #tpu.memory_space<hbm>>) target(%dma_start3A_64 : memref<128x16xf32, #tpu.memory_space<vmem>>) offsets(%dma_start3A_67 : memref<128xi32, #tpu.memory_space<vmem>>) semaphore(%arg11 : memref<!tpu.dma_semaphore, #tpu.memory_space<semaphore_mem>>)
      %dma_start3A_71 = arith.constant 2 : i32
      %dma_start3A_72 = arith.constant 256 : i32
      %dma_start3A_73 = arith.constant 0 : i32
      %dma_start3A_74 = tpu.memref_slice %arg9[%dma_start3A_72, %dma_start3A_73] : memref<1024x16xf32, #tpu.memory_space<vmem>> -> memref<128x16xf32, #tpu.memory_space<vmem>>
      %dma_start3A_75 = arith.constant 0 : i32
      %dma_start3A_76 = tpu.memref_slice %arg7[%dma_start3A_71, %dma_start3A_75] : memref<8x128xi32, #tpu.memory_space<vmem>> -> memref<1x128xi32, #tpu.memory_space<vmem>>
      %dma_start3A_77 = tpu.memref_squeeze %dma_start3A_76 : memref<1x128xi32, #tpu.memory_space<vmem>> -> memref<128xi32, #tpu.memory_space<vmem>>
      %dma_start3A_78 = arith.constant 0 : i32
      %dma_start3A_79 = arith.constant 0 : i32
      %dma_start3A_80 = tpu.memref_slice %arg2[%dma_start3A_78, %dma_start3A_79] : memref<102400x16xf32, #tpu.memory_space<hbm>> -> memref<102400x16xf32, #tpu.memory_space<hbm>>
      tpu.enqueue_indirect_dma source(%dma_start3A_80 : memref<102400x16xf32, #tpu.memory_space<hbm>>) target(%dma_start3A_74 : memref<128x16xf32, #tpu.memory_space<vmem>>) offsets(%dma_start3A_77 : memref<128xi32, #tpu.memory_space<vmem>>) semaphore(%arg11 : memref<!tpu.dma_semaphore, #tpu.memory_space<semaphore_mem>>)
      %dma_start3A_81 = arith.constant 3 : i32
      %dma_start3A_82 = arith.constant 384 : i32
      %dma_start3A_83 = arith.constant 0 : i32
      %dma_start3A_84 = tpu.memref_slice %arg9[%dma_start3A_82, %dma_start3A_83] : memref<1024x16xf32, #tpu.memory_space<vmem>> -> memref<128x16xf32, #tpu.memory_space<vmem>>
      %dma_start3A_85 = arith.constant 0 : i32
      %dma_start3A_86 = tpu.memref_slice %arg7[%dma_start3A_81, %dma_start3A_85] : memref<8x128xi32, #tpu.memory_space<vmem>> -> memref<1x128xi32, #tpu.memory_space<vmem>>
      %dma_start3A_87 = tpu.memref_squeeze %dma_start3A_86 : memref<1x128xi32, #tpu.memory_space<vmem>> -> memref<128xi32, #tpu.memory_space<vmem>>
      %dma_start3A_88 = arith.constant 0 : i32
      %dma_start3A_89 = arith.constant 0 : i32
      %dma_start3A_90 = tpu.memref_slice %arg2[%dma_start3A_88, %dma_start3A_89] : memref<102400x16xf32, #tpu.memory_space<hbm>> -> memref<102400x16xf32, #tpu.memory_space<hbm>>
      tpu.enqueue_indirect_dma source(%dma_start3A_90 : memref<102400x16xf32, #tpu.memory_space<hbm>>) target(%dma_start3A_84 : memref<128x16xf32, #tpu.memory_space<vmem>>) offsets(%dma_start3A_87 : memref<128xi32, #tpu.memory_space<vmem>>) semaphore(%arg11 : memref<!tpu.dma_semaphore, #tpu.memory_space<semaphore_mem>>)
      %dma_start3A_91 = arith.constant 4 : i32
      %dma_start3A_92 = arith.constant 512 : i32
      %dma_start3A_93 = arith.constant 0 : i32
      %dma_start3A_94 = tpu.memref_slice %arg9[%dma_start3A_92, %dma_start3A_93] : memref<1024x16xf32, #tpu.memory_space<vmem>> -> memref<128x16xf32, #tpu.memory_space<vmem>>
      %dma_start3A_95 = arith.constant 0 : i32
      %dma_start3A_96 = tpu.memref_slice %arg7[%dma_start3A_91, %dma_start3A_95] : memref<8x128xi32, #tpu.memory_space<vmem>> -> memref<1x128xi32, #tpu.memory_space<vmem>>
      %dma_start3A_97 = tpu.memref_squeeze %dma_start3A_96 : memref<1x128xi32, #tpu.memory_space<vmem>> -> memref<128xi32, #tpu.memory_space<vmem>>
      %dma_start3A_98 = arith.constant 0 : i32
      %dma_start3A_99 = arith.constant 0 : i32
      %dma_start3A_100 = tpu.memref_slice %arg2[%dma_start3A_98, %dma_start3A_99] : memref<102400x16xf32, #tpu.memory_space<hbm>> -> memref<102400x16xf32, #tpu.memory_space<hbm>>
      tpu.enqueue_indirect_dma source(%dma_start3A_100 : memref<102400x16xf32, #tpu.memory_space<hbm>>) target(%dma_start3A_94 : memref<128x16xf32, #tpu.memory_space<vmem>>) offsets(%dma_start3A_97 : memref<128xi32, #tpu.memory_space<vmem>>) semaphore(%arg11 : memref<!tpu.dma_semaphore, #tpu.memory_space<semaphore_mem>>)
      %dma_start3A_101 = arith.constant 5 : i32
      %dma_start3A_102 = arith.constant 640 : i32
      %dma_start3A_103 = arith.constant 0 : i32
      %dma_start3A_104 = tpu.memref_slice %arg9[%dma_start3A_102, %dma_start3A_103] : memref<1024x16xf32, #tpu.memory_space<vmem>> -> memref<128x16xf32, #tpu.memory_space<vmem>>
      %dma_start3A_105 = arith.constant 0 : i32
      %dma_start3A_106 = tpu.memref_slice %arg7[%dma_start3A_101, %dma_start3A_105] : memref<8x128xi32, #tpu.memory_space<vmem>> -> memref<1x128xi32, #tpu.memory_space<vmem>>
      %dma_start3A_107 = tpu.memref_squeeze %dma_start3A_106 : memref<1x128xi32, #tpu.memory_space<vmem>> -> memref<128xi32, #tpu.memory_space<vmem>>
      %dma_start3A_108 = arith.constant 0 : i32
      %dma_start3A_109 = arith.constant 0 : i32
      %dma_start3A_110 = tpu.memref_slice %arg2[%dma_start3A_108, %dma_start3A_109] : memref<102400x16xf32, #tpu.memory_space<hbm>> -> memref<102400x16xf32, #tpu.memory_space<hbm>>
      tpu.enqueue_indirect_dma source(%dma_start3A_110 : memref<102400x16xf32, #tpu.memory_space<hbm>>) target(%dma_start3A_104 : memref<128x16xf32, #tpu.memory_space<vmem>>) offsets(%dma_start3A_107 : memref<128xi32, #tpu.memory_space<vmem>>) semaphore(%arg11 : memref<!tpu.dma_semaphore, #tpu.memory_space<semaphore_mem>>)
      %dma_start3A_111 = arith.constant 6 : i32
      %dma_start3A_112 = arith.constant 768 : i32
      %dma_start3A_113 = arith.constant 0 : i32
      %dma_start3A_114 = tpu.memref_slice %arg9[%dma_start3A_112, %dma_start3A_113] : memref<1024x16xf32, #tpu.memory_space<vmem>> -> memref<128x16xf32, #tpu.memory_space<vmem>>
      %dma_start3A_115 = arith.constant 0 : i32
      %dma_start3A_116 = tpu.memref_slice %arg7[%dma_start3A_111, %dma_start3A_115] : memref<8x128xi32, #tpu.memory_space<vmem>> -> memref<1x128xi32, #tpu.memory_space<vmem>>
      %dma_start3A_117 = tpu.memref_squeeze %dma_start3A_116 : memref<1x128xi32, #tpu.memory_space<vmem>> -> memref<128xi32, #tpu.memory_space<vmem>>
      %dma_start3A_118 = arith.constant 0 : i32
      %dma_start3A_119 = arith.constant 0 : i32
      %dma_start3A_120 = tpu.memref_slice %arg2[%dma_start3A_118, %dma_start3A_119] : memref<102400x16xf32, #tpu.memory_space<hbm>> -> memref<102400x16xf32, #tpu.memory_space<hbm>>
      tpu.enqueue_indirect_dma source(%dma_start3A_120 : memref<102400x16xf32, #tpu.memory_space<hbm>>) target(%dma_start3A_114 : memref<128x16xf32, #tpu.memory_space<vmem>>) offsets(%dma_start3A_117 : memref<128xi32, #tpu.memory_space<vmem>>) semaphore(%arg11 : memref<!tpu.dma_semaphore, #tpu.memory_space<semaphore_mem>>)
      %dma_start3A_121 = arith.constant 7 : i32
      %dma_start3A_122 = arith.constant 896 : i32
      %dma_start3A_123 = arith.constant 0 : i32
      %dma_start3A_124 = tpu.memref_slice %arg9[%dma_start3A_122, %dma_start3A_123] : memref<1024x16xf32, #tpu.memory_space<vmem>> -> memref<128x16xf32, #tpu.memory_space<vmem>>
      %dma_start3A_125 = arith.constant 0 : i32
      %dma_start3A_126 = tpu.memref_slice %arg7[%dma_start3A_121, %dma_start3A_125] : memref<8x128xi32, #tpu.memory_space<vmem>> -> memref<1x128xi32, #tpu.memory_space<vmem>>
      %dma_start3A_127 = tpu.memref_squeeze %dma_start3A_126 : memref<1x128xi32, #tpu.memory_space<vmem>> -> memref<128xi32, #tpu.memory_space<vmem>>
      %dma_start3A_128 = arith.constant 0 : i32
      %dma_start3A_129 = arith.constant 0 : i32
      %dma_start3A_130 = tpu.memref_slice %arg2[%dma_start3A_128, %dma_start3A_129] : memref<102400x16xf32, #tpu.memory_space<hbm>> -> memref<102400x16xf32, #tpu.memory_space<hbm>>
      tpu.enqueue_indirect_dma source(%dma_start3A_130 : memref<102400x16xf32, #tpu.memory_space<hbm>>) target(%dma_start3A_124 : memref<128x16xf32, #tpu.memory_space<vmem>>) offsets(%dma_start3A_127 : memref<128xi32, #tpu.memory_space<vmem>>) semaphore(%arg11 : memref<!tpu.dma_semaphore, #tpu.memory_space<semaphore_mem>>)
      %dma_wait3A = arith.constant 0 : i32
      %dma_wait3A_131 = arith.constant 0 : i32
      %dma_wait3A_132 = arith.constant 0 : i32
      %dma_wait3A_133 = tpu.memref_slice %arg9[%dma_wait3A_131, %dma_wait3A_132] : memref<1024x16xf32, #tpu.memory_space<vmem>> -> memref<128x16xf32, #tpu.memory_space<vmem>>
      %dma_wait3A_134 = arith.constant 0 : i32
      %dma_wait3A_135 = tpu.memref_slice %arg7[%dma_wait3A, %dma_wait3A_134] : memref<8x128xi32, #tpu.memory_space<vmem>> -> memref<1x128xi32, #tpu.memory_space<vmem>>
      %dma_wait3A_136 = tpu.memref_squeeze %dma_wait3A_135 : memref<1x128xi32, #tpu.memory_space<vmem>> -> memref<128xi32, #tpu.memory_space<vmem>>
      %dma_wait3A_137 = arith.constant 0 : i32
      %dma_wait3A_138 = arith.constant 0 : i32
      %dma_wait3A_139 = tpu.memref_slice %arg2[%dma_wait3A_137, %dma_wait3A_138] : memref<102400x16xf32, #tpu.memory_space<hbm>> -> memref<102400x16xf32, #tpu.memory_space<hbm>>
      tpu.wait_indirect_dma semaphore(%arg11 : memref<!tpu.dma_semaphore, #tpu.memory_space<semaphore_mem>>) src(%dma_wait3A_139 : memref<102400x16xf32, #tpu.memory_space<hbm>>) dst(%dma_wait3A_133 : memref<128x16xf32, #tpu.memory_space<vmem>>)
      %dma_wait3A_140 = arith.constant 1 : i32
      %dma_wait3A_141 = arith.constant 128 : i32
      %dma_wait3A_142 = arith.constant 0 : i32
      %dma_wait3A_143 = tpu.memref_slice %arg9[%dma_wait3A_141, %dma_wait3A_142] : memref<1024x16xf32, #tpu.memory_space<vmem>> -> memref<128x16xf32, #tpu.memory_space<vmem>>
      %dma_wait3A_144 = arith.constant 0 : i32
      %dma_wait3A_145 = tpu.memref_slice %arg7[%dma_wait3A_140, %dma_wait3A_144] : memref<8x128xi32, #tpu.memory_space<vmem>> -> memref<1x128xi32, #tpu.memory_space<vmem>>
      %dma_wait3A_146 = tpu.memref_squeeze %dma_wait3A_145 : memref<1x128xi32, #tpu.memory_space<vmem>> -> memref<128xi32, #tpu.memory_space<vmem>>
      %dma_wait3A_147 = arith.constant 0 : i32
      %dma_wait3A_148 = arith.constant 0 : i32
      %dma_wait3A_149 = tpu.memref_slice %arg2[%dma_wait3A_147, %dma_wait3A_148] : memref<102400x16xf32, #tpu.memory_space<hbm>> -> memref<102400x16xf32, #tpu.memory_space<hbm>>
      tpu.wait_indirect_dma semaphore(%arg11 : memref<!tpu.dma_semaphore, #tpu.memory_space<semaphore_mem>>) src(%dma_wait3A_149 : memref<102400x16xf32, #tpu.memory_space<hbm>>) dst(%dma_wait3A_143 : memref<128x16xf32, #tpu.memory_space<vmem>>)
      %dma_wait3A_150 = arith.constant 2 : i32
      %dma_wait3A_151 = arith.constant 256 : i32
      %dma_wait3A_152 = arith.constant 0 : i32
      %dma_wait3A_153 = tpu.memref_slice %arg9[%dma_wait3A_151, %dma_wait3A_152] : memref<1024x16xf32, #tpu.memory_space<vmem>> -> memref<128x16xf32, #tpu.memory_space<vmem>>
      %dma_wait3A_154 = arith.constant 0 : i32
      %dma_wait3A_155 = tpu.memref_slice %arg7[%dma_wait3A_150, %dma_wait3A_154] : memref<8x128xi32, #tpu.memory_space<vmem>> -> memref<1x128xi32, #tpu.memory_space<vmem>>
      %dma_wait3A_156 = tpu.memref_squeeze %dma_wait3A_155 : memref<1x128xi32, #tpu.memory_space<vmem>> -> memref<128xi32, #tpu.memory_space<vmem>>
      %dma_wait3A_157 = arith.constant 0 : i32
      %dma_wait3A_158 = arith.constant 0 : i32
      %dma_wait3A_159 = tpu.memref_slice %arg2[%dma_wait3A_157, %dma_wait3A_158] : memref<102400x16xf32, #tpu.memory_space<hbm>> -> memref<102400x16xf32, #tpu.memory_space<hbm>>
      tpu.wait_indirect_dma semaphore(%arg11 : memref<!tpu.dma_semaphore, #tpu.memory_space<semaphore_mem>>) src(%dma_wait3A_159 : memref<102400x16xf32, #tpu.memory_space<hbm>>) dst(%dma_wait3A_153 : memref<128x16xf32, #tpu.memory_space<vmem>>)
      %dma_wait3A_160 = arith.constant 3 : i32
      %dma_wait3A_161 = arith.constant 384 : i32
      %dma_wait3A_162 = arith.constant 0 : i32
      %dma_wait3A_163 = tpu.memref_slice %arg9[%dma_wait3A_161, %dma_wait3A_162] : memref<1024x16xf32, #tpu.memory_space<vmem>> -> memref<128x16xf32, #tpu.memory_space<vmem>>
      %dma_wait3A_164 = arith.constant 0 : i32
      %dma_wait3A_165 = tpu.memref_slice %arg7[%dma_wait3A_160, %dma_wait3A_164] : memref<8x128xi32, #tpu.memory_space<vmem>> -> memref<1x128xi32, #tpu.memory_space<vmem>>
      %dma_wait3A_166 = tpu.memref_squeeze %dma_wait3A_165 : memref<1x128xi32, #tpu.memory_space<vmem>> -> memref<128xi32, #tpu.memory_space<vmem>>
      %dma_wait3A_167 = arith.constant 0 : i32
      %dma_wait3A_168 = arith.constant 0 : i32
      %dma_wait3A_169 = tpu.memref_slice %arg2[%dma_wait3A_167, %dma_wait3A_168] : memref<102400x16xf32, #tpu.memory_space<hbm>> -> memref<102400x16xf32, #tpu.memory_space<hbm>>
      tpu.wait_indirect_dma semaphore(%arg11 : memref<!tpu.dma_semaphore, #tpu.memory_space<semaphore_mem>>) src(%dma_wait3A_169 : memref<102400x16xf32, #tpu.memory_space<hbm>>) dst(%dma_wait3A_163 : memref<128x16xf32, #tpu.memory_space<vmem>>)
      %dma_wait3A_170 = arith.constant 4 : i32
      %dma_wait3A_171 = arith.constant 512 : i32
      %dma_wait3A_172 = arith.constant 0 : i32
      %dma_wait3A_173 = tpu.memref_slice %arg9[%dma_wait3A_171, %dma_wait3A_172] : memref<1024x16xf32, #tpu.memory_space<vmem>> -> memref<128x16xf32, #tpu.memory_space<vmem>>
      %dma_wait3A_174 = arith.constant 0 : i32
      %dma_wait3A_175 = tpu.memref_slice %arg7[%dma_wait3A_170, %dma_wait3A_174] : memref<8x128xi32, #tpu.memory_space<vmem>> -> memref<1x128xi32, #tpu.memory_space<vmem>>
      %dma_wait3A_176 = tpu.memref_squeeze %dma_wait3A_175 : memref<1x128xi32, #tpu.memory_space<vmem>> -> memref<128xi32, #tpu.memory_space<vmem>>
      %dma_wait3A_177 = arith.constant 0 : i32
      %dma_wait3A_178 = arith.constant 0 : i32
      %dma_wait3A_179 = tpu.memref_slice %arg2[%dma_wait3A_177, %dma_wait3A_178] : memref<102400x16xf32, #tpu.memory_space<hbm>> -> memref<102400x16xf32, #tpu.memory_space<hbm>>
      tpu.wait_indirect_dma semaphore(%arg11 : memref<!tpu.dma_semaphore, #tpu.memory_space<semaphore_mem>>) src(%dma_wait3A_179 : memref<102400x16xf32, #tpu.memory_space<hbm>>) dst(%dma_wait3A_173 : memref<128x16xf32, #tpu.memory_space<vmem>>)
      %dma_wait3A_180 = arith.constant 5 : i32
      %dma_wait3A_181 = arith.constant 640 : i32
      %dma_wait3A_182 = arith.constant 0 : i32
      %dma_wait3A_183 = tpu.memref_slice %arg9[%dma_wait3A_181, %dma_wait3A_182] : memref<1024x16xf32, #tpu.memory_space<vmem>> -> memref<128x16xf32, #tpu.memory_space<vmem>>
      %dma_wait3A_184 = arith.constant 0 : i32
      %dma_wait3A_185 = tpu.memref_slice %arg7[%dma_wait3A_180, %dma_wait3A_184] : memref<8x128xi32, #tpu.memory_space<vmem>> -> memref<1x128xi32, #tpu.memory_space<vmem>>
      %dma_wait3A_186 = tpu.memref_squeeze %dma_wait3A_185 : memref<1x128xi32, #tpu.memory_space<vmem>> -> memref<128xi32, #tpu.memory_space<vmem>>
      %dma_wait3A_187 = arith.constant 0 : i32
      %dma_wait3A_188 = arith.constant 0 : i32
      %dma_wait3A_189 = tpu.memref_slice %arg2[%dma_wait3A_187, %dma_wait3A_188] : memref<102400x16xf32, #tpu.memory_space<hbm>> -> memref<102400x16xf32, #tpu.memory_space<hbm>>
      tpu.wait_indirect_dma semaphore(%arg11 : memref<!tpu.dma_semaphore, #tpu.memory_space<semaphore_mem>>) src(%dma_wait3A_189 : memref<102400x16xf32, #tpu.memory_space<hbm>>) dst(%dma_wait3A_183 : memref<128x16xf32, #tpu.memory_space<vmem>>)
      %dma_wait3A_190 = arith.constant 6 : i32
      %dma_wait3A_191 = arith.constant 768 : i32
      %dma_wait3A_192 = arith.constant 0 : i32
      %dma_wait3A_193 = tpu.memref_slice %arg9[%dma_wait3A_191, %dma_wait3A_192] : memref<1024x16xf32, #tpu.memory_space<vmem>> -> memref<128x16xf32, #tpu.memory_space<vmem>>
      %dma_wait3A_194 = arith.constant 0 : i32
      %dma_wait3A_195 = tpu.memref_slice %arg7[%dma_wait3A_190, %dma_wait3A_194] : memref<8x128xi32, #tpu.memory_space<vmem>> -> memref<1x128xi32, #tpu.memory_space<vmem>>
      %dma_wait3A_196 = tpu.memref_squeeze %dma_wait3A_195 : memref<1x128xi32, #tpu.memory_space<vmem>> -> memref<128xi32, #tpu.memory_space<vmem>>
      %dma_wait3A_197 = arith.constant 0 : i32
      %dma_wait3A_198 = arith.constant 0 : i32
      %dma_wait3A_199 = tpu.memref_slice %arg2[%dma_wait3A_197, %dma_wait3A_198] : memref<102400x16xf32, #tpu.memory_space<hbm>> -> memref<102400x16xf32, #tpu.memory_space<hbm>>
      tpu.wait_indirect_dma semaphore(%arg11 : memref<!tpu.dma_semaphore, #tpu.memory_space<semaphore_mem>>) src(%dma_wait3A_199 : memref<102400x16xf32, #tpu.memory_space<hbm>>) dst(%dma_wait3A_193 : memref<128x16xf32, #tpu.memory_space<vmem>>)
      %dma_wait3A_200 = arith.constant 7 : i32
      %dma_wait3A_201 = arith.constant 896 : i32
      %dma_wait3A_202 = arith.constant 0 : i32
      %dma_wait3A_203 = tpu.memref_slice %arg9[%dma_wait3A_201, %dma_wait3A_202] : memref<1024x16xf32, #tpu.memory_space<vmem>> -> memref<128x16xf32, #tpu.memory_space<vmem>>
      %dma_wait3A_204 = arith.constant 0 : i32
      %dma_wait3A_205 = tpu.memref_slice %arg7[%dma_wait3A_200, %dma_wait3A_204] : memref<8x128xi32, #tpu.memory_space<vmem>> -> memref<1x128xi32, #tpu.memory_space<vmem>>
      %dma_wait3A_206 = tpu.memref_squeeze %dma_wait3A_205 : memref<1x128xi32, #tpu.memory_space<vmem>> -> memref<128xi32, #tpu.memory_space<vmem>>
      %dma_wait3A_207 = arith.constant 0 : i32
      %dma_wait3A_208 = arith.constant 0 : i32
      %dma_wait3A_209 = tpu.memref_slice %arg2[%dma_wait3A_207, %dma_wait3A_208] : memref<102400x16xf32, #tpu.memory_space<hbm>> -> memref<102400x16xf32, #tpu.memory_space<hbm>>
      tpu.wait_indirect_dma semaphore(%arg11 : memref<!tpu.dma_semaphore, #tpu.memory_space<semaphore_mem>>) src(%dma_wait3A_209 : memref<102400x16xf32, #tpu.memory_space<hbm>>) dst(%dma_wait3A_203 : memref<128x16xf32, #tpu.memory_space<vmem>>)
      %dma_start3A_210 = arith.constant 0 : i32
      %dma_start3A_211 = arith.constant 0 : i32
      %dma_start3A_212 = arith.constant 0 : i32
      %dma_start3A_213 = tpu.memref_slice %arg9[%dma_start3A_211, %dma_start3A_212] : memref<1024x16xf32, #tpu.memory_space<vmem>> -> memref<128x16xf32, #tpu.memory_space<vmem>>
      %dma_start3A_214 = arith.constant 0 : i32
      %dma_start3A_215 = tpu.memref_slice %arg8[%dma_start3A_210, %dma_start3A_214] : memref<8x128xi32, #tpu.memory_space<vmem>> -> memref<1x128xi32, #tpu.memory_space<vmem>>
      %dma_start3A_216 = tpu.memref_squeeze %dma_start3A_215 : memref<1x128xi32, #tpu.memory_space<vmem>> -> memref<128xi32, #tpu.memory_space<vmem>>
      %dma_start3A_217 = arith.constant 0 : i32
      %dma_start3A_218 = arith.constant 0 : i32
      %dma_start3A_219 = tpu.memref_slice %arg10[%dma_start3A_217, %dma_start3A_218] : memref<102400x16xf32, #tpu.memory_space<vmem_shared>> -> memref<102400x16xf32, #tpu.memory_space<vmem_shared>>
      tpu.enqueue_indirect_dma source(%dma_start3A_213 : memref<128x16xf32, #tpu.memory_space<vmem>>) target(%dma_start3A_219 : memref<102400x16xf32, #tpu.memory_space<vmem_shared>>) offsets(%dma_start3A_216 : memref<128xi32, #tpu.memory_space<vmem>>) semaphore(%arg12 : memref<!tpu.dma_semaphore, #tpu.memory_space<semaphore_mem>>) {add = true}
      %dma_start3A_220 = arith.constant 1 : i32
      %dma_start3A_221 = arith.constant 128 : i32
      %dma_start3A_222 = arith.constant 0 : i32
      %dma_start3A_223 = tpu.memref_slice %arg9[%dma_start3A_221, %dma_start3A_222] : memref<1024x16xf32, #tpu.memory_space<vmem>> -> memref<128x16xf32, #tpu.memory_space<vmem>>
      %dma_start3A_224 = arith.constant 0 : i32
      %dma_start3A_225 = tpu.memref_slice %arg8[%dma_start3A_220, %dma_start3A_224] : memref<8x128xi32, #tpu.memory_space<vmem>> -> memref<1x128xi32, #tpu.memory_space<vmem>>
      %dma_start3A_226 = tpu.memref_squeeze %dma_start3A_225 : memref<1x128xi32, #tpu.memory_space<vmem>> -> memref<128xi32, #tpu.memory_space<vmem>>
      %dma_start3A_227 = arith.constant 0 : i32
      %dma_start3A_228 = arith.constant 0 : i32
      %dma_start3A_229 = tpu.memref_slice %arg10[%dma_start3A_227, %dma_start3A_228] : memref<102400x16xf32, #tpu.memory_space<vmem_shared>> -> memref<102400x16xf32, #tpu.memory_space<vmem_shared>>
      tpu.enqueue_indirect_dma source(%dma_start3A_223 : memref<128x16xf32, #tpu.memory_space<vmem>>) target(%dma_start3A_229 : memref<102400x16xf32, #tpu.memory_space<vmem_shared>>) offsets(%dma_start3A_226 : memref<128xi32, #tpu.memory_space<vmem>>) semaphore(%arg12 : memref<!tpu.dma_semaphore, #tpu.memory_space<semaphore_mem>>) {add = true}
      %dma_start3A_230 = arith.constant 2 : i32
      %dma_start3A_231 = arith.constant 256 : i32
      %dma_start3A_232 = arith.constant 0 : i32
      %dma_start3A_233 = tpu.memref_slice %arg9[%dma_start3A_231, %dma_start3A_232] : memref<1024x16xf32, #tpu.memory_space<vmem>> -> memref<128x16xf32, #tpu.memory_space<vmem>>
      %dma_start3A_234 = arith.constant 0 : i32
      %dma_start3A_235 = tpu.memref_slice %arg8[%dma_start3A_230, %dma_start3A_234] : memref<8x128xi32, #tpu.memory_space<vmem>> -> memref<1x128xi32, #tpu.memory_space<vmem>>
      %dma_start3A_236 = tpu.memref_squeeze %dma_start3A_235 : memref<1x128xi32, #tpu.memory_space<vmem>> -> memref<128xi32, #tpu.memory_space<vmem>>
      %dma_start3A_237 = arith.constant 0 : i32
      %dma_start3A_238 = arith.constant 0 : i32
      %dma_start3A_239 = tpu.memref_slice %arg10[%dma_start3A_237, %dma_start3A_238] : memref<102400x16xf32, #tpu.memory_space<vmem_shared>> -> memref<102400x16xf32, #tpu.memory_space<vmem_shared>>
      tpu.enqueue_indirect_dma source(%dma_start3A_233 : memref<128x16xf32, #tpu.memory_space<vmem>>) target(%dma_start3A_239 : memref<102400x16xf32, #tpu.memory_space<vmem_shared>>) offsets(%dma_start3A_236 : memref<128xi32, #tpu.memory_space<vmem>>) semaphore(%arg12 : memref<!tpu.dma_semaphore, #tpu.memory_space<semaphore_mem>>) {add = true}
      %dma_start3A_240 = arith.constant 3 : i32
      %dma_start3A_241 = arith.constant 384 : i32
      %dma_start3A_242 = arith.constant 0 : i32
      %dma_start3A_243 = tpu.memref_slice %arg9[%dma_start3A_241, %dma_start3A_242] : memref<1024x16xf32, #tpu.memory_space<vmem>> -> memref<128x16xf32, #tpu.memory_space<vmem>>
      %dma_start3A_244 = arith.constant 0 : i32
      %dma_start3A_245 = tpu.memref_slice %arg8[%dma_start3A_240, %dma_start3A_244] : memref<8x128xi32, #tpu.memory_space<vmem>> -> memref<1x128xi32, #tpu.memory_space<vmem>>
      %dma_start3A_246 = tpu.memref_squeeze %dma_start3A_245 : memref<1x128xi32, #tpu.memory_space<vmem>> -> memref<128xi32, #tpu.memory_space<vmem>>
      %dma_start3A_247 = arith.constant 0 : i32
      %dma_start3A_248 = arith.constant 0 : i32
      %dma_start3A_249 = tpu.memref_slice %arg10[%dma_start3A_247, %dma_start3A_248] : memref<102400x16xf32, #tpu.memory_space<vmem_shared>> -> memref<102400x16xf32, #tpu.memory_space<vmem_shared>>
      tpu.enqueue_indirect_dma source(%dma_start3A_243 : memref<128x16xf32, #tpu.memory_space<vmem>>) target(%dma_start3A_249 : memref<102400x16xf32, #tpu.memory_space<vmem_shared>>) offsets(%dma_start3A_246 : memref<128xi32, #tpu.memory_space<vmem>>) semaphore(%arg12 : memref<!tpu.dma_semaphore, #tpu.memory_space<semaphore_mem>>) {add = true}
      %dma_start3A_250 = arith.constant 4 : i32
      %dma_start3A_251 = arith.constant 512 : i32
      %dma_start3A_252 = arith.constant 0 : i32
      %dma_start3A_253 = tpu.memref_slice %arg9[%dma_start3A_251, %dma_start3A_252] : memref<1024x16xf32, #tpu.memory_space<vmem>> -> memref<128x16xf32, #tpu.memory_space<vmem>>
      %dma_start3A_254 = arith.constant 0 : i32
      %dma_start3A_255 = tpu.memref_slice %arg8[%dma_start3A_250, %dma_start3A_254] : memref<8x128xi32, #tpu.memory_space<vmem>> -> memref<1x128xi32, #tpu.memory_space<vmem>>
      %dma_start3A_256 = tpu.memref_squeeze %dma_start3A_255 : memref<1x128xi32, #tpu.memory_space<vmem>> -> memref<128xi32, #tpu.memory_space<vmem>>
      %dma_start3A_257 = arith.constant 0 : i32
      %dma_start3A_258 = arith.constant 0 : i32
      %dma_start3A_259 = tpu.memref_slice %arg10[%dma_start3A_257, %dma_start3A_258] : memref<102400x16xf32, #tpu.memory_space<vmem_shared>> -> memref<102400x16xf32, #tpu.memory_space<vmem_shared>>
      tpu.enqueue_indirect_dma source(%dma_start3A_253 : memref<128x16xf32, #tpu.memory_space<vmem>>) target(%dma_start3A_259 : memref<102400x16xf32, #tpu.memory_space<vmem_shared>>) offsets(%dma_start3A_256 : memref<128xi32, #tpu.memory_space<vmem>>) semaphore(%arg12 : memref<!tpu.dma_semaphore, #tpu.memory_space<semaphore_mem>>) {add = true}
      %dma_start3A_260 = arith.constant 5 : i32
      %dma_start3A_261 = arith.constant 640 : i32
      %dma_start3A_262 = arith.constant 0 : i32
      %dma_start3A_263 = tpu.memref_slice %arg9[%dma_start3A_261, %dma_start3A_262] : memref<1024x16xf32, #tpu.memory_space<vmem>> -> memref<128x16xf32, #tpu.memory_space<vmem>>
      %dma_start3A_264 = arith.constant 0 : i32
      %dma_start3A_265 = tpu.memref_slice %arg8[%dma_start3A_260, %dma_start3A_264] : memref<8x128xi32, #tpu.memory_space<vmem>> -> memref<1x128xi32, #tpu.memory_space<vmem>>
      %dma_start3A_266 = tpu.memref_squeeze %dma_start3A_265 : memref<1x128xi32, #tpu.memory_space<vmem>> -> memref<128xi32, #tpu.memory_space<vmem>>
      %dma_start3A_267 = arith.constant 0 : i32
      %dma_start3A_268 = arith.constant 0 : i32
      %dma_start3A_269 = tpu.memref_slice %arg10[%dma_start3A_267, %dma_start3A_268] : memref<102400x16xf32, #tpu.memory_space<vmem_shared>> -> memref<102400x16xf32, #tpu.memory_space<vmem_shared>>
      tpu.enqueue_indirect_dma source(%dma_start3A_263 : memref<128x16xf32, #tpu.memory_space<vmem>>) target(%dma_start3A_269 : memref<102400x16xf32, #tpu.memory_space<vmem_shared>>) offsets(%dma_start3A_266 : memref<128xi32, #tpu.memory_space<vmem>>) semaphore(%arg12 : memref<!tpu.dma_semaphore, #tpu.memory_space<semaphore_mem>>) {add = true}
      %dma_start3A_270 = arith.constant 6 : i32
      %dma_start3A_271 = arith.constant 768 : i32
      %dma_start3A_272 = arith.constant 0 : i32
      %dma_start3A_273 = tpu.memref_slice %arg9[%dma_start3A_271, %dma_start3A_272] : memref<1024x16xf32, #tpu.memory_space<vmem>> -> memref<128x16xf32, #tpu.memory_space<vmem>>
      %dma_start3A_274 = arith.constant 0 : i32
      %dma_start3A_275 = tpu.memref_slice %arg8[%dma_start3A_270, %dma_start3A_274] : memref<8x128xi32, #tpu.memory_space<vmem>> -> memref<1x128xi32, #tpu.memory_space<vmem>>
      %dma_start3A_276 = tpu.memref_squeeze %dma_start3A_275 : memref<1x128xi32, #tpu.memory_space<vmem>> -> memref<128xi32, #tpu.memory_space<vmem>>
      %dma_start3A_277 = arith.constant 0 : i32
      %dma_start3A_278 = arith.constant 0 : i32
      %dma_start3A_279 = tpu.memref_slice %arg10[%dma_start3A_277, %dma_start3A_278] : memref<102400x16xf32, #tpu.memory_space<vmem_shared>> -> memref<102400x16xf32, #tpu.memory_space<vmem_shared>>
      tpu.enqueue_indirect_dma source(%dma_start3A_273 : memref<128x16xf32, #tpu.memory_space<vmem>>) target(%dma_start3A_279 : memref<102400x16xf32, #tpu.memory_space<vmem_shared>>) offsets(%dma_start3A_276 : memref<128xi32, #tpu.memory_space<vmem>>) semaphore(%arg12 : memref<!tpu.dma_semaphore, #tpu.memory_space<semaphore_mem>>) {add = true}
      %dma_start3A_280 = arith.constant 7 : i32
      %dma_start3A_281 = arith.constant 896 : i32
      %dma_start3A_282 = arith.constant 0 : i32
      %dma_start3A_283 = tpu.memref_slice %arg9[%dma_start3A_281, %dma_start3A_282] : memref<1024x16xf32, #tpu.memory_space<vmem>> -> memref<128x16xf32, #tpu.memory_space<vmem>>
      %dma_start3A_284 = arith.constant 0 : i32
      %dma_start3A_285 = tpu.memref_slice %arg8[%dma_start3A_280, %dma_start3A_284] : memref<8x128xi32, #tpu.memory_space<vmem>> -> memref<1x128xi32, #tpu.memory_space<vmem>>
      %dma_start3A_286 = tpu.memref_squeeze %dma_start3A_285 : memref<1x128xi32, #tpu.memory_space<vmem>> -> memref<128xi32, #tpu.memory_space<vmem>>
      %dma_start3A_287 = arith.constant 0 : i32
      %dma_start3A_288 = arith.constant 0 : i32
      %dma_start3A_289 = tpu.memref_slice %arg10[%dma_start3A_287, %dma_start3A_288] : memref<102400x16xf32, #tpu.memory_space<vmem_shared>> -> memref<102400x16xf32, #tpu.memory_space<vmem_shared>>
      tpu.enqueue_indirect_dma source(%dma_start3A_283 : memref<128x16xf32, #tpu.memory_space<vmem>>) target(%dma_start3A_289 : memref<102400x16xf32, #tpu.memory_space<vmem_shared>>) offsets(%dma_start3A_286 : memref<128xi32, #tpu.memory_space<vmem>>) semaphore(%arg12 : memref<!tpu.dma_semaphore, #tpu.memory_space<semaphore_mem>>) {add = true}
      %dma_wait3A_290 = arith.constant 0 : i32
      %dma_wait3A_291 = arith.constant 0 : i32
      %dma_wait3A_292 = arith.constant 0 : i32
      %dma_wait3A_293 = tpu.memref_slice %arg9[%dma_wait3A_291, %dma_wait3A_292] : memref<1024x16xf32, #tpu.memory_space<vmem>> -> memref<128x16xf32, #tpu.memory_space<vmem>>
      %dma_wait3A_294 = arith.constant 0 : i32
      %dma_wait3A_295 = tpu.memref_slice %arg8[%dma_wait3A_290, %dma_wait3A_294] : memref<8x128xi32, #tpu.memory_space<vmem>> -> memref<1x128xi32, #tpu.memory_space<vmem>>
      %dma_wait3A_296 = tpu.memref_squeeze %dma_wait3A_295 : memref<1x128xi32, #tpu.memory_space<vmem>> -> memref<128xi32, #tpu.memory_space<vmem>>
      %dma_wait3A_297 = arith.constant 0 : i32
      %dma_wait3A_298 = arith.constant 0 : i32
      %dma_wait3A_299 = tpu.memref_slice %arg10[%dma_wait3A_297, %dma_wait3A_298] : memref<102400x16xf32, #tpu.memory_space<vmem_shared>> -> memref<102400x16xf32, #tpu.memory_space<vmem_shared>>
      tpu.wait_indirect_dma semaphore(%arg12 : memref<!tpu.dma_semaphore, #tpu.memory_space<semaphore_mem>>) src(%dma_wait3A_293 : memref<128x16xf32, #tpu.memory_space<vmem>>) dst(%dma_wait3A_299 : memref<102400x16xf32, #tpu.memory_space<vmem_shared>>)
      %dma_wait3A_300 = arith.constant 1 : i32
      %dma_wait3A_301 = arith.constant 128 : i32
      %dma_wait3A_302 = arith.constant 0 : i32
      %dma_wait3A_303 = tpu.memref_slice %arg9[%dma_wait3A_301, %dma_wait3A_302] : memref<1024x16xf32, #tpu.memory_space<vmem>> -> memref<128x16xf32, #tpu.memory_space<vmem>>
      %dma_wait3A_304 = arith.constant 0 : i32
      %dma_wait3A_305 = tpu.memref_slice %arg8[%dma_wait3A_300, %dma_wait3A_304] : memref<8x128xi32, #tpu.memory_space<vmem>> -> memref<1x128xi32, #tpu.memory_space<vmem>>
      %dma_wait3A_306 = tpu.memref_squeeze %dma_wait3A_305 : memref<1x128xi32, #tpu.memory_space<vmem>> -> memref<128xi32, #tpu.memory_space<vmem>>
      %dma_wait3A_307 = arith.constant 0 : i32
      %dma_wait3A_308 = arith.constant 0 : i32
      %dma_wait3A_309 = tpu.memref_slice %arg10[%dma_wait3A_307, %dma_wait3A_308] : memref<102400x16xf32, #tpu.memory_space<vmem_shared>> -> memref<102400x16xf32, #tpu.memory_space<vmem_shared>>
      tpu.wait_indirect_dma semaphore(%arg12 : memref<!tpu.dma_semaphore, #tpu.memory_space<semaphore_mem>>) src(%dma_wait3A_303 : memref<128x16xf32, #tpu.memory_space<vmem>>) dst(%dma_wait3A_309 : memref<102400x16xf32, #tpu.memory_space<vmem_shared>>)
      %dma_wait3A_310 = arith.constant 2 : i32
      %dma_wait3A_311 = arith.constant 256 : i32
      %dma_wait3A_312 = arith.constant 0 : i32
      %dma_wait3A_313 = tpu.memref_slice %arg9[%dma_wait3A_311, %dma_wait3A_312] : memref<1024x16xf32, #tpu.memory_space<vmem>> -> memref<128x16xf32, #tpu.memory_space<vmem>>
      %dma_wait3A_314 = arith.constant 0 : i32
      %dma_wait3A_315 = tpu.memref_slice %arg8[%dma_wait3A_310, %dma_wait3A_314] : memref<8x128xi32, #tpu.memory_space<vmem>> -> memref<1x128xi32, #tpu.memory_space<vmem>>
      %dma_wait3A_316 = tpu.memref_squeeze %dma_wait3A_315 : memref<1x128xi32, #tpu.memory_space<vmem>> -> memref<128xi32, #tpu.memory_space<vmem>>
      %dma_wait3A_317 = arith.constant 0 : i32
      %dma_wait3A_318 = arith.constant 0 : i32
      %dma_wait3A_319 = tpu.memref_slice %arg10[%dma_wait3A_317, %dma_wait3A_318] : memref<102400x16xf32, #tpu.memory_space<vmem_shared>> -> memref<102400x16xf32, #tpu.memory_space<vmem_shared>>
      tpu.wait_indirect_dma semaphore(%arg12 : memref<!tpu.dma_semaphore, #tpu.memory_space<semaphore_mem>>) src(%dma_wait3A_313 : memref<128x16xf32, #tpu.memory_space<vmem>>) dst(%dma_wait3A_319 : memref<102400x16xf32, #tpu.memory_space<vmem_shared>>)
      %dma_wait3A_320 = arith.constant 3 : i32
      %dma_wait3A_321 = arith.constant 384 : i32
      %dma_wait3A_322 = arith.constant 0 : i32
      %dma_wait3A_323 = tpu.memref_slice %arg9[%dma_wait3A_321, %dma_wait3A_322] : memref<1024x16xf32, #tpu.memory_space<vmem>> -> memref<128x16xf32, #tpu.memory_space<vmem>>
      %dma_wait3A_324 = arith.constant 0 : i32
      %dma_wait3A_325 = tpu.memref_slice %arg8[%dma_wait3A_320, %dma_wait3A_324] : memref<8x128xi32, #tpu.memory_space<vmem>> -> memref<1x128xi32, #tpu.memory_space<vmem>>
      %dma_wait3A_326 = tpu.memref_squeeze %dma_wait3A_325 : memref<1x128xi32, #tpu.memory_space<vmem>> -> memref<128xi32, #tpu.memory_space<vmem>>
      %dma_wait3A_327 = arith.constant 0 : i32
      %dma_wait3A_328 = arith.constant 0 : i32
      %dma_wait3A_329 = tpu.memref_slice %arg10[%dma_wait3A_327, %dma_wait3A_328] : memref<102400x16xf32, #tpu.memory_space<vmem_shared>> -> memref<102400x16xf32, #tpu.memory_space<vmem_shared>>
      tpu.wait_indirect_dma semaphore(%arg12 : memref<!tpu.dma_semaphore, #tpu.memory_space<semaphore_mem>>) src(%dma_wait3A_323 : memref<128x16xf32, #tpu.memory_space<vmem>>) dst(%dma_wait3A_329 : memref<102400x16xf32, #tpu.memory_space<vmem_shared>>)
      %dma_wait3A_330 = arith.constant 4 : i32
      %dma_wait3A_331 = arith.constant 512 : i32
      %dma_wait3A_332 = arith.constant 0 : i32
      %dma_wait3A_333 = tpu.memref_slice %arg9[%dma_wait3A_331, %dma_wait3A_332] : memref<1024x16xf32, #tpu.memory_space<vmem>> -> memref<128x16xf32, #tpu.memory_space<vmem>>
      %dma_wait3A_334 = arith.constant 0 : i32
      %dma_wait3A_335 = tpu.memref_slice %arg8[%dma_wait3A_330, %dma_wait3A_334] : memref<8x128xi32, #tpu.memory_space<vmem>> -> memref<1x128xi32, #tpu.memory_space<vmem>>
      %dma_wait3A_336 = tpu.memref_squeeze %dma_wait3A_335 : memref<1x128xi32, #tpu.memory_space<vmem>> -> memref<128xi32, #tpu.memory_space<vmem>>
      %dma_wait3A_337 = arith.constant 0 : i32
      %dma_wait3A_338 = arith.constant 0 : i32
      %dma_wait3A_339 = tpu.memref_slice %arg10[%dma_wait3A_337, %dma_wait3A_338] : memref<102400x16xf32, #tpu.memory_space<vmem_shared>> -> memref<102400x16xf32, #tpu.memory_space<vmem_shared>>
      tpu.wait_indirect_dma semaphore(%arg12 : memref<!tpu.dma_semaphore, #tpu.memory_space<semaphore_mem>>) src(%dma_wait3A_333 : memref<128x16xf32, #tpu.memory_space<vmem>>) dst(%dma_wait3A_339 : memref<102400x16xf32, #tpu.memory_space<vmem_shared>>)
      %dma_wait3A_340 = arith.constant 5 : i32
      %dma_wait3A_341 = arith.constant 640 : i32
      %dma_wait3A_342 = arith.constant 0 : i32
      %dma_wait3A_343 = tpu.memref_slice %arg9[%dma_wait3A_341, %dma_wait3A_342] : memref<1024x16xf32, #tpu.memory_space<vmem>> -> memref<128x16xf32, #tpu.memory_space<vmem>>
      %dma_wait3A_344 = arith.constant 0 : i32
      %dma_wait3A_345 = tpu.memref_slice %arg8[%dma_wait3A_340, %dma_wait3A_344] : memref<8x128xi32, #tpu.memory_space<vmem>> -> memref<1x128xi32, #tpu.memory_space<vmem>>
      %dma_wait3A_346 = tpu.memref_squeeze %dma_wait3A_345 : memref<1x128xi32, #tpu.memory_space<vmem>> -> memref<128xi32, #tpu.memory_space<vmem>>
      %dma_wait3A_347 = arith.constant 0 : i32
      %dma_wait3A_348 = arith.constant 0 : i32
      %dma_wait3A_349 = tpu.memref_slice %arg10[%dma_wait3A_347, %dma_wait3A_348] : memref<102400x16xf32, #tpu.memory_space<vmem_shared>> -> memref<102400x16xf32, #tpu.memory_space<vmem_shared>>
      tpu.wait_indirect_dma semaphore(%arg12 : memref<!tpu.dma_semaphore, #tpu.memory_space<semaphore_mem>>) src(%dma_wait3A_343 : memref<128x16xf32, #tpu.memory_space<vmem>>) dst(%dma_wait3A_349 : memref<102400x16xf32, #tpu.memory_space<vmem_shared>>)
      %dma_wait3A_350 = arith.constant 6 : i32
      %dma_wait3A_351 = arith.constant 768 : i32
      %dma_wait3A_352 = arith.constant 0 : i32
      %dma_wait3A_353 = tpu.memref_slice %arg9[%dma_wait3A_351, %dma_wait3A_352] : memref<1024x16xf32, #tpu.memory_space<vmem>> -> memref<128x16xf32, #tpu.memory_space<vmem>>
      %dma_wait3A_354 = arith.constant 0 : i32
      %dma_wait3A_355 = tpu.memref_slice %arg8[%dma_wait3A_350, %dma_wait3A_354] : memref<8x128xi32, #tpu.memory_space<vmem>> -> memref<1x128xi32, #tpu.memory_space<vmem>>
      %dma_wait3A_356 = tpu.memref_squeeze %dma_wait3A_355 : memref<1x128xi32, #tpu.memory_space<vmem>> -> memref<128xi32, #tpu.memory_space<vmem>>
      %dma_wait3A_357 = arith.constant 0 : i32
      %dma_wait3A_358 = arith.constant 0 : i32
      %dma_wait3A_359 = tpu.memref_slice %arg10[%dma_wait3A_357, %dma_wait3A_358] : memref<102400x16xf32, #tpu.memory_space<vmem_shared>> -> memref<102400x16xf32, #tpu.memory_space<vmem_shared>>
      tpu.wait_indirect_dma semaphore(%arg12 : memref<!tpu.dma_semaphore, #tpu.memory_space<semaphore_mem>>) src(%dma_wait3A_353 : memref<128x16xf32, #tpu.memory_space<vmem>>) dst(%dma_wait3A_359 : memref<102400x16xf32, #tpu.memory_space<vmem_shared>>)
      %dma_wait3A_360 = arith.constant 7 : i32
      %dma_wait3A_361 = arith.constant 896 : i32
      %dma_wait3A_362 = arith.constant 0 : i32
      %dma_wait3A_363 = tpu.memref_slice %arg9[%dma_wait3A_361, %dma_wait3A_362] : memref<1024x16xf32, #tpu.memory_space<vmem>> -> memref<128x16xf32, #tpu.memory_space<vmem>>
      %dma_wait3A_364 = arith.constant 0 : i32
      %dma_wait3A_365 = tpu.memref_slice %arg8[%dma_wait3A_360, %dma_wait3A_364] : memref<8x128xi32, #tpu.memory_space<vmem>> -> memref<1x128xi32, #tpu.memory_space<vmem>>
      %dma_wait3A_366 = tpu.memref_squeeze %dma_wait3A_365 : memref<1x128xi32, #tpu.memory_space<vmem>> -> memref<128xi32, #tpu.memory_space<vmem>>
      %dma_wait3A_367 = arith.constant 0 : i32
      %dma_wait3A_368 = arith.constant 0 : i32
      %dma_wait3A_369 = tpu.memref_slice %arg10[%dma_wait3A_367, %dma_wait3A_368] : memref<102400x16xf32, #tpu.memory_space<vmem_shared>> -> memref<102400x16xf32, #tpu.memory_space<vmem_shared>>
      tpu.wait_indirect_dma semaphore(%arg12 : memref<!tpu.dma_semaphore, #tpu.memory_space<semaphore_mem>>) src(%dma_wait3A_363 : memref<128x16xf32, #tpu.memory_space<vmem>>) dst(%dma_wait3A_369 : memref<102400x16xf32, #tpu.memory_space<vmem_shared>>)
      %scan3A_370 = arith.constant 0 : i32
      scf.yield %scan3A_370 : i32
    }
    %scan3A_26 = arith.constant 100 : i32
    %barrier3A_27 = arith.constant 0 : index
    tpu.barrier barrier_id(%barrier3A_27)
    %add3A_28 = arith.constant 0 : i32
    %add3A_29 = arith.addi %mul3A_2, %add3A_28 : i32
    "tpu.region"() ({
      %run_scoped3A = tpu.sem_alloc : memref<!tpu.dma_semaphore, #tpu.memory_space<semaphore_mem>>
      %dma_start3A = arith.constant 0 : i32
      %dma_start3A_44 = arith.constant 0 : i32
      %dma_start3A_45 = tpu.memref_slice %arg9[%dma_start3A, %dma_start3A_44] : memref<1024x16xf32, #tpu.memory_space<vmem>> -> memref<800x16xf32, #tpu.memory_space<vmem>>
      %dma_start3A_46 = arith.constant 0 : i32
      %dma_start3A_47 = tpu.memref_slice %arg10[%add3A_29, %dma_start3A_46] : memref<102400x16xf32, #tpu.memory_space<vmem_shared>> -> memref<800x16xf32, #tpu.memory_space<vmem_shared>>
      %dma_start3A_48 = arith.constant 0 : i32
      %dma_start3A_49 = arith.constant 0 : i32
      %dma_start3A_50 = tpu.memref_slice %arg9[%dma_start3A_48, %dma_start3A_49] : memref<1024x16xf32, #tpu.memory_space<vmem>> -> memref<800x16xf32, #tpu.memory_space<vmem>>
      %dma_start3A_51 = arith.constant 0 : i32
      %dma_start3A_52 = tpu.memref_slice %arg10[%add3A_29, %dma_start3A_51] : memref<102400x16xf32, #tpu.memory_space<vmem_shared>> -> memref<800x16xf32, #tpu.memory_space<vmem_shared>>
      tpu.enqueue_dma source(%dma_start3A_52 : memref<800x16xf32, #tpu.memory_space<vmem_shared>>) target(%dma_start3A_50 : memref<800x16xf32, #tpu.memory_space<vmem>>) target_semaphore(%run_scoped3A : memref<!tpu.dma_semaphore, #tpu.memory_space<semaphore_mem>>)
      %dma_wait3A = arith.constant 0 : i32
      %dma_wait3A_53 = arith.constant 0 : i32
      %dma_wait3A_54 = tpu.memref_slice %arg9[%dma_wait3A, %dma_wait3A_53] : memref<1024x16xf32, #tpu.memory_space<vmem>> -> memref<800x16xf32, #tpu.memory_space<vmem>>
      %dma_wait3A_55 = arith.constant 0 : i32
      %dma_wait3A_56 = tpu.memref_slice %arg10[%add3A_29, %dma_wait3A_55] : memref<102400x16xf32, #tpu.memory_space<vmem_shared>> -> memref<800x16xf32, #tpu.memory_space<vmem_shared>>
      %dma_wait3A_57 = arith.constant 0 : i32
      %dma_wait3A_58 = arith.constant 0 : i32
      %dma_wait3A_59 = tpu.memref_slice %arg9[%dma_wait3A_57, %dma_wait3A_58] : memref<1024x16xf32, #tpu.memory_space<vmem>> -> memref<800x16xf32, #tpu.memory_space<vmem>>
      %dma_wait3A_60 = arith.constant 0 : i32
      %dma_wait3A_61 = tpu.memref_slice %arg10[%add3A_29, %dma_wait3A_60] : memref<102400x16xf32, #tpu.memory_space<vmem_shared>> -> memref<800x16xf32, #tpu.memory_space<vmem_shared>>
      tpu.wait_dma2 semaphore(%run_scoped3A : memref<!tpu.dma_semaphore, #tpu.memory_space<semaphore_mem>>) src(%dma_wait3A_61 : memref<800x16xf32, #tpu.memory_space<vmem_shared>>) dst(%dma_wait3A_59 : memref<800x16xf32, #tpu.memory_space<vmem>>)
      tpu.yield
    }) : () -> ()
    "tpu.region"() ({
      %run_scoped3A = tpu.sem_alloc : memref<!tpu.dma_semaphore, #tpu.memory_space<semaphore_mem>>
      %dma_start3A = arith.constant 0 : i32
      %dma_start3A_44 = arith.constant 0 : i32
      %dma_start3A_45 = tpu.memref_slice %arg9[%dma_start3A, %dma_start3A_44] : memref<1024x16xf32, #tpu.memory_space<vmem>> -> memref<800x16xf32, #tpu.memory_space<vmem>>
      %dma_start3A_46 = arith.constant 0 : i32
      %dma_start3A_47 = tpu.memref_slice %arg6[%arg0, %add3A_29, %dma_start3A_46] : memref<2x102400x16xf32, #tpu.memory_space<hbm>> -> memref<1x800x16xf32, #tpu.memory_space<hbm>>
      %dma_start3A_48 = tpu.memref_squeeze %dma_start3A_47 : memref<1x800x16xf32, #tpu.memory_space<hbm>> -> memref<800x16xf32, #tpu.memory_space<hbm>>
      %dma_start3A_49 = arith.constant 0 : i32
      %dma_start3A_50 = tpu.memref_slice %arg6[%arg0, %add3A_29, %dma_start3A_49] : memref<2x102400x16xf32, #tpu.memory_space<hbm>> -> memref<1x800x16xf32, #tpu.memory_space<hbm>>
      %dma_start3A_51 = tpu.memref_squeeze %dma_start3A_50 : memref<1x800x16xf32, #tpu.memory_space<hbm>> -> memref<800x16xf32, #tpu.memory_space<hbm>>
      %dma_start3A_52 = arith.constant 0 : i32
      %dma_start3A_53 = arith.constant 0 : i32
      %dma_start3A_54 = tpu.memref_slice %arg9[%dma_start3A_52, %dma_start3A_53] : memref<1024x16xf32, #tpu.memory_space<vmem>> -> memref<800x16xf32, #tpu.memory_space<vmem>>
      tpu.enqueue_dma source(%dma_start3A_54 : memref<800x16xf32, #tpu.memory_space<vmem>>) target(%dma_start3A_51 : memref<800x16xf32, #tpu.memory_space<hbm>>) target_semaphore(%run_scoped3A : memref<!tpu.dma_semaphore, #tpu.memory_space<semaphore_mem>>)
      %dma_wait3A = arith.constant 0 : i32
      %dma_wait3A_55 = arith.constant 0 : i32
      %dma_wait3A_56 = tpu.memref_slice %arg9[%dma_wait3A, %dma_wait3A_55] : memref<1024x16xf32, #tpu.memory_space<vmem>> -> memref<800x16xf32, #tpu.memory_space<vmem>>
      %dma_wait3A_57 = arith.constant 0 : i32
      %dma_wait3A_58 = tpu.memref_slice %arg6[%arg0, %add3A_29, %dma_wait3A_57] : memref<2x102400x16xf32, #tpu.memory_space<hbm>> -> memref<1x800x16xf32, #tpu.memory_space<hbm>>
      %dma_wait3A_59 = tpu.memref_squeeze %dma_wait3A_58 : memref<1x800x16xf32, #tpu.memory_space<hbm>> -> memref<800x16xf32, #tpu.memory_space<hbm>>
      %dma_wait3A_60 = arith.constant 0 : i32
      %dma_wait3A_61 = tpu.memref_slice %arg6[%arg0, %add3A_29, %dma_wait3A_60] : memref<2x102400x16xf32, #tpu.memory_space<hbm>> -> memref<1x800x16xf32, #tpu.memory_space<hbm>>
      %dma_wait3A_62 = tpu.memref_squeeze %dma_wait3A_61 : memref<1x800x16xf32, #tpu.memory_space<hbm>> -> memref<800x16xf32, #tpu.memory_space<hbm>>
      %dma_wait3A_63 = arith.constant 0 : i32
      %dma_wait3A_64 = arith.constant 0 : i32
      %dma_wait3A_65 = tpu.memref_slice %arg9[%dma_wait3A_63, %dma_wait3A_64] : memref<1024x16xf32, #tpu.memory_space<vmem>> -> memref<800x16xf32, #tpu.memory_space<vmem>>
      tpu.wait_dma2 semaphore(%run_scoped3A : memref<!tpu.dma_semaphore, #tpu.memory_space<semaphore_mem>>) src(%dma_wait3A_65 : memref<800x16xf32, #tpu.memory_space<vmem>>) dst(%dma_wait3A_62 : memref<800x16xf32, #tpu.memory_space<hbm>>)
      tpu.yield
    }) : () -> ()
    %add3A_30 = arith.constant 800 : i32
    %add3A_31 = arith.addi %mul3A_2, %add3A_30 : i32
    "tpu.region"() ({
      %run_scoped3A = tpu.sem_alloc : memref<!tpu.dma_semaphore, #tpu.memory_space<semaphore_mem>>
      %dma_start3A = arith.constant 0 : i32
      %dma_start3A_44 = arith.constant 0 : i32
      %dma_start3A_45 = tpu.memref_slice %arg9[%dma_start3A, %dma_start3A_44] : memref<1024x16xf32, #tpu.memory_space<vmem>> -> memref<800x16xf32, #tpu.memory_space<vmem>>
      %dma_start3A_46 = arith.constant 0 : i32
      %dma_start3A_47 = tpu.memref_slice %arg10[%add3A_31, %dma_start3A_46] : memref<102400x16xf32, #tpu.memory_space<vmem_shared>> -> memref<800x16xf32, #tpu.memory_space<vmem_shared>>
      %dma_start3A_48 = arith.constant 0 : i32
      %dma_start3A_49 = arith.constant 0 : i32
      %dma_start3A_50 = tpu.memref_slice %arg9[%dma_start3A_48, %dma_start3A_49] : memref<1024x16xf32, #tpu.memory_space<vmem>> -> memref<800x16xf32, #tpu.memory_space<vmem>>
      %dma_start3A_51 = arith.constant 0 : i32
      %dma_start3A_52 = tpu.memref_slice %arg10[%add3A_31, %dma_start3A_51] : memref<102400x16xf32, #tpu.memory_space<vmem_shared>> -> memref<800x16xf32, #tpu.memory_space<vmem_shared>>
      tpu.enqueue_dma source(%dma_start3A_52 : memref<800x16xf32, #tpu.memory_space<vmem_shared>>) target(%dma_start3A_50 : memref<800x16xf32, #tpu.memory_space<vmem>>) target_semaphore(%run_scoped3A : memref<!tpu.dma_semaphore, #tpu.memory_space<semaphore_mem>>)
      %dma_wait3A = arith.constant 0 : i32
      %dma_wait3A_53 = arith.constant 0 : i32
      %dma_wait3A_54 = tpu.memref_slice %arg9[%dma_wait3A, %dma_wait3A_53] : memref<1024x16xf32, #tpu.memory_space<vmem>> -> memref<800x16xf32, #tpu.memory_space<vmem>>
      %dma_wait3A_55 = arith.constant 0 : i32
      %dma_wait3A_56 = tpu.memref_slice %arg10[%add3A_31, %dma_wait3A_55] : memref<102400x16xf32, #tpu.memory_space<vmem_shared>> -> memref<800x16xf32, #tpu.memory_space<vmem_shared>>
      %dma_wait3A_57 = arith.constant 0 : i32
      %dma_wait3A_58 = arith.constant 0 : i32
      %dma_wait3A_59 = tpu.memref_slice %arg9[%dma_wait3A_57, %dma_wait3A_58] : memref<1024x16xf32, #tpu.memory_space<vmem>> -> memref<800x16xf32, #tpu.memory_space<vmem>>
      %dma_wait3A_60 = arith.constant 0 : i32
      %dma_wait3A_61 = tpu.memref_slice %arg10[%add3A_31, %dma_wait3A_60] : memref<102400x16xf32, #tpu.memory_space<vmem_shared>> -> memref<800x16xf32, #tpu.memory_space<vmem_shared>>
      tpu.wait_dma2 semaphore(%run_scoped3A : memref<!tpu.dma_semaphore, #tpu.memory_space<semaphore_mem>>) src(%dma_wait3A_61 : memref<800x16xf32, #tpu.memory_space<vmem_shared>>) dst(%dma_wait3A_59 : memref<800x16xf32, #tpu.memory_space<vmem>>)
      tpu.yield
    }) : () -> ()
    "tpu.region"() ({
      %run_scoped3A = tpu.sem_alloc : memref<!tpu.dma_semaphore, #tpu.memory_space<semaphore_mem>>
      %dma_start3A = arith.constant 0 : i32
      %dma_start3A_44 = arith.constant 0 : i32
      %dma_start3A_45 = tpu.memref_slice %arg9[%dma_start3A, %dma_start3A_44] : memref<1024x16xf32, #tpu.memory_space<vmem>> -> memref<800x16xf32, #tpu.memory_space<vmem>>
      %dma_start3A_46 = arith.constant 0 : i32
      %dma_start3A_47 = tpu.memref_slice %arg6[%arg0, %add3A_31, %dma_start3A_46] : memref<2x102400x16xf32, #tpu.memory_space<hbm>> -> memref<1x800x16xf32, #tpu.memory_space<hbm>>
      %dma_start3A_48 = tpu.memref_squeeze %dma_start3A_47 : memref<1x800x16xf32, #tpu.memory_space<hbm>> -> memref<800x16xf32, #tpu.memory_space<hbm>>
      %dma_start3A_49 = arith.constant 0 : i32
      %dma_start3A_50 = tpu.memref_slice %arg6[%arg0, %add3A_31, %dma_start3A_49] : memref<2x102400x16xf32, #tpu.memory_space<hbm>> -> memref<1x800x16xf32, #tpu.memory_space<hbm>>
      %dma_start3A_51 = tpu.memref_squeeze %dma_start3A_50 : memref<1x800x16xf32, #tpu.memory_space<hbm>> -> memref<800x16xf32, #tpu.memory_space<hbm>>
      %dma_start3A_52 = arith.constant 0 : i32
      %dma_start3A_53 = arith.constant 0 : i32
      %dma_start3A_54 = tpu.memref_slice %arg9[%dma_start3A_52, %dma_start3A_53] : memref<1024x16xf32, #tpu.memory_space<vmem>> -> memref<800x16xf32, #tpu.memory_space<vmem>>
      tpu.enqueue_dma source(%dma_start3A_54 : memref<800x16xf32, #tpu.memory_space<vmem>>) target(%dma_start3A_51 : memref<800x16xf32, #tpu.memory_space<hbm>>) target_semaphore(%run_scoped3A : memref<!tpu.dma_semaphore, #tpu.memory_space<semaphore_mem>>)
      %dma_wait3A = arith.constant 0 : i32
      %dma_wait3A_55 = arith.constant 0 : i32
      %dma_wait3A_56 = tpu.memref_slice %arg9[%dma_wait3A, %dma_wait3A_55] : memref<1024x16xf32, #tpu.memory_space<vmem>> -> memref<800x16xf32, #tpu.memory_space<vmem>>
      %dma_wait3A_57 = arith.constant 0 : i32
      %dma_wait3A_58 = tpu.memref_slice %arg6[%arg0, %add3A_31, %dma_wait3A_57] : memref<2x102400x16xf32, #tpu.memory_space<hbm>> -> memref<1x800x16xf32, #tpu.memory_space<hbm>>
      %dma_wait3A_59 = tpu.memref_squeeze %dma_wait3A_58 : memref<1x800x16xf32, #tpu.memory_space<hbm>> -> memref<800x16xf32, #tpu.memory_space<hbm>>
      %dma_wait3A_60 = arith.constant 0 : i32
      %dma_wait3A_61 = tpu.memref_slice %arg6[%arg0, %add3A_31, %dma_wait3A_60] : memref<2x102400x16xf32, #tpu.memory_space<hbm>> -> memref<1x800x16xf32, #tpu.memory_space<hbm>>
      %dma_wait3A_62 = tpu.memref_squeeze %dma_wait3A_61 : memref<1x800x16xf32, #tpu.memory_space<hbm>> -> memref<800x16xf32, #tpu.memory_space<hbm>>
      %dma_wait3A_63 = arith.constant 0 : i32
      %dma_wait3A_64 = arith.constant 0 : i32
      %dma_wait3A_65 = tpu.memref_slice %arg9[%dma_wait3A_63, %dma_wait3A_64] : memref<1024x16xf32, #tpu.memory_space<vmem>> -> memref<800x16xf32, #tpu.memory_space<vmem>>
      tpu.wait_dma2 semaphore(%run_scoped3A : memref<!tpu.dma_semaphore, #tpu.memory_space<semaphore_mem>>) src(%dma_wait3A_65 : memref<800x16xf32, #tpu.memory_space<vmem>>) dst(%dma_wait3A_62 : memref<800x16xf32, #tpu.memory_space<hbm>>)
      tpu.yield
    }) : () -> ()
    %add3A_32 = arith.constant 1600 : i32
    %add3A_33 = arith.addi %mul3A_2, %add3A_32 : i32
    "tpu.region"() ({
      %run_scoped3A = tpu.sem_alloc : memref<!tpu.dma_semaphore, #tpu.memory_space<semaphore_mem>>
      %dma_start3A = arith.constant 0 : i32
      %dma_start3A_44 = arith.constant 0 : i32
      %dma_start3A_45 = tpu.memref_slice %arg9[%dma_start3A, %dma_start3A_44] : memref<1024x16xf32, #tpu.memory_space<vmem>> -> memref<800x16xf32, #tpu.memory_space<vmem>>
      %dma_start3A_46 = arith.constant 0 : i32
      %dma_start3A_47 = tpu.memref_slice %arg10[%add3A_33, %dma_start3A_46] : memref<102400x16xf32, #tpu.memory_space<vmem_shared>> -> memref<800x16xf32, #tpu.memory_space<vmem_shared>>
      %dma_start3A_48 = arith.constant 0 : i32
      %dma_start3A_49 = arith.constant 0 : i32
      %dma_start3A_50 = tpu.memref_slice %arg9[%dma_start3A_48, %dma_start3A_49] : memref<1024x16xf32, #tpu.memory_space<vmem>> -> memref<800x16xf32, #tpu.memory_space<vmem>>
      %dma_start3A_51 = arith.constant 0 : i32
      %dma_start3A_52 = tpu.memref_slice %arg10[%add3A_33, %dma_start3A_51] : memref<102400x16xf32, #tpu.memory_space<vmem_shared>> -> memref<800x16xf32, #tpu.memory_space<vmem_shared>>
      tpu.enqueue_dma source(%dma_start3A_52 : memref<800x16xf32, #tpu.memory_space<vmem_shared>>) target(%dma_start3A_50 : memref<800x16xf32, #tpu.memory_space<vmem>>) target_semaphore(%run_scoped3A : memref<!tpu.dma_semaphore, #tpu.memory_space<semaphore_mem>>)
      %dma_wait3A = arith.constant 0 : i32
      %dma_wait3A_53 = arith.constant 0 : i32
      %dma_wait3A_54 = tpu.memref_slice %arg9[%dma_wait3A, %dma_wait3A_53] : memref<1024x16xf32, #tpu.memory_space<vmem>> -> memref<800x16xf32, #tpu.memory_space<vmem>>
      %dma_wait3A_55 = arith.constant 0 : i32
      %dma_wait3A_56 = tpu.memref_slice %arg10[%add3A_33, %dma_wait3A_55] : memref<102400x16xf32, #tpu.memory_space<vmem_shared>> -> memref<800x16xf32, #tpu.memory_space<vmem_shared>>
      %dma_wait3A_57 = arith.constant 0 : i32
      %dma_wait3A_58 = arith.constant 0 : i32
      %dma_wait3A_59 = tpu.memref_slice %arg9[%dma_wait3A_57, %dma_wait3A_58] : memref<1024x16xf32, #tpu.memory_space<vmem>> -> memref<800x16xf32, #tpu.memory_space<vmem>>
      %dma_wait3A_60 = arith.constant 0 : i32
      %dma_wait3A_61 = tpu.memref_slice %arg10[%add3A_33, %dma_wait3A_60] : memref<102400x16xf32, #tpu.memory_space<vmem_shared>> -> memref<800x16xf32, #tpu.memory_space<vmem_shared>>
      tpu.wait_dma2 semaphore(%run_scoped3A : memref<!tpu.dma_semaphore, #tpu.memory_space<semaphore_mem>>) src(%dma_wait3A_61 : memref<800x16xf32, #tpu.memory_space<vmem_shared>>) dst(%dma_wait3A_59 : memref<800x16xf32, #tpu.memory_space<vmem>>)
      tpu.yield
    }) : () -> ()
    "tpu.region"() ({
      %run_scoped3A = tpu.sem_alloc : memref<!tpu.dma_semaphore, #tpu.memory_space<semaphore_mem>>
      %dma_start3A = arith.constant 0 : i32
      %dma_start3A_44 = arith.constant 0 : i32
      %dma_start3A_45 = tpu.memref_slice %arg9[%dma_start3A, %dma_start3A_44] : memref<1024x16xf32, #tpu.memory_space<vmem>> -> memref<800x16xf32, #tpu.memory_space<vmem>>
      %dma_start3A_46 = arith.constant 0 : i32
      %dma_start3A_47 = tpu.memref_slice %arg6[%arg0, %add3A_33, %dma_start3A_46] : memref<2x102400x16xf32, #tpu.memory_space<hbm>> -> memref<1x800x16xf32, #tpu.memory_space<hbm>>
      %dma_start3A_48 = tpu.memref_squeeze %dma_start3A_47 : memref<1x800x16xf32, #tpu.memory_space<hbm>> -> memref<800x16xf32, #tpu.memory_space<hbm>>
      %dma_start3A_49 = arith.constant 0 : i32
      %dma_start3A_50 = tpu.memref_slice %arg6[%arg0, %add3A_33, %dma_start3A_49] : memref<2x102400x16xf32, #tpu.memory_space<hbm>> -> memref<1x800x16xf32, #tpu.memory_space<hbm>>
      %dma_start3A_51 = tpu.memref_squeeze %dma_start3A_50 : memref<1x800x16xf32, #tpu.memory_space<hbm>> -> memref<800x16xf32, #tpu.memory_space<hbm>>
      %dma_start3A_52 = arith.constant 0 : i32
      %dma_start3A_53 = arith.constant 0 : i32
      %dma_start3A_54 = tpu.memref_slice %arg9[%dma_start3A_52, %dma_start3A_53] : memref<1024x16xf32, #tpu.memory_space<vmem>> -> memref<800x16xf32, #tpu.memory_space<vmem>>
      tpu.enqueue_dma source(%dma_start3A_54 : memref<800x16xf32, #tpu.memory_space<vmem>>) target(%dma_start3A_51 : memref<800x16xf32, #tpu.memory_space<hbm>>) target_semaphore(%run_scoped3A : memref<!tpu.dma_semaphore, #tpu.memory_space<semaphore_mem>>)
      %dma_wait3A = arith.constant 0 : i32
      %dma_wait3A_55 = arith.constant 0 : i32
      %dma_wait3A_56 = tpu.memref_slice %arg9[%dma_wait3A, %dma_wait3A_55] : memref<1024x16xf32, #tpu.memory_space<vmem>> -> memref<800x16xf32, #tpu.memory_space<vmem>>
      %dma_wait3A_57 = arith.constant 0 : i32
      %dma_wait3A_58 = tpu.memref_slice %arg6[%arg0, %add3A_33, %dma_wait3A_57] : memref<2x102400x16xf32, #tpu.memory_space<hbm>> -> memref<1x800x16xf32, #tpu.memory_space<hbm>>
      %dma_wait3A_59 = tpu.memref_squeeze %dma_wait3A_58 : memref<1x800x16xf32, #tpu.memory_space<hbm>> -> memref<800x16xf32, #tpu.memory_space<hbm>>
      %dma_wait3A_60 = arith.constant 0 : i32
      %dma_wait3A_61 = tpu.memref_slice %arg6[%arg0, %add3A_33, %dma_wait3A_60] : memref<2x102400x16xf32, #tpu.memory_space<hbm>> -> memref<1x800x16xf32, #tpu.memory_space<hbm>>
      %dma_wait3A_62 = tpu.memref_squeeze %dma_wait3A_61 : memref<1x800x16xf32, #tpu.memory_space<hbm>> -> memref<800x16xf32, #tpu.memory_space<hbm>>
      %dma_wait3A_63 = arith.constant 0 : i32
      %dma_wait3A_64 = arith.constant 0 : i32
      %dma_wait3A_65 = tpu.memref_slice %arg9[%dma_wait3A_63, %dma_wait3A_64] : memref<1024x16xf32, #tpu.memory_space<vmem>> -> memref<800x16xf32, #tpu.memory_space<vmem>>
      tpu.wait_dma2 semaphore(%run_scoped3A : memref<!tpu.dma_semaphore, #tpu.memory_space<semaphore_mem>>) src(%dma_wait3A_65 : memref<800x16xf32, #tpu.memory_space<vmem>>) dst(%dma_wait3A_62 : memref<800x16xf32, #tpu.memory_space<hbm>>)
      tpu.yield
    }) : () -> ()
    %add3A_34 = arith.constant 2400 : i32
    %add3A_35 = arith.addi %mul3A_2, %add3A_34 : i32
    "tpu.region"() ({
      %run_scoped3A = tpu.sem_alloc : memref<!tpu.dma_semaphore, #tpu.memory_space<semaphore_mem>>
      %dma_start3A = arith.constant 0 : i32
      %dma_start3A_44 = arith.constant 0 : i32
      %dma_start3A_45 = tpu.memref_slice %arg9[%dma_start3A, %dma_start3A_44] : memref<1024x16xf32, #tpu.memory_space<vmem>> -> memref<800x16xf32, #tpu.memory_space<vmem>>
      %dma_start3A_46 = arith.constant 0 : i32
      %dma_start3A_47 = tpu.memref_slice %arg10[%add3A_35, %dma_start3A_46] : memref<102400x16xf32, #tpu.memory_space<vmem_shared>> -> memref<800x16xf32, #tpu.memory_space<vmem_shared>>
      %dma_start3A_48 = arith.constant 0 : i32
      %dma_start3A_49 = arith.constant 0 : i32
      %dma_start3A_50 = tpu.memref_slice %arg9[%dma_start3A_48, %dma_start3A_49] : memref<1024x16xf32, #tpu.memory_space<vmem>> -> memref<800x16xf32, #tpu.memory_space<vmem>>
      %dma_start3A_51 = arith.constant 0 : i32
      %dma_start3A_52 = tpu.memref_slice %arg10[%add3A_35, %dma_start3A_51] : memref<102400x16xf32, #tpu.memory_space<vmem_shared>> -> memref<800x16xf32, #tpu.memory_space<vmem_shared>>
      tpu.enqueue_dma source(%dma_start3A_52 : memref<800x16xf32, #tpu.memory_space<vmem_shared>>) target(%dma_start3A_50 : memref<800x16xf32, #tpu.memory_space<vmem>>) target_semaphore(%run_scoped3A : memref<!tpu.dma_semaphore, #tpu.memory_space<semaphore_mem>>)
      %dma_wait3A = arith.constant 0 : i32
      %dma_wait3A_53 = arith.constant 0 : i32
      %dma_wait3A_54 = tpu.memref_slice %arg9[%dma_wait3A, %dma_wait3A_53] : memref<1024x16xf32, #tpu.memory_space<vmem>> -> memref<800x16xf32, #tpu.memory_space<vmem>>
      %dma_wait3A_55 = arith.constant 0 : i32
      %dma_wait3A_56 = tpu.memref_slice %arg10[%add3A_35, %dma_wait3A_55] : memref<102400x16xf32, #tpu.memory_space<vmem_shared>> -> memref<800x16xf32, #tpu.memory_space<vmem_shared>>
      %dma_wait3A_57 = arith.constant 0 : i32
      %dma_wait3A_58 = arith.constant 0 : i32
      %dma_wait3A_59 = tpu.memref_slice %arg9[%dma_wait3A_57, %dma_wait3A_58] : memref<1024x16xf32, #tpu.memory_space<vmem>> -> memref<800x16xf32, #tpu.memory_space<vmem>>
      %dma_wait3A_60 = arith.constant 0 : i32
      %dma_wait3A_61 = tpu.memref_slice %arg10[%add3A_35, %dma_wait3A_60] : memref<102400x16xf32, #tpu.memory_space<vmem_shared>> -> memref<800x16xf32, #tpu.memory_space<vmem_shared>>
      tpu.wait_dma2 semaphore(%run_scoped3A : memref<!tpu.dma_semaphore, #tpu.memory_space<semaphore_mem>>) src(%dma_wait3A_61 : memref<800x16xf32, #tpu.memory_space<vmem_shared>>) dst(%dma_wait3A_59 : memref<800x16xf32, #tpu.memory_space<vmem>>)
      tpu.yield
    }) : () -> ()
    "tpu.region"() ({
      %run_scoped3A = tpu.sem_alloc : memref<!tpu.dma_semaphore, #tpu.memory_space<semaphore_mem>>
      %dma_start3A = arith.constant 0 : i32
      %dma_start3A_44 = arith.constant 0 : i32
      %dma_start3A_45 = tpu.memref_slice %arg9[%dma_start3A, %dma_start3A_44] : memref<1024x16xf32, #tpu.memory_space<vmem>> -> memref<800x16xf32, #tpu.memory_space<vmem>>
      %dma_start3A_46 = arith.constant 0 : i32
      %dma_start3A_47 = tpu.memref_slice %arg6[%arg0, %add3A_35, %dma_start3A_46] : memref<2x102400x16xf32, #tpu.memory_space<hbm>> -> memref<1x800x16xf32, #tpu.memory_space<hbm>>
      %dma_start3A_48 = tpu.memref_squeeze %dma_start3A_47 : memref<1x800x16xf32, #tpu.memory_space<hbm>> -> memref<800x16xf32, #tpu.memory_space<hbm>>
      %dma_start3A_49 = arith.constant 0 : i32
      %dma_start3A_50 = tpu.memref_slice %arg6[%arg0, %add3A_35, %dma_start3A_49] : memref<2x102400x16xf32, #tpu.memory_space<hbm>> -> memref<1x800x16xf32, #tpu.memory_space<hbm>>
      %dma_start3A_51 = tpu.memref_squeeze %dma_start3A_50 : memref<1x800x16xf32, #tpu.memory_space<hbm>> -> memref<800x16xf32, #tpu.memory_space<hbm>>
      %dma_start3A_52 = arith.constant 0 : i32
      %dma_start3A_53 = arith.constant 0 : i32
      %dma_start3A_54 = tpu.memref_slice %arg9[%dma_start3A_52, %dma_start3A_53] : memref<1024x16xf32, #tpu.memory_space<vmem>> -> memref<800x16xf32, #tpu.memory_space<vmem>>
      tpu.enqueue_dma source(%dma_start3A_54 : memref<800x16xf32, #tpu.memory_space<vmem>>) target(%dma_start3A_51 : memref<800x16xf32, #tpu.memory_space<hbm>>) target_semaphore(%run_scoped3A : memref<!tpu.dma_semaphore, #tpu.memory_space<semaphore_mem>>)
      %dma_wait3A = arith.constant 0 : i32
      %dma_wait3A_55 = arith.constant 0 : i32
      %dma_wait3A_56 = tpu.memref_slice %arg9[%dma_wait3A, %dma_wait3A_55] : memref<1024x16xf32, #tpu.memory_space<vmem>> -> memref<800x16xf32, #tpu.memory_space<vmem>>
      %dma_wait3A_57 = arith.constant 0 : i32
      %dma_wait3A_58 = tpu.memref_slice %arg6[%arg0, %add3A_35, %dma_wait3A_57] : memref<2x102400x16xf32, #tpu.memory_space<hbm>> -> memref<1x800x16xf32, #tpu.memory_space<hbm>>
      %dma_wait3A_59 = tpu.memref_squeeze %dma_wait3A_58 : memref<1x800x16xf32, #tpu.memory_space<hbm>> -> memref<800x16xf32, #tpu.memory_space<hbm>>
      %dma_wait3A_60 = arith.constant 0 : i32
      %dma_wait3A_61 = tpu.memref_slice %arg6[%arg0, %add3A_35, %dma_wait3A_60] : memref<2x102400x16xf32, #tpu.memory_space<hbm>> -> memref<1x800x16xf32, #tpu.memory_space<hbm>>
      %dma_wait3A_62 = tpu.memref_squeeze %dma_wait3A_61 : memref<1x800x16xf32, #tpu.memory_space<hbm>> -> memref<800x16xf32, #tpu.memory_space<hbm>>
      %dma_wait3A_63 = arith.constant 0 : i32
      %dma_wait3A_64 = arith.constant 0 : i32
      %dma_wait3A_65 = tpu.memref_slice %arg9[%dma_wait3A_63, %dma_wait3A_64] : memref<1024x16xf32, #tpu.memory_space<vmem>> -> memref<800x16xf32, #tpu.memory_space<vmem>>
      tpu.wait_dma2 semaphore(%run_scoped3A : memref<!tpu.dma_semaphore, #tpu.memory_space<semaphore_mem>>) src(%dma_wait3A_65 : memref<800x16xf32, #tpu.memory_space<vmem>>) dst(%dma_wait3A_62 : memref<800x16xf32, #tpu.memory_space<hbm>>)
      tpu.yield
    }) : () -> ()
    %add3A_36 = arith.constant 3200 : i32
    %add3A_37 = arith.addi %mul3A_2, %add3A_36 : i32
    "tpu.region"() ({
      %run_scoped3A = tpu.sem_alloc : memref<!tpu.dma_semaphore, #tpu.memory_space<semaphore_mem>>
      %dma_start3A = arith.constant 0 : i32
      %dma_start3A_44 = arith.constant 0 : i32
      %dma_start3A_45 = tpu.memref_slice %arg9[%dma_start3A, %dma_start3A_44] : memref<1024x16xf32, #tpu.memory_space<vmem>> -> memref<800x16xf32, #tpu.memory_space<vmem>>
      %dma_start3A_46 = arith.constant 0 : i32
      %dma_start3A_47 = tpu.memref_slice %arg10[%add3A_37, %dma_start3A_46] : memref<102400x16xf32, #tpu.memory_space<vmem_shared>> -> memref<800x16xf32, #tpu.memory_space<vmem_shared>>
      %dma_start3A_48 = arith.constant 0 : i32
      %dma_start3A_49 = arith.constant 0 : i32
      %dma_start3A_50 = tpu.memref_slice %arg9[%dma_start3A_48, %dma_start3A_49] : memref<1024x16xf32, #tpu.memory_space<vmem>> -> memref<800x16xf32, #tpu.memory_space<vmem>>
      %dma_start3A_51 = arith.constant 0 : i32
      %dma_start3A_52 = tpu.memref_slice %arg10[%add3A_37, %dma_start3A_51] : memref<102400x16xf32, #tpu.memory_space<vmem_shared>> -> memref<800x16xf32, #tpu.memory_space<vmem_shared>>
      tpu.enqueue_dma source(%dma_start3A_52 : memref<800x16xf32, #tpu.memory_space<vmem_shared>>) target(%dma_start3A_50 : memref<800x16xf32, #tpu.memory_space<vmem>>) target_semaphore(%run_scoped3A : memref<!tpu.dma_semaphore, #tpu.memory_space<semaphore_mem>>)
      %dma_wait3A = arith.constant 0 : i32
      %dma_wait3A_53 = arith.constant 0 : i32
      %dma_wait3A_54 = tpu.memref_slice %arg9[%dma_wait3A, %dma_wait3A_53] : memref<1024x16xf32, #tpu.memory_space<vmem>> -> memref<800x16xf32, #tpu.memory_space<vmem>>
      %dma_wait3A_55 = arith.constant 0 : i32
      %dma_wait3A_56 = tpu.memref_slice %arg10[%add3A_37, %dma_wait3A_55] : memref<102400x16xf32, #tpu.memory_space<vmem_shared>> -> memref<800x16xf32, #tpu.memory_space<vmem_shared>>
      %dma_wait3A_57 = arith.constant 0 : i32
      %dma_wait3A_58 = arith.constant 0 : i32
      %dma_wait3A_59 = tpu.memref_slice %arg9[%dma_wait3A_57, %dma_wait3A_58] : memref<1024x16xf32, #tpu.memory_space<vmem>> -> memref<800x16xf32, #tpu.memory_space<vmem>>
      %dma_wait3A_60 = arith.constant 0 : i32
      %dma_wait3A_61 = tpu.memref_slice %arg10[%add3A_37, %dma_wait3A_60] : memref<102400x16xf32, #tpu.memory_space<vmem_shared>> -> memref<800x16xf32, #tpu.memory_space<vmem_shared>>
      tpu.wait_dma2 semaphore(%run_scoped3A : memref<!tpu.dma_semaphore, #tpu.memory_space<semaphore_mem>>) src(%dma_wait3A_61 : memref<800x16xf32, #tpu.memory_space<vmem_shared>>) dst(%dma_wait3A_59 : memref<800x16xf32, #tpu.memory_space<vmem>>)
      tpu.yield
    }) : () -> ()
    "tpu.region"() ({
      %run_scoped3A = tpu.sem_alloc : memref<!tpu.dma_semaphore, #tpu.memory_space<semaphore_mem>>
      %dma_start3A = arith.constant 0 : i32
      %dma_start3A_44 = arith.constant 0 : i32
      %dma_start3A_45 = tpu.memref_slice %arg9[%dma_start3A, %dma_start3A_44] : memref<1024x16xf32, #tpu.memory_space<vmem>> -> memref<800x16xf32, #tpu.memory_space<vmem>>
      %dma_start3A_46 = arith.constant 0 : i32
      %dma_start3A_47 = tpu.memref_slice %arg6[%arg0, %add3A_37, %dma_start3A_46] : memref<2x102400x16xf32, #tpu.memory_space<hbm>> -> memref<1x800x16xf32, #tpu.memory_space<hbm>>
      %dma_start3A_48 = tpu.memref_squeeze %dma_start3A_47 : memref<1x800x16xf32, #tpu.memory_space<hbm>> -> memref<800x16xf32, #tpu.memory_space<hbm>>
      %dma_start3A_49 = arith.constant 0 : i32
      %dma_start3A_50 = tpu.memref_slice %arg6[%arg0, %add3A_37, %dma_start3A_49] : memref<2x102400x16xf32, #tpu.memory_space<hbm>> -> memref<1x800x16xf32, #tpu.memory_space<hbm>>
      %dma_start3A_51 = tpu.memref_squeeze %dma_start3A_50 : memref<1x800x16xf32, #tpu.memory_space<hbm>> -> memref<800x16xf32, #tpu.memory_space<hbm>>
      %dma_start3A_52 = arith.constant 0 : i32
      %dma_start3A_53 = arith.constant 0 : i32
      %dma_start3A_54 = tpu.memref_slice %arg9[%dma_start3A_52, %dma_start3A_53] : memref<1024x16xf32, #tpu.memory_space<vmem>> -> memref<800x16xf32, #tpu.memory_space<vmem>>
      tpu.enqueue_dma source(%dma_start3A_54 : memref<800x16xf32, #tpu.memory_space<vmem>>) target(%dma_start3A_51 : memref<800x16xf32, #tpu.memory_space<hbm>>) target_semaphore(%run_scoped3A : memref<!tpu.dma_semaphore, #tpu.memory_space<semaphore_mem>>)
      %dma_wait3A = arith.constant 0 : i32
      %dma_wait3A_55 = arith.constant 0 : i32
      %dma_wait3A_56 = tpu.memref_slice %arg9[%dma_wait3A, %dma_wait3A_55] : memref<1024x16xf32, #tpu.memory_space<vmem>> -> memref<800x16xf32, #tpu.memory_space<vmem>>
      %dma_wait3A_57 = arith.constant 0 : i32
      %dma_wait3A_58 = tpu.memref_slice %arg6[%arg0, %add3A_37, %dma_wait3A_57] : memref<2x102400x16xf32, #tpu.memory_space<hbm>> -> memref<1x800x16xf32, #tpu.memory_space<hbm>>
      %dma_wait3A_59 = tpu.memref_squeeze %dma_wait3A_58 : memref<1x800x16xf32, #tpu.memory_space<hbm>> -> memref<800x16xf32, #tpu.memory_space<hbm>>
      %dma_wait3A_60 = arith.constant 0 : i32
      %dma_wait3A_61 = tpu.memref_slice %arg6[%arg0, %add3A_37, %dma_wait3A_60] : memref<2x102400x16xf32, #tpu.memory_space<hbm>> -> memref<1x800x16xf32, #tpu.memory_space<hbm>>
      %dma_wait3A_62 = tpu.memref_squeeze %dma_wait3A_61 : memref<1x800x16xf32, #tpu.memory_space<hbm>> -> memref<800x16xf32, #tpu.memory_space<hbm>>
      %dma_wait3A_63 = arith.constant 0 : i32
      %dma_wait3A_64 = arith.constant 0 : i32
      %dma_wait3A_65 = tpu.memref_slice %arg9[%dma_wait3A_63, %dma_wait3A_64] : memref<1024x16xf32, #tpu.memory_space<vmem>> -> memref<800x16xf32, #tpu.memory_space<vmem>>
      tpu.wait_dma2 semaphore(%run_scoped3A : memref<!tpu.dma_semaphore, #tpu.memory_space<semaphore_mem>>) src(%dma_wait3A_65 : memref<800x16xf32, #tpu.memory_space<vmem>>) dst(%dma_wait3A_62 : memref<800x16xf32, #tpu.memory_space<hbm>>)
      tpu.yield
    }) : () -> ()
    %add3A_38 = arith.constant 4000 : i32
    %add3A_39 = arith.addi %mul3A_2, %add3A_38 : i32
    "tpu.region"() ({
      %run_scoped3A = tpu.sem_alloc : memref<!tpu.dma_semaphore, #tpu.memory_space<semaphore_mem>>
      %dma_start3A = arith.constant 0 : i32
      %dma_start3A_44 = arith.constant 0 : i32
      %dma_start3A_45 = tpu.memref_slice %arg9[%dma_start3A, %dma_start3A_44] : memref<1024x16xf32, #tpu.memory_space<vmem>> -> memref<800x16xf32, #tpu.memory_space<vmem>>
      %dma_start3A_46 = arith.constant 0 : i32
      %dma_start3A_47 = tpu.memref_slice %arg10[%add3A_39, %dma_start3A_46] : memref<102400x16xf32, #tpu.memory_space<vmem_shared>> -> memref<800x16xf32, #tpu.memory_space<vmem_shared>>
      %dma_start3A_48 = arith.constant 0 : i32
      %dma_start3A_49 = arith.constant 0 : i32
      %dma_start3A_50 = tpu.memref_slice %arg9[%dma_start3A_48, %dma_start3A_49] : memref<1024x16xf32, #tpu.memory_space<vmem>> -> memref<800x16xf32, #tpu.memory_space<vmem>>
      %dma_start3A_51 = arith.constant 0 : i32
      %dma_start3A_52 = tpu.memref_slice %arg10[%add3A_39, %dma_start3A_51] : memref<102400x16xf32, #tpu.memory_space<vmem_shared>> -> memref<800x16xf32, #tpu.memory_space<vmem_shared>>
      tpu.enqueue_dma source(%dma_start3A_52 : memref<800x16xf32, #tpu.memory_space<vmem_shared>>) target(%dma_start3A_50 : memref<800x16xf32, #tpu.memory_space<vmem>>) target_semaphore(%run_scoped3A : memref<!tpu.dma_semaphore, #tpu.memory_space<semaphore_mem>>)
      %dma_wait3A = arith.constant 0 : i32
      %dma_wait3A_53 = arith.constant 0 : i32
      %dma_wait3A_54 = tpu.memref_slice %arg9[%dma_wait3A, %dma_wait3A_53] : memref<1024x16xf32, #tpu.memory_space<vmem>> -> memref<800x16xf32, #tpu.memory_space<vmem>>
      %dma_wait3A_55 = arith.constant 0 : i32
      %dma_wait3A_56 = tpu.memref_slice %arg10[%add3A_39, %dma_wait3A_55] : memref<102400x16xf32, #tpu.memory_space<vmem_shared>> -> memref<800x16xf32, #tpu.memory_space<vmem_shared>>
      %dma_wait3A_57 = arith.constant 0 : i32
      %dma_wait3A_58 = arith.constant 0 : i32
      %dma_wait3A_59 = tpu.memref_slice %arg9[%dma_wait3A_57, %dma_wait3A_58] : memref<1024x16xf32, #tpu.memory_space<vmem>> -> memref<800x16xf32, #tpu.memory_space<vmem>>
      %dma_wait3A_60 = arith.constant 0 : i32
      %dma_wait3A_61 = tpu.memref_slice %arg10[%add3A_39, %dma_wait3A_60] : memref<102400x16xf32, #tpu.memory_space<vmem_shared>> -> memref<800x16xf32, #tpu.memory_space<vmem_shared>>
      tpu.wait_dma2 semaphore(%run_scoped3A : memref<!tpu.dma_semaphore, #tpu.memory_space<semaphore_mem>>) src(%dma_wait3A_61 : memref<800x16xf32, #tpu.memory_space<vmem_shared>>) dst(%dma_wait3A_59 : memref<800x16xf32, #tpu.memory_space<vmem>>)
      tpu.yield
    }) : () -> ()
    "tpu.region"() ({
      %run_scoped3A = tpu.sem_alloc : memref<!tpu.dma_semaphore, #tpu.memory_space<semaphore_mem>>
      %dma_start3A = arith.constant 0 : i32
      %dma_start3A_44 = arith.constant 0 : i32
      %dma_start3A_45 = tpu.memref_slice %arg9[%dma_start3A, %dma_start3A_44] : memref<1024x16xf32, #tpu.memory_space<vmem>> -> memref<800x16xf32, #tpu.memory_space<vmem>>
      %dma_start3A_46 = arith.constant 0 : i32
      %dma_start3A_47 = tpu.memref_slice %arg6[%arg0, %add3A_39, %dma_start3A_46] : memref<2x102400x16xf32, #tpu.memory_space<hbm>> -> memref<1x800x16xf32, #tpu.memory_space<hbm>>
      %dma_start3A_48 = tpu.memref_squeeze %dma_start3A_47 : memref<1x800x16xf32, #tpu.memory_space<hbm>> -> memref<800x16xf32, #tpu.memory_space<hbm>>
      %dma_start3A_49 = arith.constant 0 : i32
      %dma_start3A_50 = tpu.memref_slice %arg6[%arg0, %add3A_39, %dma_start3A_49] : memref<2x102400x16xf32, #tpu.memory_space<hbm>> -> memref<1x800x16xf32, #tpu.memory_space<hbm>>
      %dma_start3A_51 = tpu.memref_squeeze %dma_start3A_50 : memref<1x800x16xf32, #tpu.memory_space<hbm>> -> memref<800x16xf32, #tpu.memory_space<hbm>>
      %dma_start3A_52 = arith.constant 0 : i32
      %dma_start3A_53 = arith.constant 0 : i32
      %dma_start3A_54 = tpu.memref_slice %arg9[%dma_start3A_52, %dma_start3A_53] : memref<1024x16xf32, #tpu.memory_space<vmem>> -> memref<800x16xf32, #tpu.memory_space<vmem>>
      tpu.enqueue_dma source(%dma_start3A_54 : memref<800x16xf32, #tpu.memory_space<vmem>>) target(%dma_start3A_51 : memref<800x16xf32, #tpu.memory_space<hbm>>) target_semaphore(%run_scoped3A : memref<!tpu.dma_semaphore, #tpu.memory_space<semaphore_mem>>)
      %dma_wait3A = arith.constant 0 : i32
      %dma_wait3A_55 = arith.constant 0 : i32
      %dma_wait3A_56 = tpu.memref_slice %arg9[%dma_wait3A, %dma_wait3A_55] : memref<1024x16xf32, #tpu.memory_space<vmem>> -> memref<800x16xf32, #tpu.memory_space<vmem>>
      %dma_wait3A_57 = arith.constant 0 : i32
      %dma_wait3A_58 = tpu.memref_slice %arg6[%arg0, %add3A_39, %dma_wait3A_57] : memref<2x102400x16xf32, #tpu.memory_space<hbm>> -> memref<1x800x16xf32, #tpu.memory_space<hbm>>
      %dma_wait3A_59 = tpu.memref_squeeze %dma_wait3A_58 : memref<1x800x16xf32, #tpu.memory_space<hbm>> -> memref<800x16xf32, #tpu.memory_space<hbm>>
      %dma_wait3A_60 = arith.constant 0 : i32
      %dma_wait3A_61 = tpu.memref_slice %arg6[%arg0, %add3A_39, %dma_wait3A_60] : memref<2x102400x16xf32, #tpu.memory_space<hbm>> -> memref<1x800x16xf32, #tpu.memory_space<hbm>>
      %dma_wait3A_62 = tpu.memref_squeeze %dma_wait3A_61 : memref<1x800x16xf32, #tpu.memory_space<hbm>> -> memref<800x16xf32, #tpu.memory_space<hbm>>
      %dma_wait3A_63 = arith.constant 0 : i32
      %dma_wait3A_64 = arith.constant 0 : i32
      %dma_wait3A_65 = tpu.memref_slice %arg9[%dma_wait3A_63, %dma_wait3A_64] : memref<1024x16xf32, #tpu.memory_space<vmem>> -> memref<800x16xf32, #tpu.memory_space<vmem>>
      tpu.wait_dma2 semaphore(%run_scoped3A : memref<!tpu.dma_semaphore, #tpu.memory_space<semaphore_mem>>) src(%dma_wait3A_65 : memref<800x16xf32, #tpu.memory_space<vmem>>) dst(%dma_wait3A_62 : memref<800x16xf32, #tpu.memory_space<hbm>>)
      tpu.yield
    }) : () -> ()
    %add3A_40 = arith.constant 4800 : i32
    %add3A_41 = arith.addi %mul3A_2, %add3A_40 : i32
    "tpu.region"() ({
      %run_scoped3A = tpu.sem_alloc : memref<!tpu.dma_semaphore, #tpu.memory_space<semaphore_mem>>
      %dma_start3A = arith.constant 0 : i32
      %dma_start3A_44 = arith.constant 0 : i32
      %dma_start3A_45 = tpu.memref_slice %arg9[%dma_start3A, %dma_start3A_44] : memref<1024x16xf32, #tpu.memory_space<vmem>> -> memref<800x16xf32, #tpu.memory_space<vmem>>
      %dma_start3A_46 = arith.constant 0 : i32
      %dma_start3A_47 = tpu.memref_slice %arg10[%add3A_41, %dma_start3A_46] : memref<102400x16xf32, #tpu.memory_space<vmem_shared>> -> memref<800x16xf32, #tpu.memory_space<vmem_shared>>
      %dma_start3A_48 = arith.constant 0 : i32
      %dma_start3A_49 = arith.constant 0 : i32
      %dma_start3A_50 = tpu.memref_slice %arg9[%dma_start3A_48, %dma_start3A_49] : memref<1024x16xf32, #tpu.memory_space<vmem>> -> memref<800x16xf32, #tpu.memory_space<vmem>>
      %dma_start3A_51 = arith.constant 0 : i32
      %dma_start3A_52 = tpu.memref_slice %arg10[%add3A_41, %dma_start3A_51] : memref<102400x16xf32, #tpu.memory_space<vmem_shared>> -> memref<800x16xf32, #tpu.memory_space<vmem_shared>>
      tpu.enqueue_dma source(%dma_start3A_52 : memref<800x16xf32, #tpu.memory_space<vmem_shared>>) target(%dma_start3A_50 : memref<800x16xf32, #tpu.memory_space<vmem>>) target_semaphore(%run_scoped3A : memref<!tpu.dma_semaphore, #tpu.memory_space<semaphore_mem>>)
      %dma_wait3A = arith.constant 0 : i32
      %dma_wait3A_53 = arith.constant 0 : i32
      %dma_wait3A_54 = tpu.memref_slice %arg9[%dma_wait3A, %dma_wait3A_53] : memref<1024x16xf32, #tpu.memory_space<vmem>> -> memref<800x16xf32, #tpu.memory_space<vmem>>
      %dma_wait3A_55 = arith.constant 0 : i32
      %dma_wait3A_56 = tpu.memref_slice %arg10[%add3A_41, %dma_wait3A_55] : memref<102400x16xf32, #tpu.memory_space<vmem_shared>> -> memref<800x16xf32, #tpu.memory_space<vmem_shared>>
      %dma_wait3A_57 = arith.constant 0 : i32
      %dma_wait3A_58 = arith.constant 0 : i32
      %dma_wait3A_59 = tpu.memref_slice %arg9[%dma_wait3A_57, %dma_wait3A_58] : memref<1024x16xf32, #tpu.memory_space<vmem>> -> memref<800x16xf32, #tpu.memory_space<vmem>>
      %dma_wait3A_60 = arith.constant 0 : i32
      %dma_wait3A_61 = tpu.memref_slice %arg10[%add3A_41, %dma_wait3A_60] : memref<102400x16xf32, #tpu.memory_space<vmem_shared>> -> memref<800x16xf32, #tpu.memory_space<vmem_shared>>
      tpu.wait_dma2 semaphore(%run_scoped3A : memref<!tpu.dma_semaphore, #tpu.memory_space<semaphore_mem>>) src(%dma_wait3A_61 : memref<800x16xf32, #tpu.memory_space<vmem_shared>>) dst(%dma_wait3A_59 : memref<800x16xf32, #tpu.memory_space<vmem>>)
      tpu.yield
    }) : () -> ()
    "tpu.region"() ({
      %run_scoped3A = tpu.sem_alloc : memref<!tpu.dma_semaphore, #tpu.memory_space<semaphore_mem>>
      %dma_start3A = arith.constant 0 : i32
      %dma_start3A_44 = arith.constant 0 : i32
      %dma_start3A_45 = tpu.memref_slice %arg9[%dma_start3A, %dma_start3A_44] : memref<1024x16xf32, #tpu.memory_space<vmem>> -> memref<800x16xf32, #tpu.memory_space<vmem>>
      %dma_start3A_46 = arith.constant 0 : i32
      %dma_start3A_47 = tpu.memref_slice %arg6[%arg0, %add3A_41, %dma_start3A_46] : memref<2x102400x16xf32, #tpu.memory_space<hbm>> -> memref<1x800x16xf32, #tpu.memory_space<hbm>>
      %dma_start3A_48 = tpu.memref_squeeze %dma_start3A_47 : memref<1x800x16xf32, #tpu.memory_space<hbm>> -> memref<800x16xf32, #tpu.memory_space<hbm>>
      %dma_start3A_49 = arith.constant 0 : i32
      %dma_start3A_50 = tpu.memref_slice %arg6[%arg0, %add3A_41, %dma_start3A_49] : memref<2x102400x16xf32, #tpu.memory_space<hbm>> -> memref<1x800x16xf32, #tpu.memory_space<hbm>>
      %dma_start3A_51 = tpu.memref_squeeze %dma_start3A_50 : memref<1x800x16xf32, #tpu.memory_space<hbm>> -> memref<800x16xf32, #tpu.memory_space<hbm>>
      %dma_start3A_52 = arith.constant 0 : i32
      %dma_start3A_53 = arith.constant 0 : i32
      %dma_start3A_54 = tpu.memref_slice %arg9[%dma_start3A_52, %dma_start3A_53] : memref<1024x16xf32, #tpu.memory_space<vmem>> -> memref<800x16xf32, #tpu.memory_space<vmem>>
      tpu.enqueue_dma source(%dma_start3A_54 : memref<800x16xf32, #tpu.memory_space<vmem>>) target(%dma_start3A_51 : memref<800x16xf32, #tpu.memory_space<hbm>>) target_semaphore(%run_scoped3A : memref<!tpu.dma_semaphore, #tpu.memory_space<semaphore_mem>>)
      %dma_wait3A = arith.constant 0 : i32
      %dma_wait3A_55 = arith.constant 0 : i32
      %dma_wait3A_56 = tpu.memref_slice %arg9[%dma_wait3A, %dma_wait3A_55] : memref<1024x16xf32, #tpu.memory_space<vmem>> -> memref<800x16xf32, #tpu.memory_space<vmem>>
      %dma_wait3A_57 = arith.constant 0 : i32
      %dma_wait3A_58 = tpu.memref_slice %arg6[%arg0, %add3A_41, %dma_wait3A_57] : memref<2x102400x16xf32, #tpu.memory_space<hbm>> -> memref<1x800x16xf32, #tpu.memory_space<hbm>>
      %dma_wait3A_59 = tpu.memref_squeeze %dma_wait3A_58 : memref<1x800x16xf32, #tpu.memory_space<hbm>> -> memref<800x16xf32, #tpu.memory_space<hbm>>
      %dma_wait3A_60 = arith.constant 0 : i32
      %dma_wait3A_61 = tpu.memref_slice %arg6[%arg0, %add3A_41, %dma_wait3A_60] : memref<2x102400x16xf32, #tpu.memory_space<hbm>> -> memref<1x800x16xf32, #tpu.memory_space<hbm>>
      %dma_wait3A_62 = tpu.memref_squeeze %dma_wait3A_61 : memref<1x800x16xf32, #tpu.memory_space<hbm>> -> memref<800x16xf32, #tpu.memory_space<hbm>>
      %dma_wait3A_63 = arith.constant 0 : i32
      %dma_wait3A_64 = arith.constant 0 : i32
      %dma_wait3A_65 = tpu.memref_slice %arg9[%dma_wait3A_63, %dma_wait3A_64] : memref<1024x16xf32, #tpu.memory_space<vmem>> -> memref<800x16xf32, #tpu.memory_space<vmem>>
      tpu.wait_dma2 semaphore(%run_scoped3A : memref<!tpu.dma_semaphore, #tpu.memory_space<semaphore_mem>>) src(%dma_wait3A_65 : memref<800x16xf32, #tpu.memory_space<vmem>>) dst(%dma_wait3A_62 : memref<800x16xf32, #tpu.memory_space<hbm>>)
      tpu.yield
    }) : () -> ()
    %add3A_42 = arith.constant 5600 : i32
    %add3A_43 = arith.addi %mul3A_2, %add3A_42 : i32
    "tpu.region"() ({
      %run_scoped3A = tpu.sem_alloc : memref<!tpu.dma_semaphore, #tpu.memory_space<semaphore_mem>>
      %dma_start3A = arith.constant 0 : i32
      %dma_start3A_44 = arith.constant 0 : i32
      %dma_start3A_45 = tpu.memref_slice %arg9[%dma_start3A, %dma_start3A_44] : memref<1024x16xf32, #tpu.memory_space<vmem>> -> memref<800x16xf32, #tpu.memory_space<vmem>>
      %dma_start3A_46 = arith.constant 0 : i32
      %dma_start3A_47 = tpu.memref_slice %arg10[%add3A_43, %dma_start3A_46] : memref<102400x16xf32, #tpu.memory_space<vmem_shared>> -> memref<800x16xf32, #tpu.memory_space<vmem_shared>>
      %dma_start3A_48 = arith.constant 0 : i32
      %dma_start3A_49 = arith.constant 0 : i32
      %dma_start3A_50 = tpu.memref_slice %arg9[%dma_start3A_48, %dma_start3A_49] : memref<1024x16xf32, #tpu.memory_space<vmem>> -> memref<800x16xf32, #tpu.memory_space<vmem>>
      %dma_start3A_51 = arith.constant 0 : i32
      %dma_start3A_52 = tpu.memref_slice %arg10[%add3A_43, %dma_start3A_51] : memref<102400x16xf32, #tpu.memory_space<vmem_shared>> -> memref<800x16xf32, #tpu.memory_space<vmem_shared>>
      tpu.enqueue_dma source(%dma_start3A_52 : memref<800x16xf32, #tpu.memory_space<vmem_shared>>) target(%dma_start3A_50 : memref<800x16xf32, #tpu.memory_space<vmem>>) target_semaphore(%run_scoped3A : memref<!tpu.dma_semaphore, #tpu.memory_space<semaphore_mem>>)
      %dma_wait3A = arith.constant 0 : i32
      %dma_wait3A_53 = arith.constant 0 : i32
      %dma_wait3A_54 = tpu.memref_slice %arg9[%dma_wait3A, %dma_wait3A_53] : memref<1024x16xf32, #tpu.memory_space<vmem>> -> memref<800x16xf32, #tpu.memory_space<vmem>>
      %dma_wait3A_55 = arith.constant 0 : i32
      %dma_wait3A_56 = tpu.memref_slice %arg10[%add3A_43, %dma_wait3A_55] : memref<102400x16xf32, #tpu.memory_space<vmem_shared>> -> memref<800x16xf32, #tpu.memory_space<vmem_shared>>
      %dma_wait3A_57 = arith.constant 0 : i32
      %dma_wait3A_58 = arith.constant 0 : i32
      %dma_wait3A_59 = tpu.memref_slice %arg9[%dma_wait3A_57, %dma_wait3A_58] : memref<1024x16xf32, #tpu.memory_space<vmem>> -> memref<800x16xf32, #tpu.memory_space<vmem>>
      %dma_wait3A_60 = arith.constant 0 : i32
      %dma_wait3A_61 = tpu.memref_slice %arg10[%add3A_43, %dma_wait3A_60] : memref<102400x16xf32, #tpu.memory_space<vmem_shared>> -> memref<800x16xf32, #tpu.memory_space<vmem_shared>>
      tpu.wait_dma2 semaphore(%run_scoped3A : memref<!tpu.dma_semaphore, #tpu.memory_space<semaphore_mem>>) src(%dma_wait3A_61 : memref<800x16xf32, #tpu.memory_space<vmem_shared>>) dst(%dma_wait3A_59 : memref<800x16xf32, #tpu.memory_space<vmem>>)
      tpu.yield
    }) : () -> ()
    "tpu.region"() ({
      %run_scoped3A = tpu.sem_alloc : memref<!tpu.dma_semaphore, #tpu.memory_space<semaphore_mem>>
      %dma_start3A = arith.constant 0 : i32
      %dma_start3A_44 = arith.constant 0 : i32
      %dma_start3A_45 = tpu.memref_slice %arg9[%dma_start3A, %dma_start3A_44] : memref<1024x16xf32, #tpu.memory_space<vmem>> -> memref<800x16xf32, #tpu.memory_space<vmem>>
      %dma_start3A_46 = arith.constant 0 : i32
      %dma_start3A_47 = tpu.memref_slice %arg6[%arg0, %add3A_43, %dma_start3A_46] : memref<2x102400x16xf32, #tpu.memory_space<hbm>> -> memref<1x800x16xf32, #tpu.memory_space<hbm>>
      %dma_start3A_48 = tpu.memref_squeeze %dma_start3A_47 : memref<1x800x16xf32, #tpu.memory_space<hbm>> -> memref<800x16xf32, #tpu.memory_space<hbm>>
      %dma_start3A_49 = arith.constant 0 : i32
      %dma_start3A_50 = tpu.memref_slice %arg6[%arg0, %add3A_43, %dma_start3A_49] : memref<2x102400x16xf32, #tpu.memory_space<hbm>> -> memref<1x800x16xf32, #tpu.memory_space<hbm>>
      %dma_start3A_51 = tpu.memref_squeeze %dma_start3A_50 : memref<1x800x16xf32, #tpu.memory_space<hbm>> -> memref<800x16xf32, #tpu.memory_space<hbm>>
      %dma_start3A_52 = arith.constant 0 : i32
      %dma_start3A_53 = arith.constant 0 : i32
      %dma_start3A_54 = tpu.memref_slice %arg9[%dma_start3A_52, %dma_start3A_53] : memref<1024x16xf32, #tpu.memory_space<vmem>> -> memref<800x16xf32, #tpu.memory_space<vmem>>
      tpu.enqueue_dma source(%dma_start3A_54 : memref<800x16xf32, #tpu.memory_space<vmem>>) target(%dma_start3A_51 : memref<800x16xf32, #tpu.memory_space<hbm>>) target_semaphore(%run_scoped3A : memref<!tpu.dma_semaphore, #tpu.memory_space<semaphore_mem>>)
      %dma_wait3A = arith.constant 0 : i32
      %dma_wait3A_55 = arith.constant 0 : i32
      %dma_wait3A_56 = tpu.memref_slice %arg9[%dma_wait3A, %dma_wait3A_55] : memref<1024x16xf32, #tpu.memory_space<vmem>> -> memref<800x16xf32, #tpu.memory_space<vmem>>
      %dma_wait3A_57 = arith.constant 0 : i32
      %dma_wait3A_58 = tpu.memref_slice %arg6[%arg0, %add3A_43, %dma_wait3A_57] : memref<2x102400x16xf32, #tpu.memory_space<hbm>> -> memref<1x800x16xf32, #tpu.memory_space<hbm>>
      %dma_wait3A_59 = tpu.memref_squeeze %dma_wait3A_58 : memref<1x800x16xf32, #tpu.memory_space<hbm>> -> memref<800x16xf32, #tpu.memory_space<hbm>>
      %dma_wait3A_60 = arith.constant 0 : i32
      %dma_wait3A_61 = tpu.memref_slice %arg6[%arg0, %add3A_43, %dma_wait3A_60] : memref<2x102400x16xf32, #tpu.memory_space<hbm>> -> memref<1x800x16xf32, #tpu.memory_space<hbm>>
      %dma_wait3A_62 = tpu.memref_squeeze %dma_wait3A_61 : memref<1x800x16xf32, #tpu.memory_space<hbm>> -> memref<800x16xf32, #tpu.memory_space<hbm>>
      %dma_wait3A_63 = arith.constant 0 : i32
      %dma_wait3A_64 = arith.constant 0 : i32
      %dma_wait3A_65 = tpu.memref_slice %arg9[%dma_wait3A_63, %dma_wait3A_64] : memref<1024x16xf32, #tpu.memory_space<vmem>> -> memref<800x16xf32, #tpu.memory_space<vmem>>
      tpu.wait_dma2 semaphore(%run_scoped3A : memref<!tpu.dma_semaphore, #tpu.memory_space<semaphore_mem>>) src(%dma_wait3A_65 : memref<800x16xf32, #tpu.memory_space<vmem>>) dst(%dma_wait3A_62 : memref<800x16xf32, #tpu.memory_space<hbm>>)
      tpu.yield
    }) : () -> ()
    return
  }
}

module attributes {stable_mosaic.version = 14 : i64} {
  func.func @_tc1_body(%arg0: i32, %arg1: memref<2048x16xf32, #tpu.memory_space<vmem>>, %arg2: memref<16x16xf32, #tpu.memory_space<vmem>>, %arg3: memref<16xf32, #tpu.memory_space<vmem>>, %arg4: memref<16x16xf32, #tpu.memory_space<vmem>>, %arg5: memref<32x2048xf32, #tpu.memory_space<vmem>>, %arg6: memref<2048xf32, #tpu.memory_space<vmem>>, %arg7: memref<2048x16xf32, #tpu.memory_space<vmem>>) attributes {dimension_semantics = [#tpu.dimension_semantics<arbitrary>], iteration_bounds = array<i64: 50>, scalar_prefetch = 0 : i64, scratch_operands = 0 : i64, tpu.core_type = #tpu.core_type<tc>, window_params = [{transform_indices = @transform_0, window_bounds = array<i64: 2048, 16>}, {pipeline_mode = #tpu.pipeline_mode<synchronous>, transform_indices = @transform_1, window_bounds = array<i64: 16, 16>}, {pipeline_mode = #tpu.pipeline_mode<synchronous>, transform_indices = @transform_2, window_bounds = array<i64: 16>}, {pipeline_mode = #tpu.pipeline_mode<synchronous>, transform_indices = @transform_3, window_bounds = array<i64: 16, 16>}, {transform_indices = @transform_4, window_bounds = array<i64: 32, 2048>}, {transform_indices = @transform_5, window_bounds = array<i64: 2048>}, {transform_indices = @transform_6, window_bounds = array<i64: 2048, 16>}]} {
    %get3A = arith.constant 0 : index
    %get3A_0 = arith.constant 0 : index
    %get3A_1 = vector.load %arg5[%get3A, %get3A_0] : memref<32x2048xf32, #tpu.memory_space<vmem>>, vector<32x2048xf32>
    %reduce_sum3A = arith.constant dense<0.000000e+00> : vector<2048xf32>
    %reduce_sum3A_2 = vector.multi_reduction <add>, %get3A_1, %reduce_sum3A [0] : vector<32x2048xf32> to vector<2048xf32>
    %add3A = arith.constant 1.000000e+00 : f32
    %add3A_3 = vector.broadcast %add3A : f32 to vector<2048xf32>
    %add3A_4 = arith.addf %reduce_sum3A_2, %add3A_3 : vector<2048xf32>
    %rsqrt3A = math.rsqrt %add3A_4 : vector<2048xf32>
    %get3A_5 = arith.constant 0 : index
    %get3A_6 = arith.constant 0 : index
    %get3A_7 = vector.load %arg1[%get3A_5, %get3A_6] : memref<2048x16xf32, #tpu.memory_space<vmem>>, vector<2048x16xf32>
    %get3A_8 = arith.constant 0 : index
    %get3A_9 = arith.constant 0 : index
    %get3A_10 = vector.load %arg2[%get3A_8, %get3A_9] : memref<16x16xf32, #tpu.memory_space<vmem>>, vector<16x16xf32>
    %dot_general3A = arith.constant dense<0.000000e+00> : vector<2048x16xf32>
    %dot_general3A_11 = tpu.matmul %get3A_7, %get3A_10, %dot_general3A {dimension_numbers = #tpu.dot_dimension_numbers<[1], [0], [0], [1], [0, 0, 1, 1], [], []>, transpose_lhs_hint = false} : vector<2048x16xf32>, vector<16x16xf32>, vector<2048x16xf32> -> vector<2048x16xf32>
    %get3A_12 = arith.constant 0 : index
    %get3A_13 = vector.load %arg3[%get3A_12] : memref<16xf32, #tpu.memory_space<vmem>>, vector<16xf32>
    %broadcast_in_dim3A = vector.shape_cast %get3A_13 : vector<16xf32> to vector<1x16xf32>
    %add3A_14 = vector.broadcast %broadcast_in_dim3A : vector<1x16xf32> to vector<2048x16xf32>
    %add3A_15 = arith.addf %dot_general3A_11, %add3A_14 : vector<2048x16xf32>
    %max3A = arith.constant 0.000000e+00 : f32
    %max3A_16 = vector.broadcast %max3A : f32 to vector<2048x16xf32>
    %max3A_17 = arith.maximumf %add3A_15, %max3A_16 : vector<2048x16xf32>
    %broadcast_in_dim3A_18 = vector.shape_cast %rsqrt3A : vector<2048xf32> to vector<2048x1xf32>
    %get3A_19 = arith.constant 0 : index
    %get3A_20 = arith.constant 0 : index
    %get3A_21 = vector.load %arg4[%get3A_19, %get3A_20] : memref<16x16xf32, #tpu.memory_space<vmem>>, vector<16x16xf32>
    %dot_general3A_22 = arith.constant dense<0.000000e+00> : vector<2048x16xf32>
    %dot_general3A_23 = tpu.matmul %max3A_17, %get3A_21, %dot_general3A_22 {dimension_numbers = #tpu.dot_dimension_numbers<[1], [0], [0], [1], [0, 0, 1, 1], [], []>, transpose_lhs_hint = false} : vector<2048x16xf32>, vector<16x16xf32>, vector<2048x16xf32> -> vector<2048x16xf32>
    %mul3A = vector.broadcast %broadcast_in_dim3A_18 : vector<2048x1xf32> to vector<2048x16xf32>
    %mul3A_24 = arith.mulf %mul3A, %dot_general3A_23 : vector<2048x16xf32>
    %swap3A = arith.constant 0 : index
    %swap3A_25 = vector.load %arg6[%swap3A] : memref<2048xf32, #tpu.memory_space<vmem>>, vector<2048xf32>
    tpu.vector_store %arg6[%swap3A], %rsqrt3A {strides = array<i32>} : memref<2048xf32, #tpu.memory_space<vmem>>, vector<2048xf32>,
    %swap3A_26 = arith.constant 0 : index
    %swap3A_27 = arith.constant 0 : index
    %swap3A_28 = vector.load %arg7[%swap3A_26, %swap3A_27] : memref<2048x16xf32, #tpu.memory_space<vmem>>, vector<2048x16xf32>
    tpu.vector_store %arg7[%swap3A_26, %swap3A_27], %mul3A_24 {strides = array<i32>} : memref<2048x16xf32, #tpu.memory_space<vmem>>, vector<2048x16xf32>,
    return
  }
  func.func @transform_0(%arg0: i32) -> (i32, i32) {
    %c0_i32 = arith.constant 0 : i32
    %c0_i32_0 = arith.constant 0 : i32
    return %arg0, %c0_i32 : i32, i32
  }
  func.func @transform_1(%arg0: i32) -> (i32, i32) {
    %c0_i32 = arith.constant 0 : i32
    %c0_i32_0 = arith.constant 0 : i32
    %c0_i32_1 = arith.constant 0 : i32
    return %c0_i32, %c0_i32_0 : i32, i32
  }
  func.func @transform_2(%arg0: i32) -> i32 {
    %c0_i32 = arith.constant 0 : i32
    %c0_i32_0 = arith.constant 0 : i32
    return %c0_i32 : i32
  }
  func.func @transform_3(%arg0: i32) -> (i32, i32) {
    %c0_i32 = arith.constant 0 : i32
    %c0_i32_0 = arith.constant 0 : i32
    %c0_i32_1 = arith.constant 0 : i32
    return %c0_i32, %c0_i32_0 : i32, i32
  }
  func.func @transform_4(%arg0: i32) -> (i32, i32) {
    %c0_i32 = arith.constant 0 : i32
    %c0_i32_0 = arith.constant 0 : i32
    return %c0_i32, %arg0 : i32, i32
  }
  func.func @transform_5(%arg0: i32) -> i32 {
    %c0_i32 = arith.constant 0 : i32
    return %arg0 : i32
  }
  func.func @transform_6(%arg0: i32) -> (i32, i32) {
    %c0_i32 = arith.constant 0 : i32
    %c0_i32_0 = arith.constant 0 : i32
    return %arg0, %c0_i32 : i32, i32
  }
}

module attributes {stable_mosaic.version = 14 : i64} {
  func.func @_tc2_body(%arg0: i32, %arg1: memref<2x2048x16xf32, #tpu.memory_space<vmem>>, %arg2: memref<2048x16xf32, #tpu.memory_space<vmem>>, %arg3: memref<2048xf32, #tpu.memory_space<vmem>>, %arg4: memref<16xf32, #tpu.memory_space<vmem>>, %arg5: memref<16x16xf32, #tpu.memory_space<vmem>>, %arg6: memref<2048x16xf32, #tpu.memory_space<vmem>>) attributes {dimension_semantics = [#tpu.dimension_semantics<arbitrary>], iteration_bounds = array<i64: 50>, scalar_prefetch = 0 : i64, scratch_operands = 0 : i64, tpu.core_type = #tpu.core_type<tc>, window_params = [{transform_indices = @transform_0, window_bounds = array<i64: 2, 2048, 16>}, {transform_indices = @transform_1, window_bounds = array<i64: 2048, 16>}, {transform_indices = @transform_2, window_bounds = array<i64: 2048>}, {pipeline_mode = #tpu.pipeline_mode<synchronous>, transform_indices = @transform_3, window_bounds = array<i64: 16>}, {pipeline_mode = #tpu.pipeline_mode<synchronous>, transform_indices = @transform_4, window_bounds = array<i64: 16, 16>}, {transform_indices = @transform_5, window_bounds = array<i64: 2048, 16>}]} {
    %get3A = arith.constant 0 : index
    %get3A_0 = arith.constant 0 : index
    %get3A_1 = arith.constant 0 : index
    %get3A_2 = vector.load %arg1[%get3A, %get3A_0, %get3A_1] : memref<2x2048x16xf32, #tpu.memory_space<vmem>>, vector<1x2048x16xf32>
    %get3A_3 = vector.shape_cast %get3A_2 : vector<1x2048x16xf32> to vector<2048x16xf32>
    %get3A_4 = arith.constant 1 : index
    %get3A_5 = arith.constant 0 : index
    %get3A_6 = arith.constant 0 : index
    %get3A_7 = vector.load %arg1[%get3A_4, %get3A_5, %get3A_6] : memref<2x2048x16xf32, #tpu.memory_space<vmem>>, vector<1x2048x16xf32>
    %get3A_8 = vector.shape_cast %get3A_7 : vector<1x2048x16xf32> to vector<2048x16xf32>
    %add3A = arith.addf %get3A_3, %get3A_8 : vector<2048x16xf32>
    %get3A_9 = arith.constant 0 : index
    %get3A_10 = arith.constant 0 : index
    %get3A_11 = vector.load %arg2[%get3A_9, %get3A_10] : memref<2048x16xf32, #tpu.memory_space<vmem>>, vector<2048x16xf32>
    %add3A_12 = arith.addf %add3A, %get3A_11 : vector<2048x16xf32>
    %get3A_13 = arith.constant 0 : index
    %get3A_14 = vector.load %arg3[%get3A_13] : memref<2048xf32, #tpu.memory_space<vmem>>, vector<2048xf32>
    %broadcast_in_dim3A = vector.shape_cast %get3A_14 : vector<2048xf32> to vector<2048x1xf32>
    %mul3A = vector.broadcast %broadcast_in_dim3A : vector<2048x1xf32> to vector<2048x16xf32>
    %mul3A_15 = arith.mulf %mul3A, %add3A_12 : vector<2048x16xf32>
    %get3A_16 = arith.constant 0 : index
    %get3A_17 = vector.load %arg4[%get3A_16] : memref<16xf32, #tpu.memory_space<vmem>>, vector<16xf32>
    %broadcast_in_dim3A_18 = vector.shape_cast %get3A_17 : vector<16xf32> to vector<1x16xf32>
    %add3A_19 = vector.broadcast %broadcast_in_dim3A_18 : vector<1x16xf32> to vector<2048x16xf32>
    %add3A_20 = arith.addf %mul3A_15, %add3A_19 : vector<2048x16xf32>
    %max3A = arith.constant 0.000000e+00 : f32
    %max3A_21 = vector.broadcast %max3A : f32 to vector<2048x16xf32>
    %max3A_22 = arith.maximumf %add3A_20, %max3A_21 : vector<2048x16xf32>
    %broadcast_in_dim3A_23 = vector.shape_cast %get3A_14 : vector<2048xf32> to vector<2048x1xf32>
    %get3A_24 = arith.constant 0 : index
    %get3A_25 = arith.constant 0 : index
    %get3A_26 = vector.load %arg5[%get3A_24, %get3A_25] : memref<16x16xf32, #tpu.memory_space<vmem>>, vector<16x16xf32>
    %dot_general3A = arith.constant dense<0.000000e+00> : vector<2048x16xf32>
    %dot_general3A_27 = tpu.matmul %max3A_22, %get3A_26, %dot_general3A {dimension_numbers = #tpu.dot_dimension_numbers<[1], [0], [0], [1], [0, 0, 1, 1], [], []>, transpose_lhs_hint = false} : vector<2048x16xf32>, vector<16x16xf32>, vector<2048x16xf32> -> vector<2048x16xf32>
    %mul3A_28 = vector.broadcast %broadcast_in_dim3A_23 : vector<2048x1xf32> to vector<2048x16xf32>
    %mul3A_29 = arith.mulf %mul3A_28, %dot_general3A_27 : vector<2048x16xf32>
    %swap3A = arith.constant 0 : index
    %swap3A_30 = arith.constant 0 : index
    %swap3A_31 = vector.load %arg6[%swap3A, %swap3A_30] : memref<2048x16xf32, #tpu.memory_space<vmem>>, vector<2048x16xf32>
    tpu.vector_store %arg6[%swap3A, %swap3A_30], %mul3A_29 {strides = array<i32>} : memref<2048x16xf32, #tpu.memory_space<vmem>>, vector<2048x16xf32>,
    return
  }
  func.func @transform_0(%arg0: i32) -> (i32, i32, i32) {
    %c0_i32 = arith.constant 0 : i32
    %c0_i32_0 = arith.constant 0 : i32
    %c0_i32_1 = arith.constant 0 : i32
    return %c0_i32, %arg0, %c0_i32_0 : i32, i32, i32
  }
  func.func @transform_1(%arg0: i32) -> (i32, i32) {
    %c0_i32 = arith.constant 0 : i32
    %c0_i32_0 = arith.constant 0 : i32
    return %arg0, %c0_i32 : i32, i32
  }
  func.func @transform_2(%arg0: i32) -> i32 {
    %c0_i32 = arith.constant 0 : i32
    return %arg0 : i32
  }
  func.func @transform_3(%arg0: i32) -> i32 {
    %c0_i32 = arith.constant 0 : i32
    %c0_i32_0 = arith.constant 0 : i32
    return %c0_i32 : i32
  }
  func.func @transform_4(%arg0: i32) -> (i32, i32) {
    %c0_i32 = arith.constant 0 : i32
    %c0_i32_0 = arith.constant 0 : i32
    %c0_i32_1 = arith.constant 0 : i32
    return %c0_i32, %c0_i32_0 : i32, i32
  }
  func.func @transform_5(%arg0: i32) -> (i32, i32) {
    %c0_i32 = arith.constant 0 : i32
    %c0_i32_0 = arith.constant 0 : i32
    return %arg0, %c0_i32 : i32, i32
  }
}

module attributes {stable_mosaic.version = 14 : i64} {
  func.func @_tc3_body(%arg0: i32, %arg1: memref<2x2048x16xf32, #tpu.memory_space<vmem>>, %arg2: memref<2048x16xf32, #tpu.memory_space<vmem>>, %arg3: memref<2048xf32, #tpu.memory_space<vmem>>, %arg4: memref<16xf32, #tpu.memory_space<vmem>>, %arg5: memref<2048x16xf32, #tpu.memory_space<vmem>>) attributes {dimension_semantics = [#tpu.dimension_semantics<arbitrary>], iteration_bounds = array<i64: 50>, scalar_prefetch = 0 : i64, scratch_operands = 0 : i64, tpu.core_type = #tpu.core_type<tc>, window_params = [{transform_indices = @transform_0, window_bounds = array<i64: 2, 2048, 16>}, {transform_indices = @transform_1, window_bounds = array<i64: 2048, 16>}, {transform_indices = @transform_2, window_bounds = array<i64: 2048>}, {pipeline_mode = #tpu.pipeline_mode<synchronous>, transform_indices = @transform_3, window_bounds = array<i64: 16>}, {transform_indices = @transform_4, window_bounds = array<i64: 2048, 16>}]} {
    %get3A = arith.constant 0 : index
    %get3A_0 = arith.constant 0 : index
    %get3A_1 = arith.constant 0 : index
    %get3A_2 = vector.load %arg1[%get3A, %get3A_0, %get3A_1] : memref<2x2048x16xf32, #tpu.memory_space<vmem>>, vector<1x2048x16xf32>
    %get3A_3 = vector.shape_cast %get3A_2 : vector<1x2048x16xf32> to vector<2048x16xf32>
    %get3A_4 = arith.constant 1 : index
    %get3A_5 = arith.constant 0 : index
    %get3A_6 = arith.constant 0 : index
    %get3A_7 = vector.load %arg1[%get3A_4, %get3A_5, %get3A_6] : memref<2x2048x16xf32, #tpu.memory_space<vmem>>, vector<1x2048x16xf32>
    %get3A_8 = vector.shape_cast %get3A_7 : vector<1x2048x16xf32> to vector<2048x16xf32>
    %add3A = arith.addf %get3A_3, %get3A_8 : vector<2048x16xf32>
    %get3A_9 = arith.constant 0 : index
    %get3A_10 = arith.constant 0 : index
    %get3A_11 = vector.load %arg2[%get3A_9, %get3A_10] : memref<2048x16xf32, #tpu.memory_space<vmem>>, vector<2048x16xf32>
    %add3A_12 = arith.addf %add3A, %get3A_11 : vector<2048x16xf32>
    %get3A_13 = arith.constant 0 : index
    %get3A_14 = vector.load %arg3[%get3A_13] : memref<2048xf32, #tpu.memory_space<vmem>>, vector<2048xf32>
    %broadcast_in_dim3A = vector.shape_cast %get3A_14 : vector<2048xf32> to vector<2048x1xf32>
    %mul3A = vector.broadcast %broadcast_in_dim3A : vector<2048x1xf32> to vector<2048x16xf32>
    %mul3A_15 = arith.mulf %mul3A, %add3A_12 : vector<2048x16xf32>
    %get3A_16 = arith.constant 0 : index
    %get3A_17 = vector.load %arg4[%get3A_16] : memref<16xf32, #tpu.memory_space<vmem>>, vector<16xf32>
    %broadcast_in_dim3A_18 = vector.shape_cast %get3A_17 : vector<16xf32> to vector<1x16xf32>
    %add3A_19 = vector.broadcast %broadcast_in_dim3A_18 : vector<1x16xf32> to vector<2048x16xf32>
    %add3A_20 = arith.addf %mul3A_15, %add3A_19 : vector<2048x16xf32>
    %swap3A = arith.constant 0 : index
    %swap3A_21 = arith.constant 0 : index
    %swap3A_22 = vector.load %arg5[%swap3A, %swap3A_21] : memref<2048x16xf32, #tpu.memory_space<vmem>>, vector<2048x16xf32>
    tpu.vector_store %arg5[%swap3A, %swap3A_21], %add3A_20 {strides = array<i32>} : memref<2048x16xf32, #tpu.memory_space<vmem>>, vector<2048x16xf32>,
    return
  }
  func.func @transform_0(%arg0: i32) -> (i32, i32, i32) {
    %c0_i32 = arith.constant 0 : i32
    %c0_i32_0 = arith.constant 0 : i32
    %c0_i32_1 = arith.constant 0 : i32
    return %c0_i32, %arg0, %c0_i32_0 : i32, i32, i32
  }
  func.func @transform_1(%arg0: i32) -> (i32, i32) {
    %c0_i32 = arith.constant 0 : i32
    %c0_i32_0 = arith.constant 0 : i32
    return %arg0, %c0_i32 : i32, i32
  }
  func.func @transform_2(%arg0: i32) -> i32 {
    %c0_i32 = arith.constant 0 : i32
    return %arg0 : i32
  }
  func.func @transform_3(%arg0: i32) -> i32 {
    %c0_i32 = arith.constant 0 : i32
    %c0_i32_0 = arith.constant 0 : i32
    return %c0_i32 : i32
  }
  func.func @transform_4(%arg0: i32) -> (i32, i32) {
    %c0_i32 = arith.constant 0 : i32
    %c0_i32_0 = arith.constant 0 : i32
    return %arg0, %c0_i32 : i32, i32
  }
}

</mosaic_0001>

<sc_bundles>
// kernel: sc_degree.3.cloned.1.call-start
scs
__scs_entry_jumppad:
0x0: {  	(pc) =	sbr.rel $0x88, $3  }
0x1: {  	(tag) =	ssettag $0x0;
	lr =	simm.s32 $0x1  }
0x2: {  	[smem:$0x3F99] =	sst lr;
	_ =	strace $0xD0000000  }
0x3: {  	_ = 	snop  }
0x4: {  	_ = 	snop  }
0x5: {  	_ = 	snop  }
0x6: {  	_ = 	snop  }
0x7: {  	_ = 	snop  }
__scs_overlays_trampoline_lowered:
0x8: {  	[smem:$0x3FA8] =	sst s0  }
0x9: {  	[smem:$0x3FA9] =	sst s1  }
0xa: {  	[smem:$0x3FAA] =	sst s2  }
0xb: {  	[smem:$0x3FAB] =	sst s3  }
0xc: {  	[smem:$0x3FAC] =	sst s4  }
0xd: {  	[smem:$0x3FAD] =	sst s5  }
0xe: {  	[smem:$0x3FAE] =	sst s6  }
0xf: {  	[smem:$0x3FAF] =	sst s7  }
0x10: {  	[smem:$0x3FB0] =	sst s8  }
0x11: {  	[smem:$0x3FB1] =	sst s9;
	s0 =	simm.s32 @!p0 $0x0  }
0x12: {  	s1 =	sld [smem:$0x3F97];
	s0 =	simm.s32 @p0 $0x1  }
0x13: {  	[smem:$0x3FB2] =	sst s0;
	s0 =	simm.s32 @!p1 $0x0  }
0x14: {  	s2 =	sld [smem:$0x3F96];
	s0 =	simm.s32 @p1 $0x1  }
0x15: {  	[smem:$0x3FB3] =	sst s0;
	s0 =	simm.s32 @!p2 $0x0  }
0x16: {  	s3 =	sld [smem:$0x3FDB];
	s0 =	simm.s32 @p2 $0x1  }
0x17: {  	s4 =	simm.s32 $0x1BF5;
	[smem:$0x3FB5] =	sst s0  }
0x18: {  	s0 =	sld [smem:$0x3F98];
	_ =	swait.ge [sflag:s4], $0x0  }
0x19: {  	s7 =	sld [smem:$0x3F99]  }
0x1a: {  	s8 =	sadd.s32 $0xFFFFE003, lr  }
0x1b: {  	s9 =	sadd.s32 $0xFFFFFEF7, lr;
	s5 =	simm.s32 $0xFFFFFFFF;
	p2 =	slt.u32 s8, $0xFFFFF086  }
0x1c: {  	p1 =	slt.u32 s9, $0xF7A;
	s5 =	simm.s32 @!p2 $0x0  }
0x1d: {  	s5 =	simm.s32 @p1 $0x1;
	p0 =	seq.s32 s7, s2  }
0x1e: {  	s7 =	smul.u32 @!p0 $0xF7A, s2;
	p2 =	seq.s32 @!p0 s5, $0x0  }
0x1f: {  	s9 =	smul.u32 $0xF7A, s1;
	s8 =	simm.s32 @!p0 $0x1BF5;
	p2 =	por !p2, p0  }
0x20: {  	[sflag:s8] =	ssyncset.s32 @!p0 $0xFFFFF086;
	s6 =	sadd.s32 @!p0 s3, s7;
	s7 =	simm.s32 @!p0 $0x108  }
0x21: {  	s3 =	sadd.s32 s3, s9;
	s6 =	sadd.s32 @!p0 $0x88, s6;
	s7 =	simm.s32 @p2 $0x1082  }
0x22: {  	[simem:s7], [sflag:s8] =	dma.local @!p0 [hbm:s6], $0xF7A  }
0x23: {  	s9 =	sor.u32 $0xD0000000, s2;
	s6 =	simm.s32 $0x108;
	_ =	swait.ge @!p0 [sflag:s8], $0x0  }
0x24: {  	s3 =	sadd.s32 $0x88, s3;
	s6 =	simm.s32 @!p1 $0x1082;
	[sflag:s4] =	ssyncset.s32 $0xFFFFF086  }
0x25: {  	[simem:s6], [sflag:s4] =	dma.local [hbm:s3], $0xF7A  }
0x26: {  	[smem:$0x3F99] =	sst s1;
	(tag) =	ssettag s2;
	_ =	strace s9  }
0x27: {  	s1 =	sld [smem:$0x3FA9]  }
0x28: {  	s2 =	sld [smem:$0x3FAA]  }
0x29: {  	s4 =	sld [smem:$0x3FAC]  }
0x2a: {  	p0 =	seq.s32 s5, $0x0;
	s5 =	sld [smem:$0x3FAD]  }
0x2b: {  	s6 =	sld [smem:$0x3FAE]  }
0x2c: {  	s7 =	sld [smem:$0x3FAF]  }
0x2d: {  	s3 =	simm.s32 $0x108;
	s8 =	sld [smem:$0x3FB0]  }
0x2e: {  	s3 =	simm.s32 @!p0 $0x1082;
	s9 =	sld [smem:$0x3FB1]  }
0x2f: {  	lr =	sadd.s32 s0, s3;
	s0 =	sld [smem:$0x3FA8]  }
0x30: {  	s3 =	sld [smem:$0x3FAB]  }
0x31: {  	[smem:$0x3FB4] =	sst s10  }
0x32: {  	s10 =	sld [smem:$0x3FB2];
	_ =	sdelay $0x3  }
0x33: {  	p0 =	seq.s32 s10, $0x1;
	s10 =	sld [smem:$0x3FB4];
	_ =	sdelay $0x3  }
0x34: {  	[smem:$0x3FB4] =	sst s10  }
0x35: {  	s10 =	sld [smem:$0x3FB3];
	_ =	sdelay $0x3  }
0x36: {  	p1 =	seq.s32 s10, $0x1;
	s10 =	sld [smem:$0x3FB4];
	_ =	sdelay $0x3  }
0x37: {  	[smem:$0x3FB4] =	sst s10  }
0x38: {  	s10 =	sld [smem:$0x3FB5]  }
0x39: {  	_ = 	snop;
	(pc) =	sbr.ind lr, $3  }
0x3a: {  	_ = 	snop  }
0x3b: {  	_ = 	snop  }
0x3c: {  	p2 =	seq.s32 s10, $0x1;
	s10 =	sld [smem:$0x3FB4]  }
0x3d: {  	_ =	shalt  }
0x3e: {  	_ =	shalt  }
0x3f: {  	_ =	shalt  }
0x40: {  	_ =	shalt  }
0x41: {  	_ =	shalt  }
0x42: {  	_ =	shalt  }
0x43: {  	_ =	shalt  }
0x44: {  	_ =	shalt  }
0x45: {  	_ =	shalt  }
0x46: {  	_ =	shalt  }
0x47: {  	_ =	shalt  }
0x48: {  	_ =	shalt  }
0x49: {  	_ =	shalt  }
0x4a: {  	_ =	shalt  }
0x4b: {  	_ =	shalt  }
0x4c: {  	_ =	shalt  }
0x4d: {  	_ =	shalt  }
0x4e: {  	_ =	shalt  }
0x4f: {  	_ =	shalt  }
0x50: {  	_ =	shalt  }
0x51: {  	_ =	shalt  }
0x52: {  	_ =	shalt  }
0x53: {  	_ =	shalt  }
0x54: {  	_ =	shalt  }
0x55: {  	_ =	shalt  }
0x56: {  	_ =	shalt  }
0x57: {  	_ =	shalt  }
0x58: {  	_ =	shalt  }
0x59: {  	_ =	shalt  }
0x5a: {  	_ =	shalt  }
0x5b: {  	_ =	shalt  }
0x5c: {  	_ =	shalt  }
0x5d: {  	_ =	shalt  }
0x5e: {  	_ =	shalt  }
0x5f: {  	_ =	shalt  }
0x60: {  	_ =	shalt  }
0x61: {  	_ =	shalt  }
0x62: {  	_ =	shalt  }
0x63: {  	_ =	shalt  }
0x64: {  	_ =	shalt  }
0x65: {  	_ =	shalt  }
0x66: {  	_ =	shalt  }
0x67: {  	_ =	shalt  }
0x68: {  	_ =	shalt  }
0x69: {  	_ =	shalt  }
0x6a: {  	_ =	shalt  }
0x6b: {  	_ =	shalt  }
0x6c: {  	_ =	shalt  }
0x6d: {  	_ =	shalt  }
0x6e: {  	_ =	shalt  }
0x6f: {  	_ =	shalt  }
0x70: {  	_ =	shalt  }
0x71: {  	_ =	shalt  }
0x72: {  	_ =	shalt  }
0x73: {  	_ =	shalt  }
0x74: {  	_ =	shalt  }
0x75: {  	_ =	shalt  }
0x76: {  	_ =	shalt  }
0x77: {  	_ =	shalt  }
0x78: {  	_ =	shalt  }
0x79: {  	_ =	shalt  }
0x7a: {  	_ =	shalt  }
0x7b: {  	_ =	shalt  }
0x7c: {  	_ =	shalt  }
0x7d: {  	_ =	shalt  }
0x7e: {  	_ =	shalt  }
0x7f: {  	_ =	shalt  }
0x80: {  	_ =	shalt  }
0x81: {  	_ =	shalt  }
0x82: {  	_ =	shalt  }
0x83: {  	_ =	shalt  }
0x84: {  	_ =	shalt  }
0x85: {  	_ =	shalt  }
0x86: {  	_ =	shalt  }
0x87: {  	_ =	shalt  }
.Lfunc_end0:
.L_simem_size_0:
called_computation_lowered:
.L_overlay_start_0:
0x88: {  	s2 =	sld [smem:$0x3FD9]  }
0x89: {  	s3 =	sld [smem:$0x3FFE];
	_ =	sdelay $0x1  }
0x8a: {  	s1 =	srdreg.scid  }
0x8b: {  	s0 =	sand.u32 $0x1, s1  }
0x8c: {  	s17 =	sshll.u32 s0, $0xA;
	s2 =	sadd.s32 s3, s2  }
0x8d: {  	s2 =	sadd.s32 s2, s17  }
0x8e: {  	[smem:$0x3FC0] =	sst s2  }
0x8f: {  	_ = 	snop  }
0x90: {  	s2 =	sld [smem:$0x3FD0];
	(tm) =	ssettm $0x1  }
0x91: {  	s18 =	sld [smem:$0x3FFB];
	_ =	sdelay $0x3  }
0x92: {  	_ =	strace s18  }
0x93: {  	s3 =	sld [smem:$0x3FFC];
	_ =	sdelay $0x3  }
0x94: {  	_ =	strace s3  }
0x95: {  	s3 =	sld [smem:$0x3FFD];
	_ =	sdelay $0x3  }
0x96: {  	_ =	strace s3  }
0x97: {  	_ =	strace $0x8FFFFFFF  }
0x98: {  	s19 =	sld [smem:$0x3FDB];
	_ =	sdelay $0x1  }
0x99: {  	s4 =	simm.s32 $_scs_section_size  }
0x9a: {  	s5 =	simm.s32 $_size__tile_overlayer_lowered;
	s6 =	simm.s32 $_tile_overlayer_lowered  }
0x9b: {  	s22 =	simm.s32 $0x1BFF;
	s21 =	sshll.u32 s6, $0x1;
	s3 =	sadd.s32 s4, s19  }
0x9c: {  	s7 =	simm.s32 $0x0;
	s20 =	sshll.u32 s5, $0x1;
	s5 =	sadd.s32 s21, s3  }
0x9d: {  	[timem:s7], [sflag:s22] =	dma.local [hbm:s5], s20  }
0x9e: {  	_ =	swait.ge [sflag:s22], s20  }
0x9f: {  	s4 =	ssub.s32 $0x0, s20;
	[sflag:s22] =	ssyncset.done $0x0  }
0xa0: {  	[sflag:s22] =	ssyncadd.s32 s4;
	_ =	sdelay $0x1  }
0xa1: {  	s23 =	simm.s32 $0x1B8B  }
0xa2: {  	_ =	swait.ge [sflag:s23], $0x1  }
0xa3: {  	[sflag:s23] =	ssyncset.done $0x0  }
0xa4: {  	s25 =	simm.s32 $0x1B8E;
	s24 =	sld [smem:$0x3FFE];
	[sflag:s23] =	ssyncadd.s32 $0xFFFFFFFF  }
0xa5: {  	s26 =	simm.s32 $execute0_lowered;
	[smem:$0x3FD2] =	sst s25  }
0xa6: {  	s5 =	sshll.u32 s26, $0x1;
	_ =	strace $0x80000046;
	[dreg:$0x1] =	wrdreg $0xFFFFFFFF  }
0xa7: {  	s28 =	simm.s32 $_size_execute0_lowered;
	s3 =	sadd.s32 s3, s5;
	[dreg:$0x0] =	wrdreg $0x0  }
0xa8: {  	s5 =	sshll.u32 s28, $0x1;
	[dreg:$0x2] =	wrdreg s3  }
0xa9: {  	[dreg:$0x3] =	wrdreg s5  }
0xaa: {  	[dreg:$0x4] =	wrdreg $0xC0  }
0xab: {  	_ =	task [dreg:s7], $0x5FFFF  }
0xac: {  	[dreg:$0x1] =	wrdreg $0xFFFFFFFF  }
0xad: {  	[dreg:$0x0] =	wrdreg $0x60  }
0xae: {  	[dreg:$0x2] =	wrdreg s24  }
0xaf: {  	[dreg:$0x3] =	wrdreg s2  }
0xb0: {  	[dreg:$0x4] =	wrdreg $0x9  }
0xb1: {  	_ =	task.clear_ibuf [dreg:s7], $0x5FFFF;
	_ =	strace $0x90000046  }
0xb2: {  	s29 =	simm.s32 $0x9;
	_ =	strace $0x80000048  }
0xb3: {  	_ =	swait.ge [sflag:s29], $0x1  }
0xb4: {  	[sflag:s29] =	ssyncadd.s32 $0xFFFFFFFF  }
0xb5: {  	_ =	strace $0x90000048  }
0xb6: {  	_ =	sfence  }
0xb7: {  	s30 =	sld [smem:$0x0];
	_ =	sdelay $0x2  }
0xb8: {  	s31 =	sshll.u32 s1, $0xD;
	s1 =	sshrl.u32 s1, $0x2  }
0xb9: {  	s3 =	sand.u32 $0x4000, s31;
	s1 =	sadd.s32 s1, s30  }
0xba: {  	s0 =	sor.u32 s3, s0;
	s1 =	sshll.u32 s1, $0x11  }
0xbb: {  	s0 =	sor.u32 s1, s0  }
0xbc: {  	s0 =	sadd.s32 $0x8F2B, s0  }
0xbd: {  	[sflag:s0] =	ssyncadd.remote.s32 $0x1  }
0xbe: {  	_ =	sfence.sel $0xFFFF  }
0xbf: {  	[dreg:$0x0] =	wrdreg $0xFFFFFFFF;
	(pc) =	sbr.abs _section_cstart, $3  }
0xc0: {  	[dreg:$0x1] =	wrdreg $0xFFFFFFFF  }
0xc1: {  	_ =	task.clear_ibuf [dreg:s7], $0x2FFFF;
	_ =	strace $0x9FFFFFFF  }
0xc2: {  	(tm) =	ssettm $0x7FFFFFFF  }
0xc3: {  	_ =	shalt  }
tec
execute0_lowered:
.L_overlay_start_1:
0x0: {  	(tag) =	ssettag $0x1  }
0x1: {  	s0 =	srdreg.scid;
	s5 =	rddreg [dreg:$0x0]  }
0x2: {  	s2 =	rddreg [dreg:$0x1];
	s1 =	stileid.u32  }
0x3: {  	s3 =	simm.s32 $0x0;
	s11 =	simm.s32 $0x19000;
	s4 =	sand.u32 $0x1, s0  }
0x4: {  	s12 =	simm.s32 $0x19C80;
	s13 =	simm.s32 $0x1;
	s6 =	sshll.u32 s4, $0x4  }
0x5: {  	s14 =	simm.s32 $0x0;
	s31 =	ssub.s32 $0x2, s4;
	s6 =	sor.u32 s1, s6  }
0x6: {  	[smem:$0x7FF] =	sst s3;
	s9 =	sshrl.u32 s31, $0x1;
	s7 =	smul.u32 $0x19000, s6  }
0x7: {  	s0 =	rddreg [dreg:$0x2];
	_ =	strace $0x80000047;
	s9 =	ssub.s32 s31, s9  }
0x8: {  	s4 =	sadd.s32 $0x2400, s5;
	s9 =	smax.u32 s9, $0x1;
	s8 =	sshrl.u32 s7, $0x3  }
0x9: {  	s6 =	sor.u32 $0xC80, s7;
	s7 =	sadd.s32 $0x1900, s7;
	s10 =	sadd.s32 s8, s5  }
0xa: {  	v0 =	vimm.f32 $1.000000000e+00;
	s5 =	sadd.s32 s4, s8;
	s8 =	sadd.s32 $0x66400, s10;
	s10 =	simm.s32 $0x2  }
.LBB2_1:
0xb: {  	[tilespmem:s3], [sflag:$0x2] =	stream.linear.gather [hbm4b:s2+s3], $0x19000, $0x38;
	[tilespmem:$0x1A900] =	vst v63  }
0xc: {  	_ =	swait.ge [sflag:s10], $0x19000  }
0xd: {  	[sflag:s10] =	ssyncset.done $0x0  }
0xe: {  	[sflag:s10] =	ssyncadd.s32 $0xFFFE7000  }
0xf: {  	[tilespmem:s11], [sflag:$0x2] =	stream.linear.gather [hbm4b:s5+s3], $0xC80, $0x38;
	[tilespmem:$0x1A900] =	vst v63  }
0x10: {  	_ =	swait.ge [sflag:s10], $0xC80  }
0x11: {  	[sflag:s10] =	ssyncset.done $0x0  }
0x12: {  	s15 =	simm.s32 $0x0;
	[sflag:s10] =	ssyncadd.s32 $0xFFFFF380  }
.LBB2_2:
0x13: {  	s16 =	smul.u32 $0x1900, s15;
	_ =	sdelay $0x1  }
0x14: {  	s16 =	sadd.s32 s16, s6  }
0x15: {  	s16 =	sshrl.u32 s16, $0x3  }
0x16: {  	s17 =	sadd.s32 s4, s16;
	s16 =	simm.s32 $0x0  }
0x17: {  	[tilespmem:s12], [sflag:$0x1] =	stream.linear.gather [hbm4b:s17+s16], $0xC80, $0x38;
	[tilespmem:$0x1A900] =	vst v63  }
.LBB2_3:
0x18: {  	s17 =	sshra.s32 s16, $0x2  }
0x19: {  	v1 =	vld [tilespmem:s17+$0x19000];
	_ =	sdelay $0x7  }
0x1a: {  	[tilespmem:v1+s3+$0x0] =	vst.idx.add.f32.msk $0xffff, v0  }
0x1b: {  	v1 =	vld [tilespmem:s17+$0x19010];
	_ =	sdelay $0x7  }
0x1c: {  	[tilespmem:v1+s3+$0x0] =	vst.idx.add.f32.msk $0xffff, v0  }
0x1d: {  	v1 =	vld [tilespmem:s17+$0x19020];
	_ =	sdelay $0x7  }
0x1e: {  	[tilespmem:v1+s3+$0x0] =	vst.idx.add.f32.msk $0xffff, v0  }
0x1f: {  	v1 =	vld [tilespmem:s17+$0x19030];
	_ =	sdelay $0x2  }
0x20: {  	p0 =	sne.s32 s16, $0x3100  }
.Ltmp0:
0x21: {  	_ = 	snop;
	(pc) =	sbr.rel @p0 .LBB2_3-.Ltmp0, $2  }
0x22: {  	_ =	sdelay $0x2  }
0x23: {  	s16 =	sadd.s32 $0x100, s16;
	[tilespmem:v1+s3+$0x0] =	vst.idx.add.f32.msk $0xffff, v0  }
0x24: {  	s16 =	sshll.u32 s15, $0x1  }
0x25: {  	s16 =	smin.u32 s16, $0x1D  }
0x26: {  	s16 =	smul.u32 $0xC80, s16;
	_ =	sdelay $0x1  }
0x27: {  	_ =	swait.ge [sflag:s13], $0xC80;
	s16 =	sadd.s32 s16, s7  }
0x28: {  	[sflag:s13] =	ssyncset.done $0x0;
	s16 =	sshrl.u32 s16, $0x3  }
0x29: {  	[sflag:s13] =	ssyncadd.s32 $0xFFFFF380;
	s17 =	sadd.s32 s4, s16;
	s16 =	simm.s32 $0x0  }
0x2a: {  	[tilespmem:s11], [sflag:$0x1] =	stream.linear.gather [hbm4b:s17+s16], $0xC80, $0x38;
	[tilespmem:$0x1A900] =	vst v63  }
.LBB2_5:
0x2b: {  	s17 =	sshra.s32 s16, $0x2  }
0x2c: {  	v1 =	vld [tilespmem:s17+$0x19C80];
	_ =	sdelay $0x7  }
0x2d: {  	[tilespmem:v1+s3+$0x0] =	vst.idx.add.f32.msk $0xffff, v0  }
0x2e: {  	v1 =	vld [tilespmem:s17+$0x19C90];
	_ =	sdelay $0x7  }
0x2f: {  	[tilespmem:v1+s3+$0x0] =	vst.idx.add.f32.msk $0xffff, v0  }
0x30: {  	v1 =	vld [tilespmem:s17+$0x19CA0];
	_ =	sdelay $0x7  }
0x31: {  	[tilespmem:v1+s3+$0x0] =	vst.idx.add.f32.msk $0xffff, v0  }
0x32: {  	v1 =	vld [tilespmem:s17+$0x19CB0];
	_ =	sdelay $0x2  }
0x33: {  	p0 =	sne.s32 s16, $0x3100  }
.Ltmp1:
0x34: {  	_ = 	snop;
	(pc) =	sbr.rel @p0 .LBB2_5-.Ltmp1, $2  }
0x35: {  	_ =	sdelay $0x2  }
0x36: {  	s16 =	sadd.s32 $0x100, s16;
	[tilespmem:v1+s3+$0x0] =	vst.idx.add.f32.msk $0xffff, v0  }
0x37: {  	s15 =	sadd.s32 $0x1, s15  }
0x38: {  	p0 =	sne.s32 s15, $0x10  }
.Ltmp2:
0x39: {  	_ = 	snop;
	(pc) =	sbr.rel @p0 .LBB2_2-.Ltmp2, $4  }
0x3a: {  	_ = 	snop  }
0x3b: {  	_ =	swait.ge [sflag:s13], $0xC80  }
0x3c: {  	[sflag:s13] =	ssyncset.done $0x0  }
0x3d: {  	[sflag:s13] =	ssyncadd.s32 $0xFFFFF380  }
0x3e: {  	s14 =	sadd.s32 $0x1, s14  }
0x3f: {  	p0 =	sne.s32 s14, s9  }
.Ltmp3:
0x40: {  	_ = 	snop;
	(pc) =	sbr.rel @p0 .LBB2_1-.Ltmp3, $4  }
0x41: {  	[hbm4b:s8+s3] =	stream.linear.scatter [tilespmem:s3], [sflag:$0x2], $0x19000, $0x38;
	[tilespmem:$0x1A900] =	vst v63  }
0x42: {  	_ =	swait.ge [sflag:s10], $0x19000  }
0x43: {  	[sflag:s10] =	ssyncset.done $0x0  }
0x44: {  	[sflag:s10] =	ssyncadd.s32 $0xFFFE7000  }
0x45: {  	_ =	sfence.sel $0x180000  }
0x46: {  	[bflag:$0x0] =	sbarrier.arrive $0xFFFF  }
0x47: {  	p0 =	sne.s32 s1, $0x0;
	_ =	strace $0x90000047  }
0x48: {  	s0 =	sadd.s32 @!p0 $0x100000, s0;
	[bflag:$0x2] =	sbarrier.arrive $0xFFFF  }
0x49: {  	[sflag:s0] =	ssyncadd.tile.s32 @!p0 $0x1;
	_ =	shalt  }
.Lfunc_end2:
_tile_overlayer_lowered:
.L_overlay_start_2:
0x4a: {  	(tag) =	ssettag $0x2  }
0x4b: {  	s0 =	rddreg [dreg:$0x0];
	s2 =	stileid.u32  }
0x4c: {  	s1 =	rddreg [dreg:$0x1];
	p0 =	sne.s32 s2, $0x0  }
0x4d: {  	s3 =	rddreg [dreg:$0x2];
	[bflag:$0x3] =	sbarrier.arrive $0xFFFF;
	s2 =	simm.s32 @!p0 $0x1C02  }
0x4e: {  	[timem:s3], [sflag:s2] =	dma.local @!p0 [hbm:s0], s1  }
0x4f: {  	s0 =	simm.s32 @!p0 $0x2  }
0x50: {  	_ =	swait.ge @!p0 [sflag:s0], s1  }
0x51: {  	s1 =	ssub.s32 @!p0 $0x0, s1;
	[sflag:s0] =	ssyncset.done @!p0 $0x0  }
0x52: {  	[sflag:s0] =	ssyncadd.s32 @!p0 s1  }
0x53: {  	[bflag:$0x3] =	sbarrier.arrive $0xFFFF  }
0x54: {  	_ =	shalt  }

// kernel: sc_gcn_agg.4.cloned.1.call-start
scs
__scs_entry_jumppad:
0x0: {  	(pc) =	sbr.rel $0x88, $3  }
0x1: {  	(tag) =	ssettag $0x0;
	lr =	simm.s32 $0x1  }
0x2: {  	[smem:$0x3F99] =	sst lr;
	_ =	strace $0xD0000000  }
0x3: {  	_ = 	snop  }
0x4: {  	_ = 	snop  }
0x5: {  	_ = 	snop  }
0x6: {  	_ = 	snop  }
0x7: {  	_ = 	snop  }
__scs_overlays_trampoline_lowered:
0x8: {  	[smem:$0x3FA8] =	sst s0  }
0x9: {  	[smem:$0x3FA9] =	sst s1  }
0xa: {  	[smem:$0x3FAA] =	sst s2  }
0xb: {  	[smem:$0x3FAB] =	sst s3  }
0xc: {  	[smem:$0x3FAC] =	sst s4  }
0xd: {  	[smem:$0x3FAD] =	sst s5  }
0xe: {  	[smem:$0x3FAE] =	sst s6  }
0xf: {  	[smem:$0x3FAF] =	sst s7  }
0x10: {  	[smem:$0x3FB0] =	sst s8  }
0x11: {  	[smem:$0x3FB1] =	sst s9;
	s0 =	simm.s32 @!p0 $0x0  }
0x12: {  	s1 =	sld [smem:$0x3F97];
	s0 =	simm.s32 @p0 $0x1  }
0x13: {  	[smem:$0x3FB2] =	sst s0;
	s0 =	simm.s32 @!p1 $0x0  }
0x14: {  	s2 =	sld [smem:$0x3F96];
	s0 =	simm.s32 @p1 $0x1  }
0x15: {  	[smem:$0x3FB3] =	sst s0;
	s0 =	simm.s32 @!p2 $0x0  }
0x16: {  	s3 =	sld [smem:$0x3FDB];
	s0 =	simm.s32 @p2 $0x1  }
0x17: {  	s4 =	simm.s32 $0x1BF5;
	[smem:$0x3FB5] =	sst s0  }
0x18: {  	s0 =	sld [smem:$0x3F98];
	_ =	swait.ge [sflag:s4], $0x0  }
0x19: {  	s7 =	sld [smem:$0x3F99]  }
0x1a: {  	s8 =	sadd.s32 $0xFFFFE003, lr  }
0x1b: {  	s9 =	sadd.s32 $0xFFFFFEF7, lr;
	s5 =	simm.s32 $0xFFFFFFFF;
	p2 =	slt.u32 s8, $0xFFFFF086  }
0x1c: {  	p1 =	slt.u32 s9, $0xF7A;
	s5 =	simm.s32 @!p2 $0x0  }
0x1d: {  	s5 =	simm.s32 @p1 $0x1;
	p0 =	seq.s32 s7, s2  }
0x1e: {  	s7 =	smul.u32 @!p0 $0xF7A, s2;
	p2 =	seq.s32 @!p0 s5, $0x0  }
0x1f: {  	s9 =	smul.u32 $0xF7A, s1;
	s8 =	simm.s32 @!p0 $0x1BF5;
	p2 =	por !p2, p0  }
0x20: {  	[sflag:s8] =	ssyncset.s32 @!p0 $0xFFFFF086;
	s6 =	sadd.s32 @!p0 s3, s7;
	s7 =	simm.s32 @!p0 $0x108  }
0x21: {  	s3 =	sadd.s32 s3, s9;
	s6 =	sadd.s32 @!p0 $0x88, s6;
	s7 =	simm.s32 @p2 $0x1082  }
0x22: {  	[simem:s7], [sflag:s8] =	dma.local @!p0 [hbm:s6], $0xF7A  }
0x23: {  	s9 =	sor.u32 $0xD0000000, s2;
	s6 =	simm.s32 $0x108;
	_ =	swait.ge @!p0 [sflag:s8], $0x0  }
0x24: {  	s3 =	sadd.s32 $0x88, s3;
	s6 =	simm.s32 @!p1 $0x1082;
	[sflag:s4] =	ssyncset.s32 $0xFFFFF086  }
0x25: {  	[simem:s6], [sflag:s4] =	dma.local [hbm:s3], $0xF7A  }
0x26: {  	[smem:$0x3F99] =	sst s1;
	(tag) =	ssettag s2;
	_ =	strace s9  }
0x27: {  	s1 =	sld [smem:$0x3FA9]  }
0x28: {  	s2 =	sld [smem:$0x3FAA]  }
0x29: {  	s4 =	sld [smem:$0x3FAC]  }
0x2a: {  	p0 =	seq.s32 s5, $0x0;
	s5 =	sld [smem:$0x3FAD]  }
0x2b: {  	s6 =	sld [smem:$0x3FAE]  }
0x2c: {  	s7 =	sld [smem:$0x3FAF]  }
0x2d: {  	s3 =	simm.s32 $0x108;
	s8 =	sld [smem:$0x3FB0]  }
0x2e: {  	s3 =	simm.s32 @!p0 $0x1082;
	s9 =	sld [smem:$0x3FB1]  }
0x2f: {  	lr =	sadd.s32 s0, s3;
	s0 =	sld [smem:$0x3FA8]  }
0x30: {  	s3 =	sld [smem:$0x3FAB]  }
0x31: {  	[smem:$0x3FB4] =	sst s10  }
0x32: {  	s10 =	sld [smem:$0x3FB2];
	_ =	sdelay $0x3  }
0x33: {  	p0 =	seq.s32 s10, $0x1;
	s10 =	sld [smem:$0x3FB4];
	_ =	sdelay $0x3  }
0x34: {  	[smem:$0x3FB4] =	sst s10  }
0x35: {  	s10 =	sld [smem:$0x3FB3];
	_ =	sdelay $0x3  }
0x36: {  	p1 =	seq.s32 s10, $0x1;
	s10 =	sld [smem:$0x3FB4];
	_ =	sdelay $0x3  }
0x37: {  	[smem:$0x3FB4] =	sst s10  }
0x38: {  	s10 =	sld [smem:$0x3FB5]  }
0x39: {  	_ = 	snop;
	(pc) =	sbr.ind lr, $3  }
0x3a: {  	_ = 	snop  }
0x3b: {  	_ = 	snop  }
0x3c: {  	p2 =	seq.s32 s10, $0x1;
	s10 =	sld [smem:$0x3FB4]  }
0x3d: {  	_ =	shalt  }
0x3e: {  	_ =	shalt  }
0x3f: {  	_ =	shalt  }
0x40: {  	_ =	shalt  }
0x41: {  	_ =	shalt  }
0x42: {  	_ =	shalt  }
0x43: {  	_ =	shalt  }
0x44: {  	_ =	shalt  }
0x45: {  	_ =	shalt  }
0x46: {  	_ =	shalt  }
0x47: {  	_ =	shalt  }
0x48: {  	_ =	shalt  }
0x49: {  	_ =	shalt  }
0x4a: {  	_ =	shalt  }
0x4b: {  	_ =	shalt  }
0x4c: {  	_ =	shalt  }
0x4d: {  	_ =	shalt  }
0x4e: {  	_ =	shalt  }
0x4f: {  	_ =	shalt  }
0x50: {  	_ =	shalt  }
0x51: {  	_ =	shalt  }
0x52: {  	_ =	shalt  }
0x53: {  	_ =	shalt  }
0x54: {  	_ =	shalt  }
0x55: {  	_ =	shalt  }
0x56: {  	_ =	shalt  }
0x57: {  	_ =	shalt  }
0x58: {  	_ =	shalt  }
0x59: {  	_ =	shalt  }
0x5a: {  	_ =	shalt  }
0x5b: {  	_ =	shalt  }
0x5c: {  	_ =	shalt  }
0x5d: {  	_ =	shalt  }
0x5e: {  	_ =	shalt  }
0x5f: {  	_ =	shalt  }
0x60: {  	_ =	shalt  }
0x61: {  	_ =	shalt  }
0x62: {  	_ =	shalt  }
0x63: {  	_ =	shalt  }
0x64: {  	_ =	shalt  }
0x65: {  	_ =	shalt  }
0x66: {  	_ =	shalt  }
0x67: {  	_ =	shalt  }
0x68: {  	_ =	shalt  }
0x69: {  	_ =	shalt  }
0x6a: {  	_ =	shalt  }
0x6b: {  	_ =	shalt  }
0x6c: {  	_ =	shalt  }
0x6d: {  	_ =	shalt  }
0x6e: {  	_ =	shalt  }
0x6f: {  	_ =	shalt  }
0x70: {  	_ =	shalt  }
0x71: {  	_ =	shalt  }
0x72: {  	_ =	shalt  }
0x73: {  	_ =	shalt  }
0x74: {  	_ =	shalt  }
0x75: {  	_ =	shalt  }
0x76: {  	_ =	shalt  }
0x77: {  	_ =	shalt  }
0x78: {  	_ =	shalt  }
0x79: {  	_ =	shalt  }
0x7a: {  	_ =	shalt  }
0x7b: {  	_ =	shalt  }
0x7c: {  	_ =	shalt  }
0x7d: {  	_ =	shalt  }
0x7e: {  	_ =	shalt  }
0x7f: {  	_ =	shalt  }
0x80: {  	_ =	shalt  }
0x81: {  	_ =	shalt  }
0x82: {  	_ =	shalt  }
0x83: {  	_ =	shalt  }
0x84: {  	_ =	shalt  }
0x85: {  	_ =	shalt  }
0x86: {  	_ =	shalt  }
0x87: {  	_ =	shalt  }
.Lfunc_end0:
.L_simem_size_0:
called_computation.1_lowered:
.L_overlay_start_0:
0x88: {  	s2 =	sld [smem:$0x3FD9]  }
0x89: {  	s3 =	sld [smem:$0x3FFE];
	_ =	sdelay $0x1  }
0x8a: {  	s1 =	srdreg.scid  }
0x8b: {  	s0 =	sand.u32 $0x1, s1  }
0x8c: {  	s17 =	sshll.u32 s0, $0xA;
	s2 =	sadd.s32 s3, s2  }
0x8d: {  	s2 =	sadd.s32 s2, s17  }
0x8e: {  	[smem:$0x3FC0] =	sst s2  }
0x8f: {  	_ = 	snop  }
0x90: {  	s2 =	sld [smem:$0x3FD0];
	(tm) =	ssettm $0x1  }
0x91: {  	s18 =	sld [smem:$0x3FFB];
	_ =	sdelay $0x3  }
0x92: {  	_ =	strace s18  }
0x93: {  	s3 =	sld [smem:$0x3FFC];
	_ =	sdelay $0x3  }
0x94: {  	_ =	strace s3  }
0x95: {  	s3 =	sld [smem:$0x3FFD];
	_ =	sdelay $0x3  }
0x96: {  	_ =	strace s3  }
0x97: {  	_ =	strace $0x8FFFFFFF  }
0x98: {  	s19 =	sld [smem:$0x3FDB];
	_ =	sdelay $0x1  }
0x99: {  	s4 =	simm.s32 $_scs_section_size  }
0x9a: {  	s5 =	simm.s32 $_size__tile_overlayer_lowered;
	s6 =	simm.s32 $_tile_overlayer_lowered  }
0x9b: {  	s22 =	simm.s32 $0x1BFF;
	s21 =	sshll.u32 s6, $0x1;
	s3 =	sadd.s32 s4, s19  }
0x9c: {  	s7 =	simm.s32 $0x0;
	s20 =	sshll.u32 s5, $0x1;
	s5 =	sadd.s32 s21, s3  }
0x9d: {  	[timem:s7], [sflag:s22] =	dma.local [hbm:s5], s20  }
0x9e: {  	_ =	swait.ge [sflag:s22], s20  }
0x9f: {  	s4 =	ssub.s32 $0x0, s20;
	[sflag:s22] =	ssyncset.done $0x0  }
0xa0: {  	[sflag:s22] =	ssyncadd.s32 s4;
	_ =	sdelay $0x1  }
0xa1: {  	s23 =	simm.s32 $0x1B8B  }
0xa2: {  	_ =	swait.ge [sflag:s23], $0x1  }
0xa3: {  	[sflag:s23] =	ssyncset.done $0x0  }
0xa4: {  	s25 =	simm.s32 $0x1B8E;
	s24 =	sld [smem:$0x3FFE];
	[sflag:s23] =	ssyncadd.s32 $0xFFFFFFFF  }
0xa5: {  	s26 =	simm.s32 $execute0_lowered;
	[smem:$0x3FD2] =	sst s25  }
0xa6: {  	s5 =	sshll.u32 s26, $0x1;
	_ =	strace $0x80000049;
	[dreg:$0x1] =	wrdreg $0xFFFFFFFF  }
0xa7: {  	s28 =	simm.s32 $_size_execute0_lowered;
	s3 =	sadd.s32 s3, s5;
	[dreg:$0x0] =	wrdreg $0x0  }
0xa8: {  	s5 =	sshll.u32 s28, $0x1;
	[dreg:$0x2] =	wrdreg s3  }
0xa9: {  	[dreg:$0x3] =	wrdreg s5  }
0xaa: {  	[dreg:$0x4] =	wrdreg $0xC0  }
0xab: {  	_ =	task [dreg:s7], $0x5FFFF  }
0xac: {  	[dreg:$0x1] =	wrdreg $0xFFFFFFFF  }
0xad: {  	[dreg:$0x0] =	wrdreg $0x60  }
0xae: {  	[dreg:$0x2] =	wrdreg s24  }
0xaf: {  	[dreg:$0x3] =	wrdreg s2  }
0xb0: {  	[dreg:$0x4] =	wrdreg $0x48000  }
0xb1: {  	[dreg:$0x5] =	wrdreg $0x9  }
0xb2: {  	_ =	task.clear_ibuf [dreg:s7], $0x6FFFF;
	_ =	strace $0x90000049  }
0xb3: {  	s29 =	simm.s32 $0x9;
	_ =	strace $0x8000004B  }
0xb4: {  	_ =	swait.ge [sflag:s29], $0x1  }
0xb5: {  	[sflag:s29] =	ssyncadd.s32 $0xFFFFFFFF  }
0xb6: {  	_ =	strace $0x9000004B  }
0xb7: {  	_ =	sfence  }
0xb8: {  	s30 =	sld [smem:$0x0];
	_ =	sdelay $0x2  }
0xb9: {  	s31 =	sshll.u32 s1, $0xD;
	s1 =	sshrl.u32 s1, $0x2  }
0xba: {  	s3 =	sand.u32 $0x4000, s31;
	s1 =	sadd.s32 s1, s30  }
0xbb: {  	s0 =	sor.u32 s3, s0;
	s1 =	sshll.u32 s1, $0x11  }
0xbc: {  	s0 =	sor.u32 s1, s0  }
0xbd: {  	s0 =	sadd.s32 $0x8F2B, s0  }
0xbe: {  	[sflag:s0] =	ssyncadd.remote.s32 $0x1  }
0xbf: {  	_ =	sfence.sel $0xFFFF  }
0xc0: {  	[dreg:$0x0] =	wrdreg $0xFFFFFFFF;
	(pc) =	sbr.abs _section_cstart, $3  }
0xc1: {  	[dreg:$0x1] =	wrdreg $0xFFFFFFFF  }
0xc2: {  	_ =	task.clear_ibuf [dreg:s7], $0x2FFFF;
	_ =	strace $0x9FFFFFFF  }
0xc3: {  	(tm) =	ssettm $0x7FFFFFFF  }
tec
execute0_lowered:
.L_overlay_start_1:
0x0: {  	(tag) =	ssettag $0x1  }
0x1: {  	s0 =	rddreg [dreg:$0x0]  }
0x2: {  	s1 =	srdreg.scid;
	s2 =	stileid.u32  }
0x3: {  	s3 =	rddreg [dreg:$0x2];
	s4 =	simm.s32 $0x0;
	s28 =	simm.s32 $0x1000  }
0x4: {  	s29 =	simm.s32 $0x1800;
	s30 =	simm.s32 $0x2000;
	s31 =	simm.s32 $0x200  }
0x5: {  	s1 =	sand.u32 $0x1, s1;
	s2 =	smul.u32 $0x19000, s2;
	[smem:$0x7FF] =	sst s4  }
0x6: {  	s5 =	sadd.s32 $0x66400, s0;
	s6 =	smul.u32 $0x190000, s1;
	s1 =	ssub.s32 $0x2, s1  }
0x7: {  	_ =	strace $0x8000004A;
	s9 =	sshrl.u32 s1, $0x1;
	s16 =	sadd.s32 $0x3200, s2  }
0x8: {  	s10 =	sadd.s32 $0x6400, s2;
	s11 =	sadd.s32 s2, s3;
	s18 =	sadd.s32 $0x9600, s2  }
0x9: {  	s13 =	sadd.s32 $0xFA00, s2;
	s14 =	sadd.s32 $0x12C00, s2;
	s7 =	sadd.s32 s2, s6  }
0xa: {  	s1 =	ssub.s32 s1, s9;
	[dreg:$0x8] =	wrdreg s11;
	s19 =	sadd.s32 s16, s3  }
0xb: {  	s17 =	sadd.s32 s10, s3;
	s20 =	sadd.s32 s18, s3;
	s22 =	sadd.s32 s13, s3  }
0xc: {  	s9 =	sadd.s32 s6, s16;
	s12 =	sadd.s32 s14, s3;
	s24 =	sadd.s32 s6, s10  }
0xd: {  	s25 =	sadd.s32 s6, s18;
	s10 =	simm.s32 $0x0;
	[dreg:$0x9] =	wrdreg s19  }
0xe: {  	s7 =	sshrl.u32 s7, $0x3;
	s19 =	sadd.s32 $0xC800, s2;
	[dreg:$0xb] =	wrdreg s20  }
0xf: {  	[dreg:$0xd] =	wrdreg s22;
	s2 =	sadd.s32 $0x15E00, s2;
	s9 =	sshrl.u32 s9, $0x3  }
0x10: {  	s15 =	sshrl.u32 s25, $0x3;
	s20 =	sadd.s32 s6, s14;
	s1 =	smax.u32 s1, $0x1  }
0x11: {  	s25 =	simm.s32 $0x100;
	s14 =	simm.s32 $0x300;
	[dreg:$0x19] =	wrdreg s10  }
0x12: {  	[dreg:$0xe] =	wrdreg s12;
	s8 =	sadd.s32 s7, s0;
	s0 =	sadd.s32 $0x12E400, s0  }
0x13: {  	s21 =	sadd.s32 s19, s3;
	s11 =	sadd.s32 s2, s3;
	s26 =	sadd.s32 s6, s19  }
0x14: {  	s19 =	sadd.s32 s6, s13;
	s13 =	smov.u32 s17;
	[dreg:$0x18] =	wrdreg s1  }
0x15: {  	s2 =	sadd.s32 s6, s2;
	s22 =	sshrl.u32 s20, $0x3;
	[dreg:$0x6] =	wrdreg s25  }
0x16: {  	s25 =	simm.s32 $0x400;
	s1 =	simm.s32 $0x2800;
	s17 =	simm.s32 $0x4000  }
0x17: {  	s20 =	simm.s32 $0x500;
	[dreg:$0xc] =	wrdreg s21;
	s7 =	sadd.s32 s0, s7  }
0x18: {  	s23 =	sadd.s32 s0, s9;
	s16 =	sshrl.u32 s26, $0x3;
	[dreg:$0xa] =	wrdreg s13  }
0x19: {  	s2 =	sshrl.u32 s2, $0x3;
	s6 =	sadd.s32 s0, s22;
	[dreg:$0xf] =	wrdreg s11  }
0x1a: {  	s26 =	simm.s32 $0x180;
	s22 =	simm.s32 $0x600;
	[dreg:$0x10] =	wrdreg s7  }
0x1b: {  	s9 =	simm.s32 $0x2;
	[dreg:$0x11] =	wrdreg s23;
	s7 =	sshrl.u32 s24, $0x3  }
0x1c: {  	s18 =	sadd.s32 s0, s16;
	[dreg:$0x16] =	wrdreg s6;
	s23 =	sadd.s32 $0x2400, s8  }
0x1d: {  	s24 =	sadd.s32 $0xCA400, s8;
	[dreg:$0x7] =	wrdreg s26;
	s26 =	simm.s32 $0x80  }
0x1e: {  	s16 =	simm.s32 $0x380;
	s6 =	simm.s32 $0x680;
	[dreg:$0x14] =	wrdreg s18  }
0x1f: {  	s8 =	simm.s32 $0x780;
	s7 =	sadd.s32 s0, s7;
	[dreg:$0x4] =	wrdreg s23  }
0x20: {  	[dreg:$0x5] =	wrdreg s24;
	s23 =	simm.s32 $0x800;
	s24 =	simm.s32 $0x3  }
0x21: {  	s18 =	simm.s32 $0x1;
	[dreg:$0x12] =	wrdreg s7;
	s7 =	sadd.s32 s0, s15  }
0x22: {  	s15 =	simm.s32 $0x3800;
	[dreg:$0x13] =	wrdreg s7;
	s7 =	sshrl.u32 s19, $0x3  }
0x23: {  	s19 =	simm.s32 $0x480;
	s21 =	sadd.s32 s0, s7;
	s0 =	sadd.s32 s0, s2  }
0x24: {  	s2 =	simm.s32 $0x3000;
	s7 =	simm.s32 $0x700;
	[dreg:$0x15] =	wrdreg s21  }
0x25: {  	[dreg:$0x17] =	wrdreg s0;
	s0 =	simm.s32 $0x280;
	s21 =	simm.s32 $0x580  }
.LBB2_1:
0x26: {  	s10 =	rddreg [dreg:$0x1]  }
0x27: {  	[tilespmem:s23], [sflag:$0x3] =	stream.linear.gather [hbm4b:s10+s4], $0x3200, $0x38;
	[tilespmem:$0x1D800] =	vst v63  }
0x28: {  	_ =	swait.ge [sflag:s24], $0x3200  }
0x29: {  	[sflag:s24] =	ssyncset.done $0x0  }
0x2a: {  	s10 =	rddreg [dreg:$0x8];
	[sflag:s24] =	ssyncadd.s32 $0xFFFFCE00  }
0x2b: {  	[spmem:s10] =	stream.linear.scatter [tilespmem:s23], [sflag:$0x3], $0x3200, $0x38;
	[tilespmem:$0x1D800] =	vst v63  }
0x2c: {  	_ =	swait.ge [sflag:s24], $0x3200  }
0x2d: {  	[sflag:s24] =	ssyncset.done $0x0  }
0x2e: {  	s10 =	rddreg [dreg:$0x9];
	[sflag:s24] =	ssyncadd.s32 $0xFFFFCE00  }
0x2f: {  	[spmem:s10] =	stream.linear.scatter [tilespmem:s23], [sflag:$0x3], $0x3200, $0x38;
	[tilespmem:$0x1D800] =	vst v63  }
0x30: {  	_ =	swait.ge [sflag:s24], $0x3200  }
0x31: {  	[sflag:s24] =	ssyncset.done $0x0  }
0x32: {  	[sflag:s24] =	ssyncadd.s32 $0xFFFFCE00  }
0x33: {  	[spmem:s13] =	stream.linear.scatter [tilespmem:s23], [sflag:$0x3], $0x3200, $0x38;
	[tilespmem:$0x1D800] =	vst v63  }
0x34: {  	_ =	swait.ge [sflag:s24], $0x3200  }
0x35: {  	[sflag:s24] =	ssyncset.done $0x0  }
0x36: {  	s13 =	rddreg [dreg:$0xb];
	[sflag:s24] =	ssyncadd.s32 $0xFFFFCE00  }
0x37: {  	[spmem:s13] =	stream.linear.scatter [tilespmem:s23], [sflag:$0x3], $0x3200, $0x38;
	[tilespmem:$0x1D800] =	vst v63  }
0x38: {  	_ =	swait.ge [sflag:s24], $0x3200  }
0x39: {  	[sflag:s24] =	ssyncset.done $0x0  }
0x3a: {  	s13 =	rddreg [dreg:$0xc];
	[sflag:s24] =	ssyncadd.s32 $0xFFFFCE00  }
0x3b: {  	[spmem:s13] =	stream.linear.scatter [tilespmem:s23], [sflag:$0x3], $0x3200, $0x38;
	[tilespmem:$0x1D800] =	vst v63  }
0x3c: {  	_ =	swait.ge [sflag:s24], $0x3200  }
0x3d: {  	[sflag:s24] =	ssyncset.done $0x0  }
0x3e: {  	s13 =	rddreg [dreg:$0xd];
	[sflag:s24] =	ssyncadd.s32 $0xFFFFCE00  }
0x3f: {  	[spmem:s13] =	stream.linear.scatter [tilespmem:s23], [sflag:$0x3], $0x3200, $0x38;
	[tilespmem:$0x1D800] =	vst v63  }
0x40: {  	_ =	swait.ge [sflag:s24], $0x3200  }
0x41: {  	[sflag:s24] =	ssyncset.done $0x0  }
0x42: {  	[sflag:s24] =	ssyncadd.s32 $0xFFFFCE00  }
0x43: {  	[spmem:s12] =	stream.linear.scatter [tilespmem:s23], [sflag:$0x3], $0x3200, $0x38;
	[tilespmem:$0x1D800] =	vst v63  }
0x44: {  	_ =	swait.ge [sflag:s24], $0x3200  }
0x45: {  	[sflag:s24] =	ssyncset.done $0x0  }
0x46: {  	[sflag:s24] =	ssyncadd.s32 $0xFFFFCE00  }
0x47: {  	[spmem:s11] =	stream.linear.scatter [tilespmem:s23], [sflag:$0x3], $0x3200, $0x38;
	[tilespmem:$0x1D800] =	vst v63  }
0x48: {  	_ =	swait.ge [sflag:s24], $0x3200  }
0x49: {  	[sflag:s24] =	ssyncset.done $0x0  }
0x4a: {  	[sflag:s24] =	ssyncadd.s32 $0xFFFFCE00  }
0x4b: {  	[bflag:$0x0] =	sbarrier.arrive $0xFFFF  }
0x4c: {  	s13 =	rddreg [dreg:$0x5]  }
0x4d: {  	s11 =	sadd.s32 $0x0, s13  }
0x4e: {  	[tilespmem:s4], [sflag:$0x3] =	stream.linear.gather [hbm4b:s11+s4], $0x400, $0x38;
	[tilespmem:$0x1D800] =	vst v63  }
0x4f: {  	_ =	swait.ge [sflag:s24], $0x400  }
0x50: {  	s10 =	rddreg [dreg:$0x4];
	[sflag:s24] =	ssyncset.done $0x0  }
0x51: {  	[sflag:s24] =	ssyncadd.s32 $0xFFFFFC00;
	s11 =	sadd.s32 $0x0, s10  }
0x52: {  	[tilespmem:s25], [sflag:$0x3] =	stream.linear.gather [hbm4b:s11+s4], $0x400, $0x38;
	[tilespmem:$0x1D800] =	vst v63  }
0x53: {  	_ =	swait.ge [sflag:s24], $0x400  }
0x54: {  	[sflag:s24] =	ssyncset.done $0x0  }
0x55: {  	[sflag:s24] =	ssyncadd.s32 $0xFFFFFC00  }
0x56: {  	[tilespmem:s23], [sflag:$0x1] =	stream.indirect.gather [hbm4b:s5+s26], $0x10, s4, s26, $0xb8;
	[tilespmem:$0x1D800] =	vst v63  }
0x57: {  	_ = 	snop  }
0x58: {  	[tilespmem:s28], [sflag:$0x1] =	stream.indirect.gather [hbm4b:s5+s26], $0x10, s26, s26, $0xb8;
	[tilespmem:$0x1D800] =	vst v63  }
0x59: {  	s12 =	rddreg [dreg:$0x6]  }
0x5a: {  	[tilespmem:s29], [sflag:$0x1] =	stream.indirect.gather [hbm4b:s5+s26], $0x10, s12, s26, $0xb8;
	[tilespmem:$0x1D800] =	vst v63  }
0x5b: {  	s13 =	rddreg [dreg:$0x7]  }
0x5c: {  	[tilespmem:s30], [sflag:$0x1] =	stream.indirect.gather [hbm4b:s5+s26], $0x10, s13, s26, $0xb8;
	[tilespmem:$0x1D800] =	vst v63  }
0x5d: {  	_ = 	snop  }
0x5e: {  	[tilespmem:s1], [sflag:$0x1] =	stream.indirect.gather [hbm4b:s5+s26], $0x10, s31, s26, $0xb8;
	[tilespmem:$0x1D800] =	vst v63  }
0x5f: {  	_ = 	snop  }
0x60: {  	[tilespmem:s2], [sflag:$0x1] =	stream.indirect.gather [hbm4b:s5+s26], $0x10, s0, s26, $0xb8;
	[tilespmem:$0x1D800] =	vst v63  }
0x61: {  	_ = 	snop  }
0x62: {  	[tilespmem:s15], [sflag:$0x1] =	stream.indirect.gather [hbm4b:s5+s26], $0x10, s14, s26, $0xb8;
	[tilespmem:$0x1D800] =	vst v63  }
0x63: {  	_ = 	snop  }
0x64: {  	[tilespmem:s17], [sflag:$0x1] =	stream.indirect.gather [hbm4b:s5+s26], $0x10, s16, s26, $0xb8;
	[tilespmem:$0x1D800] =	vst v63  }
0x65: {  	_ =	swait.ge [sflag:s18], $0x800  }
0x66: {  	[sflag:s18] =	ssyncset.done $0x0  }
0x67: {  	[sflag:s18] =	ssyncadd.s32 $0xFFFFF800  }
0x68: {  	_ =	swait.ge [sflag:s18], $0x800  }
0x69: {  	[sflag:s18] =	ssyncset.done $0x0  }
0x6a: {  	[sflag:s18] =	ssyncadd.s32 $0xFFFFF800  }
0x6b: {  	_ =	swait.ge [sflag:s18], $0x800  }
0x6c: {  	[sflag:s18] =	ssyncset.done $0x0  }
0x6d: {  	[sflag:s18] =	ssyncadd.s32 $0xFFFFF800  }
0x6e: {  	_ =	swait.ge [sflag:s18], $0x800  }
0x6f: {  	[sflag:s18] =	ssyncset.done $0x0  }
0x70: {  	[sflag:s18] =	ssyncadd.s32 $0xFFFFF800  }
0x71: {  	_ =	swait.ge [sflag:s18], $0x800  }
0x72: {  	[sflag:s18] =	ssyncset.done $0x0  }
0x73: {  	[sflag:s18] =	ssyncadd.s32 $0xFFFFF800  }
0x74: {  	_ =	swait.ge [sflag:s18], $0x800  }
0x75: {  	[sflag:s18] =	ssyncset.done $0x0  }
0x76: {  	[sflag:s18] =	ssyncadd.s32 $0xFFFFF800  }
0x77: {  	_ =	swait.ge [sflag:s18], $0x800  }
0x78: {  	[sflag:s18] =	ssyncset.done $0x0  }
0x79: {  	[sflag:s18] =	ssyncadd.s32 $0xFFFFF800  }
0x7a: {  	_ =	swait.ge [sflag:s18], $0x800  }
0x7b: {  	[sflag:s18] =	ssyncset.done $0x0  }
0x7c: {  	[sflag:s18] =	ssyncadd.s32 $0xFFFFF800  }
0x7d: {  	[spmem:s3] =	stream.indirect.scatter.add.f32 [tilespmem:s23], [sflag:$0x2], $0x10, s25, s26, $0xb8;
	[tilespmem:$0x1D800] =	vst v63  }
0x7e: {  	_ = 	snop  }
0x7f: {  	[spmem:s3] =	stream.indirect.scatter.add.f32 [tilespmem:s28], [sflag:$0x2], $0x10, s19, s26, $0xb8;
	[tilespmem:$0x1D800] =	vst v63  }
0x80: {  	_ = 	snop  }
0x81: {  	[spmem:s3] =	stream.indirect.scatter.add.f32 [tilespmem:s29], [sflag:$0x2], $0x10, s20, s26, $0xb8;
	[tilespmem:$0x1D800] =	vst v63  }
0x82: {  	_ = 	snop  }
0x83: {  	[spmem:s3] =	stream.indirect.scatter.add.f32 [tilespmem:s30], [sflag:$0x2], $0x10, s21, s26, $0xb8;
	[tilespmem:$0x1D800] =	vst v63  }
0x84: {  	_ = 	snop  }
0x85: {  	[spmem:s3] =	stream.indirect.scatter.add.f32 [tilespmem:s1], [sflag:$0x2], $0x10, s22, s26, $0xb8;
	[tilespmem:$0x1D800] =	vst v63  }
0x86: {  	_ = 	snop  }
0x87: {  	[spmem:s3] =	stream.indirect.scatter.add.f32 [tilespmem:s2], [sflag:$0x2], $0x10, s6, s26, $0xb8;
	[tilespmem:$0x1D800] =	vst v63  }
0x88: {  	_ = 	snop  }
0x89: {  	[spmem:s3] =	stream.indirect.scatter.add.f32 [tilespmem:s15], [sflag:$0x2], $0x10, s7, s26, $0xb8;
	[tilespmem:$0x1D800] =	vst v63  }
0x8a: {  	_ = 	snop  }
0x8b: {  	[spmem:s3] =	stream.indirect.scatter.add.f32 [tilespmem:s17], [sflag:$0x2], $0x10, s8, s26, $0xb8;
	[tilespmem:$0x1D800] =	vst v63  }
0x8c: {  	_ =	swait.ge [sflag:s9], $0x800  }
0x8d: {  	[sflag:s9] =	ssyncset.done $0x0  }
0x8e: {  	[sflag:s9] =	ssyncadd.s32 $0xFFFFF800  }
0x8f: {  	_ =	swait.ge [sflag:s9], $0x800  }
0x90: {  	[sflag:s9] =	ssyncset.done $0x0  }
0x91: {  	[sflag:s9] =	ssyncadd.s32 $0xFFFFF800  }
0x92: {  	_ =	swait.ge [sflag:s9], $0x800  }
0x93: {  	[sflag:s9] =	ssyncset.done $0x0  }
0x94: {  	[sflag:s9] =	ssyncadd.s32 $0xFFFFF800  }
0x95: {  	_ =	swait.ge [sflag:s9], $0x800  }
0x96: {  	[sflag:s9] =	ssyncset.done $0x0  }
0x97: {  	[sflag:s9] =	ssyncadd.s32 $0xFFFFF800  }
0x98: {  	_ =	swait.ge [sflag:s9], $0x800  }
0x99: {  	[sflag:s9] =	ssyncset.done $0x0  }
0x9a: {  	[sflag:s9] =	ssyncadd.s32 $0xFFFFF800  }
0x9b: {  	_ =	swait.ge [sflag:s9], $0x800  }
0x9c: {  	[sflag:s9] =	ssyncset.done $0x0  }
0x9d: {  	[sflag:s9] =	ssyncadd.s32 $0xFFFFF800  }
0x9e: {  	_ =	swait.ge [sflag:s9], $0x800  }
0x9f: {  	[sflag:s9] =	ssyncset.done $0x0  }
0xa0: {  	[sflag:s9] =	ssyncadd.s32 $0xFFFFF800  }
0xa1: {  	s11 =	simm.s32 $0x80;
	_ =	swait.ge [sflag:s9], $0x800  }
0xa2: {  	s12 =	simm.s32 $0x100;
	s13 =	rddreg [dreg:$0x5];
	[sflag:s9] =	ssyncset.done $0x0  }
.LBB2_2:
0xa3: {  	[sflag:s9] =	ssyncadd.s32 $0xFFFFF800;
	s13 =	sadd.s32 s11, s13  }
0xa4: {  	[tilespmem:s4], [sflag:$0x3] =	stream.linear.gather [hbm4b:s13+s4], $0x400, $0x38;
	[tilespmem:$0x1D800] =	vst v63  }
0xa5: {  	_ =	swait.ge [sflag:s24], $0x400  }
0xa6: {  	s13 =	rddreg [dreg:$0x4];
	[sflag:s24] =	ssyncset.done $0x0  }
0xa7: {  	[sflag:s24] =	ssyncadd.s32 $0xFFFFFC00;
	s13 =	sadd.s32 s11, s13  }
0xa8: {  	[tilespmem:s25], [sflag:$0x3] =	stream.linear.gather [hbm4b:s13+s4], $0x400, $0x38;
	[tilespmem:$0x1D800] =	vst v63  }
0xa9: {  	_ =	swait.ge [sflag:s24], $0x400  }
0xaa: {  	[sflag:s24] =	ssyncset.done $0x0  }
0xab: {  	[sflag:s24] =	ssyncadd.s32 $0xFFFFFC00  }
0xac: {  	[tilespmem:s23], [sflag:$0x1] =	stream.indirect.gather [hbm4b:s5+s26], $0x10, s4, s26, $0xb8;
	[tilespmem:$0x1D800] =	vst v63  }
0xad: {  	s10 =	smov.u32 s12  }
0xae: {  	[tilespmem:s28], [sflag:$0x1] =	stream.indirect.gather [hbm4b:s5+s26], $0x10, s26, s26, $0xb8;
	[tilespmem:$0x1D800] =	vst v63  }
0xaf: {  	s11 =	smov.u32 s10;
	s10 =	rddreg [dreg:$0x6]  }
0xb0: {  	[tilespmem:s29], [sflag:$0x1] =	stream.indirect.gather [hbm4b:s5+s26], $0x10, s10, s26, $0xb8;
	[tilespmem:$0x1D800] =	vst v63  }
0xb1: {  	s13 =	rddreg [dreg:$0x7]  }
0xb2: {  	[tilespmem:s30], [sflag:$0x1] =	stream.indirect.gather [hbm4b:s5+s26], $0x10, s13, s26, $0xb8;
	[tilespmem:$0x1D800] =	vst v63  }
0xb3: {  	_ = 	snop  }
0xb4: {  	[tilespmem:s1], [sflag:$0x1] =	stream.indirect.gather [hbm4b:s5+s26], $0x10, s31, s26, $0xb8;
	[tilespmem:$0x1D800] =	vst v63  }
0xb5: {  	_ = 	snop  }
0xb6: {  	[tilespmem:s2], [sflag:$0x1] =	stream.indirect.gather [hbm4b:s5+s26], $0x10, s0, s26, $0xb8;
	[tilespmem:$0x1D800] =	vst v63  }
0xb7: {  	_ = 	snop  }
0xb8: {  	[tilespmem:s15], [sflag:$0x1] =	stream.indirect.gather [hbm4b:s5+s26], $0x10, s14, s26, $0xb8;
	[tilespmem:$0x1D800] =	vst v63  }
0xb9: {  	_ = 	snop  }
0xba: {  	[tilespmem:s17], [sflag:$0x1] =	stream.indirect.gather [hbm4b:s5+s26], $0x10, s16, s26, $0xb8;
	[tilespmem:$0x1D800] =	vst v63  }
0xbb: {  	_ =	swait.ge [sflag:s18], $0x800  }
0xbc: {  	[sflag:s18] =	ssyncset.done $0x0  }
0xbd: {  	[sflag:s18] =	ssyncadd.s32 $0xFFFFF800  }
0xbe: {  	_ =	swait.ge [sflag:s18], $0x800  }
0xbf: {  	[sflag:s18] =	ssyncset.done $0x0  }
0xc0: {  	[sflag:s18] =	ssyncadd.s32 $0xFFFFF800  }
0xc1: {  	_ =	swait.ge [sflag:s18], $0x800  }
0xc2: {  	[sflag:s18] =	ssyncset.done $0x0  }
0xc3: {  	[sflag:s18] =	ssyncadd.s32 $0xFFFFF800  }
0xc4: {  	_ =	swait.ge [sflag:s18], $0x800  }
0xc5: {  	[sflag:s18] =	ssyncset.done $0x0  }
0xc6: {  	[sflag:s18] =	ssyncadd.s32 $0xFFFFF800  }
0xc7: {  	_ =	swait.ge [sflag:s18], $0x800  }
0xc8: {  	[sflag:s18] =	ssyncset.done $0x0  }
0xc9: {  	[sflag:s18] =	ssyncadd.s32 $0xFFFFF800  }
0xca: {  	_ =	swait.ge [sflag:s18], $0x800  }
0xcb: {  	[sflag:s18] =	ssyncset.done $0x0  }
0xcc: {  	[sflag:s18] =	ssyncadd.s32 $0xFFFFF800  }
0xcd: {  	_ =	swait.ge [sflag:s18], $0x800  }
0xce: {  	[sflag:s18] =	ssyncset.done $0x0  }
0xcf: {  	[sflag:s18] =	ssyncadd.s32 $0xFFFFF800  }
0xd0: {  	_ =	swait.ge [sflag:s18], $0x800  }
0xd1: {  	[sflag:s18] =	ssyncset.done $0x0  }
0xd2: {  	[sflag:s18] =	ssyncadd.s32 $0xFFFFF800  }
0xd3: {  	[spmem:s3] =	stream.indirect.scatter.add.f32 [tilespmem:s23], [sflag:$0x2], $0x10, s25, s26, $0xb8;
	[tilespmem:$0x1D800] =	vst v63  }
0xd4: {  	_ = 	snop  }
0xd5: {  	[spmem:s3] =	stream.indirect.scatter.add.f32 [tilespmem:s28], [sflag:$0x2], $0x10, s19, s26, $0xb8;
	[tilespmem:$0x1D800] =	vst v63  }
0xd6: {  	_ = 	snop  }
0xd7: {  	[spmem:s3] =	stream.indirect.scatter.add.f32 [tilespmem:s29], [sflag:$0x2], $0x10, s20, s26, $0xb8;
	[tilespmem:$0x1D800] =	vst v63  }
0xd8: {  	_ = 	snop  }
0xd9: {  	[spmem:s3] =	stream.indirect.scatter.add.f32 [tilespmem:s30], [sflag:$0x2], $0x10, s21, s26, $0xb8;
	[tilespmem:$0x1D800] =	vst v63  }
0xda: {  	_ = 	snop  }
0xdb: {  	[spmem:s3] =	stream.indirect.scatter.add.f32 [tilespmem:s1], [sflag:$0x2], $0x10, s22, s26, $0xb8;
	[tilespmem:$0x1D800] =	vst v63  }
0xdc: {  	_ = 	snop  }
0xdd: {  	[spmem:s3] =	stream.indirect.scatter.add.f32 [tilespmem:s2], [sflag:$0x2], $0x10, s6, s26, $0xb8;
	[tilespmem:$0x1D800] =	vst v63  }
0xde: {  	_ = 	snop  }
0xdf: {  	[spmem:s3] =	stream.indirect.scatter.add.f32 [tilespmem:s15], [sflag:$0x2], $0x10, s7, s26, $0xb8;
	[tilespmem:$0x1D800] =	vst v63  }
0xe0: {  	_ = 	snop  }
0xe1: {  	[spmem:s3] =	stream.indirect.scatter.add.f32 [tilespmem:s17], [sflag:$0x2], $0x10, s8, s26, $0xb8;
	[tilespmem:$0x1D800] =	vst v63  }
0xe2: {  	_ =	swait.ge [sflag:s9], $0x800  }
0xe3: {  	[sflag:s9] =	ssyncset.done $0x0  }
0xe4: {  	[sflag:s9] =	ssyncadd.s32 $0xFFFFF800  }
0xe5: {  	_ =	swait.ge [sflag:s9], $0x800  }
0xe6: {  	[sflag:s9] =	ssyncset.done $0x0  }
0xe7: {  	[sflag:s9] =	ssyncadd.s32 $0xFFFFF800  }
0xe8: {  	_ =	swait.ge [sflag:s9], $0x800  }
0xe9: {  	[sflag:s9] =	ssyncset.done $0x0  }
0xea: {  	[sflag:s9] =	ssyncadd.s32 $0xFFFFF800  }
0xeb: {  	_ =	swait.ge [sflag:s9], $0x800  }
0xec: {  	[sflag:s9] =	ssyncset.done $0x0  }
0xed: {  	[sflag:s9] =	ssyncadd.s32 $0xFFFFF800  }
0xee: {  	_ =	swait.ge [sflag:s9], $0x800  }
0xef: {  	[sflag:s9] =	ssyncset.done $0x0  }
0xf0: {  	[sflag:s9] =	ssyncadd.s32 $0xFFFFF800  }
0xf1: {  	_ =	swait.ge [sflag:s9], $0x800  }
0xf2: {  	[sflag:s9] =	ssyncset.done $0x0  }
0xf3: {  	p0 =	sne.s32 s12, $0x3180;
	[sflag:s9] =	ssyncadd.s32 $0xFFFFF800  }
.Ltmp0:
0xf4: {  	_ =	swait.ge [sflag:s9], $0x800;
	(pc) =	sbr.rel @p0 .LBB2_2-.Ltmp0, $4  }
0xf5: {  	[sflag:s9] =	ssyncset.done $0x0  }
0xf6: {  	[sflag:s9] =	ssyncadd.s32 $0xFFFFF800  }
0xf7: {  	_ =	swait.ge [sflag:s9], $0x800  }
0xf8: {  	s12 =	sadd.s32 $0x80, s12;
	s13 =	rddreg [dreg:$0x5];
	[sflag:s9] =	ssyncset.done $0x0  }
0xf9: {  	[sflag:s9] =	ssyncadd.s32 $0xFFFFF800;
	s10 =	sadd.s32 s11, s13  }
0xfa: {  	[tilespmem:s4], [sflag:$0x3] =	stream.linear.gather [hbm4b:s10+s4], $0x400, $0x38;
	[tilespmem:$0x1D800] =	vst v63  }
0xfb: {  	_ =	swait.ge [sflag:s24], $0x400  }
0xfc: {  	s13 =	rddreg [dreg:$0x4];
	[sflag:s24] =	ssyncset.done $0x0  }
0xfd: {  	[sflag:s24] =	ssyncadd.s32 $0xFFFFFC00;
	s10 =	sadd.s32 s11, s13  }
0xfe: {  	[tilespmem:s25], [sflag:$0x3] =	stream.linear.gather [hbm4b:s10+s4], $0x400, $0x38;
	[tilespmem:$0x1D800] =	vst v63  }
0xff: {  	_ =	swait.ge [sflag:s24], $0x400  }
0x100: {  	[sflag:s24] =	ssyncset.done $0x0  }
0x101: {  	[sflag:s24] =	ssyncadd.s32 $0xFFFFFC00  }
0x102: {  	[tilespmem:s23], [sflag:$0x1] =	stream.indirect.gather [hbm4b:s5+s26], $0x10, s4, s26, $0xb8;
	[tilespmem:$0x1D800] =	vst v63  }
0x103: {  	_ = 	snop  }
0x104: {  	[tilespmem:s28], [sflag:$0x1] =	stream.indirect.gather [hbm4b:s5+s26], $0x10, s26, s26, $0xb8;
	[tilespmem:$0x1D800] =	vst v63  }
0x105: {  	s12 =	rddreg [dreg:$0x6]  }
0x106: {  	[tilespmem:s29], [sflag:$0x1] =	stream.indirect.gather [hbm4b:s5+s26], $0x10, s12, s26, $0xb8;
	[tilespmem:$0x1D800] =	vst v63  }
0x107: {  	s13 =	rddreg [dreg:$0x7]  }
0x108: {  	[tilespmem:s30], [sflag:$0x1] =	stream.indirect.gather [hbm4b:s5+s26], $0x10, s13, s26, $0xb8;
	[tilespmem:$0x1D800] =	vst v63  }
0x109: {  	_ = 	snop  }
0x10a: {  	[tilespmem:s1], [sflag:$0x1] =	stream.indirect.gather [hbm4b:s5+s26], $0x10, s31, s26, $0xb8;
	[tilespmem:$0x1D800] =	vst v63  }
0x10b: {  	_ = 	snop  }
0x10c: {  	[tilespmem:s2], [sflag:$0x1] =	stream.indirect.gather [hbm4b:s5+s26], $0x10, s0, s26, $0xb8;
	[tilespmem:$0x1D800] =	vst v63  }
0x10d: {  	_ = 	snop  }
0x10e: {  	[tilespmem:s15], [sflag:$0x1] =	stream.indirect.gather [hbm4b:s5+s26], $0x10, s14, s26, $0xb8;
	[tilespmem:$0x1D800] =	vst v63  }
0x10f: {  	_ = 	snop  }
0x110: {  	[tilespmem:s17], [sflag:$0x1] =	stream.indirect.gather [hbm4b:s5+s26], $0x10, s16, s26, $0xb8;
	[tilespmem:$0x1D800] =	vst v63  }
0x111: {  	_ =	swait.ge [sflag:s18], $0x800  }
0x112: {  	[sflag:s18] =	ssyncset.done $0x0  }
0x113: {  	[sflag:s18] =	ssyncadd.s32 $0xFFFFF800  }
0x114: {  	_ =	swait.ge [sflag:s18], $0x800  }
0x115: {  	[sflag:s18] =	ssyncset.done $0x0  }
0x116: {  	[sflag:s18] =	ssyncadd.s32 $0xFFFFF800  }
0x117: {  	_ =	swait.ge [sflag:s18], $0x800  }
0x118: {  	[sflag:s18] =	ssyncset.done $0x0  }
0x119: {  	[sflag:s18] =	ssyncadd.s32 $0xFFFFF800  }
0x11a: {  	_ =	swait.ge [sflag:s18], $0x800  }
0x11b: {  	[sflag:s18] =	ssyncset.done $0x0  }
0x11c: {  	[sflag:s18] =	ssyncadd.s32 $0xFFFFF800  }
0x11d: {  	_ =	swait.ge [sflag:s18], $0x800  }
0x11e: {  	[sflag:s18] =	ssyncset.done $0x0  }
0x11f: {  	[sflag:s18] =	ssyncadd.s32 $0xFFFFF800  }
0x120: {  	_ =	swait.ge [sflag:s18], $0x800  }
0x121: {  	[sflag:s18] =	ssyncset.done $0x0  }
0x122: {  	[sflag:s18] =	ssyncadd.s32 $0xFFFFF800  }
0x123: {  	_ =	swait.ge [sflag:s18], $0x800  }
0x124: {  	[sflag:s18] =	ssyncset.done $0x0  }
0x125: {  	[sflag:s18] =	ssyncadd.s32 $0xFFFFF800  }
0x126: {  	_ =	swait.ge [sflag:s18], $0x800  }
0x127: {  	[sflag:s18] =	ssyncset.done $0x0  }
0x128: {  	[sflag:s18] =	ssyncadd.s32 $0xFFFFF800  }
0x129: {  	[spmem:s3] =	stream.indirect.scatter.add.f32 [tilespmem:s23], [sflag:$0x2], $0x10, s25, s26, $0xb8;
	[tilespmem:$0x1D800] =	vst v63  }
0x12a: {  	_ = 	snop  }
0x12b: {  	[spmem:s3] =	stream.indirect.scatter.add.f32 [tilespmem:s28], [sflag:$0x2], $0x10, s19, s26, $0xb8;
	[tilespmem:$0x1D800] =	vst v63  }
0x12c: {  	_ = 	snop  }
0x12d: {  	[spmem:s3] =	stream.indirect.scatter.add.f32 [tilespmem:s29], [sflag:$0x2], $0x10, s20, s26, $0xb8;
	[tilespmem:$0x1D800] =	vst v63  }
0x12e: {  	_ = 	snop  }
0x12f: {  	[spmem:s3] =	stream.indirect.scatter.add.f32 [tilespmem:s30], [sflag:$0x2], $0x10, s21, s26, $0xb8;
	[tilespmem:$0x1D800] =	vst v63  }
0x130: {  	_ = 	snop  }
0x131: {  	[spmem:s3] =	stream.indirect.scatter.add.f32 [tilespmem:s1], [sflag:$0x2], $0x10, s22, s26, $0xb8;
	[tilespmem:$0x1D800] =	vst v63  }
0x132: {  	_ = 	snop  }
0x133: {  	[spmem:s3] =	stream.indirect.scatter.add.f32 [tilespmem:s2], [sflag:$0x2], $0x10, s6, s26, $0xb8;
	[tilespmem:$0x1D800] =	vst v63  }
0x134: {  	_ = 	snop  }
0x135: {  	[spmem:s3] =	stream.indirect.scatter.add.f32 [tilespmem:s15], [sflag:$0x2], $0x10, s7, s26, $0xb8;
	[tilespmem:$0x1D800] =	vst v63  }
0x136: {  	_ = 	snop  }
0x137: {  	[spmem:s3] =	stream.indirect.scatter.add.f32 [tilespmem:s17], [sflag:$0x2], $0x10, s8, s26, $0xb8;
	[tilespmem:$0x1D800] =	vst v63  }
0x138: {  	_ =	swait.ge [sflag:s9], $0x800  }
0x139: {  	[sflag:s9] =	ssyncset.done $0x0  }
0x13a: {  	[sflag:s9] =	ssyncadd.s32 $0xFFFFF800  }
0x13b: {  	_ =	swait.ge [sflag:s9], $0x800  }
0x13c: {  	[sflag:s9] =	ssyncset.done $0x0  }
0x13d: {  	[sflag:s9] =	ssyncadd.s32 $0xFFFFF800  }
0x13e: {  	_ =	swait.ge [sflag:s9], $0x800  }
0x13f: {  	[sflag:s9] =	ssyncset.done $0x0  }
0x140: {  	[sflag:s9] =	ssyncadd.s32 $0xFFFFF800  }
0x141: {  	_ =	swait.ge [sflag:s9], $0x800  }
0x142: {  	[sflag:s9] =	ssyncset.done $0x0  }
0x143: {  	[sflag:s9] =	ssyncadd.s32 $0xFFFFF800  }
0x144: {  	_ =	swait.ge [sflag:s9], $0x800  }
0x145: {  	[sflag:s9] =	ssyncset.done $0x0  }
0x146: {  	[sflag:s9] =	ssyncadd.s32 $0xFFFFF800  }
0x147: {  	_ =	swait.ge [sflag:s9], $0x800  }
0x148: {  	[sflag:s9] =	ssyncset.done $0x0  }
0x149: {  	[sflag:s9] =	ssyncadd.s32 $0xFFFFF800  }
0x14a: {  	_ =	swait.ge [sflag:s9], $0x800  }
0x14b: {  	[sflag:s9] =	ssyncset.done $0x0  }
0x14c: {  	[sflag:s9] =	ssyncadd.s32 $0xFFFFF800  }
0x14d: {  	_ =	swait.ge [sflag:s9], $0x800  }
0x14e: {  	[sflag:s9] =	ssyncset.done $0x0  }
0x14f: {  	[sflag:s9] =	ssyncadd.s32 $0xFFFFF800  }
0x150: {  	[bflag:$0x0] =	sbarrier.arrive $0xFFFF  }
0x151: {  	s11 =	rddreg [dreg:$0x8]  }
0x152: {  	[tilespmem:s23], [sflag:$0x3] =	stream.linear.gather [spmem:s11], $0x3200, $0x38;
	[tilespmem:$0x1D800] =	vst v63  }
0x153: {  	_ =	swait.ge [sflag:s24], $0x3200  }
0x154: {  	[sflag:s24] =	ssyncset.done $0x0  }
0x155: {  	s12 =	rddreg [dreg:$0x10];
	[sflag:s24] =	ssyncadd.s32 $0xFFFFCE00  }
0x156: {  	[hbm4b:s12+s4] =	stream.linear.scatter [tilespmem:s23], [sflag:$0x3], $0x3200, $0x38;
	[tilespmem:$0x1D800] =	vst v63  }
0x157: {  	_ =	swait.ge [sflag:s24], $0x3200  }
0x158: {  	[sflag:s24] =	ssyncset.done $0x0  }
0x159: {  	s13 =	rddreg [dreg:$0x9];
	[sflag:s24] =	ssyncadd.s32 $0xFFFFCE00  }
0x15a: {  	[tilespmem:s23], [sflag:$0x3] =	stream.linear.gather [spmem:s13], $0x3200, $0x38;
	[tilespmem:$0x1D800] =	vst v63  }
0x15b: {  	_ =	swait.ge [sflag:s24], $0x3200  }
0x15c: {  	[sflag:s24] =	ssyncset.done $0x0  }
0x15d: {  	s11 =	rddreg [dreg:$0x11];
	[sflag:s24] =	ssyncadd.s32 $0xFFFFCE00  }
0x15e: {  	[hbm4b:s11+s4] =	stream.linear.scatter [tilespmem:s23], [sflag:$0x3], $0x3200, $0x38;
	[tilespmem:$0x1D800] =	vst v63  }
0x15f: {  	_ =	swait.ge [sflag:s24], $0x3200  }
0x160: {  	[sflag:s24] =	ssyncset.done $0x0  }
0x161: {  	s12 =	rddreg [dreg:$0xa];
	[sflag:s24] =	ssyncadd.s32 $0xFFFFCE00  }
0x162: {  	[tilespmem:s23], [sflag:$0x3] =	stream.linear.gather [spmem:s12], $0x3200, $0x38;
	[tilespmem:$0x1D800] =	vst v63  }
0x163: {  	_ =	swait.ge [sflag:s24], $0x3200  }
0x164: {  	[sflag:s24] =	ssyncset.done $0x0  }
0x165: {  	s13 =	rddreg [dreg:$0x12];
	[sflag:s24] =	ssyncadd.s32 $0xFFFFCE00  }
0x166: {  	[hbm4b:s13+s4] =	stream.linear.scatter [tilespmem:s23], [sflag:$0x3], $0x3200, $0x38;
	[tilespmem:$0x1D800] =	vst v63  }
0x167: {  	_ =	swait.ge [sflag:s24], $0x3200  }
0x168: {  	[sflag:s24] =	ssyncset.done $0x0  }
0x169: {  	s11 =	rddreg [dreg:$0xb];
	[sflag:s24] =	ssyncadd.s32 $0xFFFFCE00  }
0x16a: {  	[tilespmem:s23], [sflag:$0x3] =	stream.linear.gather [spmem:s11], $0x3200, $0x38;
	[tilespmem:$0x1D800] =	vst v63  }
0x16b: {  	_ =	swait.ge [sflag:s24], $0x3200  }
0x16c: {  	[sflag:s24] =	ssyncset.done $0x0  }
0x16d: {  	s12 =	rddreg [dreg:$0x13];
	[sflag:s24] =	ssyncadd.s32 $0xFFFFCE00  }
0x16e: {  	[hbm4b:s12+s4] =	stream.linear.scatter [tilespmem:s23], [sflag:$0x3], $0x3200, $0x38;
	[tilespmem:$0x1D800] =	vst v63  }
0x16f: {  	_ =	swait.ge [sflag:s24], $0x3200  }
0x170: {  	[sflag:s24] =	ssyncset.done $0x0  }
0x171: {  	s13 =	rddreg [dreg:$0xc];
	[sflag:s24] =	ssyncadd.s32 $0xFFFFCE00  }
0x172: {  	[tilespmem:s23], [sflag:$0x3] =	stream.linear.gather [spmem:s13], $0x3200, $0x38;
	[tilespmem:$0x1D800] =	vst v63  }
0x173: {  	_ =	swait.ge [sflag:s24], $0x3200  }
0x174: {  	[sflag:s24] =	ssyncset.done $0x0  }
0x175: {  	s11 =	rddreg [dreg:$0x14];
	[sflag:s24] =	ssyncadd.s32 $0xFFFFCE00  }
0x176: {  	[hbm4b:s11+s4] =	stream.linear.scatter [tilespmem:s23], [sflag:$0x3], $0x3200, $0x38;
	[tilespmem:$0x1D800] =	vst v63  }
0x177: {  	_ =	swait.ge [sflag:s24], $0x3200  }
0x178: {  	[sflag:s24] =	ssyncset.done $0x0  }
0x179: {  	s12 =	rddreg [dreg:$0xd];
	[sflag:s24] =	ssyncadd.s32 $0xFFFFCE00  }
0x17a: {  	[tilespmem:s23], [sflag:$0x3] =	stream.linear.gather [spmem:s12], $0x3200, $0x38;
	[tilespmem:$0x1D800] =	vst v63  }
0x17b: {  	_ =	swait.ge [sflag:s24], $0x3200  }
0x17c: {  	[sflag:s24] =	ssyncset.done $0x0  }
0x17d: {  	s13 =	rddreg [dreg:$0x15];
	[sflag:s24] =	ssyncadd.s32 $0xFFFFCE00  }
0x17e: {  	[hbm4b:s13+s4] =	stream.linear.scatter [tilespmem:s23], [sflag:$0x3], $0x3200, $0x38;
	[tilespmem:$0x1D800] =	vst v63  }
0x17f: {  	_ =	swait.ge [sflag:s24], $0x3200  }
0x180: {  	[sflag:s24] =	ssyncset.done $0x0  }
0x181: {  	s12 =	rddreg [dreg:$0xe];
	[sflag:s24] =	ssyncadd.s32 $0xFFFFCE00  }
0x182: {  	[tilespmem:s23], [sflag:$0x3] =	stream.linear.gather [spmem:s12], $0x3200, $0x38;
	[tilespmem:$0x1D800] =	vst v63  }
0x183: {  	_ =	swait.ge [sflag:s24], $0x3200  }
0x184: {  	[sflag:s24] =	ssyncset.done $0x0  }
0x185: {  	s11 =	rddreg [dreg:$0x16];
	[sflag:s24] =	ssyncadd.s32 $0xFFFFCE00  }
0x186: {  	[hbm4b:s11+s4] =	stream.linear.scatter [tilespmem:s23], [sflag:$0x3], $0x3200, $0x38;
	[tilespmem:$0x1D800] =	vst v63  }
0x187: {  	_ =	swait.ge [sflag:s24], $0x3200  }
0x188: {  	[sflag:s24] =	ssyncset.done $0x0  }
0x189: {  	s11 =	rddreg [dreg:$0xf];
	[sflag:s24] =	ssyncadd.s32 $0xFFFFCE00  }
0x18a: {  	[tilespmem:s23], [sflag:$0x3] =	stream.linear.gather [spmem:s11], $0x3200, $0x38;
	[tilespmem:$0x1D800] =	vst v63  }
0x18b: {  	_ =	swait.ge [sflag:s24], $0x3200  }
0x18c: {  	[sflag:s24] =	ssyncset.done $0x0  }
0x18d: {  	s13 =	rddreg [dreg:$0x17];
	[sflag:s24] =	ssyncadd.s32 $0xFFFFCE00  }
0x18e: {  	[hbm4b:s13+s4] =	stream.linear.scatter [tilespmem:s23], [sflag:$0x3], $0x3200, $0x38;
	[tilespmem:$0x1D800] =	vst v63  }
0x18f: {  	_ =	swait.ge [sflag:s24], $0x3200  }
0x190: {  	s10 =	rddreg [dreg:$0x19]  }
0x191: {  	s13 =	sadd.s32 $0x1, s10;
	s10 =	rddreg [dreg:$0x18]  }
0x192: {  	p0 =	sne.s32 s13, s10  }
.Ltmp1:
0x193: {  	_ = 	snop;
	(pc) =	sbr.rel @p0 .LBB2_1-.Ltmp1, $3  }
0x194: {  	_ =	sdelay $0x1  }
0x195: {  	[sflag:s24] =	ssyncset.done $0x0;
	[dreg:$0x19] =	wrdreg s13  }
0x196: {  	[sflag:s24] =	ssyncadd.s32 $0xFFFFCE00;
	s13 =	rddreg [dreg:$0xa]  }
0x197: {  	_ =	sfence.sel $0x180000  }
0x198: {  	[bflag:$0x0] =	sbarrier.arrive $0xFFFF  }
0x199: {  	_ =	strace $0x9000004A  }
0x19a: {  	s0 =	stileid.u32;
	[bflag:$0x2] =	sbarrier.arrive $0xFFFF  }
0x19b: {  	p0 =	sne.s32 s0, $0x0;
	s0 =	rddreg [dreg:$0x3]  }
0x19c: {  	s0 =	sadd.s32 @!p0 $0x100000, s0  }
0x19d: {  	[sflag:s0] =	ssyncadd.tile.s32 @!p0 $0x1;
	_ =	shalt  }
.Lfunc_end2:
_tile_overlayer_lowered:
.L_overlay_start_2:
0x19e: {  	(tag) =	ssettag $0x2  }
0x19f: {  	s0 =	rddreg [dreg:$0x0];
	s2 =	stileid.u32  }
0x1a0: {  	s1 =	rddreg [dreg:$0x1];
	p0 =	sne.s32 s2, $0x0  }
0x1a1: {  	s3 =	rddreg [dreg:$0x2];
	[bflag:$0x3] =	sbarrier.arrive $0xFFFF;
	s2 =	simm.s32 @!p0 $0x1C03  }
0x1a2: {  	[timem:s3], [sflag:s2] =	dma.local @!p0 [hbm:s0], s1  }
0x1a3: {  	s0 =	simm.s32 @!p0 $0x3  }
0x1a4: {  	_ =	swait.ge @!p0 [sflag:s0], s1  }
0x1a5: {  	s1 =	ssub.s32 @!p0 $0x0, s1;
	[sflag:s0] =	ssyncset.done @!p0 $0x0  }
0x1a6: {  	[sflag:s0] =	ssyncadd.s32 @!p0 s1  }
0x1a7: {  	[bflag:$0x3] =	sbarrier.arrive $0xFFFF  }
0x1a8: {  	_ =	shalt  }

// kernel: sc_gcn_agg.7.cloned.1.call-start
scs
__scs_entry_jumppad:
0x0: {  	(pc) =	sbr.rel $0x88, $3  }
0x1: {  	(tag) =	ssettag $0x0;
	lr =	simm.s32 $0x1  }
0x2: {  	[smem:$0x3F99] =	sst lr;
	_ =	strace $0xD0000000  }
0x3: {  	_ = 	snop  }
0x4: {  	_ = 	snop  }
0x5: {  	_ = 	snop  }
0x6: {  	_ = 	snop  }
0x7: {  	_ = 	snop  }
__scs_overlays_trampoline_lowered:
0x8: {  	[smem:$0x3FA8] =	sst s0  }
0x9: {  	[smem:$0x3FA9] =	sst s1  }
0xa: {  	[smem:$0x3FAA] =	sst s2  }
0xb: {  	[smem:$0x3FAB] =	sst s3  }
0xc: {  	[smem:$0x3FAC] =	sst s4  }
0xd: {  	[smem:$0x3FAD] =	sst s5  }
0xe: {  	[smem:$0x3FAE] =	sst s6  }
0xf: {  	[smem:$0x3FAF] =	sst s7  }
0x10: {  	[smem:$0x3FB0] =	sst s8  }
0x11: {  	[smem:$0x3FB1] =	sst s9;
	s0 =	simm.s32 @!p0 $0x0  }
0x12: {  	s1 =	sld [smem:$0x3F97];
	s0 =	simm.s32 @p0 $0x1  }
0x13: {  	[smem:$0x3FB2] =	sst s0;
	s0 =	simm.s32 @!p1 $0x0  }
0x14: {  	s2 =	sld [smem:$0x3F96];
	s0 =	simm.s32 @p1 $0x1  }
0x15: {  	[smem:$0x3FB3] =	sst s0;
	s0 =	simm.s32 @!p2 $0x0  }
0x16: {  	s3 =	sld [smem:$0x3FDB];
	s0 =	simm.s32 @p2 $0x1  }
0x17: {  	s4 =	simm.s32 $0x1BF5;
	[smem:$0x3FB5] =	sst s0  }
0x18: {  	s0 =	sld [smem:$0x3F98];
	_ =	swait.ge [sflag:s4], $0x0  }
0x19: {  	s7 =	sld [smem:$0x3F99]  }
0x1a: {  	s8 =	sadd.s32 $0xFFFFE003, lr  }
0x1b: {  	s9 =	sadd.s32 $0xFFFFFEF7, lr;
	s5 =	simm.s32 $0xFFFFFFFF;
	p2 =	slt.u32 s8, $0xFFFFF086  }
0x1c: {  	p1 =	slt.u32 s9, $0xF7A;
	s5 =	simm.s32 @!p2 $0x0  }
0x1d: {  	s5 =	simm.s32 @p1 $0x1;
	p0 =	seq.s32 s7, s2  }
0x1e: {  	s7 =	smul.u32 @!p0 $0xF7A, s2;
	p2 =	seq.s32 @!p0 s5, $0x0  }
0x1f: {  	s9 =	smul.u32 $0xF7A, s1;
	s8 =	simm.s32 @!p0 $0x1BF5;
	p2 =	por !p2, p0  }
0x20: {  	[sflag:s8] =	ssyncset.s32 @!p0 $0xFFFFF086;
	s6 =	sadd.s32 @!p0 s3, s7;
	s7 =	simm.s32 @!p0 $0x108  }
0x21: {  	s3 =	sadd.s32 s3, s9;
	s6 =	sadd.s32 @!p0 $0x88, s6;
	s7 =	simm.s32 @p2 $0x1082  }
0x22: {  	[simem:s7], [sflag:s8] =	dma.local @!p0 [hbm:s6], $0xF7A  }
0x23: {  	s9 =	sor.u32 $0xD0000000, s2;
	s6 =	simm.s32 $0x108;
	_ =	swait.ge @!p0 [sflag:s8], $0x0  }
0x24: {  	s3 =	sadd.s32 $0x88, s3;
	s6 =	simm.s32 @!p1 $0x1082;
	[sflag:s4] =	ssyncset.s32 $0xFFFFF086  }
0x25: {  	[simem:s6], [sflag:s4] =	dma.local [hbm:s3], $0xF7A  }
0x26: {  	[smem:$0x3F99] =	sst s1;
	(tag) =	ssettag s2;
	_ =	strace s9  }
0x27: {  	s1 =	sld [smem:$0x3FA9]  }
0x28: {  	s2 =	sld [smem:$0x3FAA]  }
0x29: {  	s4 =	sld [smem:$0x3FAC]  }
0x2a: {  	p0 =	seq.s32 s5, $0x0;
	s5 =	sld [smem:$0x3FAD]  }
0x2b: {  	s6 =	sld [smem:$0x3FAE]  }
0x2c: {  	s7 =	sld [smem:$0x3FAF]  }
0x2d: {  	s3 =	simm.s32 $0x108;
	s8 =	sld [smem:$0x3FB0]  }
0x2e: {  	s3 =	simm.s32 @!p0 $0x1082;
	s9 =	sld [smem:$0x3FB1]  }
0x2f: {  	lr =	sadd.s32 s0, s3;
	s0 =	sld [smem:$0x3FA8]  }
0x30: {  	s3 =	sld [smem:$0x3FAB]  }
0x31: {  	[smem:$0x3FB4] =	sst s10  }
0x32: {  	s10 =	sld [smem:$0x3FB2];
	_ =	sdelay $0x3  }
0x33: {  	p0 =	seq.s32 s10, $0x1;
	s10 =	sld [smem:$0x3FB4];
	_ =	sdelay $0x3  }
0x34: {  	[smem:$0x3FB4] =	sst s10  }
0x35: {  	s10 =	sld [smem:$0x3FB3];
	_ =	sdelay $0x3  }
0x36: {  	p1 =	seq.s32 s10, $0x1;
	s10 =	sld [smem:$0x3FB4];
	_ =	sdelay $0x3  }
0x37: {  	[smem:$0x3FB4] =	sst s10  }
0x38: {  	s10 =	sld [smem:$0x3FB5]  }
0x39: {  	_ = 	snop;
	(pc) =	sbr.ind lr, $3  }
0x3a: {  	_ = 	snop  }
0x3b: {  	_ = 	snop  }
0x3c: {  	p2 =	seq.s32 s10, $0x1;
	s10 =	sld [smem:$0x3FB4]  }
0x3d: {  	_ =	shalt  }
0x3e: {  	_ =	shalt  }
0x3f: {  	_ =	shalt  }
0x40: {  	_ =	shalt  }
0x41: {  	_ =	shalt  }
0x42: {  	_ =	shalt  }
0x43: {  	_ =	shalt  }
0x44: {  	_ =	shalt  }
0x45: {  	_ =	shalt  }
0x46: {  	_ =	shalt  }
0x47: {  	_ =	shalt  }
0x48: {  	_ =	shalt  }
0x49: {  	_ =	shalt  }
0x4a: {  	_ =	shalt  }
0x4b: {  	_ =	shalt  }
0x4c: {  	_ =	shalt  }
0x4d: {  	_ =	shalt  }
0x4e: {  	_ =	shalt  }
0x4f: {  	_ =	shalt  }
0x50: {  	_ =	shalt  }
0x51: {  	_ =	shalt  }
0x52: {  	_ =	shalt  }
0x53: {  	_ =	shalt  }
0x54: {  	_ =	shalt  }
0x55: {  	_ =	shalt  }
0x56: {  	_ =	shalt  }
0x57: {  	_ =	shalt  }
0x58: {  	_ =	shalt  }
0x59: {  	_ =	shalt  }
0x5a: {  	_ =	shalt  }
0x5b: {  	_ =	shalt  }
0x5c: {  	_ =	shalt  }
0x5d: {  	_ =	shalt  }
0x5e: {  	_ =	shalt  }
0x5f: {  	_ =	shalt  }
0x60: {  	_ =	shalt  }
0x61: {  	_ =	shalt  }
0x62: {  	_ =	shalt  }
0x63: {  	_ =	shalt  }
0x64: {  	_ =	shalt  }
0x65: {  	_ =	shalt  }
0x66: {  	_ =	shalt  }
0x67: {  	_ =	shalt  }
0x68: {  	_ =	shalt  }
0x69: {  	_ =	shalt  }
0x6a: {  	_ =	shalt  }
0x6b: {  	_ =	shalt  }
0x6c: {  	_ =	shalt  }
0x6d: {  	_ =	shalt  }
0x6e: {  	_ =	shalt  }
0x6f: {  	_ =	shalt  }
0x70: {  	_ =	shalt  }
0x71: {  	_ =	shalt  }
0x72: {  	_ =	shalt  }
0x73: {  	_ =	shalt  }
0x74: {  	_ =	shalt  }
0x75: {  	_ =	shalt  }
0x76: {  	_ =	shalt  }
0x77: {  	_ =	shalt  }
0x78: {  	_ =	shalt  }
0x79: {  	_ =	shalt  }
0x7a: {  	_ =	shalt  }
0x7b: {  	_ =	shalt  }
0x7c: {  	_ =	shalt  }
0x7d: {  	_ =	shalt  }
0x7e: {  	_ =	shalt  }
0x7f: {  	_ =	shalt  }
0x80: {  	_ =	shalt  }
0x81: {  	_ =	shalt  }
0x82: {  	_ =	shalt  }
0x83: {  	_ =	shalt  }
0x84: {  	_ =	shalt  }
0x85: {  	_ =	shalt  }
0x86: {  	_ =	shalt  }
0x87: {  	_ =	shalt  }
.Lfunc_end0:
.L_simem_size_0:
called_computation.2_lowered:
.L_overlay_start_0:
0x88: {  	s2 =	sld [smem:$0x3FD9]  }
0x89: {  	s3 =	sld [smem:$0x3FFE];
	_ =	sdelay $0x1  }
0x8a: {  	s1 =	srdreg.scid  }
0x8b: {  	s0 =	sand.u32 $0x1, s1  }
0x8c: {  	s17 =	sshll.u32 s0, $0xA;
	s2 =	sadd.s32 s3, s2  }
0x8d: {  	s2 =	sadd.s32 s2, s17  }
0x8e: {  	[smem:$0x3FC0] =	sst s2  }
0x8f: {  	_ = 	snop  }
0x90: {  	s2 =	sld [smem:$0x3FD0];
	(tm) =	ssettm $0x1  }
0x91: {  	s18 =	sld [smem:$0x3FFB];
	_ =	sdelay $0x3  }
0x92: {  	_ =	strace s18  }
0x93: {  	s3 =	sld [smem:$0x3FFC];
	_ =	sdelay $0x3  }
0x94: {  	_ =	strace s3  }
0x95: {  	s3 =	sld [smem:$0x3FFD];
	_ =	sdelay $0x3  }
0x96: {  	_ =	strace s3  }
0x97: {  	_ =	strace $0x8FFFFFFF  }
0x98: {  	s19 =	sld [smem:$0x3FDB];
	_ =	sdelay $0x1  }
0x99: {  	s4 =	simm.s32 $_scs_section_size  }
0x9a: {  	s5 =	simm.s32 $_size__tile_overlayer_lowered;
	s6 =	simm.s32 $_tile_overlayer_lowered  }
0x9b: {  	s22 =	simm.s32 $0x1BFF;
	s21 =	sshll.u32 s6, $0x1;
	s3 =	sadd.s32 s4, s19  }
0x9c: {  	s7 =	simm.s32 $0x0;
	s20 =	sshll.u32 s5, $0x1;
	s5 =	sadd.s32 s21, s3  }
0x9d: {  	[timem:s7], [sflag:s22] =	dma.local [hbm:s5], s20  }
0x9e: {  	_ =	swait.ge [sflag:s22], s20  }
0x9f: {  	s4 =	ssub.s32 $0x0, s20;
	[sflag:s22] =	ssyncset.done $0x0  }
0xa0: {  	[sflag:s22] =	ssyncadd.s32 s4;
	_ =	sdelay $0x1  }
0xa1: {  	s23 =	simm.s32 $0x1B8B  }
0xa2: {  	_ =	swait.ge [sflag:s23], $0x1  }
0xa3: {  	[sflag:s23] =	ssyncset.done $0x0  }
0xa4: {  	s25 =	simm.s32 $0x1B8E;
	s24 =	sld [smem:$0x3FFE];
	[sflag:s23] =	ssyncadd.s32 $0xFFFFFFFF  }
0xa5: {  	s26 =	simm.s32 $execute0_lowered;
	[smem:$0x3FD2] =	sst s25  }
0xa6: {  	s5 =	sshll.u32 s26, $0x1;
	_ =	strace $0x8000004C;
	[dreg:$0x1] =	wrdreg $0xFFFFFFFF  }
0xa7: {  	s28 =	simm.s32 $_size_execute0_lowered;
	s3 =	sadd.s32 s3, s5;
	[dreg:$0x0] =	wrdreg $0x0  }
0xa8: {  	s5 =	sshll.u32 s28, $0x1;
	[dreg:$0x2] =	wrdreg s3  }
0xa9: {  	[dreg:$0x3] =	wrdreg s5  }
0xaa: {  	[dreg:$0x4] =	wrdreg $0xC0  }
0xab: {  	_ =	task [dreg:s7], $0x5FFFF  }
0xac: {  	[dreg:$0x1] =	wrdreg $0xFFFFFFFF  }
0xad: {  	[dreg:$0x0] =	wrdreg $0x60  }
0xae: {  	[dreg:$0x2] =	wrdreg s24  }
0xaf: {  	[dreg:$0x3] =	wrdreg s2  }
0xb0: {  	[dreg:$0x4] =	wrdreg $0x48000  }
0xb1: {  	[dreg:$0x5] =	wrdreg $0x9  }
0xb2: {  	_ =	task.clear_ibuf [dreg:s7], $0x6FFFF;
	_ =	strace $0x9000004C  }
0xb3: {  	s29 =	simm.s32 $0x9;
	_ =	strace $0x8000004E  }
0xb4: {  	_ =	swait.ge [sflag:s29], $0x1  }
0xb5: {  	[sflag:s29] =	ssyncadd.s32 $0xFFFFFFFF  }
0xb6: {  	_ =	strace $0x9000004E  }
0xb7: {  	_ =	sfence  }
0xb8: {  	s30 =	sld [smem:$0x0];
	_ =	sdelay $0x2  }
0xb9: {  	s31 =	sshll.u32 s1, $0xD;
	s1 =	sshrl.u32 s1, $0x2  }
0xba: {  	s3 =	sand.u32 $0x4000, s31;
	s1 =	sadd.s32 s1, s30  }
0xbb: {  	s0 =	sor.u32 s3, s0;
	s1 =	sshll.u32 s1, $0x11  }
0xbc: {  	s0 =	sor.u32 s1, s0  }
0xbd: {  	s0 =	sadd.s32 $0x8F2B, s0  }
0xbe: {  	[sflag:s0] =	ssyncadd.remote.s32 $0x1  }
0xbf: {  	_ =	sfence.sel $0xFFFF  }
0xc0: {  	[dreg:$0x0] =	wrdreg $0xFFFFFFFF;
	(pc) =	sbr.abs _section_cstart, $3  }
0xc1: {  	[dreg:$0x1] =	wrdreg $0xFFFFFFFF  }
0xc2: {  	_ =	task.clear_ibuf [dreg:s7], $0x2FFFF;
	_ =	strace $0x9FFFFFFF  }
0xc3: {  	(tm) =	ssettm $0x7FFFFFFF  }
tec
execute0_lowered:
.L_overlay_start_1:
0x0: {  	(tag) =	ssettag $0x1  }
0x1: {  	s0 =	rddreg [dreg:$0x0]  }
0x2: {  	s1 =	srdreg.scid;
	s2 =	stileid.u32  }
0x3: {  	s3 =	rddreg [dreg:$0x2];
	s4 =	simm.s32 $0x0;
	s28 =	simm.s32 $0x1000  }
0x4: {  	s29 =	simm.s32 $0x1800;
	s30 =	simm.s32 $0x2000;
	s31 =	simm.s32 $0x200  }
0x5: {  	s1 =	sand.u32 $0x1, s1;
	s2 =	smul.u32 $0x19000, s2;
	[smem:$0x7FF] =	sst s4  }
0x6: {  	s5 =	sadd.s32 $0x66400, s0;
	s6 =	smul.u32 $0x190000, s1;
	s1 =	ssub.s32 $0x2, s1  }
0x7: {  	_ =	strace $0x8000004D;
	s9 =	sshrl.u32 s1, $0x1;
	s16 =	sadd.s32 $0x3200, s2  }
0x8: {  	s10 =	sadd.s32 $0x6400, s2;
	s11 =	sadd.s32 s2, s3;
	s18 =	sadd.s32 $0x9600, s2  }
0x9: {  	s13 =	sadd.s32 $0xFA00, s2;
	s14 =	sadd.s32 $0x12C00, s2;
	s7 =	sadd.s32 s2, s6  }
0xa: {  	s1 =	ssub.s32 s1, s9;
	[dreg:$0x8] =	wrdreg s11;
	s19 =	sadd.s32 s16, s3  }
0xb: {  	s17 =	sadd.s32 s10, s3;
	s20 =	sadd.s32 s18, s3;
	s22 =	sadd.s32 s13, s3  }
0xc: {  	s9 =	sadd.s32 s6, s16;
	s12 =	sadd.s32 s14, s3;
	s24 =	sadd.s32 s6, s10  }
0xd: {  	s25 =	sadd.s32 s6, s18;
	s10 =	simm.s32 $0x0;
	[dreg:$0x9] =	wrdreg s19  }
0xe: {  	s7 =	sshrl.u32 s7, $0x3;
	s19 =	sadd.s32 $0xC800, s2;
	[dreg:$0xb] =	wrdreg s20  }
0xf: {  	[dreg:$0xd] =	wrdreg s22;
	s2 =	sadd.s32 $0x15E00, s2;
	s9 =	sshrl.u32 s9, $0x3  }
0x10: {  	s15 =	sshrl.u32 s25, $0x3;
	s20 =	sadd.s32 s6, s14;
	s1 =	smax.u32 s1, $0x1  }
0x11: {  	s25 =	simm.s32 $0x100;
	s14 =	simm.s32 $0x300;
	[dreg:$0x19] =	wrdreg s10  }
0x12: {  	[dreg:$0xe] =	wrdreg s12;
	s8 =	sadd.s32 s7, s0;
	s0 =	sadd.s32 $0x2BE400, s0  }
0x13: {  	s21 =	sadd.s32 s19, s3;
	s11 =	sadd.s32 s2, s3;
	s26 =	sadd.s32 s6, s19  }
0x14: {  	s19 =	sadd.s32 s6, s13;
	s13 =	smov.u32 s17;
	[dreg:$0x18] =	wrdreg s1  }
0x15: {  	s2 =	sadd.s32 s6, s2;
	s22 =	sshrl.u32 s20, $0x3;
	[dreg:$0x6] =	wrdreg s25  }
0x16: {  	s25 =	simm.s32 $0x400;
	s1 =	simm.s32 $0x2800;
	s17 =	simm.s32 $0x4000  }
0x17: {  	s20 =	simm.s32 $0x500;
	[dreg:$0xc] =	wrdreg s21;
	s7 =	sadd.s32 s0, s7  }
0x18: {  	s23 =	sadd.s32 s0, s9;
	s16 =	sshrl.u32 s26, $0x3;
	[dreg:$0xa] =	wrdreg s13  }
0x19: {  	s2 =	sshrl.u32 s2, $0x3;
	s6 =	sadd.s32 s0, s22;
	[dreg:$0xf] =	wrdreg s11  }
0x1a: {  	s26 =	simm.s32 $0x180;
	s22 =	simm.s32 $0x600;
	[dreg:$0x10] =	wrdreg s7  }
0x1b: {  	s9 =	simm.s32 $0x2;
	[dreg:$0x11] =	wrdreg s23;
	s7 =	sshrl.u32 s24, $0x3  }
0x1c: {  	s18 =	sadd.s32 s0, s16;
	[dreg:$0x16] =	wrdreg s6;
	s23 =	sadd.s32 $0x2400, s8  }
0x1d: {  	s24 =	sadd.s32 $0xCA400, s8;
	[dreg:$0x7] =	wrdreg s26;
	s26 =	simm.s32 $0x80  }
0x1e: {  	s16 =	simm.s32 $0x380;
	s6 =	simm.s32 $0x680;
	[dreg:$0x14] =	wrdreg s18  }
0x1f: {  	s8 =	simm.s32 $0x780;
	s7 =	sadd.s32 s0, s7;
	[dreg:$0x4] =	wrdreg s23  }
0x20: {  	[dreg:$0x5] =	wrdreg s24;
	s23 =	simm.s32 $0x800;
	s24 =	simm.s32 $0x3  }
0x21: {  	s18 =	simm.s32 $0x1;
	[dreg:$0x12] =	wrdreg s7;
	s7 =	sadd.s32 s0, s15  }
0x22: {  	s15 =	simm.s32 $0x3800;
	[dreg:$0x13] =	wrdreg s7;
	s7 =	sshrl.u32 s19, $0x3  }
0x23: {  	s19 =	simm.s32 $0x480;
	s21 =	sadd.s32 s0, s7;
	s0 =	sadd.s32 s0, s2  }
0x24: {  	s2 =	simm.s32 $0x3000;
	s7 =	simm.s32 $0x700;
	[dreg:$0x15] =	wrdreg s21  }
0x25: {  	[dreg:$0x17] =	wrdreg s0;
	s0 =	simm.s32 $0x280;
	s21 =	simm.s32 $0x580  }
.LBB2_1:
0x26: {  	s10 =	rddreg [dreg:$0x1]  }
0x27: {  	[tilespmem:s23], [sflag:$0x3] =	stream.linear.gather [hbm4b:s10+s4], $0x3200, $0x38;
	[tilespmem:$0x1D800] =	vst v63  }
0x28: {  	_ =	swait.ge [sflag:s24], $0x3200  }
0x29: {  	[sflag:s24] =	ssyncset.done $0x0  }
0x2a: {  	s10 =	rddreg [dreg:$0x8];
	[sflag:s24] =	ssyncadd.s32 $0xFFFFCE00  }
0x2b: {  	[spmem:s10] =	stream.linear.scatter [tilespmem:s23], [sflag:$0x3], $0x3200, $0x38;
	[tilespmem:$0x1D800] =	vst v63  }
0x2c: {  	_ =	swait.ge [sflag:s24], $0x3200  }
0x2d: {  	[sflag:s24] =	ssyncset.done $0x0  }
0x2e: {  	s10 =	rddreg [dreg:$0x9];
	[sflag:s24] =	ssyncadd.s32 $0xFFFFCE00  }
0x2f: {  	[spmem:s10] =	stream.linear.scatter [tilespmem:s23], [sflag:$0x3], $0x3200, $0x38;
	[tilespmem:$0x1D800] =	vst v63  }
0x30: {  	_ =	swait.ge [sflag:s24], $0x3200  }
0x31: {  	[sflag:s24] =	ssyncset.done $0x0  }
0x32: {  	[sflag:s24] =	ssyncadd.s32 $0xFFFFCE00  }
0x33: {  	[spmem:s13] =	stream.linear.scatter [tilespmem:s23], [sflag:$0x3], $0x3200, $0x38;
	[tilespmem:$0x1D800] =	vst v63  }
0x34: {  	_ =	swait.ge [sflag:s24], $0x3200  }
0x35: {  	[sflag:s24] =	ssyncset.done $0x0  }
0x36: {  	s13 =	rddreg [dreg:$0xb];
	[sflag:s24] =	ssyncadd.s32 $0xFFFFCE00  }
0x37: {  	[spmem:s13] =	stream.linear.scatter [tilespmem:s23], [sflag:$0x3], $0x3200, $0x38;
	[tilespmem:$0x1D800] =	vst v63  }
0x38: {  	_ =	swait.ge [sflag:s24], $0x3200  }
0x39: {  	[sflag:s24] =	ssyncset.done $0x0  }
0x3a: {  	s13 =	rddreg [dreg:$0xc];
	[sflag:s24] =	ssyncadd.s32 $0xFFFFCE00  }
0x3b: {  	[spmem:s13] =	stream.linear.scatter [tilespmem:s23], [sflag:$0x3], $0x3200, $0x38;
	[tilespmem:$0x1D800] =	vst v63  }
0x3c: {  	_ =	swait.ge [sflag:s24], $0x3200  }
0x3d: {  	[sflag:s24] =	ssyncset.done $0x0  }
0x3e: {  	s13 =	rddreg [dreg:$0xd];
	[sflag:s24] =	ssyncadd.s32 $0xFFFFCE00  }
0x3f: {  	[spmem:s13] =	stream.linear.scatter [tilespmem:s23], [sflag:$0x3], $0x3200, $0x38;
	[tilespmem:$0x1D800] =	vst v63  }
0x40: {  	_ =	swait.ge [sflag:s24], $0x3200  }
0x41: {  	[sflag:s24] =	ssyncset.done $0x0  }
0x42: {  	[sflag:s24] =	ssyncadd.s32 $0xFFFFCE00  }
0x43: {  	[spmem:s12] =	stream.linear.scatter [tilespmem:s23], [sflag:$0x3], $0x3200, $0x38;
	[tilespmem:$0x1D800] =	vst v63  }
0x44: {  	_ =	swait.ge [sflag:s24], $0x3200  }
0x45: {  	[sflag:s24] =	ssyncset.done $0x0  }
0x46: {  	[sflag:s24] =	ssyncadd.s32 $0xFFFFCE00  }
0x47: {  	[spmem:s11] =	stream.linear.scatter [tilespmem:s23], [sflag:$0x3], $0x3200, $0x38;
	[tilespmem:$0x1D800] =	vst v63  }
0x48: {  	_ =	swait.ge [sflag:s24], $0x3200  }
0x49: {  	[sflag:s24] =	ssyncset.done $0x0  }
0x4a: {  	[sflag:s24] =	ssyncadd.s32 $0xFFFFCE00  }
0x4b: {  	[bflag:$0x0] =	sbarrier.arrive $0xFFFF  }
0x4c: {  	s13 =	rddreg [dreg:$0x5]  }
0x4d: {  	s11 =	sadd.s32 $0x0, s13  }
0x4e: {  	[tilespmem:s4], [sflag:$0x3] =	stream.linear.gather [hbm4b:s11+s4], $0x400, $0x38;
	[tilespmem:$0x1D800] =	vst v63  }
0x4f: {  	_ =	swait.ge [sflag:s24], $0x400  }
0x50: {  	s10 =	rddreg [dreg:$0x4];
	[sflag:s24] =	ssyncset.done $0x0  }
0x51: {  	[sflag:s24] =	ssyncadd.s32 $0xFFFFFC00;
	s11 =	sadd.s32 $0x0, s10  }
0x52: {  	[tilespmem:s25], [sflag:$0x3] =	stream.linear.gather [hbm4b:s11+s4], $0x400, $0x38;
	[tilespmem:$0x1D800] =	vst v63  }
0x53: {  	_ =	swait.ge [sflag:s24], $0x400  }
0x54: {  	[sflag:s24] =	ssyncset.done $0x0  }
0x55: {  	[sflag:s24] =	ssyncadd.s32 $0xFFFFFC00  }
0x56: {  	[tilespmem:s23], [sflag:$0x1] =	stream.indirect.gather [hbm4b:s5+s26], $0x10, s4, s26, $0xb8;
	[tilespmem:$0x1D800] =	vst v63  }
0x57: {  	_ = 	snop  }
0x58: {  	[tilespmem:s28], [sflag:$0x1] =	stream.indirect.gather [hbm4b:s5+s26], $0x10, s26, s26, $0xb8;
	[tilespmem:$0x1D800] =	vst v63  }
0x59: {  	s12 =	rddreg [dreg:$0x6]  }
0x5a: {  	[tilespmem:s29], [sflag:$0x1] =	stream.indirect.gather [hbm4b:s5+s26], $0x10, s12, s26, $0xb8;
	[tilespmem:$0x1D800] =	vst v63  }
0x5b: {  	s13 =	rddreg [dreg:$0x7]  }
0x5c: {  	[tilespmem:s30], [sflag:$0x1] =	stream.indirect.gather [hbm4b:s5+s26], $0x10, s13, s26, $0xb8;
	[tilespmem:$0x1D800] =	vst v63  }
0x5d: {  	_ = 	snop  }
0x5e: {  	[tilespmem:s1], [sflag:$0x1] =	stream.indirect.gather [hbm4b:s5+s26], $0x10, s31, s26, $0xb8;
	[tilespmem:$0x1D800] =	vst v63  }
0x5f: {  	_ = 	snop  }
0x60: {  	[tilespmem:s2], [sflag:$0x1] =	stream.indirect.gather [hbm4b:s5+s26], $0x10, s0, s26, $0xb8;
	[tilespmem:$0x1D800] =	vst v63  }
0x61: {  	_ = 	snop  }
0x62: {  	[tilespmem:s15], [sflag:$0x1] =	stream.indirect.gather [hbm4b:s5+s26], $0x10, s14, s26, $0xb8;
	[tilespmem:$0x1D800] =	vst v63  }
0x63: {  	_ = 	snop  }
0x64: {  	[tilespmem:s17], [sflag:$0x1] =	stream.indirect.gather [hbm4b:s5+s26], $0x10, s16, s26, $0xb8;
	[tilespmem:$0x1D800] =	vst v63  }
0x65: {  	_ =	swait.ge [sflag:s18], $0x800  }
0x66: {  	[sflag:s18] =	ssyncset.done $0x0  }
0x67: {  	[sflag:s18] =	ssyncadd.s32 $0xFFFFF800  }
0x68: {  	_ =	swait.ge [sflag:s18], $0x800  }
0x69: {  	[sflag:s18] =	ssyncset.done $0x0  }
0x6a: {  	[sflag:s18] =	ssyncadd.s32 $0xFFFFF800  }
0x6b: {  	_ =	swait.ge [sflag:s18], $0x800  }
0x6c: {  	[sflag:s18] =	ssyncset.done $0x0  }
0x6d: {  	[sflag:s18] =	ssyncadd.s32 $0xFFFFF800  }
0x6e: {  	_ =	swait.ge [sflag:s18], $0x800  }
0x6f: {  	[sflag:s18] =	ssyncset.done $0x0  }
0x70: {  	[sflag:s18] =	ssyncadd.s32 $0xFFFFF800  }
0x71: {  	_ =	swait.ge [sflag:s18], $0x800  }
0x72: {  	[sflag:s18] =	ssyncset.done $0x0  }
0x73: {  	[sflag:s18] =	ssyncadd.s32 $0xFFFFF800  }
0x74: {  	_ =	swait.ge [sflag:s18], $0x800  }
0x75: {  	[sflag:s18] =	ssyncset.done $0x0  }
0x76: {  	[sflag:s18] =	ssyncadd.s32 $0xFFFFF800  }
0x77: {  	_ =	swait.ge [sflag:s18], $0x800  }
0x78: {  	[sflag:s18] =	ssyncset.done $0x0  }
0x79: {  	[sflag:s18] =	ssyncadd.s32 $0xFFFFF800  }
0x7a: {  	_ =	swait.ge [sflag:s18], $0x800  }
0x7b: {  	[sflag:s18] =	ssyncset.done $0x0  }
0x7c: {  	[sflag:s18] =	ssyncadd.s32 $0xFFFFF800  }
0x7d: {  	[spmem:s3] =	stream.indirect.scatter.add.f32 [tilespmem:s23], [sflag:$0x2], $0x10, s25, s26, $0xb8;
	[tilespmem:$0x1D800] =	vst v63  }
0x7e: {  	_ = 	snop  }
0x7f: {  	[spmem:s3] =	stream.indirect.scatter.add.f32 [tilespmem:s28], [sflag:$0x2], $0x10, s19, s26, $0xb8;
	[tilespmem:$0x1D800] =	vst v63  }
0x80: {  	_ = 	snop  }
0x81: {  	[spmem:s3] =	stream.indirect.scatter.add.f32 [tilespmem:s29], [sflag:$0x2], $0x10, s20, s26, $0xb8;
	[tilespmem:$0x1D800] =	vst v63  }
0x82: {  	_ = 	snop  }
0x83: {  	[spmem:s3] =	stream.indirect.scatter.add.f32 [tilespmem:s30], [sflag:$0x2], $0x10, s21, s26, $0xb8;
	[tilespmem:$0x1D800] =	vst v63  }
0x84: {  	_ = 	snop  }
0x85: {  	[spmem:s3] =	stream.indirect.scatter.add.f32 [tilespmem:s1], [sflag:$0x2], $0x10, s22, s26, $0xb8;
	[tilespmem:$0x1D800] =	vst v63  }
0x86: {  	_ = 	snop  }
0x87: {  	[spmem:s3] =	stream.indirect.scatter.add.f32 [tilespmem:s2], [sflag:$0x2], $0x10, s6, s26, $0xb8;
	[tilespmem:$0x1D800] =	vst v63  }
0x88: {  	_ = 	snop  }
0x89: {  	[spmem:s3] =	stream.indirect.scatter.add.f32 [tilespmem:s15], [sflag:$0x2], $0x10, s7, s26, $0xb8;
	[tilespmem:$0x1D800] =	vst v63  }
0x8a: {  	_ = 	snop  }
0x8b: {  	[spmem:s3] =	stream.indirect.scatter.add.f32 [tilespmem:s17], [sflag:$0x2], $0x10, s8, s26, $0xb8;
	[tilespmem:$0x1D800] =	vst v63  }
0x8c: {  	_ =	swait.ge [sflag:s9], $0x800  }
0x8d: {  	[sflag:s9] =	ssyncset.done $0x0  }
0x8e: {  	[sflag:s9] =	ssyncadd.s32 $0xFFFFF800  }
0x8f: {  	_ =	swait.ge [sflag:s9], $0x800  }
0x90: {  	[sflag:s9] =	ssyncset.done $0x0  }
0x91: {  	[sflag:s9] =	ssyncadd.s32 $0xFFFFF800  }
0x92: {  	_ =	swait.ge [sflag:s9], $0x800  }
0x93: {  	[sflag:s9] =	ssyncset.done $0x0  }
0x94: {  	[sflag:s9] =	ssyncadd.s32 $0xFFFFF800  }
0x95: {  	_ =	swait.ge [sflag:s9], $0x800  }
0x96: {  	[sflag:s9] =	ssyncset.done $0x0  }
0x97: {  	[sflag:s9] =	ssyncadd.s32 $0xFFFFF800  }
0x98: {  	_ =	swait.ge [sflag:s9], $0x800  }
0x99: {  	[sflag:s9] =	ssyncset.done $0x0  }
0x9a: {  	[sflag:s9] =	ssyncadd.s32 $0xFFFFF800  }
0x9b: {  	_ =	swait.ge [sflag:s9], $0x800  }
0x9c: {  	[sflag:s9] =	ssyncset.done $0x0  }
0x9d: {  	[sflag:s9] =	ssyncadd.s32 $0xFFFFF800  }
0x9e: {  	_ =	swait.ge [sflag:s9], $0x800  }
0x9f: {  	[sflag:s9] =	ssyncset.done $0x0  }
0xa0: {  	[sflag:s9] =	ssyncadd.s32 $0xFFFFF800  }
0xa1: {  	s11 =	simm.s32 $0x80;
	_ =	swait.ge [sflag:s9], $0x800  }
0xa2: {  	s12 =	simm.s32 $0x100;
	s13 =	rddreg [dreg:$0x5];
	[sflag:s9] =	ssyncset.done $0x0  }
.LBB2_2:
0xa3: {  	[sflag:s9] =	ssyncadd.s32 $0xFFFFF800;
	s13 =	sadd.s32 s11, s13  }
0xa4: {  	[tilespmem:s4], [sflag:$0x3] =	stream.linear.gather [hbm4b:s13+s4], $0x400, $0x38;
	[tilespmem:$0x1D800] =	vst v63  }
0xa5: {  	_ =	swait.ge [sflag:s24], $0x400  }
0xa6: {  	s13 =	rddreg [dreg:$0x4];
	[sflag:s24] =	ssyncset.done $0x0  }
0xa7: {  	[sflag:s24] =	ssyncadd.s32 $0xFFFFFC00;
	s13 =	sadd.s32 s11, s13  }
0xa8: {  	[tilespmem:s25], [sflag:$0x3] =	stream.linear.gather [hbm4b:s13+s4], $0x400, $0x38;
	[tilespmem:$0x1D800] =	vst v63  }
0xa9: {  	_ =	swait.ge [sflag:s24], $0x400  }
0xaa: {  	[sflag:s24] =	ssyncset.done $0x0  }
0xab: {  	[sflag:s24] =	ssyncadd.s32 $0xFFFFFC00  }
0xac: {  	[tilespmem:s23], [sflag:$0x1] =	stream.indirect.gather [hbm4b:s5+s26], $0x10, s4, s26, $0xb8;
	[tilespmem:$0x1D800] =	vst v63  }
0xad: {  	s10 =	smov.u32 s12  }
0xae: {  	[tilespmem:s28], [sflag:$0x1] =	stream.indirect.gather [hbm4b:s5+s26], $0x10, s26, s26, $0xb8;
	[tilespmem:$0x1D800] =	vst v63  }
0xaf: {  	s11 =	smov.u32 s10;
	s10 =	rddreg [dreg:$0x6]  }
0xb0: {  	[tilespmem:s29], [sflag:$0x1] =	stream.indirect.gather [hbm4b:s5+s26], $0x10, s10, s26, $0xb8;
	[tilespmem:$0x1D800] =	vst v63  }
0xb1: {  	s13 =	rddreg [dreg:$0x7]  }
0xb2: {  	[tilespmem:s30], [sflag:$0x1] =	stream.indirect.gather [hbm4b:s5+s26], $0x10, s13, s26, $0xb8;
	[tilespmem:$0x1D800] =	vst v63  }
0xb3: {  	_ = 	snop  }
0xb4: {  	[tilespmem:s1], [sflag:$0x1] =	stream.indirect.gather [hbm4b:s5+s26], $0x10, s31, s26, $0xb8;
	[tilespmem:$0x1D800] =	vst v63  }
0xb5: {  	_ = 	snop  }
0xb6: {  	[tilespmem:s2], [sflag:$0x1] =	stream.indirect.gather [hbm4b:s5+s26], $0x10, s0, s26, $0xb8;
	[tilespmem:$0x1D800] =	vst v63  }
0xb7: {  	_ = 	snop  }
0xb8: {  	[tilespmem:s15], [sflag:$0x1] =	stream.indirect.gather [hbm4b:s5+s26], $0x10, s14, s26, $0xb8;
	[tilespmem:$0x1D800] =	vst v63  }
0xb9: {  	_ = 	snop  }
0xba: {  	[tilespmem:s17], [sflag:$0x1] =	stream.indirect.gather [hbm4b:s5+s26], $0x10, s16, s26, $0xb8;
	[tilespmem:$0x1D800] =	vst v63  }
0xbb: {  	_ =	swait.ge [sflag:s18], $0x800  }
0xbc: {  	[sflag:s18] =	ssyncset.done $0x0  }
0xbd: {  	[sflag:s18] =	ssyncadd.s32 $0xFFFFF800  }
0xbe: {  	_ =	swait.ge [sflag:s18], $0x800  }
0xbf: {  	[sflag:s18] =	ssyncset.done $0x0  }
0xc0: {  	[sflag:s18] =	ssyncadd.s32 $0xFFFFF800  }
0xc1: {  	_ =	swait.ge [sflag:s18], $0x800  }
0xc2: {  	[sflag:s18] =	ssyncset.done $0x0  }
0xc3: {  	[sflag:s18] =	ssyncadd.s32 $0xFFFFF800  }
0xc4: {  	_ =	swait.ge [sflag:s18], $0x800  }
0xc5: {  	[sflag:s18] =	ssyncset.done $0x0  }
0xc6: {  	[sflag:s18] =	ssyncadd.s32 $0xFFFFF800  }
0xc7: {  	_ =	swait.ge [sflag:s18], $0x800  }
0xc8: {  	[sflag:s18] =	ssyncset.done $0x0  }
0xc9: {  	[sflag:s18] =	ssyncadd.s32 $0xFFFFF800  }
0xca: {  	_ =	swait.ge [sflag:s18], $0x800  }
0xcb: {  	[sflag:s18] =	ssyncset.done $0x0  }
0xcc: {  	[sflag:s18] =	ssyncadd.s32 $0xFFFFF800  }
0xcd: {  	_ =	swait.ge [sflag:s18], $0x800  }
0xce: {  	[sflag:s18] =	ssyncset.done $0x0  }
0xcf: {  	[sflag:s18] =	ssyncadd.s32 $0xFFFFF800  }
0xd0: {  	_ =	swait.ge [sflag:s18], $0x800  }
0xd1: {  	[sflag:s18] =	ssyncset.done $0x0  }
0xd2: {  	[sflag:s18] =	ssyncadd.s32 $0xFFFFF800  }
0xd3: {  	[spmem:s3] =	stream.indirect.scatter.add.f32 [tilespmem:s23], [sflag:$0x2], $0x10, s25, s26, $0xb8;
	[tilespmem:$0x1D800] =	vst v63  }
0xd4: {  	_ = 	snop  }
0xd5: {  	[spmem:s3] =	stream.indirect.scatter.add.f32 [tilespmem:s28], [sflag:$0x2], $0x10, s19, s26, $0xb8;
	[tilespmem:$0x1D800] =	vst v63  }
0xd6: {  	_ = 	snop  }
0xd7: {  	[spmem:s3] =	stream.indirect.scatter.add.f32 [tilespmem:s29], [sflag:$0x2], $0x10, s20, s26, $0xb8;
	[tilespmem:$0x1D800] =	vst v63  }
0xd8: {  	_ = 	snop  }
0xd9: {  	[spmem:s3] =	stream.indirect.scatter.add.f32 [tilespmem:s30], [sflag:$0x2], $0x10, s21, s26, $0xb8;
	[tilespmem:$0x1D800] =	vst v63  }
0xda: {  	_ = 	snop  }
0xdb: {  	[spmem:s3] =	stream.indirect.scatter.add.f32 [tilespmem:s1], [sflag:$0x2], $0x10, s22, s26, $0xb8;
	[tilespmem:$0x1D800] =	vst v63  }
0xdc: {  	_ = 	snop  }
0xdd: {  	[spmem:s3] =	stream.indirect.scatter.add.f32 [tilespmem:s2], [sflag:$0x2], $0x10, s6, s26, $0xb8;
	[tilespmem:$0x1D800] =	vst v63  }
0xde: {  	_ = 	snop  }
0xdf: {  	[spmem:s3] =	stream.indirect.scatter.add.f32 [tilespmem:s15], [sflag:$0x2], $0x10, s7, s26, $0xb8;
	[tilespmem:$0x1D800] =	vst v63  }
0xe0: {  	_ = 	snop  }
0xe1: {  	[spmem:s3] =	stream.indirect.scatter.add.f32 [tilespmem:s17], [sflag:$0x2], $0x10, s8, s26, $0xb8;
	[tilespmem:$0x1D800] =	vst v63  }
0xe2: {  	_ =	swait.ge [sflag:s9], $0x800  }
0xe3: {  	[sflag:s9] =	ssyncset.done $0x0  }
0xe4: {  	[sflag:s9] =	ssyncadd.s32 $0xFFFFF800  }
0xe5: {  	_ =	swait.ge [sflag:s9], $0x800  }
0xe6: {  	[sflag:s9] =	ssyncset.done $0x0  }
0xe7: {  	[sflag:s9] =	ssyncadd.s32 $0xFFFFF800  }
0xe8: {  	_ =	swait.ge [sflag:s9], $0x800  }
0xe9: {  	[sflag:s9] =	ssyncset.done $0x0  }
0xea: {  	[sflag:s9] =	ssyncadd.s32 $0xFFFFF800  }
0xeb: {  	_ =	swait.ge [sflag:s9], $0x800  }
0xec: {  	[sflag:s9] =	ssyncset.done $0x0  }
0xed: {  	[sflag:s9] =	ssyncadd.s32 $0xFFFFF800  }
0xee: {  	_ =	swait.ge [sflag:s9], $0x800  }
0xef: {  	[sflag:s9] =	ssyncset.done $0x0  }
0xf0: {  	[sflag:s9] =	ssyncadd.s32 $0xFFFFF800  }
0xf1: {  	_ =	swait.ge [sflag:s9], $0x800  }
0xf2: {  	[sflag:s9] =	ssyncset.done $0x0  }
0xf3: {  	p0 =	sne.s32 s12, $0x3180;
	[sflag:s9] =	ssyncadd.s32 $0xFFFFF800  }
.Ltmp0:
0xf4: {  	_ =	swait.ge [sflag:s9], $0x800;
	(pc) =	sbr.rel @p0 .LBB2_2-.Ltmp0, $4  }
0xf5: {  	[sflag:s9] =	ssyncset.done $0x0  }
0xf6: {  	[sflag:s9] =	ssyncadd.s32 $0xFFFFF800  }
0xf7: {  	_ =	swait.ge [sflag:s9], $0x800  }
0xf8: {  	s12 =	sadd.s32 $0x80, s12;
	s13 =	rddreg [dreg:$0x5];
	[sflag:s9] =	ssyncset.done $0x0  }
0xf9: {  	[sflag:s9] =	ssyncadd.s32 $0xFFFFF800;
	s10 =	sadd.s32 s11, s13  }
0xfa: {  	[tilespmem:s4], [sflag:$0x3] =	stream.linear.gather [hbm4b:s10+s4], $0x400, $0x38;
	[tilespmem:$0x1D800] =	vst v63  }
0xfb: {  	_ =	swait.ge [sflag:s24], $0x400  }
0xfc: {  	s13 =	rddreg [dreg:$0x4];
	[sflag:s24] =	ssyncset.done $0x0  }
0xfd: {  	[sflag:s24] =	ssyncadd.s32 $0xFFFFFC00;
	s10 =	sadd.s32 s11, s13  }
0xfe: {  	[tilespmem:s25], [sflag:$0x3] =	stream.linear.gather [hbm4b:s10+s4], $0x400, $0x38;
	[tilespmem:$0x1D800] =	vst v63  }
0xff: {  	_ =	swait.ge [sflag:s24], $0x400  }
0x100: {  	[sflag:s24] =	ssyncset.done $0x0  }
0x101: {  	[sflag:s24] =	ssyncadd.s32 $0xFFFFFC00  }
0x102: {  	[tilespmem:s23], [sflag:$0x1] =	stream.indirect.gather [hbm4b:s5+s26], $0x10, s4, s26, $0xb8;
	[tilespmem:$0x1D800] =	vst v63  }
0x103: {  	_ = 	snop  }
0x104: {  	[tilespmem:s28], [sflag:$0x1] =	stream.indirect.gather [hbm4b:s5+s26], $0x10, s26, s26, $0xb8;
	[tilespmem:$0x1D800] =	vst v63  }
0x105: {  	s12 =	rddreg [dreg:$0x6]  }
0x106: {  	[tilespmem:s29], [sflag:$0x1] =	stream.indirect.gather [hbm4b:s5+s26], $0x10, s12, s26, $0xb8;
	[tilespmem:$0x1D800] =	vst v63  }
0x107: {  	s13 =	rddreg [dreg:$0x7]  }
0x108: {  	[tilespmem:s30], [sflag:$0x1] =	stream.indirect.gather [hbm4b:s5+s26], $0x10, s13, s26, $0xb8;
	[tilespmem:$0x1D800] =	vst v63  }
0x109: {  	_ = 	snop  }
0x10a: {  	[tilespmem:s1], [sflag:$0x1] =	stream.indirect.gather [hbm4b:s5+s26], $0x10, s31, s26, $0xb8;
	[tilespmem:$0x1D800] =	vst v63  }
0x10b: {  	_ = 	snop  }
0x10c: {  	[tilespmem:s2], [sflag:$0x1] =	stream.indirect.gather [hbm4b:s5+s26], $0x10, s0, s26, $0xb8;
	[tilespmem:$0x1D800] =	vst v63  }
0x10d: {  	_ = 	snop  }
0x10e: {  	[tilespmem:s15], [sflag:$0x1] =	stream.indirect.gather [hbm4b:s5+s26], $0x10, s14, s26, $0xb8;
	[tilespmem:$0x1D800] =	vst v63  }
0x10f: {  	_ = 	snop  }
0x110: {  	[tilespmem:s17], [sflag:$0x1] =	stream.indirect.gather [hbm4b:s5+s26], $0x10, s16, s26, $0xb8;
	[tilespmem:$0x1D800] =	vst v63  }
0x111: {  	_ =	swait.ge [sflag:s18], $0x800  }
0x112: {  	[sflag:s18] =	ssyncset.done $0x0  }
0x113: {  	[sflag:s18] =	ssyncadd.s32 $0xFFFFF800  }
0x114: {  	_ =	swait.ge [sflag:s18], $0x800  }
0x115: {  	[sflag:s18] =	ssyncset.done $0x0  }
0x116: {  	[sflag:s18] =	ssyncadd.s32 $0xFFFFF800  }
0x117: {  	_ =	swait.ge [sflag:s18], $0x800  }
0x118: {  	[sflag:s18] =	ssyncset.done $0x0  }
0x119: {  	[sflag:s18] =	ssyncadd.s32 $0xFFFFF800  }
0x11a: {  	_ =	swait.ge [sflag:s18], $0x800  }
0x11b: {  	[sflag:s18] =	ssyncset.done $0x0  }
0x11c: {  	[sflag:s18] =	ssyncadd.s32 $0xFFFFF800  }
0x11d: {  	_ =	swait.ge [sflag:s18], $0x800  }
0x11e: {  	[sflag:s18] =	ssyncset.done $0x0  }
0x11f: {  	[sflag:s18] =	ssyncadd.s32 $0xFFFFF800  }
0x120: {  	_ =	swait.ge [sflag:s18], $0x800  }
0x121: {  	[sflag:s18] =	ssyncset.done $0x0  }
0x122: {  	[sflag:s18] =	ssyncadd.s32 $0xFFFFF800  }
0x123: {  	_ =	swait.ge [sflag:s18], $0x800  }
0x124: {  	[sflag:s18] =	ssyncset.done $0x0  }
0x125: {  	[sflag:s18] =	ssyncadd.s32 $0xFFFFF800  }
0x126: {  	_ =	swait.ge [sflag:s18], $0x800  }
0x127: {  	[sflag:s18] =	ssyncset.done $0x0  }
0x128: {  	[sflag:s18] =	ssyncadd.s32 $0xFFFFF800  }
0x129: {  	[spmem:s3] =	stream.indirect.scatter.add.f32 [tilespmem:s23], [sflag:$0x2], $0x10, s25, s26, $0xb8;
	[tilespmem:$0x1D800] =	vst v63  }
0x12a: {  	_ = 	snop  }
0x12b: {  	[spmem:s3] =	stream.indirect.scatter.add.f32 [tilespmem:s28], [sflag:$0x2], $0x10, s19, s26, $0xb8;
	[tilespmem:$0x1D800] =	vst v63  }
0x12c: {  	_ = 	snop  }
0x12d: {  	[spmem:s3] =	stream.indirect.scatter.add.f32 [tilespmem:s29], [sflag:$0x2], $0x10, s20, s26, $0xb8;
	[tilespmem:$0x1D800] =	vst v63  }
0x12e: {  	_ = 	snop  }
0x12f: {  	[spmem:s3] =	stream.indirect.scatter.add.f32 [tilespmem:s30], [sflag:$0x2], $0x10, s21, s26, $0xb8;
	[tilespmem:$0x1D800] =	vst v63  }
0x130: {  	_ = 	snop  }
0x131: {  	[spmem:s3] =	stream.indirect.scatter.add.f32 [tilespmem:s1], [sflag:$0x2], $0x10, s22, s26, $0xb8;
	[tilespmem:$0x1D800] =	vst v63  }
0x132: {  	_ = 	snop  }
0x133: {  	[spmem:s3] =	stream.indirect.scatter.add.f32 [tilespmem:s2], [sflag:$0x2], $0x10, s6, s26, $0xb8;
	[tilespmem:$0x1D800] =	vst v63  }
0x134: {  	_ = 	snop  }
0x135: {  	[spmem:s3] =	stream.indirect.scatter.add.f32 [tilespmem:s15], [sflag:$0x2], $0x10, s7, s26, $0xb8;
	[tilespmem:$0x1D800] =	vst v63  }
0x136: {  	_ = 	snop  }
0x137: {  	[spmem:s3] =	stream.indirect.scatter.add.f32 [tilespmem:s17], [sflag:$0x2], $0x10, s8, s26, $0xb8;
	[tilespmem:$0x1D800] =	vst v63  }
0x138: {  	_ =	swait.ge [sflag:s9], $0x800  }
0x139: {  	[sflag:s9] =	ssyncset.done $0x0  }
0x13a: {  	[sflag:s9] =	ssyncadd.s32 $0xFFFFF800  }
0x13b: {  	_ =	swait.ge [sflag:s9], $0x800  }
0x13c: {  	[sflag:s9] =	ssyncset.done $0x0  }
0x13d: {  	[sflag:s9] =	ssyncadd.s32 $0xFFFFF800  }
0x13e: {  	_ =	swait.ge [sflag:s9], $0x800  }
0x13f: {  	[sflag:s9] =	ssyncset.done $0x0  }
0x140: {  	[sflag:s9] =	ssyncadd.s32 $0xFFFFF800  }
0x141: {  	_ =	swait.ge [sflag:s9], $0x800  }
0x142: {  	[sflag:s9] =	ssyncset.done $0x0  }
0x143: {  	[sflag:s9] =	ssyncadd.s32 $0xFFFFF800  }
0x144: {  	_ =	swait.ge [sflag:s9], $0x800  }
0x145: {  	[sflag:s9] =	ssyncset.done $0x0  }
0x146: {  	[sflag:s9] =	ssyncadd.s32 $0xFFFFF800  }
0x147: {  	_ =	swait.ge [sflag:s9], $0x800  }
0x148: {  	[sflag:s9] =	ssyncset.done $0x0  }
0x149: {  	[sflag:s9] =	ssyncadd.s32 $0xFFFFF800  }
0x14a: {  	_ =	swait.ge [sflag:s9], $0x800  }
0x14b: {  	[sflag:s9] =	ssyncset.done $0x0  }
0x14c: {  	[sflag:s9] =	ssyncadd.s32 $0xFFFFF800  }
0x14d: {  	_ =	swait.ge [sflag:s9], $0x800  }
0x14e: {  	[sflag:s9] =	ssyncset.done $0x0  }
0x14f: {  	[sflag:s9] =	ssyncadd.s32 $0xFFFFF800  }
0x150: {  	[bflag:$0x0] =	sbarrier.arrive $0xFFFF  }
0x151: {  	s11 =	rddreg [dreg:$0x8]  }
0x152: {  	[tilespmem:s23], [sflag:$0x3] =	stream.linear.gather [spmem:s11], $0x3200, $0x38;
	[tilespmem:$0x1D800] =	vst v63  }
0x153: {  	_ =	swait.ge [sflag:s24], $0x3200  }
0x154: {  	[sflag:s24] =	ssyncset.done $0x0  }
0x155: {  	s12 =	rddreg [dreg:$0x10];
	[sflag:s24] =	ssyncadd.s32 $0xFFFFCE00  }
0x156: {  	[hbm4b:s12+s4] =	stream.linear.scatter [tilespmem:s23], [sflag:$0x3], $0x3200, $0x38;
	[tilespmem:$0x1D800] =	vst v63  }
0x157: {  	_ =	swait.ge [sflag:s24], $0x3200  }
0x158: {  	[sflag:s24] =	ssyncset.done $0x0  }
0x159: {  	s13 =	rddreg [dreg:$0x9];
	[sflag:s24] =	ssyncadd.s32 $0xFFFFCE00  }
0x15a: {  	[tilespmem:s23], [sflag:$0x3] =	stream.linear.gather [spmem:s13], $0x3200, $0x38;
	[tilespmem:$0x1D800] =	vst v63  }
0x15b: {  	_ =	swait.ge [sflag:s24], $0x3200  }
0x15c: {  	[sflag:s24] =	ssyncset.done $0x0  }
0x15d: {  	s11 =	rddreg [dreg:$0x11];
	[sflag:s24] =	ssyncadd.s32 $0xFFFFCE00  }
0x15e: {  	[hbm4b:s11+s4] =	stream.linear.scatter [tilespmem:s23], [sflag:$0x3], $0x3200, $0x38;
	[tilespmem:$0x1D800] =	vst v63  }
0x15f: {  	_ =	swait.ge [sflag:s24], $0x3200  }
0x160: {  	[sflag:s24] =	ssyncset.done $0x0  }
0x161: {  	s12 =	rddreg [dreg:$0xa];
	[sflag:s24] =	ssyncadd.s32 $0xFFFFCE00  }
0x162: {  	[tilespmem:s23], [sflag:$0x3] =	stream.linear.gather [spmem:s12], $0x3200, $0x38;
	[tilespmem:$0x1D800] =	vst v63  }
0x163: {  	_ =	swait.ge [sflag:s24], $0x3200  }
0x164: {  	[sflag:s24] =	ssyncset.done $0x0  }
0x165: {  	s13 =	rddreg [dreg:$0x12];
	[sflag:s24] =	ssyncadd.s32 $0xFFFFCE00  }
0x166: {  	[hbm4b:s13+s4] =	stream.linear.scatter [tilespmem:s23], [sflag:$0x3], $0x3200, $0x38;
	[tilespmem:$0x1D800] =	vst v63  }
0x167: {  	_ =	swait.ge [sflag:s24], $0x3200  }
0x168: {  	[sflag:s24] =	ssyncset.done $0x0  }
0x169: {  	s11 =	rddreg [dreg:$0xb];
	[sflag:s24] =	ssyncadd.s32 $0xFFFFCE00  }
0x16a: {  	[tilespmem:s23], [sflag:$0x3] =	stream.linear.gather [spmem:s11], $0x3200, $0x38;
	[tilespmem:$0x1D800] =	vst v63  }
0x16b: {  	_ =	swait.ge [sflag:s24], $0x3200  }
0x16c: {  	[sflag:s24] =	ssyncset.done $0x0  }
0x16d: {  	s12 =	rddreg [dreg:$0x13];
	[sflag:s24] =	ssyncadd.s32 $0xFFFFCE00  }
0x16e: {  	[hbm4b:s12+s4] =	stream.linear.scatter [tilespmem:s23], [sflag:$0x3], $0x3200, $0x38;
	[tilespmem:$0x1D800] =	vst v63  }
0x16f: {  	_ =	swait.ge [sflag:s24], $0x3200  }
0x170: {  	[sflag:s24] =	ssyncset.done $0x0  }
0x171: {  	s13 =	rddreg [dreg:$0xc];
	[sflag:s24] =	ssyncadd.s32 $0xFFFFCE00  }
0x172: {  	[tilespmem:s23], [sflag:$0x3] =	stream.linear.gather [spmem:s13], $0x3200, $0x38;
	[tilespmem:$0x1D800] =	vst v63  }
0x173: {  	_ =	swait.ge [sflag:s24], $0x3200  }
0x174: {  	[sflag:s24] =	ssyncset.done $0x0  }
0x175: {  	s11 =	rddreg [dreg:$0x14];
	[sflag:s24] =	ssyncadd.s32 $0xFFFFCE00  }
0x176: {  	[hbm4b:s11+s4] =	stream.linear.scatter [tilespmem:s23], [sflag:$0x3], $0x3200, $0x38;
	[tilespmem:$0x1D800] =	vst v63  }
0x177: {  	_ =	swait.ge [sflag:s24], $0x3200  }
0x178: {  	[sflag:s24] =	ssyncset.done $0x0  }
0x179: {  	s12 =	rddreg [dreg:$0xd];
	[sflag:s24] =	ssyncadd.s32 $0xFFFFCE00  }
0x17a: {  	[tilespmem:s23], [sflag:$0x3] =	stream.linear.gather [spmem:s12], $0x3200, $0x38;
	[tilespmem:$0x1D800] =	vst v63  }
0x17b: {  	_ =	swait.ge [sflag:s24], $0x3200  }
0x17c: {  	[sflag:s24] =	ssyncset.done $0x0  }
0x17d: {  	s13 =	rddreg [dreg:$0x15];
	[sflag:s24] =	ssyncadd.s32 $0xFFFFCE00  }
0x17e: {  	[hbm4b:s13+s4] =	stream.linear.scatter [tilespmem:s23], [sflag:$0x3], $0x3200, $0x38;
	[tilespmem:$0x1D800] =	vst v63  }
0x17f: {  	_ =	swait.ge [sflag:s24], $0x3200  }
0x180: {  	[sflag:s24] =	ssyncset.done $0x0  }
0x181: {  	s12 =	rddreg [dreg:$0xe];
	[sflag:s24] =	ssyncadd.s32 $0xFFFFCE00  }
0x182: {  	[tilespmem:s23], [sflag:$0x3] =	stream.linear.gather [spmem:s12], $0x3200, $0x38;
	[tilespmem:$0x1D800] =	vst v63  }
0x183: {  	_ =	swait.ge [sflag:s24], $0x3200  }
0x184: {  	[sflag:s24] =	ssyncset.done $0x0  }
0x185: {  	s11 =	rddreg [dreg:$0x16];
	[sflag:s24] =	ssyncadd.s32 $0xFFFFCE00  }
0x186: {  	[hbm4b:s11+s4] =	stream.linear.scatter [tilespmem:s23], [sflag:$0x3], $0x3200, $0x38;
	[tilespmem:$0x1D800] =	vst v63  }
0x187: {  	_ =	swait.ge [sflag:s24], $0x3200  }
0x188: {  	[sflag:s24] =	ssyncset.done $0x0  }
0x189: {  	s11 =	rddreg [dreg:$0xf];
	[sflag:s24] =	ssyncadd.s32 $0xFFFFCE00  }
0x18a: {  	[tilespmem:s23], [sflag:$0x3] =	stream.linear.gather [spmem:s11], $0x3200, $0x38;
	[tilespmem:$0x1D800] =	vst v63  }
0x18b: {  	_ =	swait.ge [sflag:s24], $0x3200  }
0x18c: {  	[sflag:s24] =	ssyncset.done $0x0  }
0x18d: {  	s13 =	rddreg [dreg:$0x17];
	[sflag:s24] =	ssyncadd.s32 $0xFFFFCE00  }
0x18e: {  	[hbm4b:s13+s4] =	stream.linear.scatter [tilespmem:s23], [sflag:$0x3], $0x3200, $0x38;
	[tilespmem:$0x1D800] =	vst v63  }
0x18f: {  	_ =	swait.ge [sflag:s24], $0x3200  }
0x190: {  	s10 =	rddreg [dreg:$0x19]  }
0x191: {  	s13 =	sadd.s32 $0x1, s10;
	s10 =	rddreg [dreg:$0x18]  }
0x192: {  	p0 =	sne.s32 s13, s10  }
.Ltmp1:
0x193: {  	_ = 	snop;
	(pc) =	sbr.rel @p0 .LBB2_1-.Ltmp1, $3  }
0x194: {  	_ =	sdelay $0x1  }
0x195: {  	[sflag:s24] =	ssyncset.done $0x0;
	[dreg:$0x19] =	wrdreg s13  }
0x196: {  	[sflag:s24] =	ssyncadd.s32 $0xFFFFCE00;
	s13 =	rddreg [dreg:$0xa]  }
0x197: {  	_ =	sfence.sel $0x180000  }
0x198: {  	[bflag:$0x0] =	sbarrier.arrive $0xFFFF  }
0x199: {  	_ =	strace $0x9000004D  }
0x19a: {  	s0 =	stileid.u32;
	[bflag:$0x2] =	sbarrier.arrive $0xFFFF  }
0x19b: {  	p0 =	sne.s32 s0, $0x0;
	s0 =	rddreg [dreg:$0x3]  }
0x19c: {  	s0 =	sadd.s32 @!p0 $0x100000, s0  }
0x19d: {  	[sflag:s0] =	ssyncadd.tile.s32 @!p0 $0x1;
	_ =	shalt  }
.Lfunc_end2:
_tile_overlayer_lowered:
.L_overlay_start_2:
0x19e: {  	(tag) =	ssettag $0x2  }
0x19f: {  	s0 =	rddreg [dreg:$0x0];
	s2 =	stileid.u32  }
0x1a0: {  	s1 =	rddreg [dreg:$0x1];
	p0 =	sne.s32 s2, $0x0  }
0x1a1: {  	s3 =	rddreg [dreg:$0x2];
	[bflag:$0x3] =	sbarrier.arrive $0xFFFF;
	s2 =	simm.s32 @!p0 $0x1C03  }
0x1a2: {  	[timem:s3], [sflag:s2] =	dma.local @!p0 [hbm:s0], s1  }
0x1a3: {  	s0 =	simm.s32 @!p0 $0x3  }
0x1a4: {  	_ =	swait.ge @!p0 [sflag:s0], s1  }
0x1a5: {  	s1 =	ssub.s32 @!p0 $0x0, s1;
	[sflag:s0] =	ssyncset.done @!p0 $0x0  }
0x1a6: {  	[sflag:s0] =	ssyncadd.s32 @!p0 s1  }
0x1a7: {  	[bflag:$0x3] =	sbarrier.arrive $0xFFFF  }
0x1a8: {  	_ =	shalt  }

</sc_bundles>
